<compile_context>
chip_gen: v7x
topology: tpu7x:2x2x1
jax: 0.10.2.dev20260603
libtpu: 0.0.44.dev20260713+nightly
codegen_flags: <defaults>
</compile_context>

<pallas_src>
import functools

import jax
import jax.numpy as jnp
from jax import lax
from jax.experimental import pallas as pl
from jax.experimental.pallas import tpu as pltpu
from jax.experimental.pallas import tpu_sc as plsc

B = 16
TOK_LEN = 2048
N = B * TOK_LEN
SRC_LEN = 2048
POS_DIM = 64
ENC = 256
REL = 128
POS_VOCAB = 1000

NC = 2
NS = 16
NW = NC * NS
TOK_PER_W = N // NW
CHUNK = 128
NCHUNK = TOK_PER_W // CHUNK
LANES = 16


def _mm_body(x_ref, w_ref, lut_ref, b_ref, y_ref, p_ref):
    y_ref[...] = lax.dot_general(
        x_ref[...], w_ref[:, POS_DIM:], (((1,), (1,)), ((), ())),
        preferred_element_type=jnp.float32)

    @pl.when(pl.program_id(0) == 0)
    def _():
        p_ref[...] = lax.dot_general(
            lut_ref[...], w_ref[:, :POS_DIM], (((1,), (1,)), ((), ())),
            preferred_element_type=jnp.float32) + b_ref[...]


def _sc_body(idx_hbm, pos_hbm, y_hbm, p_hbm, out_hbm,
             idx_v, pos_v, y_b, p_b, o_b, p_sh, sem_y, sem_p, sem_o):
    sid = lax.axis_index("s")
    wid = sid * NC + lax.axis_index("c")
    base = wid * TOK_PER_W

    @pl.when(sid == 0)
    def _():
        pltpu.sync_copy(p_hbm, p_sh)

    pltpu.sync_copy(idx_hbm.at[pl.ds(base, TOK_PER_W)], idx_v)
    pltpu.sync_copy(pos_hbm.at[pl.ds(base, TOK_PER_W)], pos_v)
    plsc.subcore_barrier()

    b_id = base // TOK_LEN
    off = b_id * SRC_LEN

    for c in range(NCHUNK):
        for v in range(CHUNK // LANES):
            t0 = c * CHUNK + v * LANES
            s = idx_v[pl.ds(t0, LANES)]
            idx_v[pl.ds(t0, LANES)] = s + off

    def fire(c, s):
        ic = idx_v.at[pl.ds(c * CHUNK, CHUNK)]
        pc = pos_v.at[pl.ds(c * CHUNK, CHUNK)]
        return (pltpu.async_copy(y_hbm.at[ic], y_b.at[s], sem_y.at[s]),
                pltpu.async_copy(p_sh.at[pc], p_b.at[s], sem_p.at[s]))

    store_h = [None, None]
    g = fire(0, 0)
    for c in range(NCHUNK):
        s = c % 2
        if c + 1 < NCHUNK:
            g_next = fire(c + 1, 1 - s)
        g[0].wait()
        g[1].wait()
        if store_h[s] is not None:
            store_h[s].wait()

        def row(r, carry):
            for v in range(REL // LANES):
                yv = y_b[s, r, pl.ds(v * LANES, LANES)]
                pv = p_b[s, r, pl.ds(v * LANES, LANES)]
                o_b[s, r, pl.ds(v * LANES, LANES)] = jnp.maximum(
                    yv + pv, jnp.zeros_like(yv))
            return carry

        lax.fori_loop(0, CHUNK, row, 0)
        store_h[s] = pltpu.async_copy(
            o_b.at[s], out_hbm.at[pl.ds(base + c * CHUNK, CHUNK)], sem_o.at[s])
        if c + 1 < NCHUNK:
            g = g_next
    store_h[0].wait()
    store_h[1].wait()


@functools.lru_cache(maxsize=None)
def _make_sc_fuse():
    mesh = plsc.VectorSubcoreMesh(core_axis_name="c", subcore_axis_name="s")
    return pl.kernel(
        _sc_body,
        out_type=jax.ShapeDtypeStruct((N, REL), jnp.float32),
        mesh=mesh,
        scratch_types=[
            pltpu.VMEM((TOK_PER_W,), jnp.int32),
            pltpu.VMEM((TOK_PER_W,), jnp.int32),
            pltpu.VMEM((2, CHUNK, REL), jnp.float32),
            pltpu.VMEM((2, CHUNK, REL), jnp.float32),
            pltpu.VMEM((2, CHUNK, REL), jnp.float32),
            pltpu.VMEM_SHARED((POS_VOCAB, REL), jnp.float32),
            pltpu.SemaphoreType.DMA((2,)),
            pltpu.SemaphoreType.DMA((2,)),
            pltpu.SemaphoreType.DMA((2,)),
        ],
    )


def kernel(input_feats, lengths, index_local, src_enc_data, src_lengths,
           lut, W, b):
    blk = 8192
    Y, P = pl.pallas_call(
        _mm_body,
        grid=(N // blk,),
        in_specs=[
            pl.BlockSpec((blk, ENC), lambda i: (i, 0)),
            pl.BlockSpec((REL, POS_DIM + ENC), lambda i: (0, 0)),
            pl.BlockSpec((POS_VOCAB, POS_DIM), lambda i: (0, 0)),
            pl.BlockSpec((1, REL), lambda i: (0, 0)),
        ],
        out_specs=[
            pl.BlockSpec((blk, REL), lambda i: (i, 0)),
            pl.BlockSpec((POS_VOCAB, REL), lambda i: (0, 0)),
        ],
        out_shape=[
            jax.ShapeDtypeStruct((N, REL), jnp.float32),
            jax.ShapeDtypeStruct((POS_VOCAB, REL), jnp.float32),
        ],
    )(src_enc_data, W, lut, b.reshape(1, REL))

    return _make_sc_fuse()(index_local, input_feats[:, 0], Y, P)

# --- scband reference (transcript-rebuilt; emitter-appended) ---
"""Pipeline reference for scband-psdroot-encoder-1185410974289 (READ-ONLY COPY).

The authoritative reference and input builder live on the scoring server;
editing this copy changes nothing except your own understanding.
"""

import jax, jax.numpy as jnp
import numpy as np

B = 16
TOK_LEN = 2048          # per-sequence gold-AMR length (uniform packing)
N = B * TOK_LEN         # 32768 packed gold tokens
SRC_LEN = 2048          # per-sequence recategorized-AMR length
SRC_N = B * SRC_LEN     # 32768 packed src_enc rows
POS_VOCAB = 1000
POS_DIM = 64
ENC = 256               # root_src_enc_size
REL = 128               # opt.rel_dim
NFEAT = 5
PSD_POS = 0             # feature column holding the POS id


def setup_inputs(seed: int = 0) -> dict:
    key = jax.random.key(seed)
    k0, k1, k2, k3, k4 = jax.random.split(key, 5)
    input_feats = jax.random.randint(k0, (N, NFEAT), 0, POS_VOCAB, dtype=jnp.int32)
    lengths = jnp.full((B,), TOK_LEN, dtype=jnp.int32)
    index_local = jax.random.randint(k1, (N,), 0, SRC_LEN, dtype=jnp.int32)
    src_enc_data = jax.random.normal(k2, (SRC_N, ENC), dtype=jnp.float32)
    src_lengths = jnp.full((B,), SRC_LEN, dtype=jnp.int32)
    # learned params
    lut = jax.random.normal(k3, (POS_VOCAB, POS_DIM), dtype=jnp.float32) * 0.02
    W = jax.random.normal(k4, (REL, POS_DIM + ENC), dtype=jnp.float32) * 0.05
    b = jnp.zeros((REL,), dtype=jnp.float32)
    return {
        'input_feats': input_feats,
        'lengths': lengths,
        'index_local': index_local,
        'src_enc_data': src_enc_data,
        'src_lengths': src_lengths,
        'lut': lut,
        'W': W,
        'b': b,
    }


def reference(input_feats, lengths, index_local, src_enc_data, src_lengths, lut, W, b):
    # psd_target_pos_lut lookup (dropout is identity at eval)
    psd_emb = jnp.take(lut, input_feats[:, PSD_POS], axis=0)
    # getEmb: per-batch gather from packed src_enc; local index -> global offset
    offsets = jnp.concatenate([
        jnp.zeros((1,), dtype=jnp.int32),
        jnp.cumsum(src_lengths)[:-1].astype(jnp.int32),
    ])
    seg = jnp.repeat(jnp.arange(lengths.shape[0], dtype=jnp.int32), lengths,
                     total_repeat_length=input_feats.shape[0])
    gidx = offsets[seg] + index_local
    head_emb = jnp.take(src_enc_data, gidx, axis=0)
    # root_emb = ReLU(Linear(cat([psd_emb, head_emb])))
    root_emb = jnp.concatenate([psd_emb, head_emb], axis=1)
    out = jax.nn.relu(root_emb @ W.T + b)
    return out


if False:  # reference __main__ guard neutralized (emitter)
    inp = setup_inputs()
    o = reference(**inp)
    print(o.shape, o.dtype)

if __name__ == "__main__":
    import jax
    _d = setup_inputs()
    print(jax.jit(kernel)(*tuple(_d.values())))

</pallas_src>

<mosaic_0001>
#map = affine_map<(d0, d1) -> (0)>
#map1 = affine_map<(d0, d1) -> (0, 0)>
module attributes {stable_mosaic.version = 14 : i64} {
  func.func @_sc_body(%arg0: i32, %arg1: i32, %arg2: memref<32768xi32, #tpu.memory_space<hbm>>, %arg3: memref<32768xi32, #tpu.memory_space<hbm>>, %arg4: memref<32768x128xf32, #tpu.memory_space<hbm>>, %arg5: memref<1000x128xf32, #tpu.memory_space<hbm>>, %arg6: memref<32768x128xf32, #tpu.memory_space<hbm>>, %arg7: memref<1024xi32, #tpu.memory_space<vmem>>, %arg8: memref<1024xi32, #tpu.memory_space<vmem>>, %arg9: memref<2x128x128xf32, #tpu.memory_space<vmem>>, %arg10: memref<2x128x128xf32, #tpu.memory_space<vmem>>, %arg11: memref<2x128x128xf32, #tpu.memory_space<vmem>>, %arg12: memref<1000x128xf32, #tpu.memory_space<vmem_shared>>, %arg13: memref<2x!tpu.dma_semaphore, #tpu.memory_space<semaphore_mem>>, %arg14: memref<2x!tpu.dma_semaphore, #tpu.memory_space<semaphore_mem>>, %arg15: memref<2x!tpu.dma_semaphore, #tpu.memory_space<semaphore_mem>>) attributes {dimension_semantics = [#tpu.dimension_semantics<core_parallel>, #tpu.dimension_semantics<subcore_parallel>], iteration_bounds = array<i64: 2, 16>, scalar_prefetch = 0 : i64, scratch_operands = 9 : i64, tpu.core_type = #tpu.core_type<sc_vector_subcore>, window_params = [{transform_indices = #map}, {transform_indices = #map}, {transform_indices = #map1}, {transform_indices = #map1}, {transform_indices = #map1}]} {
    %mul3A = arith.constant 2 : i32
    %mul3A_0 = arith.muli %arg1, %mul3A : i32
    %add3A = arith.addi %mul3A_0, %arg0 : i32
    %mul3A_1 = arith.constant 1024 : i32
    %mul3A_2 = arith.muli %add3A, %mul3A_1 : i32
    %eq3A = arith.constant 0 : i32
    %eq3A_3 = arith.cmpi eq, %arg1, %eq3A : i32
    %convert_element_type3A = arith.extui %eq3A_3 : i1 to i32
    %cond3A = arith.constant 0 : i32
    %cond3A_4 = arith.cmpi ne, %convert_element_type3A, %cond3A : i32
    scf.if %cond3A_4 {
      "tpu.region"() ({
        %run_scoped3A = tpu.sem_alloc : memref<!tpu.dma_semaphore, #tpu.memory_space<semaphore_mem>>
        tpu.enqueue_dma source(%arg5 : memref<1000x128xf32, #tpu.memory_space<hbm>>) target(%arg12 : memref<1000x128xf32, #tpu.memory_space<vmem_shared>>) target_semaphore(%run_scoped3A : memref<!tpu.dma_semaphore, #tpu.memory_space<semaphore_mem>>)
        tpu.wait_dma2 semaphore(%run_scoped3A : memref<!tpu.dma_semaphore, #tpu.memory_space<semaphore_mem>>) src(%arg5 : memref<1000x128xf32, #tpu.memory_space<hbm>>) dst(%arg12 : memref<1000x128xf32, #tpu.memory_space<vmem_shared>>)
        tpu.yield
      }) : () -> ()
    } else {
    }
    "tpu.region"() ({
      %run_scoped3A = tpu.sem_alloc : memref<!tpu.dma_semaphore, #tpu.memory_space<semaphore_mem>>
      %dma_start3A_1330 = tpu.memref_slice %arg2[%mul3A_2] : memref<32768xi32, #tpu.memory_space<hbm>> -> memref<1024xi32, #tpu.memory_space<hbm>>
      %dma_start3A_1331 = tpu.memref_slice %arg2[%mul3A_2] : memref<32768xi32, #tpu.memory_space<hbm>> -> memref<1024xi32, #tpu.memory_space<hbm>>
      tpu.enqueue_dma source(%dma_start3A_1331 : memref<1024xi32, #tpu.memory_space<hbm>>) target(%arg7 : memref<1024xi32, #tpu.memory_space<vmem>>) target_semaphore(%run_scoped3A : memref<!tpu.dma_semaphore, #tpu.memory_space<semaphore_mem>>)
      %dma_wait3A_1332 = tpu.memref_slice %arg2[%mul3A_2] : memref<32768xi32, #tpu.memory_space<hbm>> -> memref<1024xi32, #tpu.memory_space<hbm>>
      %dma_wait3A_1333 = tpu.memref_slice %arg2[%mul3A_2] : memref<32768xi32, #tpu.memory_space<hbm>> -> memref<1024xi32, #tpu.memory_space<hbm>>
      tpu.wait_dma2 semaphore(%run_scoped3A : memref<!tpu.dma_semaphore, #tpu.memory_space<semaphore_mem>>) src(%dma_wait3A_1333 : memref<1024xi32, #tpu.memory_space<hbm>>) dst(%arg7 : memref<1024xi32, #tpu.memory_space<vmem>>)
      tpu.yield
    }) : () -> ()
    "tpu.region"() ({
      %run_scoped3A = tpu.sem_alloc : memref<!tpu.dma_semaphore, #tpu.memory_space<semaphore_mem>>
      %dma_start3A_1330 = tpu.memref_slice %arg3[%mul3A_2] : memref<32768xi32, #tpu.memory_space<hbm>> -> memref<1024xi32, #tpu.memory_space<hbm>>
      %dma_start3A_1331 = tpu.memref_slice %arg3[%mul3A_2] : memref<32768xi32, #tpu.memory_space<hbm>> -> memref<1024xi32, #tpu.memory_space<hbm>>
      tpu.enqueue_dma source(%dma_start3A_1331 : memref<1024xi32, #tpu.memory_space<hbm>>) target(%arg8 : memref<1024xi32, #tpu.memory_space<vmem>>) target_semaphore(%run_scoped3A : memref<!tpu.dma_semaphore, #tpu.memory_space<semaphore_mem>>)
      %dma_wait3A_1332 = tpu.memref_slice %arg3[%mul3A_2] : memref<32768xi32, #tpu.memory_space<hbm>> -> memref<1024xi32, #tpu.memory_space<hbm>>
      %dma_wait3A_1333 = tpu.memref_slice %arg3[%mul3A_2] : memref<32768xi32, #tpu.memory_space<hbm>> -> memref<1024xi32, #tpu.memory_space<hbm>>
      tpu.wait_dma2 semaphore(%run_scoped3A : memref<!tpu.dma_semaphore, #tpu.memory_space<semaphore_mem>>) src(%dma_wait3A_1333 : memref<1024xi32, #tpu.memory_space<hbm>>) dst(%arg8 : memref<1024xi32, #tpu.memory_space<vmem>>)
      tpu.yield
    }) : () -> ()
    %barrier3A = arith.constant 0 : index
    tpu.barrier barrier_id(%barrier3A)
    %jit3A = arith.constant 2048 : i32
    %div3A = arith.divsi %mul3A_2, %jit3A : i32
    %sign3A = arith.constant 0 : i32
    %sign3A_5 = arith.cmpi sgt, %mul3A_2, %sign3A : i32
    %sign3A_6 = arith.extui %sign3A_5 : i1 to i32
    %sign3A_7 = arith.constant 0 : i32
    %sign3A_8 = arith.cmpi slt, %mul3A_2, %sign3A_7 : i32
    %sign3A_9 = arith.extui %sign3A_8 : i1 to i32
    %sign3A_10 = arith.subi %sign3A_6, %sign3A_9 : i32
    %sign3A_11 = arith.constant 0 : i32
    %sign3A_12 = arith.cmpi sgt, %jit3A, %sign3A_11 : i32
    %sign3A_13 = arith.extui %sign3A_12 : i1 to i32
    %sign3A_14 = arith.constant 0 : i32
    %sign3A_15 = arith.cmpi slt, %jit3A, %sign3A_14 : i32
    %sign3A_16 = arith.extui %sign3A_15 : i1 to i32
    %sign3A_17 = arith.subi %sign3A_13, %sign3A_16 : i32
    %ne3A = arith.cmpi ne, %sign3A_10, %sign3A_17 : i32
    %rem3A = arith.remsi %mul3A_2, %jit3A : i32
    %ne3A_18 = arith.constant 0 : i32
    %ne3A_19 = arith.cmpi ne, %rem3A, %ne3A_18 : i32
    %and3A = arith.andi %ne3A, %ne3A_19 : i1
    %sub3A = arith.constant 1 : i32
    %sub3A_20 = arith.subi %div3A, %sub3A : i32
    %select_n3A = arith.select %and3A, %sub3A_20, %div3A : i32
    %mul3A_21 = arith.constant 2048 : i32
    %mul3A_22 = arith.muli %select_n3A, %mul3A_21 : i32
    %get3A = arith.constant 0 : index
    %get3A_23 = tpu.vector_load %arg7[%get3A] {strides = array<i32>} : memref<1024xi32, #tpu.memory_space<vmem>>, vector<16xi32>,
    %get3A_24 = vector.shape_cast %get3A_23 : vector<16xi32> to vector<16xi32>
    %add3A_25 = vector.broadcast %mul3A_22 : i32 to vector<16xi32>
    %add3A_26 = arith.addi %get3A_24, %add3A_25 : vector<16xi32>
    %swap3A = arith.constant 0 : index
    %swap3A_27 = tpu.vector_load %arg7[%swap3A] {strides = array<i32>} : memref<1024xi32, #tpu.memory_space<vmem>>, vector<16xi32>,
    %swap3A_28 = vector.shape_cast %swap3A_27 : vector<16xi32> to vector<16xi32>
    %swap3A_29 = vector.shape_cast %add3A_26 : vector<16xi32> to vector<16xi32>
    tpu.vector_store %arg7[%swap3A], %swap3A_29 {strides = array<i32>} : memref<1024xi32, #tpu.memory_space<vmem>>, vector<16xi32>,
    %get3A_30 = arith.constant 16 : index
    %get3A_31 = tpu.vector_load %arg7[%get3A_30] {strides = array<i32>} : memref<1024xi32, #tpu.memory_space<vmem>>, vector<16xi32>,
    %get3A_32 = vector.shape_cast %get3A_31 : vector<16xi32> to vector<16xi32>
    %add3A_33 = vector.broadcast %mul3A_22 : i32 to vector<16xi32>
    %add3A_34 = arith.addi %get3A_32, %add3A_33 : vector<16xi32>
    %swap3A_35 = arith.constant 16 : index
    %swap3A_36 = tpu.vector_load %arg7[%swap3A_35] {strides = array<i32>} : memref<1024xi32, #tpu.memory_space<vmem>>, vector<16xi32>,
    %swap3A_37 = vector.shape_cast %swap3A_36 : vector<16xi32> to vector<16xi32>
    %swap3A_38 = vector.shape_cast %add3A_34 : vector<16xi32> to vector<16xi32>
    tpu.vector_store %arg7[%swap3A_35], %swap3A_38 {strides = array<i32>} : memref<1024xi32, #tpu.memory_space<vmem>>, vector<16xi32>,
    %get3A_39 = arith.constant 32 : index
    %get3A_40 = tpu.vector_load %arg7[%get3A_39] {strides = array<i32>} : memref<1024xi32, #tpu.memory_space<vmem>>, vector<16xi32>,
    %get3A_41 = vector.shape_cast %get3A_40 : vector<16xi32> to vector<16xi32>
    %add3A_42 = vector.broadcast %mul3A_22 : i32 to vector<16xi32>
    %add3A_43 = arith.addi %get3A_41, %add3A_42 : vector<16xi32>
    %swap3A_44 = arith.constant 32 : index
    %swap3A_45 = tpu.vector_load %arg7[%swap3A_44] {strides = array<i32>} : memref<1024xi32, #tpu.memory_space<vmem>>, vector<16xi32>,
    %swap3A_46 = vector.shape_cast %swap3A_45 : vector<16xi32> to vector<16xi32>
    %swap3A_47 = vector.shape_cast %add3A_43 : vector<16xi32> to vector<16xi32>
    tpu.vector_store %arg7[%swap3A_44], %swap3A_47 {strides = array<i32>} : memref<1024xi32, #tpu.memory_space<vmem>>, vector<16xi32>,
    %get3A_48 = arith.constant 48 : index
    %get3A_49 = tpu.vector_load %arg7[%get3A_48] {strides = array<i32>} : memref<1024xi32, #tpu.memory_space<vmem>>, vector<16xi32>,
    %get3A_50 = vector.shape_cast %get3A_49 : vector<16xi32> to vector<16xi32>
    %add3A_51 = vector.broadcast %mul3A_22 : i32 to vector<16xi32>
    %add3A_52 = arith.addi %get3A_50, %add3A_51 : vector<16xi32>
    %swap3A_53 = arith.constant 48 : index
    %swap3A_54 = tpu.vector_load %arg7[%swap3A_53] {strides = array<i32>} : memref<1024xi32, #tpu.memory_space<vmem>>, vector<16xi32>,
    %swap3A_55 = vector.shape_cast %swap3A_54 : vector<16xi32> to vector<16xi32>
    %swap3A_56 = vector.shape_cast %add3A_52 : vector<16xi32> to vector<16xi32>
    tpu.vector_store %arg7[%swap3A_53], %swap3A_56 {strides = array<i32>} : memref<1024xi32, #tpu.memory_space<vmem>>, vector<16xi32>,
    %get3A_57 = arith.constant 64 : index
    %get3A_58 = tpu.vector_load %arg7[%get3A_57] {strides = array<i32>} : memref<1024xi32, #tpu.memory_space<vmem>>, vector<16xi32>,
    %get3A_59 = vector.shape_cast %get3A_58 : vector<16xi32> to vector<16xi32>
    %add3A_60 = vector.broadcast %mul3A_22 : i32 to vector<16xi32>
    %add3A_61 = arith.addi %get3A_59, %add3A_60 : vector<16xi32>
    %swap3A_62 = arith.constant 64 : index
    %swap3A_63 = tpu.vector_load %arg7[%swap3A_62] {strides = array<i32>} : memref<1024xi32, #tpu.memory_space<vmem>>, vector<16xi32>,
    %swap3A_64 = vector.shape_cast %swap3A_63 : vector<16xi32> to vector<16xi32>
    %swap3A_65 = vector.shape_cast %add3A_61 : vector<16xi32> to vector<16xi32>
    tpu.vector_store %arg7[%swap3A_62], %swap3A_65 {strides = array<i32>} : memref<1024xi32, #tpu.memory_space<vmem>>, vector<16xi32>,
    %get3A_66 = arith.constant 80 : index
    %get3A_67 = tpu.vector_load %arg7[%get3A_66] {strides = array<i32>} : memref<1024xi32, #tpu.memory_space<vmem>>, vector<16xi32>,
    %get3A_68 = vector.shape_cast %get3A_67 : vector<16xi32> to vector<16xi32>
    %add3A_69 = vector.broadcast %mul3A_22 : i32 to vector<16xi32>
    %add3A_70 = arith.addi %get3A_68, %add3A_69 : vector<16xi32>
    %swap3A_71 = arith.constant 80 : index
    %swap3A_72 = tpu.vector_load %arg7[%swap3A_71] {strides = array<i32>} : memref<1024xi32, #tpu.memory_space<vmem>>, vector<16xi32>,
    %swap3A_73 = vector.shape_cast %swap3A_72 : vector<16xi32> to vector<16xi32>
    %swap3A_74 = vector.shape_cast %add3A_70 : vector<16xi32> to vector<16xi32>
    tpu.vector_store %arg7[%swap3A_71], %swap3A_74 {strides = array<i32>} : memref<1024xi32, #tpu.memory_space<vmem>>, vector<16xi32>,
    %get3A_75 = arith.constant 96 : index
    %get3A_76 = tpu.vector_load %arg7[%get3A_75] {strides = array<i32>} : memref<1024xi32, #tpu.memory_space<vmem>>, vector<16xi32>,
    %get3A_77 = vector.shape_cast %get3A_76 : vector<16xi32> to vector<16xi32>
    %add3A_78 = vector.broadcast %mul3A_22 : i32 to vector<16xi32>
    %add3A_79 = arith.addi %get3A_77, %add3A_78 : vector<16xi32>
    %swap3A_80 = arith.constant 96 : index
    %swap3A_81 = tpu.vector_load %arg7[%swap3A_80] {strides = array<i32>} : memref<1024xi32, #tpu.memory_space<vmem>>, vector<16xi32>,
    %swap3A_82 = vector.shape_cast %swap3A_81 : vector<16xi32> to vector<16xi32>
    %swap3A_83 = vector.shape_cast %add3A_79 : vector<16xi32> to vector<16xi32>
    tpu.vector_store %arg7[%swap3A_80], %swap3A_83 {strides = array<i32>} : memref<1024xi32, #tpu.memory_space<vmem>>, vector<16xi32>,
    %get3A_84 = arith.constant 112 : index
    %get3A_85 = tpu.vector_load %arg7[%get3A_84] {strides = array<i32>} : memref<1024xi32, #tpu.memory_space<vmem>>, vector<16xi32>,
    %get3A_86 = vector.shape_cast %get3A_85 : vector<16xi32> to vector<16xi32>
    %add3A_87 = vector.broadcast %mul3A_22 : i32 to vector<16xi32>
    %add3A_88 = arith.addi %get3A_86, %add3A_87 : vector<16xi32>
    %swap3A_89 = arith.constant 112 : index
    %swap3A_90 = tpu.vector_load %arg7[%swap3A_89] {strides = array<i32>} : memref<1024xi32, #tpu.memory_space<vmem>>, vector<16xi32>,
    %swap3A_91 = vector.shape_cast %swap3A_90 : vector<16xi32> to vector<16xi32>
    %swap3A_92 = vector.shape_cast %add3A_88 : vector<16xi32> to vector<16xi32>
    tpu.vector_store %arg7[%swap3A_89], %swap3A_92 {strides = array<i32>} : memref<1024xi32, #tpu.memory_space<vmem>>, vector<16xi32>,
    %get3A_93 = arith.constant 128 : index
    %get3A_94 = tpu.vector_load %arg7[%get3A_93] {strides = array<i32>} : memref<1024xi32, #tpu.memory_space<vmem>>, vector<16xi32>,
    %get3A_95 = vector.shape_cast %get3A_94 : vector<16xi32> to vector<16xi32>
    %add3A_96 = vector.broadcast %mul3A_22 : i32 to vector<16xi32>
    %add3A_97 = arith.addi %get3A_95, %add3A_96 : vector<16xi32>
    %swap3A_98 = arith.constant 128 : index
    %swap3A_99 = tpu.vector_load %arg7[%swap3A_98] {strides = array<i32>} : memref<1024xi32, #tpu.memory_space<vmem>>, vector<16xi32>,
    %swap3A_100 = vector.shape_cast %swap3A_99 : vector<16xi32> to vector<16xi32>
    %swap3A_101 = vector.shape_cast %add3A_97 : vector<16xi32> to vector<16xi32>
    tpu.vector_store %arg7[%swap3A_98], %swap3A_101 {strides = array<i32>} : memref<1024xi32, #tpu.memory_space<vmem>>, vector<16xi32>,
    %get3A_102 = arith.constant 144 : index
    %get3A_103 = tpu.vector_load %arg7[%get3A_102] {strides = array<i32>} : memref<1024xi32, #tpu.memory_space<vmem>>, vector<16xi32>,
    %get3A_104 = vector.shape_cast %get3A_103 : vector<16xi32> to vector<16xi32>
    %add3A_105 = vector.broadcast %mul3A_22 : i32 to vector<16xi32>
    %add3A_106 = arith.addi %get3A_104, %add3A_105 : vector<16xi32>
    %swap3A_107 = arith.constant 144 : index
    %swap3A_108 = tpu.vector_load %arg7[%swap3A_107] {strides = array<i32>} : memref<1024xi32, #tpu.memory_space<vmem>>, vector<16xi32>,
    %swap3A_109 = vector.shape_cast %swap3A_108 : vector<16xi32> to vector<16xi32>
    %swap3A_110 = vector.shape_cast %add3A_106 : vector<16xi32> to vector<16xi32>
    tpu.vector_store %arg7[%swap3A_107], %swap3A_110 {strides = array<i32>} : memref<1024xi32, #tpu.memory_space<vmem>>, vector<16xi32>,
    %get3A_111 = arith.constant 160 : index
    %get3A_112 = tpu.vector_load %arg7[%get3A_111] {strides = array<i32>} : memref<1024xi32, #tpu.memory_space<vmem>>, vector<16xi32>,
    %get3A_113 = vector.shape_cast %get3A_112 : vector<16xi32> to vector<16xi32>
    %add3A_114 = vector.broadcast %mul3A_22 : i32 to vector<16xi32>
    %add3A_115 = arith.addi %get3A_113, %add3A_114 : vector<16xi32>
    %swap3A_116 = arith.constant 160 : index
    %swap3A_117 = tpu.vector_load %arg7[%swap3A_116] {strides = array<i32>} : memref<1024xi32, #tpu.memory_space<vmem>>, vector<16xi32>,
    %swap3A_118 = vector.shape_cast %swap3A_117 : vector<16xi32> to vector<16xi32>
    %swap3A_119 = vector.shape_cast %add3A_115 : vector<16xi32> to vector<16xi32>
    tpu.vector_store %arg7[%swap3A_116], %swap3A_119 {strides = array<i32>} : memref<1024xi32, #tpu.memory_space<vmem>>, vector<16xi32>,
    %get3A_120 = arith.constant 176 : index
    %get3A_121 = tpu.vector_load %arg7[%get3A_120] {strides = array<i32>} : memref<1024xi32, #tpu.memory_space<vmem>>, vector<16xi32>,
    %get3A_122 = vector.shape_cast %get3A_121 : vector<16xi32> to vector<16xi32>
    %add3A_123 = vector.broadcast %mul3A_22 : i32 to vector<16xi32>
    %add3A_124 = arith.addi %get3A_122, %add3A_123 : vector<16xi32>
    %swap3A_125 = arith.constant 176 : index
    %swap3A_126 = tpu.vector_load %arg7[%swap3A_125] {strides = array<i32>} : memref<1024xi32, #tpu.memory_space<vmem>>, vector<16xi32>,
    %swap3A_127 = vector.shape_cast %swap3A_126 : vector<16xi32> to vector<16xi32>
    %swap3A_128 = vector.shape_cast %add3A_124 : vector<16xi32> to vector<16xi32>
    tpu.vector_store %arg7[%swap3A_125], %swap3A_128 {strides = array<i32>} : memref<1024xi32, #tpu.memory_space<vmem>>, vector<16xi32>,
    %get3A_129 = arith.constant 192 : index
    %get3A_130 = tpu.vector_load %arg7[%get3A_129] {strides = array<i32>} : memref<1024xi32, #tpu.memory_space<vmem>>, vector<16xi32>,
    %get3A_131 = vector.shape_cast %get3A_130 : vector<16xi32> to vector<16xi32>
    %add3A_132 = vector.broadcast %mul3A_22 : i32 to vector<16xi32>
    %add3A_133 = arith.addi %get3A_131, %add3A_132 : vector<16xi32>
    %swap3A_134 = arith.constant 192 : index
    %swap3A_135 = tpu.vector_load %arg7[%swap3A_134] {strides = array<i32>} : memref<1024xi32, #tpu.memory_space<vmem>>, vector<16xi32>,
    %swap3A_136 = vector.shape_cast %swap3A_135 : vector<16xi32> to vector<16xi32>
    %swap3A_137 = vector.shape_cast %add3A_133 : vector<16xi32> to vector<16xi32>
    tpu.vector_store %arg7[%swap3A_134], %swap3A_137 {strides = array<i32>} : memref<1024xi32, #tpu.memory_space<vmem>>, vector<16xi32>,
    %get3A_138 = arith.constant 208 : index
    %get3A_139 = tpu.vector_load %arg7[%get3A_138] {strides = array<i32>} : memref<1024xi32, #tpu.memory_space<vmem>>, vector<16xi32>,
    %get3A_140 = vector.shape_cast %get3A_139 : vector<16xi32> to vector<16xi32>
    %add3A_141 = vector.broadcast %mul3A_22 : i32 to vector<16xi32>
    %add3A_142 = arith.addi %get3A_140, %add3A_141 : vector<16xi32>
    %swap3A_143 = arith.constant 208 : index
    %swap3A_144 = tpu.vector_load %arg7[%swap3A_143] {strides = array<i32>} : memref<1024xi32, #tpu.memory_space<vmem>>, vector<16xi32>,
    %swap3A_145 = vector.shape_cast %swap3A_144 : vector<16xi32> to vector<16xi32>
    %swap3A_146 = vector.shape_cast %add3A_142 : vector<16xi32> to vector<16xi32>
    tpu.vector_store %arg7[%swap3A_143], %swap3A_146 {strides = array<i32>} : memref<1024xi32, #tpu.memory_space<vmem>>, vector<16xi32>,
    %get3A_147 = arith.constant 224 : index
    %get3A_148 = tpu.vector_load %arg7[%get3A_147] {strides = array<i32>} : memref<1024xi32, #tpu.memory_space<vmem>>, vector<16xi32>,
    %get3A_149 = vector.shape_cast %get3A_148 : vector<16xi32> to vector<16xi32>
    %add3A_150 = vector.broadcast %mul3A_22 : i32 to vector<16xi32>
    %add3A_151 = arith.addi %get3A_149, %add3A_150 : vector<16xi32>
    %swap3A_152 = arith.constant 224 : index
    %swap3A_153 = tpu.vector_load %arg7[%swap3A_152] {strides = array<i32>} : memref<1024xi32, #tpu.memory_space<vmem>>, vector<16xi32>,
    %swap3A_154 = vector.shape_cast %swap3A_153 : vector<16xi32> to vector<16xi32>
    %swap3A_155 = vector.shape_cast %add3A_151 : vector<16xi32> to vector<16xi32>
    tpu.vector_store %arg7[%swap3A_152], %swap3A_155 {strides = array<i32>} : memref<1024xi32, #tpu.memory_space<vmem>>, vector<16xi32>,
    %get3A_156 = arith.constant 240 : index
    %get3A_157 = tpu.vector_load %arg7[%get3A_156] {strides = array<i32>} : memref<1024xi32, #tpu.memory_space<vmem>>, vector<16xi32>,
    %get3A_158 = vector.shape_cast %get3A_157 : vector<16xi32> to vector<16xi32>
    %add3A_159 = vector.broadcast %mul3A_22 : i32 to vector<16xi32>
    %add3A_160 = arith.addi %get3A_158, %add3A_159 : vector<16xi32>
    %swap3A_161 = arith.constant 240 : index
    %swap3A_162 = tpu.vector_load %arg7[%swap3A_161] {strides = array<i32>} : memref<1024xi32, #tpu.memory_space<vmem>>, vector<16xi32>,
    %swap3A_163 = vector.shape_cast %swap3A_162 : vector<16xi32> to vector<16xi32>
    %swap3A_164 = vector.shape_cast %add3A_160 : vector<16xi32> to vector<16xi32>
    tpu.vector_store %arg7[%swap3A_161], %swap3A_164 {strides = array<i32>} : memref<1024xi32, #tpu.memory_space<vmem>>, vector<16xi32>,
    %get3A_165 = arith.constant 256 : index
    %get3A_166 = tpu.vector_load %arg7[%get3A_165] {strides = array<i32>} : memref<1024xi32, #tpu.memory_space<vmem>>, vector<16xi32>,
    %get3A_167 = vector.shape_cast %get3A_166 : vector<16xi32> to vector<16xi32>
    %add3A_168 = vector.broadcast %mul3A_22 : i32 to vector<16xi32>
    %add3A_169 = arith.addi %get3A_167, %add3A_168 : vector<16xi32>
    %swap3A_170 = arith.constant 256 : index
    %swap3A_171 = tpu.vector_load %arg7[%swap3A_170] {strides = array<i32>} : memref<1024xi32, #tpu.memory_space<vmem>>, vector<16xi32>,
    %swap3A_172 = vector.shape_cast %swap3A_171 : vector<16xi32> to vector<16xi32>
    %swap3A_173 = vector.shape_cast %add3A_169 : vector<16xi32> to vector<16xi32>
    tpu.vector_store %arg7[%swap3A_170], %swap3A_173 {strides = array<i32>} : memref<1024xi32, #tpu.memory_space<vmem>>, vector<16xi32>,
    %get3A_174 = arith.constant 272 : index
    %get3A_175 = tpu.vector_load %arg7[%get3A_174] {strides = array<i32>} : memref<1024xi32, #tpu.memory_space<vmem>>, vector<16xi32>,
    %get3A_176 = vector.shape_cast %get3A_175 : vector<16xi32> to vector<16xi32>
    %add3A_177 = vector.broadcast %mul3A_22 : i32 to vector<16xi32>
    %add3A_178 = arith.addi %get3A_176, %add3A_177 : vector<16xi32>
    %swap3A_179 = arith.constant 272 : index
    %swap3A_180 = tpu.vector_load %arg7[%swap3A_179] {strides = array<i32>} : memref<1024xi32, #tpu.memory_space<vmem>>, vector<16xi32>,
    %swap3A_181 = vector.shape_cast %swap3A_180 : vector<16xi32> to vector<16xi32>
    %swap3A_182 = vector.shape_cast %add3A_178 : vector<16xi32> to vector<16xi32>
    tpu.vector_store %arg7[%swap3A_179], %swap3A_182 {strides = array<i32>} : memref<1024xi32, #tpu.memory_space<vmem>>, vector<16xi32>,
    %get3A_183 = arith.constant 288 : index
    %get3A_184 = tpu.vector_load %arg7[%get3A_183] {strides = array<i32>} : memref<1024xi32, #tpu.memory_space<vmem>>, vector<16xi32>,
    %get3A_185 = vector.shape_cast %get3A_184 : vector<16xi32> to vector<16xi32>
    %add3A_186 = vector.broadcast %mul3A_22 : i32 to vector<16xi32>
    %add3A_187 = arith.addi %get3A_185, %add3A_186 : vector<16xi32>
    %swap3A_188 = arith.constant 288 : index
    %swap3A_189 = tpu.vector_load %arg7[%swap3A_188] {strides = array<i32>} : memref<1024xi32, #tpu.memory_space<vmem>>, vector<16xi32>,
    %swap3A_190 = vector.shape_cast %swap3A_189 : vector<16xi32> to vector<16xi32>
    %swap3A_191 = vector.shape_cast %add3A_187 : vector<16xi32> to vector<16xi32>
    tpu.vector_store %arg7[%swap3A_188], %swap3A_191 {strides = array<i32>} : memref<1024xi32, #tpu.memory_space<vmem>>, vector<16xi32>,
    %get3A_192 = arith.constant 304 : index
    %get3A_193 = tpu.vector_load %arg7[%get3A_192] {strides = array<i32>} : memref<1024xi32, #tpu.memory_space<vmem>>, vector<16xi32>,
    %get3A_194 = vector.shape_cast %get3A_193 : vector<16xi32> to vector<16xi32>
    %add3A_195 = vector.broadcast %mul3A_22 : i32 to vector<16xi32>
    %add3A_196 = arith.addi %get3A_194, %add3A_195 : vector<16xi32>
    %swap3A_197 = arith.constant 304 : index
    %swap3A_198 = tpu.vector_load %arg7[%swap3A_197] {strides = array<i32>} : memref<1024xi32, #tpu.memory_space<vmem>>, vector<16xi32>,
    %swap3A_199 = vector.shape_cast %swap3A_198 : vector<16xi32> to vector<16xi32>
    %swap3A_200 = vector.shape_cast %add3A_196 : vector<16xi32> to vector<16xi32>
    tpu.vector_store %arg7[%swap3A_197], %swap3A_200 {strides = array<i32>} : memref<1024xi32, #tpu.memory_space<vmem>>, vector<16xi32>,
    %get3A_201 = arith.constant 320 : index
    %get3A_202 = tpu.vector_load %arg7[%get3A_201] {strides = array<i32>} : memref<1024xi32, #tpu.memory_space<vmem>>, vector<16xi32>,
    %get3A_203 = vector.shape_cast %get3A_202 : vector<16xi32> to vector<16xi32>
    %add3A_204 = vector.broadcast %mul3A_22 : i32 to vector<16xi32>
    %add3A_205 = arith.addi %get3A_203, %add3A_204 : vector<16xi32>
    %swap3A_206 = arith.constant 320 : index
    %swap3A_207 = tpu.vector_load %arg7[%swap3A_206] {strides = array<i32>} : memref<1024xi32, #tpu.memory_space<vmem>>, vector<16xi32>,
    %swap3A_208 = vector.shape_cast %swap3A_207 : vector<16xi32> to vector<16xi32>
    %swap3A_209 = vector.shape_cast %add3A_205 : vector<16xi32> to vector<16xi32>
    tpu.vector_store %arg7[%swap3A_206], %swap3A_209 {strides = array<i32>} : memref<1024xi32, #tpu.memory_space<vmem>>, vector<16xi32>,
    %get3A_210 = arith.constant 336 : index
    %get3A_211 = tpu.vector_load %arg7[%get3A_210] {strides = array<i32>} : memref<1024xi32, #tpu.memory_space<vmem>>, vector<16xi32>,
    %get3A_212 = vector.shape_cast %get3A_211 : vector<16xi32> to vector<16xi32>
    %add3A_213 = vector.broadcast %mul3A_22 : i32 to vector<16xi32>
    %add3A_214 = arith.addi %get3A_212, %add3A_213 : vector<16xi32>
    %swap3A_215 = arith.constant 336 : index
    %swap3A_216 = tpu.vector_load %arg7[%swap3A_215] {strides = array<i32>} : memref<1024xi32, #tpu.memory_space<vmem>>, vector<16xi32>,
    %swap3A_217 = vector.shape_cast %swap3A_216 : vector<16xi32> to vector<16xi32>
    %swap3A_218 = vector.shape_cast %add3A_214 : vector<16xi32> to vector<16xi32>
    tpu.vector_store %arg7[%swap3A_215], %swap3A_218 {strides = array<i32>} : memref<1024xi32, #tpu.memory_space<vmem>>, vector<16xi32>,
    %get3A_219 = arith.constant 352 : index
    %get3A_220 = tpu.vector_load %arg7[%get3A_219] {strides = array<i32>} : memref<1024xi32, #tpu.memory_space<vmem>>, vector<16xi32>,
    %get3A_221 = vector.shape_cast %get3A_220 : vector<16xi32> to vector<16xi32>
    %add3A_222 = vector.broadcast %mul3A_22 : i32 to vector<16xi32>
    %add3A_223 = arith.addi %get3A_221, %add3A_222 : vector<16xi32>
    %swap3A_224 = arith.constant 352 : index
    %swap3A_225 = tpu.vector_load %arg7[%swap3A_224] {strides = array<i32>} : memref<1024xi32, #tpu.memory_space<vmem>>, vector<16xi32>,
    %swap3A_226 = vector.shape_cast %swap3A_225 : vector<16xi32> to vector<16xi32>
    %swap3A_227 = vector.shape_cast %add3A_223 : vector<16xi32> to vector<16xi32>
    tpu.vector_store %arg7[%swap3A_224], %swap3A_227 {strides = array<i32>} : memref<1024xi32, #tpu.memory_space<vmem>>, vector<16xi32>,
    %get3A_228 = arith.constant 368 : index
    %get3A_229 = tpu.vector_load %arg7[%get3A_228] {strides = array<i32>} : memref<1024xi32, #tpu.memory_space<vmem>>, vector<16xi32>,
    %get3A_230 = vector.shape_cast %get3A_229 : vector<16xi32> to vector<16xi32>
    %add3A_231 = vector.broadcast %mul3A_22 : i32 to vector<16xi32>
    %add3A_232 = arith.addi %get3A_230, %add3A_231 : vector<16xi32>
    %swap3A_233 = arith.constant 368 : index
    %swap3A_234 = tpu.vector_load %arg7[%swap3A_233] {strides = array<i32>} : memref<1024xi32, #tpu.memory_space<vmem>>, vector<16xi32>,
    %swap3A_235 = vector.shape_cast %swap3A_234 : vector<16xi32> to vector<16xi32>
    %swap3A_236 = vector.shape_cast %add3A_232 : vector<16xi32> to vector<16xi32>
    tpu.vector_store %arg7[%swap3A_233], %swap3A_236 {strides = array<i32>} : memref<1024xi32, #tpu.memory_space<vmem>>, vector<16xi32>,
    %get3A_237 = arith.constant 384 : index
    %get3A_238 = tpu.vector_load %arg7[%get3A_237] {strides = array<i32>} : memref<1024xi32, #tpu.memory_space<vmem>>, vector<16xi32>,
    %get3A_239 = vector.shape_cast %get3A_238 : vector<16xi32> to vector<16xi32>
    %add3A_240 = vector.broadcast %mul3A_22 : i32 to vector<16xi32>
    %add3A_241 = arith.addi %get3A_239, %add3A_240 : vector<16xi32>
    %swap3A_242 = arith.constant 384 : index
    %swap3A_243 = tpu.vector_load %arg7[%swap3A_242] {strides = array<i32>} : memref<1024xi32, #tpu.memory_space<vmem>>, vector<16xi32>,
    %swap3A_244 = vector.shape_cast %swap3A_243 : vector<16xi32> to vector<16xi32>
    %swap3A_245 = vector.shape_cast %add3A_241 : vector<16xi32> to vector<16xi32>
    tpu.vector_store %arg7[%swap3A_242], %swap3A_245 {strides = array<i32>} : memref<1024xi32, #tpu.memory_space<vmem>>, vector<16xi32>,
    %get3A_246 = arith.constant 400 : index
    %get3A_247 = tpu.vector_load %arg7[%get3A_246] {strides = array<i32>} : memref<1024xi32, #tpu.memory_space<vmem>>, vector<16xi32>,
    %get3A_248 = vector.shape_cast %get3A_247 : vector<16xi32> to vector<16xi32>
    %add3A_249 = vector.broadcast %mul3A_22 : i32 to vector<16xi32>
    %add3A_250 = arith.addi %get3A_248, %add3A_249 : vector<16xi32>
    %swap3A_251 = arith.constant 400 : index
    %swap3A_252 = tpu.vector_load %arg7[%swap3A_251] {strides = array<i32>} : memref<1024xi32, #tpu.memory_space<vmem>>, vector<16xi32>,
    %swap3A_253 = vector.shape_cast %swap3A_252 : vector<16xi32> to vector<16xi32>
    %swap3A_254 = vector.shape_cast %add3A_250 : vector<16xi32> to vector<16xi32>
    tpu.vector_store %arg7[%swap3A_251], %swap3A_254 {strides = array<i32>} : memref<1024xi32, #tpu.memory_space<vmem>>, vector<16xi32>,
    %get3A_255 = arith.constant 416 : index
    %get3A_256 = tpu.vector_load %arg7[%get3A_255] {strides = array<i32>} : memref<1024xi32, #tpu.memory_space<vmem>>, vector<16xi32>,
    %get3A_257 = vector.shape_cast %get3A_256 : vector<16xi32> to vector<16xi32>
    %add3A_258 = vector.broadcast %mul3A_22 : i32 to vector<16xi32>
    %add3A_259 = arith.addi %get3A_257, %add3A_258 : vector<16xi32>
    %swap3A_260 = arith.constant 416 : index
    %swap3A_261 = tpu.vector_load %arg7[%swap3A_260] {strides = array<i32>} : memref<1024xi32, #tpu.memory_space<vmem>>, vector<16xi32>,
    %swap3A_262 = vector.shape_cast %swap3A_261 : vector<16xi32> to vector<16xi32>
    %swap3A_263 = vector.shape_cast %add3A_259 : vector<16xi32> to vector<16xi32>
    tpu.vector_store %arg7[%swap3A_260], %swap3A_263 {strides = array<i32>} : memref<1024xi32, #tpu.memory_space<vmem>>, vector<16xi32>,
    %get3A_264 = arith.constant 432 : index
    %get3A_265 = tpu.vector_load %arg7[%get3A_264] {strides = array<i32>} : memref<1024xi32, #tpu.memory_space<vmem>>, vector<16xi32>,
    %get3A_266 = vector.shape_cast %get3A_265 : vector<16xi32> to vector<16xi32>
    %add3A_267 = vector.broadcast %mul3A_22 : i32 to vector<16xi32>
    %add3A_268 = arith.addi %get3A_266, %add3A_267 : vector<16xi32>
    %swap3A_269 = arith.constant 432 : index
    %swap3A_270 = tpu.vector_load %arg7[%swap3A_269] {strides = array<i32>} : memref<1024xi32, #tpu.memory_space<vmem>>, vector<16xi32>,
    %swap3A_271 = vector.shape_cast %swap3A_270 : vector<16xi32> to vector<16xi32>
    %swap3A_272 = vector.shape_cast %add3A_268 : vector<16xi32> to vector<16xi32>
    tpu.vector_store %arg7[%swap3A_269], %swap3A_272 {strides = array<i32>} : memref<1024xi32, #tpu.memory_space<vmem>>, vector<16xi32>,
    %get3A_273 = arith.constant 448 : index
    %get3A_274 = tpu.vector_load %arg7[%get3A_273] {strides = array<i32>} : memref<1024xi32, #tpu.memory_space<vmem>>, vector<16xi32>,
    %get3A_275 = vector.shape_cast %get3A_274 : vector<16xi32> to vector<16xi32>
    %add3A_276 = vector.broadcast %mul3A_22 : i32 to vector<16xi32>
    %add3A_277 = arith.addi %get3A_275, %add3A_276 : vector<16xi32>
    %swap3A_278 = arith.constant 448 : index
    %swap3A_279 = tpu.vector_load %arg7[%swap3A_278] {strides = array<i32>} : memref<1024xi32, #tpu.memory_space<vmem>>, vector<16xi32>,
    %swap3A_280 = vector.shape_cast %swap3A_279 : vector<16xi32> to vector<16xi32>
    %swap3A_281 = vector.shape_cast %add3A_277 : vector<16xi32> to vector<16xi32>
    tpu.vector_store %arg7[%swap3A_278], %swap3A_281 {strides = array<i32>} : memref<1024xi32, #tpu.memory_space<vmem>>, vector<16xi32>,
    %get3A_282 = arith.constant 464 : index
    %get3A_283 = tpu.vector_load %arg7[%get3A_282] {strides = array<i32>} : memref<1024xi32, #tpu.memory_space<vmem>>, vector<16xi32>,
    %get3A_284 = vector.shape_cast %get3A_283 : vector<16xi32> to vector<16xi32>
    %add3A_285 = vector.broadcast %mul3A_22 : i32 to vector<16xi32>
    %add3A_286 = arith.addi %get3A_284, %add3A_285 : vector<16xi32>
    %swap3A_287 = arith.constant 464 : index
    %swap3A_288 = tpu.vector_load %arg7[%swap3A_287] {strides = array<i32>} : memref<1024xi32, #tpu.memory_space<vmem>>, vector<16xi32>,
    %swap3A_289 = vector.shape_cast %swap3A_288 : vector<16xi32> to vector<16xi32>
    %swap3A_290 = vector.shape_cast %add3A_286 : vector<16xi32> to vector<16xi32>
    tpu.vector_store %arg7[%swap3A_287], %swap3A_290 {strides = array<i32>} : memref<1024xi32, #tpu.memory_space<vmem>>, vector<16xi32>,
    %get3A_291 = arith.constant 480 : index
    %get3A_292 = tpu.vector_load %arg7[%get3A_291] {strides = array<i32>} : memref<1024xi32, #tpu.memory_space<vmem>>, vector<16xi32>,
    %get3A_293 = vector.shape_cast %get3A_292 : vector<16xi32> to vector<16xi32>
    %add3A_294 = vector.broadcast %mul3A_22 : i32 to vector<16xi32>
    %add3A_295 = arith.addi %get3A_293, %add3A_294 : vector<16xi32>
    %swap3A_296 = arith.constant 480 : index
    %swap3A_297 = tpu.vector_load %arg7[%swap3A_296] {strides = array<i32>} : memref<1024xi32, #tpu.memory_space<vmem>>, vector<16xi32>,
    %swap3A_298 = vector.shape_cast %swap3A_297 : vector<16xi32> to vector<16xi32>
    %swap3A_299 = vector.shape_cast %add3A_295 : vector<16xi32> to vector<16xi32>
    tpu.vector_store %arg7[%swap3A_296], %swap3A_299 {strides = array<i32>} : memref<1024xi32, #tpu.memory_space<vmem>>, vector<16xi32>,
    %get3A_300 = arith.constant 496 : index
    %get3A_301 = tpu.vector_load %arg7[%get3A_300] {strides = array<i32>} : memref<1024xi32, #tpu.memory_space<vmem>>, vector<16xi32>,
    %get3A_302 = vector.shape_cast %get3A_301 : vector<16xi32> to vector<16xi32>
    %add3A_303 = vector.broadcast %mul3A_22 : i32 to vector<16xi32>
    %add3A_304 = arith.addi %get3A_302, %add3A_303 : vector<16xi32>
    %swap3A_305 = arith.constant 496 : index
    %swap3A_306 = tpu.vector_load %arg7[%swap3A_305] {strides = array<i32>} : memref<1024xi32, #tpu.memory_space<vmem>>, vector<16xi32>,
    %swap3A_307 = vector.shape_cast %swap3A_306 : vector<16xi32> to vector<16xi32>
    %swap3A_308 = vector.shape_cast %add3A_304 : vector<16xi32> to vector<16xi32>
    tpu.vector_store %arg7[%swap3A_305], %swap3A_308 {strides = array<i32>} : memref<1024xi32, #tpu.memory_space<vmem>>, vector<16xi32>,
    %get3A_309 = arith.constant 512 : index
    %get3A_310 = tpu.vector_load %arg7[%get3A_309] {strides = array<i32>} : memref<1024xi32, #tpu.memory_space<vmem>>, vector<16xi32>,
    %get3A_311 = vector.shape_cast %get3A_310 : vector<16xi32> to vector<16xi32>
    %add3A_312 = vector.broadcast %mul3A_22 : i32 to vector<16xi32>
    %add3A_313 = arith.addi %get3A_311, %add3A_312 : vector<16xi32>
    %swap3A_314 = arith.constant 512 : index
    %swap3A_315 = tpu.vector_load %arg7[%swap3A_314] {strides = array<i32>} : memref<1024xi32, #tpu.memory_space<vmem>>, vector<16xi32>,
    %swap3A_316 = vector.shape_cast %swap3A_315 : vector<16xi32> to vector<16xi32>
    %swap3A_317 = vector.shape_cast %add3A_313 : vector<16xi32> to vector<16xi32>
    tpu.vector_store %arg7[%swap3A_314], %swap3A_317 {strides = array<i32>} : memref<1024xi32, #tpu.memory_space<vmem>>, vector<16xi32>,
    %get3A_318 = arith.constant 528 : index
    %get3A_319 = tpu.vector_load %arg7[%get3A_318] {strides = array<i32>} : memref<1024xi32, #tpu.memory_space<vmem>>, vector<16xi32>,
    %get3A_320 = vector.shape_cast %get3A_319 : vector<16xi32> to vector<16xi32>
    %add3A_321 = vector.broadcast %mul3A_22 : i32 to vector<16xi32>
    %add3A_322 = arith.addi %get3A_320, %add3A_321 : vector<16xi32>
    %swap3A_323 = arith.constant 528 : index
    %swap3A_324 = tpu.vector_load %arg7[%swap3A_323] {strides = array<i32>} : memref<1024xi32, #tpu.memory_space<vmem>>, vector<16xi32>,
    %swap3A_325 = vector.shape_cast %swap3A_324 : vector<16xi32> to vector<16xi32>
    %swap3A_326 = vector.shape_cast %add3A_322 : vector<16xi32> to vector<16xi32>
    tpu.vector_store %arg7[%swap3A_323], %swap3A_326 {strides = array<i32>} : memref<1024xi32, #tpu.memory_space<vmem>>, vector<16xi32>,
    %get3A_327 = arith.constant 544 : index
    %get3A_328 = tpu.vector_load %arg7[%get3A_327] {strides = array<i32>} : memref<1024xi32, #tpu.memory_space<vmem>>, vector<16xi32>,
    %get3A_329 = vector.shape_cast %get3A_328 : vector<16xi32> to vector<16xi32>
    %add3A_330 = vector.broadcast %mul3A_22 : i32 to vector<16xi32>
    %add3A_331 = arith.addi %get3A_329, %add3A_330 : vector<16xi32>
    %swap3A_332 = arith.constant 544 : index
    %swap3A_333 = tpu.vector_load %arg7[%swap3A_332] {strides = array<i32>} : memref<1024xi32, #tpu.memory_space<vmem>>, vector<16xi32>,
    %swap3A_334 = vector.shape_cast %swap3A_333 : vector<16xi32> to vector<16xi32>
    %swap3A_335 = vector.shape_cast %add3A_331 : vector<16xi32> to vector<16xi32>
    tpu.vector_store %arg7[%swap3A_332], %swap3A_335 {strides = array<i32>} : memref<1024xi32, #tpu.memory_space<vmem>>, vector<16xi32>,
    %get3A_336 = arith.constant 560 : index
    %get3A_337 = tpu.vector_load %arg7[%get3A_336] {strides = array<i32>} : memref<1024xi32, #tpu.memory_space<vmem>>, vector<16xi32>,
    %get3A_338 = vector.shape_cast %get3A_337 : vector<16xi32> to vector<16xi32>
    %add3A_339 = vector.broadcast %mul3A_22 : i32 to vector<16xi32>
    %add3A_340 = arith.addi %get3A_338, %add3A_339 : vector<16xi32>
    %swap3A_341 = arith.constant 560 : index
    %swap3A_342 = tpu.vector_load %arg7[%swap3A_341] {strides = array<i32>} : memref<1024xi32, #tpu.memory_space<vmem>>, vector<16xi32>,
    %swap3A_343 = vector.shape_cast %swap3A_342 : vector<16xi32> to vector<16xi32>
    %swap3A_344 = vector.shape_cast %add3A_340 : vector<16xi32> to vector<16xi32>
    tpu.vector_store %arg7[%swap3A_341], %swap3A_344 {strides = array<i32>} : memref<1024xi32, #tpu.memory_space<vmem>>, vector<16xi32>,
    %get3A_345 = arith.constant 576 : index
    %get3A_346 = tpu.vector_load %arg7[%get3A_345] {strides = array<i32>} : memref<1024xi32, #tpu.memory_space<vmem>>, vector<16xi32>,
    %get3A_347 = vector.shape_cast %get3A_346 : vector<16xi32> to vector<16xi32>
    %add3A_348 = vector.broadcast %mul3A_22 : i32 to vector<16xi32>
    %add3A_349 = arith.addi %get3A_347, %add3A_348 : vector<16xi32>
    %swap3A_350 = arith.constant 576 : index
    %swap3A_351 = tpu.vector_load %arg7[%swap3A_350] {strides = array<i32>} : memref<1024xi32, #tpu.memory_space<vmem>>, vector<16xi32>,
    %swap3A_352 = vector.shape_cast %swap3A_351 : vector<16xi32> to vector<16xi32>
    %swap3A_353 = vector.shape_cast %add3A_349 : vector<16xi32> to vector<16xi32>
    tpu.vector_store %arg7[%swap3A_350], %swap3A_353 {strides = array<i32>} : memref<1024xi32, #tpu.memory_space<vmem>>, vector<16xi32>,
    %get3A_354 = arith.constant 592 : index
    %get3A_355 = tpu.vector_load %arg7[%get3A_354] {strides = array<i32>} : memref<1024xi32, #tpu.memory_space<vmem>>, vector<16xi32>,
    %get3A_356 = vector.shape_cast %get3A_355 : vector<16xi32> to vector<16xi32>
    %add3A_357 = vector.broadcast %mul3A_22 : i32 to vector<16xi32>
    %add3A_358 = arith.addi %get3A_356, %add3A_357 : vector<16xi32>
    %swap3A_359 = arith.constant 592 : index
    %swap3A_360 = tpu.vector_load %arg7[%swap3A_359] {strides = array<i32>} : memref<1024xi32, #tpu.memory_space<vmem>>, vector<16xi32>,
    %swap3A_361 = vector.shape_cast %swap3A_360 : vector<16xi32> to vector<16xi32>
    %swap3A_362 = vector.shape_cast %add3A_358 : vector<16xi32> to vector<16xi32>
    tpu.vector_store %arg7[%swap3A_359], %swap3A_362 {strides = array<i32>} : memref<1024xi32, #tpu.memory_space<vmem>>, vector<16xi32>,
    %get3A_363 = arith.constant 608 : index
    %get3A_364 = tpu.vector_load %arg7[%get3A_363] {strides = array<i32>} : memref<1024xi32, #tpu.memory_space<vmem>>, vector<16xi32>,
    %get3A_365 = vector.shape_cast %get3A_364 : vector<16xi32> to vector<16xi32>
    %add3A_366 = vector.broadcast %mul3A_22 : i32 to vector<16xi32>
    %add3A_367 = arith.addi %get3A_365, %add3A_366 : vector<16xi32>
    %swap3A_368 = arith.constant 608 : index
    %swap3A_369 = tpu.vector_load %arg7[%swap3A_368] {strides = array<i32>} : memref<1024xi32, #tpu.memory_space<vmem>>, vector<16xi32>,
    %swap3A_370 = vector.shape_cast %swap3A_369 : vector<16xi32> to vector<16xi32>
    %swap3A_371 = vector.shape_cast %add3A_367 : vector<16xi32> to vector<16xi32>
    tpu.vector_store %arg7[%swap3A_368], %swap3A_371 {strides = array<i32>} : memref<1024xi32, #tpu.memory_space<vmem>>, vector<16xi32>,
    %get3A_372 = arith.constant 624 : index
    %get3A_373 = tpu.vector_load %arg7[%get3A_372] {strides = array<i32>} : memref<1024xi32, #tpu.memory_space<vmem>>, vector<16xi32>,
    %get3A_374 = vector.shape_cast %get3A_373 : vector<16xi32> to vector<16xi32>
    %add3A_375 = vector.broadcast %mul3A_22 : i32 to vector<16xi32>
    %add3A_376 = arith.addi %get3A_374, %add3A_375 : vector<16xi32>
    %swap3A_377 = arith.constant 624 : index
    %swap3A_378 = tpu.vector_load %arg7[%swap3A_377] {strides = array<i32>} : memref<1024xi32, #tpu.memory_space<vmem>>, vector<16xi32>,
    %swap3A_379 = vector.shape_cast %swap3A_378 : vector<16xi32> to vector<16xi32>
    %swap3A_380 = vector.shape_cast %add3A_376 : vector<16xi32> to vector<16xi32>
    tpu.vector_store %arg7[%swap3A_377], %swap3A_380 {strides = array<i32>} : memref<1024xi32, #tpu.memory_space<vmem>>, vector<16xi32>,
    %get3A_381 = arith.constant 640 : index
    %get3A_382 = tpu.vector_load %arg7[%get3A_381] {strides = array<i32>} : memref<1024xi32, #tpu.memory_space<vmem>>, vector<16xi32>,
    %get3A_383 = vector.shape_cast %get3A_382 : vector<16xi32> to vector<16xi32>
    %add3A_384 = vector.broadcast %mul3A_22 : i32 to vector<16xi32>
    %add3A_385 = arith.addi %get3A_383, %add3A_384 : vector<16xi32>
    %swap3A_386 = arith.constant 640 : index
    %swap3A_387 = tpu.vector_load %arg7[%swap3A_386] {strides = array<i32>} : memref<1024xi32, #tpu.memory_space<vmem>>, vector<16xi32>,
    %swap3A_388 = vector.shape_cast %swap3A_387 : vector<16xi32> to vector<16xi32>
    %swap3A_389 = vector.shape_cast %add3A_385 : vector<16xi32> to vector<16xi32>
    tpu.vector_store %arg7[%swap3A_386], %swap3A_389 {strides = array<i32>} : memref<1024xi32, #tpu.memory_space<vmem>>, vector<16xi32>,
    %get3A_390 = arith.constant 656 : index
    %get3A_391 = tpu.vector_load %arg7[%get3A_390] {strides = array<i32>} : memref<1024xi32, #tpu.memory_space<vmem>>, vector<16xi32>,
    %get3A_392 = vector.shape_cast %get3A_391 : vector<16xi32> to vector<16xi32>
    %add3A_393 = vector.broadcast %mul3A_22 : i32 to vector<16xi32>
    %add3A_394 = arith.addi %get3A_392, %add3A_393 : vector<16xi32>
    %swap3A_395 = arith.constant 656 : index
    %swap3A_396 = tpu.vector_load %arg7[%swap3A_395] {strides = array<i32>} : memref<1024xi32, #tpu.memory_space<vmem>>, vector<16xi32>,
    %swap3A_397 = vector.shape_cast %swap3A_396 : vector<16xi32> to vector<16xi32>
    %swap3A_398 = vector.shape_cast %add3A_394 : vector<16xi32> to vector<16xi32>
    tpu.vector_store %arg7[%swap3A_395], %swap3A_398 {strides = array<i32>} : memref<1024xi32, #tpu.memory_space<vmem>>, vector<16xi32>,
    %get3A_399 = arith.constant 672 : index
    %get3A_400 = tpu.vector_load %arg7[%get3A_399] {strides = array<i32>} : memref<1024xi32, #tpu.memory_space<vmem>>, vector<16xi32>,
    %get3A_401 = vector.shape_cast %get3A_400 : vector<16xi32> to vector<16xi32>
    %add3A_402 = vector.broadcast %mul3A_22 : i32 to vector<16xi32>
    %add3A_403 = arith.addi %get3A_401, %add3A_402 : vector<16xi32>
    %swap3A_404 = arith.constant 672 : index
    %swap3A_405 = tpu.vector_load %arg7[%swap3A_404] {strides = array<i32>} : memref<1024xi32, #tpu.memory_space<vmem>>, vector<16xi32>,
    %swap3A_406 = vector.shape_cast %swap3A_405 : vector<16xi32> to vector<16xi32>
    %swap3A_407 = vector.shape_cast %add3A_403 : vector<16xi32> to vector<16xi32>
    tpu.vector_store %arg7[%swap3A_404], %swap3A_407 {strides = array<i32>} : memref<1024xi32, #tpu.memory_space<vmem>>, vector<16xi32>,
    %get3A_408 = arith.constant 688 : index
    %get3A_409 = tpu.vector_load %arg7[%get3A_408] {strides = array<i32>} : memref<1024xi32, #tpu.memory_space<vmem>>, vector<16xi32>,
    %get3A_410 = vector.shape_cast %get3A_409 : vector<16xi32> to vector<16xi32>
    %add3A_411 = vector.broadcast %mul3A_22 : i32 to vector<16xi32>
    %add3A_412 = arith.addi %get3A_410, %add3A_411 : vector<16xi32>
    %swap3A_413 = arith.constant 688 : index
    %swap3A_414 = tpu.vector_load %arg7[%swap3A_413] {strides = array<i32>} : memref<1024xi32, #tpu.memory_space<vmem>>, vector<16xi32>,
    %swap3A_415 = vector.shape_cast %swap3A_414 : vector<16xi32> to vector<16xi32>
    %swap3A_416 = vector.shape_cast %add3A_412 : vector<16xi32> to vector<16xi32>
    tpu.vector_store %arg7[%swap3A_413], %swap3A_416 {strides = array<i32>} : memref<1024xi32, #tpu.memory_space<vmem>>, vector<16xi32>,
    %get3A_417 = arith.constant 704 : index
    %get3A_418 = tpu.vector_load %arg7[%get3A_417] {strides = array<i32>} : memref<1024xi32, #tpu.memory_space<vmem>>, vector<16xi32>,
    %get3A_419 = vector.shape_cast %get3A_418 : vector<16xi32> to vector<16xi32>
    %add3A_420 = vector.broadcast %mul3A_22 : i32 to vector<16xi32>
    %add3A_421 = arith.addi %get3A_419, %add3A_420 : vector<16xi32>
    %swap3A_422 = arith.constant 704 : index
    %swap3A_423 = tpu.vector_load %arg7[%swap3A_422] {strides = array<i32>} : memref<1024xi32, #tpu.memory_space<vmem>>, vector<16xi32>,
    %swap3A_424 = vector.shape_cast %swap3A_423 : vector<16xi32> to vector<16xi32>
    %swap3A_425 = vector.shape_cast %add3A_421 : vector<16xi32> to vector<16xi32>
    tpu.vector_store %arg7[%swap3A_422], %swap3A_425 {strides = array<i32>} : memref<1024xi32, #tpu.memory_space<vmem>>, vector<16xi32>,
    %get3A_426 = arith.constant 720 : index
    %get3A_427 = tpu.vector_load %arg7[%get3A_426] {strides = array<i32>} : memref<1024xi32, #tpu.memory_space<vmem>>, vector<16xi32>,
    %get3A_428 = vector.shape_cast %get3A_427 : vector<16xi32> to vector<16xi32>
    %add3A_429 = vector.broadcast %mul3A_22 : i32 to vector<16xi32>
    %add3A_430 = arith.addi %get3A_428, %add3A_429 : vector<16xi32>
    %swap3A_431 = arith.constant 720 : index
    %swap3A_432 = tpu.vector_load %arg7[%swap3A_431] {strides = array<i32>} : memref<1024xi32, #tpu.memory_space<vmem>>, vector<16xi32>,
    %swap3A_433 = vector.shape_cast %swap3A_432 : vector<16xi32> to vector<16xi32>
    %swap3A_434 = vector.shape_cast %add3A_430 : vector<16xi32> to vector<16xi32>
    tpu.vector_store %arg7[%swap3A_431], %swap3A_434 {strides = array<i32>} : memref<1024xi32, #tpu.memory_space<vmem>>, vector<16xi32>,
    %get3A_435 = arith.constant 736 : index
    %get3A_436 = tpu.vector_load %arg7[%get3A_435] {strides = array<i32>} : memref<1024xi32, #tpu.memory_space<vmem>>, vector<16xi32>,
    %get3A_437 = vector.shape_cast %get3A_436 : vector<16xi32> to vector<16xi32>
    %add3A_438 = vector.broadcast %mul3A_22 : i32 to vector<16xi32>
    %add3A_439 = arith.addi %get3A_437, %add3A_438 : vector<16xi32>
    %swap3A_440 = arith.constant 736 : index
    %swap3A_441 = tpu.vector_load %arg7[%swap3A_440] {strides = array<i32>} : memref<1024xi32, #tpu.memory_space<vmem>>, vector<16xi32>,
    %swap3A_442 = vector.shape_cast %swap3A_441 : vector<16xi32> to vector<16xi32>
    %swap3A_443 = vector.shape_cast %add3A_439 : vector<16xi32> to vector<16xi32>
    tpu.vector_store %arg7[%swap3A_440], %swap3A_443 {strides = array<i32>} : memref<1024xi32, #tpu.memory_space<vmem>>, vector<16xi32>,
    %get3A_444 = arith.constant 752 : index
    %get3A_445 = tpu.vector_load %arg7[%get3A_444] {strides = array<i32>} : memref<1024xi32, #tpu.memory_space<vmem>>, vector<16xi32>,
    %get3A_446 = vector.shape_cast %get3A_445 : vector<16xi32> to vector<16xi32>
    %add3A_447 = vector.broadcast %mul3A_22 : i32 to vector<16xi32>
    %add3A_448 = arith.addi %get3A_446, %add3A_447 : vector<16xi32>
    %swap3A_449 = arith.constant 752 : index
    %swap3A_450 = tpu.vector_load %arg7[%swap3A_449] {strides = array<i32>} : memref<1024xi32, #tpu.memory_space<vmem>>, vector<16xi32>,
    %swap3A_451 = vector.shape_cast %swap3A_450 : vector<16xi32> to vector<16xi32>
    %swap3A_452 = vector.shape_cast %add3A_448 : vector<16xi32> to vector<16xi32>
    tpu.vector_store %arg7[%swap3A_449], %swap3A_452 {strides = array<i32>} : memref<1024xi32, #tpu.memory_space<vmem>>, vector<16xi32>,
    %get3A_453 = arith.constant 768 : index
    %get3A_454 = tpu.vector_load %arg7[%get3A_453] {strides = array<i32>} : memref<1024xi32, #tpu.memory_space<vmem>>, vector<16xi32>,
    %get3A_455 = vector.shape_cast %get3A_454 : vector<16xi32> to vector<16xi32>
    %add3A_456 = vector.broadcast %mul3A_22 : i32 to vector<16xi32>
    %add3A_457 = arith.addi %get3A_455, %add3A_456 : vector<16xi32>
    %swap3A_458 = arith.constant 768 : index
    %swap3A_459 = tpu.vector_load %arg7[%swap3A_458] {strides = array<i32>} : memref<1024xi32, #tpu.memory_space<vmem>>, vector<16xi32>,
    %swap3A_460 = vector.shape_cast %swap3A_459 : vector<16xi32> to vector<16xi32>
    %swap3A_461 = vector.shape_cast %add3A_457 : vector<16xi32> to vector<16xi32>
    tpu.vector_store %arg7[%swap3A_458], %swap3A_461 {strides = array<i32>} : memref<1024xi32, #tpu.memory_space<vmem>>, vector<16xi32>,
    %get3A_462 = arith.constant 784 : index
    %get3A_463 = tpu.vector_load %arg7[%get3A_462] {strides = array<i32>} : memref<1024xi32, #tpu.memory_space<vmem>>, vector<16xi32>,
    %get3A_464 = vector.shape_cast %get3A_463 : vector<16xi32> to vector<16xi32>
    %add3A_465 = vector.broadcast %mul3A_22 : i32 to vector<16xi32>
    %add3A_466 = arith.addi %get3A_464, %add3A_465 : vector<16xi32>
    %swap3A_467 = arith.constant 784 : index
    %swap3A_468 = tpu.vector_load %arg7[%swap3A_467] {strides = array<i32>} : memref<1024xi32, #tpu.memory_space<vmem>>, vector<16xi32>,
    %swap3A_469 = vector.shape_cast %swap3A_468 : vector<16xi32> to vector<16xi32>
    %swap3A_470 = vector.shape_cast %add3A_466 : vector<16xi32> to vector<16xi32>
    tpu.vector_store %arg7[%swap3A_467], %swap3A_470 {strides = array<i32>} : memref<1024xi32, #tpu.memory_space<vmem>>, vector<16xi32>,
    %get3A_471 = arith.constant 800 : index
    %get3A_472 = tpu.vector_load %arg7[%get3A_471] {strides = array<i32>} : memref<1024xi32, #tpu.memory_space<vmem>>, vector<16xi32>,
    %get3A_473 = vector.shape_cast %get3A_472 : vector<16xi32> to vector<16xi32>
    %add3A_474 = vector.broadcast %mul3A_22 : i32 to vector<16xi32>
    %add3A_475 = arith.addi %get3A_473, %add3A_474 : vector<16xi32>
    %swap3A_476 = arith.constant 800 : index
    %swap3A_477 = tpu.vector_load %arg7[%swap3A_476] {strides = array<i32>} : memref<1024xi32, #tpu.memory_space<vmem>>, vector<16xi32>,
    %swap3A_478 = vector.shape_cast %swap3A_477 : vector<16xi32> to vector<16xi32>
    %swap3A_479 = vector.shape_cast %add3A_475 : vector<16xi32> to vector<16xi32>
    tpu.vector_store %arg7[%swap3A_476], %swap3A_479 {strides = array<i32>} : memref<1024xi32, #tpu.memory_space<vmem>>, vector<16xi32>,
    %get3A_480 = arith.constant 816 : index
    %get3A_481 = tpu.vector_load %arg7[%get3A_480] {strides = array<i32>} : memref<1024xi32, #tpu.memory_space<vmem>>, vector<16xi32>,
    %get3A_482 = vector.shape_cast %get3A_481 : vector<16xi32> to vector<16xi32>
    %add3A_483 = vector.broadcast %mul3A_22 : i32 to vector<16xi32>
    %add3A_484 = arith.addi %get3A_482, %add3A_483 : vector<16xi32>
    %swap3A_485 = arith.constant 816 : index
    %swap3A_486 = tpu.vector_load %arg7[%swap3A_485] {strides = array<i32>} : memref<1024xi32, #tpu.memory_space<vmem>>, vector<16xi32>,
    %swap3A_487 = vector.shape_cast %swap3A_486 : vector<16xi32> to vector<16xi32>
    %swap3A_488 = vector.shape_cast %add3A_484 : vector<16xi32> to vector<16xi32>
    tpu.vector_store %arg7[%swap3A_485], %swap3A_488 {strides = array<i32>} : memref<1024xi32, #tpu.memory_space<vmem>>, vector<16xi32>,
    %get3A_489 = arith.constant 832 : index
    %get3A_490 = tpu.vector_load %arg7[%get3A_489] {strides = array<i32>} : memref<1024xi32, #tpu.memory_space<vmem>>, vector<16xi32>,
    %get3A_491 = vector.shape_cast %get3A_490 : vector<16xi32> to vector<16xi32>
    %add3A_492 = vector.broadcast %mul3A_22 : i32 to vector<16xi32>
    %add3A_493 = arith.addi %get3A_491, %add3A_492 : vector<16xi32>
    %swap3A_494 = arith.constant 832 : index
    %swap3A_495 = tpu.vector_load %arg7[%swap3A_494] {strides = array<i32>} : memref<1024xi32, #tpu.memory_space<vmem>>, vector<16xi32>,
    %swap3A_496 = vector.shape_cast %swap3A_495 : vector<16xi32> to vector<16xi32>
    %swap3A_497 = vector.shape_cast %add3A_493 : vector<16xi32> to vector<16xi32>
    tpu.vector_store %arg7[%swap3A_494], %swap3A_497 {strides = array<i32>} : memref<1024xi32, #tpu.memory_space<vmem>>, vector<16xi32>,
    %get3A_498 = arith.constant 848 : index
    %get3A_499 = tpu.vector_load %arg7[%get3A_498] {strides = array<i32>} : memref<1024xi32, #tpu.memory_space<vmem>>, vector<16xi32>,
    %get3A_500 = vector.shape_cast %get3A_499 : vector<16xi32> to vector<16xi32>
    %add3A_501 = vector.broadcast %mul3A_22 : i32 to vector<16xi32>
    %add3A_502 = arith.addi %get3A_500, %add3A_501 : vector<16xi32>
    %swap3A_503 = arith.constant 848 : index
    %swap3A_504 = tpu.vector_load %arg7[%swap3A_503] {strides = array<i32>} : memref<1024xi32, #tpu.memory_space<vmem>>, vector<16xi32>,
    %swap3A_505 = vector.shape_cast %swap3A_504 : vector<16xi32> to vector<16xi32>
    %swap3A_506 = vector.shape_cast %add3A_502 : vector<16xi32> to vector<16xi32>
    tpu.vector_store %arg7[%swap3A_503], %swap3A_506 {strides = array<i32>} : memref<1024xi32, #tpu.memory_space<vmem>>, vector<16xi32>,
    %get3A_507 = arith.constant 864 : index
    %get3A_508 = tpu.vector_load %arg7[%get3A_507] {strides = array<i32>} : memref<1024xi32, #tpu.memory_space<vmem>>, vector<16xi32>,
    %get3A_509 = vector.shape_cast %get3A_508 : vector<16xi32> to vector<16xi32>
    %add3A_510 = vector.broadcast %mul3A_22 : i32 to vector<16xi32>
    %add3A_511 = arith.addi %get3A_509, %add3A_510 : vector<16xi32>
    %swap3A_512 = arith.constant 864 : index
    %swap3A_513 = tpu.vector_load %arg7[%swap3A_512] {strides = array<i32>} : memref<1024xi32, #tpu.memory_space<vmem>>, vector<16xi32>,
    %swap3A_514 = vector.shape_cast %swap3A_513 : vector<16xi32> to vector<16xi32>
    %swap3A_515 = vector.shape_cast %add3A_511 : vector<16xi32> to vector<16xi32>
    tpu.vector_store %arg7[%swap3A_512], %swap3A_515 {strides = array<i32>} : memref<1024xi32, #tpu.memory_space<vmem>>, vector<16xi32>,
    %get3A_516 = arith.constant 880 : index
    %get3A_517 = tpu.vector_load %arg7[%get3A_516] {strides = array<i32>} : memref<1024xi32, #tpu.memory_space<vmem>>, vector<16xi32>,
    %get3A_518 = vector.shape_cast %get3A_517 : vector<16xi32> to vector<16xi32>
    %add3A_519 = vector.broadcast %mul3A_22 : i32 to vector<16xi32>
    %add3A_520 = arith.addi %get3A_518, %add3A_519 : vector<16xi32>
    %swap3A_521 = arith.constant 880 : index
    %swap3A_522 = tpu.vector_load %arg7[%swap3A_521] {strides = array<i32>} : memref<1024xi32, #tpu.memory_space<vmem>>, vector<16xi32>,
    %swap3A_523 = vector.shape_cast %swap3A_522 : vector<16xi32> to vector<16xi32>
    %swap3A_524 = vector.shape_cast %add3A_520 : vector<16xi32> to vector<16xi32>
    tpu.vector_store %arg7[%swap3A_521], %swap3A_524 {strides = array<i32>} : memref<1024xi32, #tpu.memory_space<vmem>>, vector<16xi32>,
    %get3A_525 = arith.constant 896 : index
    %get3A_526 = tpu.vector_load %arg7[%get3A_525] {strides = array<i32>} : memref<1024xi32, #tpu.memory_space<vmem>>, vector<16xi32>,
    %get3A_527 = vector.shape_cast %get3A_526 : vector<16xi32> to vector<16xi32>
    %add3A_528 = vector.broadcast %mul3A_22 : i32 to vector<16xi32>
    %add3A_529 = arith.addi %get3A_527, %add3A_528 : vector<16xi32>
    %swap3A_530 = arith.constant 896 : index
    %swap3A_531 = tpu.vector_load %arg7[%swap3A_530] {strides = array<i32>} : memref<1024xi32, #tpu.memory_space<vmem>>, vector<16xi32>,
    %swap3A_532 = vector.shape_cast %swap3A_531 : vector<16xi32> to vector<16xi32>
    %swap3A_533 = vector.shape_cast %add3A_529 : vector<16xi32> to vector<16xi32>
    tpu.vector_store %arg7[%swap3A_530], %swap3A_533 {strides = array<i32>} : memref<1024xi32, #tpu.memory_space<vmem>>, vector<16xi32>,
    %get3A_534 = arith.constant 912 : index
    %get3A_535 = tpu.vector_load %arg7[%get3A_534] {strides = array<i32>} : memref<1024xi32, #tpu.memory_space<vmem>>, vector<16xi32>,
    %get3A_536 = vector.shape_cast %get3A_535 : vector<16xi32> to vector<16xi32>
    %add3A_537 = vector.broadcast %mul3A_22 : i32 to vector<16xi32>
    %add3A_538 = arith.addi %get3A_536, %add3A_537 : vector<16xi32>
    %swap3A_539 = arith.constant 912 : index
    %swap3A_540 = tpu.vector_load %arg7[%swap3A_539] {strides = array<i32>} : memref<1024xi32, #tpu.memory_space<vmem>>, vector<16xi32>,
    %swap3A_541 = vector.shape_cast %swap3A_540 : vector<16xi32> to vector<16xi32>
    %swap3A_542 = vector.shape_cast %add3A_538 : vector<16xi32> to vector<16xi32>
    tpu.vector_store %arg7[%swap3A_539], %swap3A_542 {strides = array<i32>} : memref<1024xi32, #tpu.memory_space<vmem>>, vector<16xi32>,
    %get3A_543 = arith.constant 928 : index
    %get3A_544 = tpu.vector_load %arg7[%get3A_543] {strides = array<i32>} : memref<1024xi32, #tpu.memory_space<vmem>>, vector<16xi32>,
    %get3A_545 = vector.shape_cast %get3A_544 : vector<16xi32> to vector<16xi32>
    %add3A_546 = vector.broadcast %mul3A_22 : i32 to vector<16xi32>
    %add3A_547 = arith.addi %get3A_545, %add3A_546 : vector<16xi32>
    %swap3A_548 = arith.constant 928 : index
    %swap3A_549 = tpu.vector_load %arg7[%swap3A_548] {strides = array<i32>} : memref<1024xi32, #tpu.memory_space<vmem>>, vector<16xi32>,
    %swap3A_550 = vector.shape_cast %swap3A_549 : vector<16xi32> to vector<16xi32>
    %swap3A_551 = vector.shape_cast %add3A_547 : vector<16xi32> to vector<16xi32>
    tpu.vector_store %arg7[%swap3A_548], %swap3A_551 {strides = array<i32>} : memref<1024xi32, #tpu.memory_space<vmem>>, vector<16xi32>,
    %get3A_552 = arith.constant 944 : index
    %get3A_553 = tpu.vector_load %arg7[%get3A_552] {strides = array<i32>} : memref<1024xi32, #tpu.memory_space<vmem>>, vector<16xi32>,
    %get3A_554 = vector.shape_cast %get3A_553 : vector<16xi32> to vector<16xi32>
    %add3A_555 = vector.broadcast %mul3A_22 : i32 to vector<16xi32>
    %add3A_556 = arith.addi %get3A_554, %add3A_555 : vector<16xi32>
    %swap3A_557 = arith.constant 944 : index
    %swap3A_558 = tpu.vector_load %arg7[%swap3A_557] {strides = array<i32>} : memref<1024xi32, #tpu.memory_space<vmem>>, vector<16xi32>,
    %swap3A_559 = vector.shape_cast %swap3A_558 : vector<16xi32> to vector<16xi32>
    %swap3A_560 = vector.shape_cast %add3A_556 : vector<16xi32> to vector<16xi32>
    tpu.vector_store %arg7[%swap3A_557], %swap3A_560 {strides = array<i32>} : memref<1024xi32, #tpu.memory_space<vmem>>, vector<16xi32>,
    %get3A_561 = arith.constant 960 : index
    %get3A_562 = tpu.vector_load %arg7[%get3A_561] {strides = array<i32>} : memref<1024xi32, #tpu.memory_space<vmem>>, vector<16xi32>,
    %get3A_563 = vector.shape_cast %get3A_562 : vector<16xi32> to vector<16xi32>
    %add3A_564 = vector.broadcast %mul3A_22 : i32 to vector<16xi32>
    %add3A_565 = arith.addi %get3A_563, %add3A_564 : vector<16xi32>
    %swap3A_566 = arith.constant 960 : index
    %swap3A_567 = tpu.vector_load %arg7[%swap3A_566] {strides = array<i32>} : memref<1024xi32, #tpu.memory_space<vmem>>, vector<16xi32>,
    %swap3A_568 = vector.shape_cast %swap3A_567 : vector<16xi32> to vector<16xi32>
    %swap3A_569 = vector.shape_cast %add3A_565 : vector<16xi32> to vector<16xi32>
    tpu.vector_store %arg7[%swap3A_566], %swap3A_569 {strides = array<i32>} : memref<1024xi32, #tpu.memory_space<vmem>>, vector<16xi32>,
    %get3A_570 = arith.constant 976 : index
    %get3A_571 = tpu.vector_load %arg7[%get3A_570] {strides = array<i32>} : memref<1024xi32, #tpu.memory_space<vmem>>, vector<16xi32>,
    %get3A_572 = vector.shape_cast %get3A_571 : vector<16xi32> to vector<16xi32>
    %add3A_573 = vector.broadcast %mul3A_22 : i32 to vector<16xi32>
    %add3A_574 = arith.addi %get3A_572, %add3A_573 : vector<16xi32>
    %swap3A_575 = arith.constant 976 : index
    %swap3A_576 = tpu.vector_load %arg7[%swap3A_575] {strides = array<i32>} : memref<1024xi32, #tpu.memory_space<vmem>>, vector<16xi32>,
    %swap3A_577 = vector.shape_cast %swap3A_576 : vector<16xi32> to vector<16xi32>
    %swap3A_578 = vector.shape_cast %add3A_574 : vector<16xi32> to vector<16xi32>
    tpu.vector_store %arg7[%swap3A_575], %swap3A_578 {strides = array<i32>} : memref<1024xi32, #tpu.memory_space<vmem>>, vector<16xi32>,
    %get3A_579 = arith.constant 992 : index
    %get3A_580 = tpu.vector_load %arg7[%get3A_579] {strides = array<i32>} : memref<1024xi32, #tpu.memory_space<vmem>>, vector<16xi32>,
    %get3A_581 = vector.shape_cast %get3A_580 : vector<16xi32> to vector<16xi32>
    %add3A_582 = vector.broadcast %mul3A_22 : i32 to vector<16xi32>
    %add3A_583 = arith.addi %get3A_581, %add3A_582 : vector<16xi32>
    %swap3A_584 = arith.constant 992 : index
    %swap3A_585 = tpu.vector_load %arg7[%swap3A_584] {strides = array<i32>} : memref<1024xi32, #tpu.memory_space<vmem>>, vector<16xi32>,
    %swap3A_586 = vector.shape_cast %swap3A_585 : vector<16xi32> to vector<16xi32>
    %swap3A_587 = vector.shape_cast %add3A_583 : vector<16xi32> to vector<16xi32>
    tpu.vector_store %arg7[%swap3A_584], %swap3A_587 {strides = array<i32>} : memref<1024xi32, #tpu.memory_space<vmem>>, vector<16xi32>,
    %get3A_588 = arith.constant 1008 : index
    %get3A_589 = tpu.vector_load %arg7[%get3A_588] {strides = array<i32>} : memref<1024xi32, #tpu.memory_space<vmem>>, vector<16xi32>,
    %get3A_590 = vector.shape_cast %get3A_589 : vector<16xi32> to vector<16xi32>
    %add3A_591 = vector.broadcast %mul3A_22 : i32 to vector<16xi32>
    %add3A_592 = arith.addi %get3A_590, %add3A_591 : vector<16xi32>
    %swap3A_593 = arith.constant 1008 : index
    %swap3A_594 = tpu.vector_load %arg7[%swap3A_593] {strides = array<i32>} : memref<1024xi32, #tpu.memory_space<vmem>>, vector<16xi32>,
    %swap3A_595 = vector.shape_cast %swap3A_594 : vector<16xi32> to vector<16xi32>
    %swap3A_596 = vector.shape_cast %add3A_592 : vector<16xi32> to vector<16xi32>
    tpu.vector_store %arg7[%swap3A_593], %swap3A_596 {strides = array<i32>} : memref<1024xi32, #tpu.memory_space<vmem>>, vector<16xi32>,
    %dma_start3A = arith.constant 0 : i32
    %dma_start3A_597 = arith.constant 0 : i32
    %dma_start3A_598 = arith.constant 0 : i32
    %dma_start3A_599 = arith.constant 0 : i32
    %dma_start3A_600 = tpu.memref_slice %arg9[%dma_start3A, %dma_start3A_598, %dma_start3A_599] : memref<2x128x128xf32, #tpu.memory_space<vmem>> -> memref<1x128x128xf32, #tpu.memory_space<vmem>>
    %dma_start3A_601 = tpu.memref_squeeze %dma_start3A_600 : memref<1x128x128xf32, #tpu.memory_space<vmem>> -> memref<128x128xf32, #tpu.memory_space<vmem>>
    %dma_start3A_602 = arith.constant 0 : i32
    %dma_start3A_603 = tpu.memref_slice %arg7[%dma_start3A_602] : memref<1024xi32, #tpu.memory_space<vmem>> -> memref<128xi32, #tpu.memory_space<vmem>>
    %dma_start3A_604 = arith.constant 0 : i32
    %dma_start3A_605 = arith.constant 0 : i32
    %dma_start3A_606 = tpu.memref_slice %arg4[%dma_start3A_604, %dma_start3A_605] : memref<32768x128xf32, #tpu.memory_space<hbm>> -> memref<32768x128xf32, #tpu.memory_space<hbm>>
    %dma_start3A_607 = tpu.memref_slice %arg13[%dma_start3A_597] : memref<2x!tpu.dma_semaphore, #tpu.memory_space<semaphore_mem>> -> memref<1x!tpu.dma_semaphore, #tpu.memory_space<semaphore_mem>>
    %dma_start3A_608 = tpu.memref_squeeze %dma_start3A_607 : memref<1x!tpu.dma_semaphore, #tpu.memory_space<semaphore_mem>> -> memref<!tpu.dma_semaphore, #tpu.memory_space<semaphore_mem>>
    tpu.enqueue_indirect_dma source(%dma_start3A_606 : memref<32768x128xf32, #tpu.memory_space<hbm>>) target(%dma_start3A_601 : memref<128x128xf32, #tpu.memory_space<vmem>>) offsets(%dma_start3A_603 : memref<128xi32, #tpu.memory_space<vmem>>) semaphore(%dma_start3A_608 : memref<!tpu.dma_semaphore, #tpu.memory_space<semaphore_mem>>)
    %dma_start3A_609 = arith.constant 0 : i32
    %dma_start3A_610 = arith.constant 0 : i32
    %dma_start3A_611 = arith.constant 0 : i32
    %dma_start3A_612 = arith.constant 0 : i32
    %dma_start3A_613 = tpu.memref_slice %arg10[%dma_start3A_609, %dma_start3A_611, %dma_start3A_612] : memref<2x128x128xf32, #tpu.memory_space<vmem>> -> memref<1x128x128xf32, #tpu.memory_space<vmem>>
    %dma_start3A_614 = tpu.memref_squeeze %dma_start3A_613 : memref<1x128x128xf32, #tpu.memory_space<vmem>> -> memref<128x128xf32, #tpu.memory_space<vmem>>
    %dma_start3A_615 = arith.constant 0 : i32
    %dma_start3A_616 = tpu.memref_slice %arg8[%dma_start3A_615] : memref<1024xi32, #tpu.memory_space<vmem>> -> memref<128xi32, #tpu.memory_space<vmem>>
    %dma_start3A_617 = arith.constant 0 : i32
    %dma_start3A_618 = arith.constant 0 : i32
    %dma_start3A_619 = tpu.memref_slice %arg12[%dma_start3A_617, %dma_start3A_618] : memref<1000x128xf32, #tpu.memory_space<vmem_shared>> -> memref<1000x128xf32, #tpu.memory_space<vmem_shared>>
    %dma_start3A_620 = tpu.memref_slice %arg14[%dma_start3A_610] : memref<2x!tpu.dma_semaphore, #tpu.memory_space<semaphore_mem>> -> memref<1x!tpu.dma_semaphore, #tpu.memory_space<semaphore_mem>>
    %dma_start3A_621 = tpu.memref_squeeze %dma_start3A_620 : memref<1x!tpu.dma_semaphore, #tpu.memory_space<semaphore_mem>> -> memref<!tpu.dma_semaphore, #tpu.memory_space<semaphore_mem>>
    tpu.enqueue_indirect_dma source(%dma_start3A_619 : memref<1000x128xf32, #tpu.memory_space<vmem_shared>>) target(%dma_start3A_614 : memref<128x128xf32, #tpu.memory_space<vmem>>) offsets(%dma_start3A_616 : memref<128xi32, #tpu.memory_space<vmem>>) semaphore(%dma_start3A_621 : memref<!tpu.dma_semaphore, #tpu.memory_space<semaphore_mem>>)
    %dma_start3A_622 = arith.constant 1 : i32
    %dma_start3A_623 = arith.constant 1 : i32
    %dma_start3A_624 = arith.constant 0 : i32
    %dma_start3A_625 = arith.constant 0 : i32
    %dma_start3A_626 = tpu.memref_slice %arg9[%dma_start3A_622, %dma_start3A_624, %dma_start3A_625] : memref<2x128x128xf32, #tpu.memory_space<vmem>> -> memref<1x128x128xf32, #tpu.memory_space<vmem>>
    %dma_start3A_627 = tpu.memref_squeeze %dma_start3A_626 : memref<1x128x128xf32, #tpu.memory_space<vmem>> -> memref<128x128xf32, #tpu.memory_space<vmem>>
    %dma_start3A_628 = arith.constant 128 : i32
    %dma_start3A_629 = tpu.memref_slice %arg7[%dma_start3A_628] : memref<1024xi32, #tpu.memory_space<vmem>> -> memref<128xi32, #tpu.memory_space<vmem>>
    %dma_start3A_630 = arith.constant 0 : i32
    %dma_start3A_631 = arith.constant 0 : i32
    %dma_start3A_632 = tpu.memref_slice %arg4[%dma_start3A_630, %dma_start3A_631] : memref<32768x128xf32, #tpu.memory_space<hbm>> -> memref<32768x128xf32, #tpu.memory_space<hbm>>
    %dma_start3A_633 = tpu.memref_slice %arg13[%dma_start3A_623] : memref<2x!tpu.dma_semaphore, #tpu.memory_space<semaphore_mem>> -> memref<1x!tpu.dma_semaphore, #tpu.memory_space<semaphore_mem>>
    %dma_start3A_634 = tpu.memref_squeeze %dma_start3A_633 : memref<1x!tpu.dma_semaphore, #tpu.memory_space<semaphore_mem>> -> memref<!tpu.dma_semaphore, #tpu.memory_space<semaphore_mem>>
    tpu.enqueue_indirect_dma source(%dma_start3A_632 : memref<32768x128xf32, #tpu.memory_space<hbm>>) target(%dma_start3A_627 : memref<128x128xf32, #tpu.memory_space<vmem>>) offsets(%dma_start3A_629 : memref<128xi32, #tpu.memory_space<vmem>>) semaphore(%dma_start3A_634 : memref<!tpu.dma_semaphore, #tpu.memory_space<semaphore_mem>>)
    %dma_start3A_635 = arith.constant 1 : i32
    %dma_start3A_636 = arith.constant 1 : i32
    %dma_start3A_637 = arith.constant 0 : i32
    %dma_start3A_638 = arith.constant 0 : i32
    %dma_start3A_639 = tpu.memref_slice %arg10[%dma_start3A_635, %dma_start3A_637, %dma_start3A_638] : memref<2x128x128xf32, #tpu.memory_space<vmem>> -> memref<1x128x128xf32, #tpu.memory_space<vmem>>
    %dma_start3A_640 = tpu.memref_squeeze %dma_start3A_639 : memref<1x128x128xf32, #tpu.memory_space<vmem>> -> memref<128x128xf32, #tpu.memory_space<vmem>>
    %dma_start3A_641 = arith.constant 128 : i32
    %dma_start3A_642 = tpu.memref_slice %arg8[%dma_start3A_641] : memref<1024xi32, #tpu.memory_space<vmem>> -> memref<128xi32, #tpu.memory_space<vmem>>
    %dma_start3A_643 = arith.constant 0 : i32
    %dma_start3A_644 = arith.constant 0 : i32
    %dma_start3A_645 = tpu.memref_slice %arg12[%dma_start3A_643, %dma_start3A_644] : memref<1000x128xf32, #tpu.memory_space<vmem_shared>> -> memref<1000x128xf32, #tpu.memory_space<vmem_shared>>
    %dma_start3A_646 = tpu.memref_slice %arg14[%dma_start3A_636] : memref<2x!tpu.dma_semaphore, #tpu.memory_space<semaphore_mem>> -> memref<1x!tpu.dma_semaphore, #tpu.memory_space<semaphore_mem>>
    %dma_start3A_647 = tpu.memref_squeeze %dma_start3A_646 : memref<1x!tpu.dma_semaphore, #tpu.memory_space<semaphore_mem>> -> memref<!tpu.dma_semaphore, #tpu.memory_space<semaphore_mem>>
    tpu.enqueue_indirect_dma source(%dma_start3A_645 : memref<1000x128xf32, #tpu.memory_space<vmem_shared>>) target(%dma_start3A_640 : memref<128x128xf32, #tpu.memory_space<vmem>>) offsets(%dma_start3A_642 : memref<128xi32, #tpu.memory_space<vmem>>) semaphore(%dma_start3A_647 : memref<!tpu.dma_semaphore, #tpu.memory_space<semaphore_mem>>)
    %dma_wait3A = arith.constant 0 : i32
    %dma_wait3A_648 = arith.constant 0 : i32
    %dma_wait3A_649 = arith.constant 0 : i32
    %dma_wait3A_650 = arith.constant 0 : i32
    %dma_wait3A_651 = tpu.memref_slice %arg9[%dma_wait3A, %dma_wait3A_649, %dma_wait3A_650] : memref<2x128x128xf32, #tpu.memory_space<vmem>> -> memref<1x128x128xf32, #tpu.memory_space<vmem>>
    %dma_wait3A_652 = tpu.memref_squeeze %dma_wait3A_651 : memref<1x128x128xf32, #tpu.memory_space<vmem>> -> memref<128x128xf32, #tpu.memory_space<vmem>>
    %dma_wait3A_653 = arith.constant 0 : i32
    %dma_wait3A_654 = tpu.memref_slice %arg7[%dma_wait3A_653] : memref<1024xi32, #tpu.memory_space<vmem>> -> memref<128xi32, #tpu.memory_space<vmem>>
    %dma_wait3A_655 = arith.constant 0 : i32
    %dma_wait3A_656 = arith.constant 0 : i32
    %dma_wait3A_657 = tpu.memref_slice %arg4[%dma_wait3A_655, %dma_wait3A_656] : memref<32768x128xf32, #tpu.memory_space<hbm>> -> memref<32768x128xf32, #tpu.memory_space<hbm>>
    %dma_wait3A_658 = tpu.memref_slice %arg13[%dma_wait3A_648] : memref<2x!tpu.dma_semaphore, #tpu.memory_space<semaphore_mem>> -> memref<1x!tpu.dma_semaphore, #tpu.memory_space<semaphore_mem>>
    %dma_wait3A_659 = tpu.memref_squeeze %dma_wait3A_658 : memref<1x!tpu.dma_semaphore, #tpu.memory_space<semaphore_mem>> -> memref<!tpu.dma_semaphore, #tpu.memory_space<semaphore_mem>>
    tpu.wait_indirect_dma semaphore(%dma_wait3A_659 : memref<!tpu.dma_semaphore, #tpu.memory_space<semaphore_mem>>) src(%dma_wait3A_657 : memref<32768x128xf32, #tpu.memory_space<hbm>>) dst(%dma_wait3A_652 : memref<128x128xf32, #tpu.memory_space<vmem>>)
    %dma_wait3A_660 = arith.constant 0 : i32
    %dma_wait3A_661 = arith.constant 0 : i32
    %dma_wait3A_662 = arith.constant 0 : i32
    %dma_wait3A_663 = arith.constant 0 : i32
    %dma_wait3A_664 = tpu.memref_slice %arg10[%dma_wait3A_660, %dma_wait3A_662, %dma_wait3A_663] : memref<2x128x128xf32, #tpu.memory_space<vmem>> -> memref<1x128x128xf32, #tpu.memory_space<vmem>>
    %dma_wait3A_665 = tpu.memref_squeeze %dma_wait3A_664 : memref<1x128x128xf32, #tpu.memory_space<vmem>> -> memref<128x128xf32, #tpu.memory_space<vmem>>
    %dma_wait3A_666 = arith.constant 0 : i32
    %dma_wait3A_667 = tpu.memref_slice %arg8[%dma_wait3A_666] : memref<1024xi32, #tpu.memory_space<vmem>> -> memref<128xi32, #tpu.memory_space<vmem>>
    %dma_wait3A_668 = arith.constant 0 : i32
    %dma_wait3A_669 = arith.constant 0 : i32
    %dma_wait3A_670 = tpu.memref_slice %arg12[%dma_wait3A_668, %dma_wait3A_669] : memref<1000x128xf32, #tpu.memory_space<vmem_shared>> -> memref<1000x128xf32, #tpu.memory_space<vmem_shared>>
    %dma_wait3A_671 = tpu.memref_slice %arg14[%dma_wait3A_661] : memref<2x!tpu.dma_semaphore, #tpu.memory_space<semaphore_mem>> -> memref<1x!tpu.dma_semaphore, #tpu.memory_space<semaphore_mem>>
    %dma_wait3A_672 = tpu.memref_squeeze %dma_wait3A_671 : memref<1x!tpu.dma_semaphore, #tpu.memory_space<semaphore_mem>> -> memref<!tpu.dma_semaphore, #tpu.memory_space<semaphore_mem>>
    tpu.wait_indirect_dma semaphore(%dma_wait3A_672 : memref<!tpu.dma_semaphore, #tpu.memory_space<semaphore_mem>>) src(%dma_wait3A_670 : memref<1000x128xf32, #tpu.memory_space<vmem_shared>>) dst(%dma_wait3A_665 : memref<128x128xf32, #tpu.memory_space<vmem>>)
    %scan3A = arith.constant 0 : i32
    %scan3A_673 = arith.constant 0 : i32
    %scan3A_674 = arith.constant 128 : i32
    %scan3A_675 = arith.addi %scan3A_673, %scan3A_674 : i32
    %scan3A_676 = arith.constant 1 : i32
    scf.for %scan3A_1330 = %scan3A_673 to %scan3A_675 step %scan3A_676  : i32 {
      %get3A_1331 = arith.constant 0 : i32
      %get3A_1332 = arith.index_cast %get3A_1331 : i32 to index
      %get3A_1333 = arith.index_cast %scan3A_1330 : i32 to index
      %get3A_1334 = arith.constant 0 : index
      %get3A_1335 = tpu.vector_load %arg9[%get3A_1332, %get3A_1333, %get3A_1334] {strides = array<i32>} : memref<2x128x128xf32, #tpu.memory_space<vmem>>, vector<1x1x16xf32>,
      %get3A_1336 = vector.shape_cast %get3A_1335 : vector<1x1x16xf32> to vector<16xf32>
      %get3A_1337 = arith.constant 0 : i32
      %get3A_1338 = arith.index_cast %get3A_1337 : i32 to index
      %get3A_1339 = arith.index_cast %scan3A_1330 : i32 to index
      %get3A_1340 = arith.constant 0 : index
      %get3A_1341 = tpu.vector_load %arg10[%get3A_1338, %get3A_1339, %get3A_1340] {strides = array<i32>} : memref<2x128x128xf32, #tpu.memory_space<vmem>>, vector<1x1x16xf32>,
      %get3A_1342 = vector.shape_cast %get3A_1341 : vector<1x1x16xf32> to vector<16xf32>
      %add3A_1343 = arith.addf %get3A_1336, %get3A_1342 : vector<16xf32>
      %broadcast_in_dim3A = arith.constant 0.000000e+00 : f32
      %broadcast_in_dim3A_1344 = vector.broadcast %broadcast_in_dim3A : f32 to vector<16xf32>
      %max3A = arith.maximumf %add3A_1343, %broadcast_in_dim3A_1344 : vector<16xf32>
      %swap3A_1345 = arith.constant 0 : i32
      %swap3A_1346 = arith.index_cast %swap3A_1345 : i32 to index
      %swap3A_1347 = arith.index_cast %scan3A_1330 : i32 to index
      %swap3A_1348 = arith.constant 0 : index
      %swap3A_1349 = tpu.vector_load %arg11[%swap3A_1346, %swap3A_1347, %swap3A_1348] {strides = array<i32>} : memref<2x128x128xf32, #tpu.memory_space<vmem>>, vector<1x1x16xf32>,
      %swap3A_1350 = vector.shape_cast %swap3A_1349 : vector<1x1x16xf32> to vector<16xf32>
      %swap3A_1351 = vector.shape_cast %max3A : vector<16xf32> to vector<1x1x16xf32>
      tpu.vector_store %arg11[%swap3A_1346, %swap3A_1347, %swap3A_1348], %swap3A_1351 {strides = array<i32>} : memref<2x128x128xf32, #tpu.memory_space<vmem>>, vector<1x1x16xf32>,
      %get3A_1352 = arith.constant 0 : i32
      %get3A_1353 = arith.index_cast %get3A_1352 : i32 to index
      %get3A_1354 = arith.index_cast %scan3A_1330 : i32 to index
      %get3A_1355 = arith.constant 16 : index
      %get3A_1356 = tpu.vector_load %arg9[%get3A_1353, %get3A_1354, %get3A_1355] {strides = array<i32>} : memref<2x128x128xf32, #tpu.memory_space<vmem>>, vector<1x1x16xf32>,
      %get3A_1357 = vector.shape_cast %get3A_1356 : vector<1x1x16xf32> to vector<16xf32>
      %get3A_1358 = arith.constant 0 : i32
      %get3A_1359 = arith.index_cast %get3A_1358 : i32 to index
      %get3A_1360 = arith.index_cast %scan3A_1330 : i32 to index
      %get3A_1361 = arith.constant 16 : index
      %get3A_1362 = tpu.vector_load %arg10[%get3A_1359, %get3A_1360, %get3A_1361] {strides = array<i32>} : memref<2x128x128xf32, #tpu.memory_space<vmem>>, vector<1x1x16xf32>,
      %get3A_1363 = vector.shape_cast %get3A_1362 : vector<1x1x16xf32> to vector<16xf32>
      %add3A_1364 = arith.addf %get3A_1357, %get3A_1363 : vector<16xf32>
      %broadcast_in_dim3A_1365 = arith.constant 0.000000e+00 : f32
      %broadcast_in_dim3A_1366 = vector.broadcast %broadcast_in_dim3A_1365 : f32 to vector<16xf32>
      %max3A_1367 = arith.maximumf %add3A_1364, %broadcast_in_dim3A_1366 : vector<16xf32>
      %swap3A_1368 = arith.constant 0 : i32
      %swap3A_1369 = arith.index_cast %swap3A_1368 : i32 to index
      %swap3A_1370 = arith.index_cast %scan3A_1330 : i32 to index
      %swap3A_1371 = arith.constant 16 : index
      %swap3A_1372 = tpu.vector_load %arg11[%swap3A_1369, %swap3A_1370, %swap3A_1371] {strides = array<i32>} : memref<2x128x128xf32, #tpu.memory_space<vmem>>, vector<1x1x16xf32>,
      %swap3A_1373 = vector.shape_cast %swap3A_1372 : vector<1x1x16xf32> to vector<16xf32>
      %swap3A_1374 = vector.shape_cast %max3A_1367 : vector<16xf32> to vector<1x1x16xf32>
      tpu.vector_store %arg11[%swap3A_1369, %swap3A_1370, %swap3A_1371], %swap3A_1374 {strides = array<i32>} : memref<2x128x128xf32, #tpu.memory_space<vmem>>, vector<1x1x16xf32>,
      %get3A_1375 = arith.constant 0 : i32
      %get3A_1376 = arith.index_cast %get3A_1375 : i32 to index
      %get3A_1377 = arith.index_cast %scan3A_1330 : i32 to index
      %get3A_1378 = arith.constant 32 : index
      %get3A_1379 = tpu.vector_load %arg9[%get3A_1376, %get3A_1377, %get3A_1378] {strides = array<i32>} : memref<2x128x128xf32, #tpu.memory_space<vmem>>, vector<1x1x16xf32>,
      %get3A_1380 = vector.shape_cast %get3A_1379 : vector<1x1x16xf32> to vector<16xf32>
      %get3A_1381 = arith.constant 0 : i32
      %get3A_1382 = arith.index_cast %get3A_1381 : i32 to index
      %get3A_1383 = arith.index_cast %scan3A_1330 : i32 to index
      %get3A_1384 = arith.constant 32 : index
      %get3A_1385 = tpu.vector_load %arg10[%get3A_1382, %get3A_1383, %get3A_1384] {strides = array<i32>} : memref<2x128x128xf32, #tpu.memory_space<vmem>>, vector<1x1x16xf32>,
      %get3A_1386 = vector.shape_cast %get3A_1385 : vector<1x1x16xf32> to vector<16xf32>
      %add3A_1387 = arith.addf %get3A_1380, %get3A_1386 : vector<16xf32>
      %broadcast_in_dim3A_1388 = arith.constant 0.000000e+00 : f32
      %broadcast_in_dim3A_1389 = vector.broadcast %broadcast_in_dim3A_1388 : f32 to vector<16xf32>
      %max3A_1390 = arith.maximumf %add3A_1387, %broadcast_in_dim3A_1389 : vector<16xf32>
      %swap3A_1391 = arith.constant 0 : i32
      %swap3A_1392 = arith.index_cast %swap3A_1391 : i32 to index
      %swap3A_1393 = arith.index_cast %scan3A_1330 : i32 to index
      %swap3A_1394 = arith.constant 32 : index
      %swap3A_1395 = tpu.vector_load %arg11[%swap3A_1392, %swap3A_1393, %swap3A_1394] {strides = array<i32>} : memref<2x128x128xf32, #tpu.memory_space<vmem>>, vector<1x1x16xf32>,
      %swap3A_1396 = vector.shape_cast %swap3A_1395 : vector<1x1x16xf32> to vector<16xf32>
      %swap3A_1397 = vector.shape_cast %max3A_1390 : vector<16xf32> to vector<1x1x16xf32>
      tpu.vector_store %arg11[%swap3A_1392, %swap3A_1393, %swap3A_1394], %swap3A_1397 {strides = array<i32>} : memref<2x128x128xf32, #tpu.memory_space<vmem>>, vector<1x1x16xf32>,
      %get3A_1398 = arith.constant 0 : i32
      %get3A_1399 = arith.index_cast %get3A_1398 : i32 to index
      %get3A_1400 = arith.index_cast %scan3A_1330 : i32 to index
      %get3A_1401 = arith.constant 48 : index
      %get3A_1402 = tpu.vector_load %arg9[%get3A_1399, %get3A_1400, %get3A_1401] {strides = array<i32>} : memref<2x128x128xf32, #tpu.memory_space<vmem>>, vector<1x1x16xf32>,
      %get3A_1403 = vector.shape_cast %get3A_1402 : vector<1x1x16xf32> to vector<16xf32>
      %get3A_1404 = arith.constant 0 : i32
      %get3A_1405 = arith.index_cast %get3A_1404 : i32 to index
      %get3A_1406 = arith.index_cast %scan3A_1330 : i32 to index
      %get3A_1407 = arith.constant 48 : index
      %get3A_1408 = tpu.vector_load %arg10[%get3A_1405, %get3A_1406, %get3A_1407] {strides = array<i32>} : memref<2x128x128xf32, #tpu.memory_space<vmem>>, vector<1x1x16xf32>,
      %get3A_1409 = vector.shape_cast %get3A_1408 : vector<1x1x16xf32> to vector<16xf32>
      %add3A_1410 = arith.addf %get3A_1403, %get3A_1409 : vector<16xf32>
      %broadcast_in_dim3A_1411 = arith.constant 0.000000e+00 : f32
      %broadcast_in_dim3A_1412 = vector.broadcast %broadcast_in_dim3A_1411 : f32 to vector<16xf32>
      %max3A_1413 = arith.maximumf %add3A_1410, %broadcast_in_dim3A_1412 : vector<16xf32>
      %swap3A_1414 = arith.constant 0 : i32
      %swap3A_1415 = arith.index_cast %swap3A_1414 : i32 to index
      %swap3A_1416 = arith.index_cast %scan3A_1330 : i32 to index
      %swap3A_1417 = arith.constant 48 : index
      %swap3A_1418 = tpu.vector_load %arg11[%swap3A_1415, %swap3A_1416, %swap3A_1417] {strides = array<i32>} : memref<2x128x128xf32, #tpu.memory_space<vmem>>, vector<1x1x16xf32>,
      %swap3A_1419 = vector.shape_cast %swap3A_1418 : vector<1x1x16xf32> to vector<16xf32>
      %swap3A_1420 = vector.shape_cast %max3A_1413 : vector<16xf32> to vector<1x1x16xf32>
      tpu.vector_store %arg11[%swap3A_1415, %swap3A_1416, %swap3A_1417], %swap3A_1420 {strides = array<i32>} : memref<2x128x128xf32, #tpu.memory_space<vmem>>, vector<1x1x16xf32>,
      %get3A_1421 = arith.constant 0 : i32
      %get3A_1422 = arith.index_cast %get3A_1421 : i32 to index
      %get3A_1423 = arith.index_cast %scan3A_1330 : i32 to index
      %get3A_1424 = arith.constant 64 : index
      %get3A_1425 = tpu.vector_load %arg9[%get3A_1422, %get3A_1423, %get3A_1424] {strides = array<i32>} : memref<2x128x128xf32, #tpu.memory_space<vmem>>, vector<1x1x16xf32>,
      %get3A_1426 = vector.shape_cast %get3A_1425 : vector<1x1x16xf32> to vector<16xf32>
      %get3A_1427 = arith.constant 0 : i32
      %get3A_1428 = arith.index_cast %get3A_1427 : i32 to index
      %get3A_1429 = arith.index_cast %scan3A_1330 : i32 to index
      %get3A_1430 = arith.constant 64 : index
      %get3A_1431 = tpu.vector_load %arg10[%get3A_1428, %get3A_1429, %get3A_1430] {strides = array<i32>} : memref<2x128x128xf32, #tpu.memory_space<vmem>>, vector<1x1x16xf32>,
      %get3A_1432 = vector.shape_cast %get3A_1431 : vector<1x1x16xf32> to vector<16xf32>
      %add3A_1433 = arith.addf %get3A_1426, %get3A_1432 : vector<16xf32>
      %broadcast_in_dim3A_1434 = arith.constant 0.000000e+00 : f32
      %broadcast_in_dim3A_1435 = vector.broadcast %broadcast_in_dim3A_1434 : f32 to vector<16xf32>
      %max3A_1436 = arith.maximumf %add3A_1433, %broadcast_in_dim3A_1435 : vector<16xf32>
      %swap3A_1437 = arith.constant 0 : i32
      %swap3A_1438 = arith.index_cast %swap3A_1437 : i32 to index
      %swap3A_1439 = arith.index_cast %scan3A_1330 : i32 to index
      %swap3A_1440 = arith.constant 64 : index
      %swap3A_1441 = tpu.vector_load %arg11[%swap3A_1438, %swap3A_1439, %swap3A_1440] {strides = array<i32>} : memref<2x128x128xf32, #tpu.memory_space<vmem>>, vector<1x1x16xf32>,
      %swap3A_1442 = vector.shape_cast %swap3A_1441 : vector<1x1x16xf32> to vector<16xf32>
      %swap3A_1443 = vector.shape_cast %max3A_1436 : vector<16xf32> to vector<1x1x16xf32>
      tpu.vector_store %arg11[%swap3A_1438, %swap3A_1439, %swap3A_1440], %swap3A_1443 {strides = array<i32>} : memref<2x128x128xf32, #tpu.memory_space<vmem>>, vector<1x1x16xf32>,
      %get3A_1444 = arith.constant 0 : i32
      %get3A_1445 = arith.index_cast %get3A_1444 : i32 to index
      %get3A_1446 = arith.index_cast %scan3A_1330 : i32 to index
      %get3A_1447 = arith.constant 80 : index
      %get3A_1448 = tpu.vector_load %arg9[%get3A_1445, %get3A_1446, %get3A_1447] {strides = array<i32>} : memref<2x128x128xf32, #tpu.memory_space<vmem>>, vector<1x1x16xf32>,
      %get3A_1449 = vector.shape_cast %get3A_1448 : vector<1x1x16xf32> to vector<16xf32>
      %get3A_1450 = arith.constant 0 : i32
      %get3A_1451 = arith.index_cast %get3A_1450 : i32 to index
      %get3A_1452 = arith.index_cast %scan3A_1330 : i32 to index
      %get3A_1453 = arith.constant 80 : index
      %get3A_1454 = tpu.vector_load %arg10[%get3A_1451, %get3A_1452, %get3A_1453] {strides = array<i32>} : memref<2x128x128xf32, #tpu.memory_space<vmem>>, vector<1x1x16xf32>,
      %get3A_1455 = vector.shape_cast %get3A_1454 : vector<1x1x16xf32> to vector<16xf32>
      %add3A_1456 = arith.addf %get3A_1449, %get3A_1455 : vector<16xf32>
      %broadcast_in_dim3A_1457 = arith.constant 0.000000e+00 : f32
      %broadcast_in_dim3A_1458 = vector.broadcast %broadcast_in_dim3A_1457 : f32 to vector<16xf32>
      %max3A_1459 = arith.maximumf %add3A_1456, %broadcast_in_dim3A_1458 : vector<16xf32>
      %swap3A_1460 = arith.constant 0 : i32
      %swap3A_1461 = arith.index_cast %swap3A_1460 : i32 to index
      %swap3A_1462 = arith.index_cast %scan3A_1330 : i32 to index
      %swap3A_1463 = arith.constant 80 : index
      %swap3A_1464 = tpu.vector_load %arg11[%swap3A_1461, %swap3A_1462, %swap3A_1463] {strides = array<i32>} : memref<2x128x128xf32, #tpu.memory_space<vmem>>, vector<1x1x16xf32>,
      %swap3A_1465 = vector.shape_cast %swap3A_1464 : vector<1x1x16xf32> to vector<16xf32>
      %swap3A_1466 = vector.shape_cast %max3A_1459 : vector<16xf32> to vector<1x1x16xf32>
      tpu.vector_store %arg11[%swap3A_1461, %swap3A_1462, %swap3A_1463], %swap3A_1466 {strides = array<i32>} : memref<2x128x128xf32, #tpu.memory_space<vmem>>, vector<1x1x16xf32>,
      %get3A_1467 = arith.constant 0 : i32
      %get3A_1468 = arith.index_cast %get3A_1467 : i32 to index
      %get3A_1469 = arith.index_cast %scan3A_1330 : i32 to index
      %get3A_1470 = arith.constant 96 : index
      %get3A_1471 = tpu.vector_load %arg9[%get3A_1468, %get3A_1469, %get3A_1470] {strides = array<i32>} : memref<2x128x128xf32, #tpu.memory_space<vmem>>, vector<1x1x16xf32>,
      %get3A_1472 = vector.shape_cast %get3A_1471 : vector<1x1x16xf32> to vector<16xf32>
      %get3A_1473 = arith.constant 0 : i32
      %get3A_1474 = arith.index_cast %get3A_1473 : i32 to index
      %get3A_1475 = arith.index_cast %scan3A_1330 : i32 to index
      %get3A_1476 = arith.constant 96 : index
      %get3A_1477 = tpu.vector_load %arg10[%get3A_1474, %get3A_1475, %get3A_1476] {strides = array<i32>} : memref<2x128x128xf32, #tpu.memory_space<vmem>>, vector<1x1x16xf32>,
      %get3A_1478 = vector.shape_cast %get3A_1477 : vector<1x1x16xf32> to vector<16xf32>
      %add3A_1479 = arith.addf %get3A_1472, %get3A_1478 : vector<16xf32>
      %broadcast_in_dim3A_1480 = arith.constant 0.000000e+00 : f32
      %broadcast_in_dim3A_1481 = vector.broadcast %broadcast_in_dim3A_1480 : f32 to vector<16xf32>
      %max3A_1482 = arith.maximumf %add3A_1479, %broadcast_in_dim3A_1481 : vector<16xf32>
      %swap3A_1483 = arith.constant 0 : i32
      %swap3A_1484 = arith.index_cast %swap3A_1483 : i32 to index
      %swap3A_1485 = arith.index_cast %scan3A_1330 : i32 to index
      %swap3A_1486 = arith.constant 96 : index
      %swap3A_1487 = tpu.vector_load %arg11[%swap3A_1484, %swap3A_1485, %swap3A_1486] {strides = array<i32>} : memref<2x128x128xf32, #tpu.memory_space<vmem>>, vector<1x1x16xf32>,
      %swap3A_1488 = vector.shape_cast %swap3A_1487 : vector<1x1x16xf32> to vector<16xf32>
      %swap3A_1489 = vector.shape_cast %max3A_1482 : vector<16xf32> to vector<1x1x16xf32>
      tpu.vector_store %arg11[%swap3A_1484, %swap3A_1485, %swap3A_1486], %swap3A_1489 {strides = array<i32>} : memref<2x128x128xf32, #tpu.memory_space<vmem>>, vector<1x1x16xf32>,
      %get3A_1490 = arith.constant 0 : i32
      %get3A_1491 = arith.index_cast %get3A_1490 : i32 to index
      %get3A_1492 = arith.index_cast %scan3A_1330 : i32 to index
      %get3A_1493 = arith.constant 112 : index
      %get3A_1494 = tpu.vector_load %arg9[%get3A_1491, %get3A_1492, %get3A_1493] {strides = array<i32>} : memref<2x128x128xf32, #tpu.memory_space<vmem>>, vector<1x1x16xf32>,
      %get3A_1495 = vector.shape_cast %get3A_1494 : vector<1x1x16xf32> to vector<16xf32>
      %get3A_1496 = arith.constant 0 : i32
      %get3A_1497 = arith.index_cast %get3A_1496 : i32 to index
      %get3A_1498 = arith.index_cast %scan3A_1330 : i32 to index
      %get3A_1499 = arith.constant 112 : index
      %get3A_1500 = tpu.vector_load %arg10[%get3A_1497, %get3A_1498, %get3A_1499] {strides = array<i32>} : memref<2x128x128xf32, #tpu.memory_space<vmem>>, vector<1x1x16xf32>,
      %get3A_1501 = vector.shape_cast %get3A_1500 : vector<1x1x16xf32> to vector<16xf32>
      %add3A_1502 = arith.addf %get3A_1495, %get3A_1501 : vector<16xf32>
      %broadcast_in_dim3A_1503 = arith.constant 0.000000e+00 : f32
      %broadcast_in_dim3A_1504 = vector.broadcast %broadcast_in_dim3A_1503 : f32 to vector<16xf32>
      %max3A_1505 = arith.maximumf %add3A_1502, %broadcast_in_dim3A_1504 : vector<16xf32>
      %swap3A_1506 = arith.constant 0 : i32
      %swap3A_1507 = arith.index_cast %swap3A_1506 : i32 to index
      %swap3A_1508 = arith.index_cast %scan3A_1330 : i32 to index
      %swap3A_1509 = arith.constant 112 : index
      %swap3A_1510 = tpu.vector_load %arg11[%swap3A_1507, %swap3A_1508, %swap3A_1509] {strides = array<i32>} : memref<2x128x128xf32, #tpu.memory_space<vmem>>, vector<1x1x16xf32>,
      %swap3A_1511 = vector.shape_cast %swap3A_1510 : vector<1x1x16xf32> to vector<16xf32>
      %swap3A_1512 = vector.shape_cast %max3A_1505 : vector<16xf32> to vector<1x1x16xf32>
      tpu.vector_store %arg11[%swap3A_1507, %swap3A_1508, %swap3A_1509], %swap3A_1512 {strides = array<i32>} : memref<2x128x128xf32, #tpu.memory_space<vmem>>, vector<1x1x16xf32>,
    }
    %scan3A_677 = arith.constant 128 : i32
    %add3A_678 = arith.constant 0 : i32
    %add3A_679 = arith.addi %mul3A_2, %add3A_678 : i32
    %dma_start3A_680 = arith.constant 0 : i32
    %dma_start3A_681 = arith.constant 0 : i32
    %dma_start3A_682 = arith.constant 0 : i32
    %dma_start3A_683 = arith.constant 0 : i32
    %dma_start3A_684 = tpu.memref_slice %arg11[%dma_start3A_680, %dma_start3A_682, %dma_start3A_683] : memref<2x128x128xf32, #tpu.memory_space<vmem>> -> memref<1x128x128xf32, #tpu.memory_space<vmem>>
    %dma_start3A_685 = tpu.memref_squeeze %dma_start3A_684 : memref<1x128x128xf32, #tpu.memory_space<vmem>> -> memref<128x128xf32, #tpu.memory_space<vmem>>
    %dma_start3A_686 = arith.constant 0 : i32
    %dma_start3A_687 = tpu.memref_slice %arg6[%add3A_679, %dma_start3A_686] : memref<32768x128xf32, #tpu.memory_space<hbm>> -> memref<128x128xf32, #tpu.memory_space<hbm>>
    %dma_start3A_688 = tpu.memref_slice %arg15[%dma_start3A_681] : memref<2x!tpu.dma_semaphore, #tpu.memory_space<semaphore_mem>> -> memref<1x!tpu.dma_semaphore, #tpu.memory_space<semaphore_mem>>
    %dma_start3A_689 = tpu.memref_squeeze %dma_start3A_688 : memref<1x!tpu.dma_semaphore, #tpu.memory_space<semaphore_mem>> -> memref<!tpu.dma_semaphore, #tpu.memory_space<semaphore_mem>>
    %dma_start3A_690 = arith.constant 0 : i32
    %dma_start3A_691 = tpu.memref_slice %arg6[%add3A_679, %dma_start3A_690] : memref<32768x128xf32, #tpu.memory_space<hbm>> -> memref<128x128xf32, #tpu.memory_space<hbm>>
    %dma_start3A_692 = arith.constant 0 : i32
    %dma_start3A_693 = arith.constant 0 : i32
    %dma_start3A_694 = tpu.memref_slice %arg11[%dma_start3A_680, %dma_start3A_692, %dma_start3A_693] : memref<2x128x128xf32, #tpu.memory_space<vmem>> -> memref<1x128x128xf32, #tpu.memory_space<vmem>>
    %dma_start3A_695 = tpu.memref_squeeze %dma_start3A_694 : memref<1x128x128xf32, #tpu.memory_space<vmem>> -> memref<128x128xf32, #tpu.memory_space<vmem>>
    tpu.enqueue_dma source(%dma_start3A_695 : memref<128x128xf32, #tpu.memory_space<vmem>>) target(%dma_start3A_691 : memref<128x128xf32, #tpu.memory_space<hbm>>) target_semaphore(%dma_start3A_689 : memref<!tpu.dma_semaphore, #tpu.memory_space<semaphore_mem>>)
    %dma_start3A_696 = arith.constant 0 : i32
    %dma_start3A_697 = arith.constant 0 : i32
    %dma_start3A_698 = arith.constant 0 : i32
    %dma_start3A_699 = arith.constant 0 : i32
    %dma_start3A_700 = tpu.memref_slice %arg9[%dma_start3A_696, %dma_start3A_698, %dma_start3A_699] : memref<2x128x128xf32, #tpu.memory_space<vmem>> -> memref<1x128x128xf32, #tpu.memory_space<vmem>>
    %dma_start3A_701 = tpu.memref_squeeze %dma_start3A_700 : memref<1x128x128xf32, #tpu.memory_space<vmem>> -> memref<128x128xf32, #tpu.memory_space<vmem>>
    %dma_start3A_702 = arith.constant 256 : i32
    %dma_start3A_703 = tpu.memref_slice %arg7[%dma_start3A_702] : memref<1024xi32, #tpu.memory_space<vmem>> -> memref<128xi32, #tpu.memory_space<vmem>>
    %dma_start3A_704 = arith.constant 0 : i32
    %dma_start3A_705 = arith.constant 0 : i32
    %dma_start3A_706 = tpu.memref_slice %arg4[%dma_start3A_704, %dma_start3A_705] : memref<32768x128xf32, #tpu.memory_space<hbm>> -> memref<32768x128xf32, #tpu.memory_space<hbm>>
    %dma_start3A_707 = tpu.memref_slice %arg13[%dma_start3A_697] : memref<2x!tpu.dma_semaphore, #tpu.memory_space<semaphore_mem>> -> memref<1x!tpu.dma_semaphore, #tpu.memory_space<semaphore_mem>>
    %dma_start3A_708 = tpu.memref_squeeze %dma_start3A_707 : memref<1x!tpu.dma_semaphore, #tpu.memory_space<semaphore_mem>> -> memref<!tpu.dma_semaphore, #tpu.memory_space<semaphore_mem>>
    tpu.enqueue_indirect_dma source(%dma_start3A_706 : memref<32768x128xf32, #tpu.memory_space<hbm>>) target(%dma_start3A_701 : memref<128x128xf32, #tpu.memory_space<vmem>>) offsets(%dma_start3A_703 : memref<128xi32, #tpu.memory_space<vmem>>) semaphore(%dma_start3A_708 : memref<!tpu.dma_semaphore, #tpu.memory_space<semaphore_mem>>)
    %dma_start3A_709 = arith.constant 0 : i32
    %dma_start3A_710 = arith.constant 0 : i32
    %dma_start3A_711 = arith.constant 0 : i32
    %dma_start3A_712 = arith.constant 0 : i32
    %dma_start3A_713 = tpu.memref_slice %arg10[%dma_start3A_709, %dma_start3A_711, %dma_start3A_712] : memref<2x128x128xf32, #tpu.memory_space<vmem>> -> memref<1x128x128xf32, #tpu.memory_space<vmem>>
    %dma_start3A_714 = tpu.memref_squeeze %dma_start3A_713 : memref<1x128x128xf32, #tpu.memory_space<vmem>> -> memref<128x128xf32, #tpu.memory_space<vmem>>
    %dma_start3A_715 = arith.constant 256 : i32
    %dma_start3A_716 = tpu.memref_slice %arg8[%dma_start3A_715] : memref<1024xi32, #tpu.memory_space<vmem>> -> memref<128xi32, #tpu.memory_space<vmem>>
    %dma_start3A_717 = arith.constant 0 : i32
    %dma_start3A_718 = arith.constant 0 : i32
    %dma_start3A_719 = tpu.memref_slice %arg12[%dma_start3A_717, %dma_start3A_718] : memref<1000x128xf32, #tpu.memory_space<vmem_shared>> -> memref<1000x128xf32, #tpu.memory_space<vmem_shared>>
    %dma_start3A_720 = tpu.memref_slice %arg14[%dma_start3A_710] : memref<2x!tpu.dma_semaphore, #tpu.memory_space<semaphore_mem>> -> memref<1x!tpu.dma_semaphore, #tpu.memory_space<semaphore_mem>>
    %dma_start3A_721 = tpu.memref_squeeze %dma_start3A_720 : memref<1x!tpu.dma_semaphore, #tpu.memory_space<semaphore_mem>> -> memref<!tpu.dma_semaphore, #tpu.memory_space<semaphore_mem>>
    tpu.enqueue_indirect_dma source(%dma_start3A_719 : memref<1000x128xf32, #tpu.memory_space<vmem_shared>>) target(%dma_start3A_714 : memref<128x128xf32, #tpu.memory_space<vmem>>) offsets(%dma_start3A_716 : memref<128xi32, #tpu.memory_space<vmem>>) semaphore(%dma_start3A_721 : memref<!tpu.dma_semaphore, #tpu.memory_space<semaphore_mem>>)
    %dma_wait3A_722 = arith.constant 1 : i32
    %dma_wait3A_723 = arith.constant 1 : i32
    %dma_wait3A_724 = arith.constant 0 : i32
    %dma_wait3A_725 = arith.constant 0 : i32
    %dma_wait3A_726 = tpu.memref_slice %arg9[%dma_wait3A_722, %dma_wait3A_724, %dma_wait3A_725] : memref<2x128x128xf32, #tpu.memory_space<vmem>> -> memref<1x128x128xf32, #tpu.memory_space<vmem>>
    %dma_wait3A_727 = tpu.memref_squeeze %dma_wait3A_726 : memref<1x128x128xf32, #tpu.memory_space<vmem>> -> memref<128x128xf32, #tpu.memory_space<vmem>>
    %dma_wait3A_728 = arith.constant 128 : i32
    %dma_wait3A_729 = tpu.memref_slice %arg7[%dma_wait3A_728] : memref<1024xi32, #tpu.memory_space<vmem>> -> memref<128xi32, #tpu.memory_space<vmem>>
    %dma_wait3A_730 = arith.constant 0 : i32
    %dma_wait3A_731 = arith.constant 0 : i32
    %dma_wait3A_732 = tpu.memref_slice %arg4[%dma_wait3A_730, %dma_wait3A_731] : memref<32768x128xf32, #tpu.memory_space<hbm>> -> memref<32768x128xf32, #tpu.memory_space<hbm>>
    %dma_wait3A_733 = tpu.memref_slice %arg13[%dma_wait3A_723] : memref<2x!tpu.dma_semaphore, #tpu.memory_space<semaphore_mem>> -> memref<1x!tpu.dma_semaphore, #tpu.memory_space<semaphore_mem>>
    %dma_wait3A_734 = tpu.memref_squeeze %dma_wait3A_733 : memref<1x!tpu.dma_semaphore, #tpu.memory_space<semaphore_mem>> -> memref<!tpu.dma_semaphore, #tpu.memory_space<semaphore_mem>>
    tpu.wait_indirect_dma semaphore(%dma_wait3A_734 : memref<!tpu.dma_semaphore, #tpu.memory_space<semaphore_mem>>) src(%dma_wait3A_732 : memref<32768x128xf32, #tpu.memory_space<hbm>>) dst(%dma_wait3A_727 : memref<128x128xf32, #tpu.memory_space<vmem>>)
    %dma_wait3A_735 = arith.constant 1 : i32
    %dma_wait3A_736 = arith.constant 1 : i32
    %dma_wait3A_737 = arith.constant 0 : i32
    %dma_wait3A_738 = arith.constant 0 : i32
    %dma_wait3A_739 = tpu.memref_slice %arg10[%dma_wait3A_735, %dma_wait3A_737, %dma_wait3A_738] : memref<2x128x128xf32, #tpu.memory_space<vmem>> -> memref<1x128x128xf32, #tpu.memory_space<vmem>>
    %dma_wait3A_740 = tpu.memref_squeeze %dma_wait3A_739 : memref<1x128x128xf32, #tpu.memory_space<vmem>> -> memref<128x128xf32, #tpu.memory_space<vmem>>
    %dma_wait3A_741 = arith.constant 128 : i32
    %dma_wait3A_742 = tpu.memref_slice %arg8[%dma_wait3A_741] : memref<1024xi32, #tpu.memory_space<vmem>> -> memref<128xi32, #tpu.memory_space<vmem>>
    %dma_wait3A_743 = arith.constant 0 : i32
    %dma_wait3A_744 = arith.constant 0 : i32
    %dma_wait3A_745 = tpu.memref_slice %arg12[%dma_wait3A_743, %dma_wait3A_744] : memref<1000x128xf32, #tpu.memory_space<vmem_shared>> -> memref<1000x128xf32, #tpu.memory_space<vmem_shared>>
    %dma_wait3A_746 = tpu.memref_slice %arg14[%dma_wait3A_736] : memref<2x!tpu.dma_semaphore, #tpu.memory_space<semaphore_mem>> -> memref<1x!tpu.dma_semaphore, #tpu.memory_space<semaphore_mem>>
    %dma_wait3A_747 = tpu.memref_squeeze %dma_wait3A_746 : memref<1x!tpu.dma_semaphore, #tpu.memory_space<semaphore_mem>> -> memref<!tpu.dma_semaphore, #tpu.memory_space<semaphore_mem>>
    tpu.wait_indirect_dma semaphore(%dma_wait3A_747 : memref<!tpu.dma_semaphore, #tpu.memory_space<semaphore_mem>>) src(%dma_wait3A_745 : memref<1000x128xf32, #tpu.memory_space<vmem_shared>>) dst(%dma_wait3A_740 : memref<128x128xf32, #tpu.memory_space<vmem>>)
    %scan3A_748 = arith.constant 0 : i32
    %scan3A_749 = arith.constant 0 : i32
    %scan3A_750 = arith.constant 128 : i32
    %scan3A_751 = arith.addi %scan3A_749, %scan3A_750 : i32
    %scan3A_752 = arith.constant 1 : i32
    scf.for %scan3A_1330 = %scan3A_749 to %scan3A_751 step %scan3A_752  : i32 {
      %get3A_1331 = arith.constant 1 : i32
      %get3A_1332 = arith.index_cast %get3A_1331 : i32 to index
      %get3A_1333 = arith.index_cast %scan3A_1330 : i32 to index
      %get3A_1334 = arith.constant 0 : index
      %get3A_1335 = tpu.vector_load %arg9[%get3A_1332, %get3A_1333, %get3A_1334] {strides = array<i32>} : memref<2x128x128xf32, #tpu.memory_space<vmem>>, vector<1x1x16xf32>,
      %get3A_1336 = vector.shape_cast %get3A_1335 : vector<1x1x16xf32> to vector<16xf32>
      %get3A_1337 = arith.constant 1 : i32
      %get3A_1338 = arith.index_cast %get3A_1337 : i32 to index
      %get3A_1339 = arith.index_cast %scan3A_1330 : i32 to index
      %get3A_1340 = arith.constant 0 : index
      %get3A_1341 = tpu.vector_load %arg10[%get3A_1338, %get3A_1339, %get3A_1340] {strides = array<i32>} : memref<2x128x128xf32, #tpu.memory_space<vmem>>, vector<1x1x16xf32>,
      %get3A_1342 = vector.shape_cast %get3A_1341 : vector<1x1x16xf32> to vector<16xf32>
      %add3A_1343 = arith.addf %get3A_1336, %get3A_1342 : vector<16xf32>
      %broadcast_in_dim3A = arith.constant 0.000000e+00 : f32
      %broadcast_in_dim3A_1344 = vector.broadcast %broadcast_in_dim3A : f32 to vector<16xf32>
      %max3A = arith.maximumf %add3A_1343, %broadcast_in_dim3A_1344 : vector<16xf32>
      %swap3A_1345 = arith.constant 1 : i32
      %swap3A_1346 = arith.index_cast %swap3A_1345 : i32 to index
      %swap3A_1347 = arith.index_cast %scan3A_1330 : i32 to index
      %swap3A_1348 = arith.constant 0 : index
      %swap3A_1349 = tpu.vector_load %arg11[%swap3A_1346, %swap3A_1347, %swap3A_1348] {strides = array<i32>} : memref<2x128x128xf32, #tpu.memory_space<vmem>>, vector<1x1x16xf32>,
      %swap3A_1350 = vector.shape_cast %swap3A_1349 : vector<1x1x16xf32> to vector<16xf32>
      %swap3A_1351 = vector.shape_cast %max3A : vector<16xf32> to vector<1x1x16xf32>
      tpu.vector_store %arg11[%swap3A_1346, %swap3A_1347, %swap3A_1348], %swap3A_1351 {strides = array<i32>} : memref<2x128x128xf32, #tpu.memory_space<vmem>>, vector<1x1x16xf32>,
      %get3A_1352 = arith.constant 1 : i32
      %get3A_1353 = arith.index_cast %get3A_1352 : i32 to index
      %get3A_1354 = arith.index_cast %scan3A_1330 : i32 to index
      %get3A_1355 = arith.constant 16 : index
      %get3A_1356 = tpu.vector_load %arg9[%get3A_1353, %get3A_1354, %get3A_1355] {strides = array<i32>} : memref<2x128x128xf32, #tpu.memory_space<vmem>>, vector<1x1x16xf32>,
      %get3A_1357 = vector.shape_cast %get3A_1356 : vector<1x1x16xf32> to vector<16xf32>
      %get3A_1358 = arith.constant 1 : i32
      %get3A_1359 = arith.index_cast %get3A_1358 : i32 to index
      %get3A_1360 = arith.index_cast %scan3A_1330 : i32 to index
      %get3A_1361 = arith.constant 16 : index
      %get3A_1362 = tpu.vector_load %arg10[%get3A_1359, %get3A_1360, %get3A_1361] {strides = array<i32>} : memref<2x128x128xf32, #tpu.memory_space<vmem>>, vector<1x1x16xf32>,
      %get3A_1363 = vector.shape_cast %get3A_1362 : vector<1x1x16xf32> to vector<16xf32>
      %add3A_1364 = arith.addf %get3A_1357, %get3A_1363 : vector<16xf32>
      %broadcast_in_dim3A_1365 = arith.constant 0.000000e+00 : f32
      %broadcast_in_dim3A_1366 = vector.broadcast %broadcast_in_dim3A_1365 : f32 to vector<16xf32>
      %max3A_1367 = arith.maximumf %add3A_1364, %broadcast_in_dim3A_1366 : vector<16xf32>
      %swap3A_1368 = arith.constant 1 : i32
      %swap3A_1369 = arith.index_cast %swap3A_1368 : i32 to index
      %swap3A_1370 = arith.index_cast %scan3A_1330 : i32 to index
      %swap3A_1371 = arith.constant 16 : index
      %swap3A_1372 = tpu.vector_load %arg11[%swap3A_1369, %swap3A_1370, %swap3A_1371] {strides = array<i32>} : memref<2x128x128xf32, #tpu.memory_space<vmem>>, vector<1x1x16xf32>,
      %swap3A_1373 = vector.shape_cast %swap3A_1372 : vector<1x1x16xf32> to vector<16xf32>
      %swap3A_1374 = vector.shape_cast %max3A_1367 : vector<16xf32> to vector<1x1x16xf32>
      tpu.vector_store %arg11[%swap3A_1369, %swap3A_1370, %swap3A_1371], %swap3A_1374 {strides = array<i32>} : memref<2x128x128xf32, #tpu.memory_space<vmem>>, vector<1x1x16xf32>,
      %get3A_1375 = arith.constant 1 : i32
      %get3A_1376 = arith.index_cast %get3A_1375 : i32 to index
      %get3A_1377 = arith.index_cast %scan3A_1330 : i32 to index
      %get3A_1378 = arith.constant 32 : index
      %get3A_1379 = tpu.vector_load %arg9[%get3A_1376, %get3A_1377, %get3A_1378] {strides = array<i32>} : memref<2x128x128xf32, #tpu.memory_space<vmem>>, vector<1x1x16xf32>,
      %get3A_1380 = vector.shape_cast %get3A_1379 : vector<1x1x16xf32> to vector<16xf32>
      %get3A_1381 = arith.constant 1 : i32
      %get3A_1382 = arith.index_cast %get3A_1381 : i32 to index
      %get3A_1383 = arith.index_cast %scan3A_1330 : i32 to index
      %get3A_1384 = arith.constant 32 : index
      %get3A_1385 = tpu.vector_load %arg10[%get3A_1382, %get3A_1383, %get3A_1384] {strides = array<i32>} : memref<2x128x128xf32, #tpu.memory_space<vmem>>, vector<1x1x16xf32>,
      %get3A_1386 = vector.shape_cast %get3A_1385 : vector<1x1x16xf32> to vector<16xf32>
      %add3A_1387 = arith.addf %get3A_1380, %get3A_1386 : vector<16xf32>
      %broadcast_in_dim3A_1388 = arith.constant 0.000000e+00 : f32
      %broadcast_in_dim3A_1389 = vector.broadcast %broadcast_in_dim3A_1388 : f32 to vector<16xf32>
      %max3A_1390 = arith.maximumf %add3A_1387, %broadcast_in_dim3A_1389 : vector<16xf32>
      %swap3A_1391 = arith.constant 1 : i32
      %swap3A_1392 = arith.index_cast %swap3A_1391 : i32 to index
      %swap3A_1393 = arith.index_cast %scan3A_1330 : i32 to index
      %swap3A_1394 = arith.constant 32 : index
      %swap3A_1395 = tpu.vector_load %arg11[%swap3A_1392, %swap3A_1393, %swap3A_1394] {strides = array<i32>} : memref<2x128x128xf32, #tpu.memory_space<vmem>>, vector<1x1x16xf32>,
      %swap3A_1396 = vector.shape_cast %swap3A_1395 : vector<1x1x16xf32> to vector<16xf32>
      %swap3A_1397 = vector.shape_cast %max3A_1390 : vector<16xf32> to vector<1x1x16xf32>
      tpu.vector_store %arg11[%swap3A_1392, %swap3A_1393, %swap3A_1394], %swap3A_1397 {strides = array<i32>} : memref<2x128x128xf32, #tpu.memory_space<vmem>>, vector<1x1x16xf32>,
      %get3A_1398 = arith.constant 1 : i32
      %get3A_1399 = arith.index_cast %get3A_1398 : i32 to index
      %get3A_1400 = arith.index_cast %scan3A_1330 : i32 to index
      %get3A_1401 = arith.constant 48 : index
      %get3A_1402 = tpu.vector_load %arg9[%get3A_1399, %get3A_1400, %get3A_1401] {strides = array<i32>} : memref<2x128x128xf32, #tpu.memory_space<vmem>>, vector<1x1x16xf32>,
      %get3A_1403 = vector.shape_cast %get3A_1402 : vector<1x1x16xf32> to vector<16xf32>
      %get3A_1404 = arith.constant 1 : i32
      %get3A_1405 = arith.index_cast %get3A_1404 : i32 to index
      %get3A_1406 = arith.index_cast %scan3A_1330 : i32 to index
      %get3A_1407 = arith.constant 48 : index
      %get3A_1408 = tpu.vector_load %arg10[%get3A_1405, %get3A_1406, %get3A_1407] {strides = array<i32>} : memref<2x128x128xf32, #tpu.memory_space<vmem>>, vector<1x1x16xf32>,
      %get3A_1409 = vector.shape_cast %get3A_1408 : vector<1x1x16xf32> to vector<16xf32>
      %add3A_1410 = arith.addf %get3A_1403, %get3A_1409 : vector<16xf32>
      %broadcast_in_dim3A_1411 = arith.constant 0.000000e+00 : f32
      %broadcast_in_dim3A_1412 = vector.broadcast %broadcast_in_dim3A_1411 : f32 to vector<16xf32>
      %max3A_1413 = arith.maximumf %add3A_1410, %broadcast_in_dim3A_1412 : vector<16xf32>
      %swap3A_1414 = arith.constant 1 : i32
      %swap3A_1415 = arith.index_cast %swap3A_1414 : i32 to index
      %swap3A_1416 = arith.index_cast %scan3A_1330 : i32 to index
      %swap3A_1417 = arith.constant 48 : index
      %swap3A_1418 = tpu.vector_load %arg11[%swap3A_1415, %swap3A_1416, %swap3A_1417] {strides = array<i32>} : memref<2x128x128xf32, #tpu.memory_space<vmem>>, vector<1x1x16xf32>,
      %swap3A_1419 = vector.shape_cast %swap3A_1418 : vector<1x1x16xf32> to vector<16xf32>
      %swap3A_1420 = vector.shape_cast %max3A_1413 : vector<16xf32> to vector<1x1x16xf32>
      tpu.vector_store %arg11[%swap3A_1415, %swap3A_1416, %swap3A_1417], %swap3A_1420 {strides = array<i32>} : memref<2x128x128xf32, #tpu.memory_space<vmem>>, vector<1x1x16xf32>,
      %get3A_1421 = arith.constant 1 : i32
      %get3A_1422 = arith.index_cast %get3A_1421 : i32 to index
      %get3A_1423 = arith.index_cast %scan3A_1330 : i32 to index
      %get3A_1424 = arith.constant 64 : index
      %get3A_1425 = tpu.vector_load %arg9[%get3A_1422, %get3A_1423, %get3A_1424] {strides = array<i32>} : memref<2x128x128xf32, #tpu.memory_space<vmem>>, vector<1x1x16xf32>,
      %get3A_1426 = vector.shape_cast %get3A_1425 : vector<1x1x16xf32> to vector<16xf32>
      %get3A_1427 = arith.constant 1 : i32
      %get3A_1428 = arith.index_cast %get3A_1427 : i32 to index
      %get3A_1429 = arith.index_cast %scan3A_1330 : i32 to index
      %get3A_1430 = arith.constant 64 : index
      %get3A_1431 = tpu.vector_load %arg10[%get3A_1428, %get3A_1429, %get3A_1430] {strides = array<i32>} : memref<2x128x128xf32, #tpu.memory_space<vmem>>, vector<1x1x16xf32>,
      %get3A_1432 = vector.shape_cast %get3A_1431 : vector<1x1x16xf32> to vector<16xf32>
      %add3A_1433 = arith.addf %get3A_1426, %get3A_1432 : vector<16xf32>
      %broadcast_in_dim3A_1434 = arith.constant 0.000000e+00 : f32
      %broadcast_in_dim3A_1435 = vector.broadcast %broadcast_in_dim3A_1434 : f32 to vector<16xf32>
      %max3A_1436 = arith.maximumf %add3A_1433, %broadcast_in_dim3A_1435 : vector<16xf32>
      %swap3A_1437 = arith.constant 1 : i32
      %swap3A_1438 = arith.index_cast %swap3A_1437 : i32 to index
      %swap3A_1439 = arith.index_cast %scan3A_1330 : i32 to index
      %swap3A_1440 = arith.constant 64 : index
      %swap3A_1441 = tpu.vector_load %arg11[%swap3A_1438, %swap3A_1439, %swap3A_1440] {strides = array<i32>} : memref<2x128x128xf32, #tpu.memory_space<vmem>>, vector<1x1x16xf32>,
      %swap3A_1442 = vector.shape_cast %swap3A_1441 : vector<1x1x16xf32> to vector<16xf32>
      %swap3A_1443 = vector.shape_cast %max3A_1436 : vector<16xf32> to vector<1x1x16xf32>
      tpu.vector_store %arg11[%swap3A_1438, %swap3A_1439, %swap3A_1440], %swap3A_1443 {strides = array<i32>} : memref<2x128x128xf32, #tpu.memory_space<vmem>>, vector<1x1x16xf32>,
      %get3A_1444 = arith.constant 1 : i32
      %get3A_1445 = arith.index_cast %get3A_1444 : i32 to index
      %get3A_1446 = arith.index_cast %scan3A_1330 : i32 to index
      %get3A_1447 = arith.constant 80 : index
      %get3A_1448 = tpu.vector_load %arg9[%get3A_1445, %get3A_1446, %get3A_1447] {strides = array<i32>} : memref<2x128x128xf32, #tpu.memory_space<vmem>>, vector<1x1x16xf32>,
      %get3A_1449 = vector.shape_cast %get3A_1448 : vector<1x1x16xf32> to vector<16xf32>
      %get3A_1450 = arith.constant 1 : i32
      %get3A_1451 = arith.index_cast %get3A_1450 : i32 to index
      %get3A_1452 = arith.index_cast %scan3A_1330 : i32 to index
      %get3A_1453 = arith.constant 80 : index
      %get3A_1454 = tpu.vector_load %arg10[%get3A_1451, %get3A_1452, %get3A_1453] {strides = array<i32>} : memref<2x128x128xf32, #tpu.memory_space<vmem>>, vector<1x1x16xf32>,
      %get3A_1455 = vector.shape_cast %get3A_1454 : vector<1x1x16xf32> to vector<16xf32>
      %add3A_1456 = arith.addf %get3A_1449, %get3A_1455 : vector<16xf32>
      %broadcast_in_dim3A_1457 = arith.constant 0.000000e+00 : f32
      %broadcast_in_dim3A_1458 = vector.broadcast %broadcast_in_dim3A_1457 : f32 to vector<16xf32>
      %max3A_1459 = arith.maximumf %add3A_1456, %broadcast_in_dim3A_1458 : vector<16xf32>
      %swap3A_1460 = arith.constant 1 : i32
      %swap3A_1461 = arith.index_cast %swap3A_1460 : i32 to index
      %swap3A_1462 = arith.index_cast %scan3A_1330 : i32 to index
      %swap3A_1463 = arith.constant 80 : index
      %swap3A_1464 = tpu.vector_load %arg11[%swap3A_1461, %swap3A_1462, %swap3A_1463] {strides = array<i32>} : memref<2x128x128xf32, #tpu.memory_space<vmem>>, vector<1x1x16xf32>,
      %swap3A_1465 = vector.shape_cast %swap3A_1464 : vector<1x1x16xf32> to vector<16xf32>
      %swap3A_1466 = vector.shape_cast %max3A_1459 : vector<16xf32> to vector<1x1x16xf32>
      tpu.vector_store %arg11[%swap3A_1461, %swap3A_1462, %swap3A_1463], %swap3A_1466 {strides = array<i32>} : memref<2x128x128xf32, #tpu.memory_space<vmem>>, vector<1x1x16xf32>,
      %get3A_1467 = arith.constant 1 : i32
      %get3A_1468 = arith.index_cast %get3A_1467 : i32 to index
      %get3A_1469 = arith.index_cast %scan3A_1330 : i32 to index
      %get3A_1470 = arith.constant 96 : index
      %get3A_1471 = tpu.vector_load %arg9[%get3A_1468, %get3A_1469, %get3A_1470] {strides = array<i32>} : memref<2x128x128xf32, #tpu.memory_space<vmem>>, vector<1x1x16xf32>,
      %get3A_1472 = vector.shape_cast %get3A_1471 : vector<1x1x16xf32> to vector<16xf32>
      %get3A_1473 = arith.constant 1 : i32
      %get3A_1474 = arith.index_cast %get3A_1473 : i32 to index
      %get3A_1475 = arith.index_cast %scan3A_1330 : i32 to index
      %get3A_1476 = arith.constant 96 : index
      %get3A_1477 = tpu.vector_load %arg10[%get3A_1474, %get3A_1475, %get3A_1476] {strides = array<i32>} : memref<2x128x128xf32, #tpu.memory_space<vmem>>, vector<1x1x16xf32>,
      %get3A_1478 = vector.shape_cast %get3A_1477 : vector<1x1x16xf32> to vector<16xf32>
      %add3A_1479 = arith.addf %get3A_1472, %get3A_1478 : vector<16xf32>
      %broadcast_in_dim3A_1480 = arith.constant 0.000000e+00 : f32
      %broadcast_in_dim3A_1481 = vector.broadcast %broadcast_in_dim3A_1480 : f32 to vector<16xf32>
      %max3A_1482 = arith.maximumf %add3A_1479, %broadcast_in_dim3A_1481 : vector<16xf32>
      %swap3A_1483 = arith.constant 1 : i32
      %swap3A_1484 = arith.index_cast %swap3A_1483 : i32 to index
      %swap3A_1485 = arith.index_cast %scan3A_1330 : i32 to index
      %swap3A_1486 = arith.constant 96 : index
      %swap3A_1487 = tpu.vector_load %arg11[%swap3A_1484, %swap3A_1485, %swap3A_1486] {strides = array<i32>} : memref<2x128x128xf32, #tpu.memory_space<vmem>>, vector<1x1x16xf32>,
      %swap3A_1488 = vector.shape_cast %swap3A_1487 : vector<1x1x16xf32> to vector<16xf32>
      %swap3A_1489 = vector.shape_cast %max3A_1482 : vector<16xf32> to vector<1x1x16xf32>
      tpu.vector_store %arg11[%swap3A_1484, %swap3A_1485, %swap3A_1486], %swap3A_1489 {strides = array<i32>} : memref<2x128x128xf32, #tpu.memory_space<vmem>>, vector<1x1x16xf32>,
      %get3A_1490 = arith.constant 1 : i32
      %get3A_1491 = arith.index_cast %get3A_1490 : i32 to index
      %get3A_1492 = arith.index_cast %scan3A_1330 : i32 to index
      %get3A_1493 = arith.constant 112 : index
      %get3A_1494 = tpu.vector_load %arg9[%get3A_1491, %get3A_1492, %get3A_1493] {strides = array<i32>} : memref<2x128x128xf32, #tpu.memory_space<vmem>>, vector<1x1x16xf32>,
      %get3A_1495 = vector.shape_cast %get3A_1494 : vector<1x1x16xf32> to vector<16xf32>
      %get3A_1496 = arith.constant 1 : i32
      %get3A_1497 = arith.index_cast %get3A_1496 : i32 to index
      %get3A_1498 = arith.index_cast %scan3A_1330 : i32 to index
      %get3A_1499 = arith.constant 112 : index
      %get3A_1500 = tpu.vector_load %arg10[%get3A_1497, %get3A_1498, %get3A_1499] {strides = array<i32>} : memref<2x128x128xf32, #tpu.memory_space<vmem>>, vector<1x1x16xf32>,
      %get3A_1501 = vector.shape_cast %get3A_1500 : vector<1x1x16xf32> to vector<16xf32>
      %add3A_1502 = arith.addf %get3A_1495, %get3A_1501 : vector<16xf32>
      %broadcast_in_dim3A_1503 = arith.constant 0.000000e+00 : f32
      %broadcast_in_dim3A_1504 = vector.broadcast %broadcast_in_dim3A_1503 : f32 to vector<16xf32>
      %max3A_1505 = arith.maximumf %add3A_1502, %broadcast_in_dim3A_1504 : vector<16xf32>
      %swap3A_1506 = arith.constant 1 : i32
      %swap3A_1507 = arith.index_cast %swap3A_1506 : i32 to index
      %swap3A_1508 = arith.index_cast %scan3A_1330 : i32 to index
      %swap3A_1509 = arith.constant 112 : index
      %swap3A_1510 = tpu.vector_load %arg11[%swap3A_1507, %swap3A_1508, %swap3A_1509] {strides = array<i32>} : memref<2x128x128xf32, #tpu.memory_space<vmem>>, vector<1x1x16xf32>,
      %swap3A_1511 = vector.shape_cast %swap3A_1510 : vector<1x1x16xf32> to vector<16xf32>
      %swap3A_1512 = vector.shape_cast %max3A_1505 : vector<16xf32> to vector<1x1x16xf32>
      tpu.vector_store %arg11[%swap3A_1507, %swap3A_1508, %swap3A_1509], %swap3A_1512 {strides = array<i32>} : memref<2x128x128xf32, #tpu.memory_space<vmem>>, vector<1x1x16xf32>,
    }
    %scan3A_753 = arith.constant 128 : i32
    %add3A_754 = arith.constant 128 : i32
    %add3A_755 = arith.addi %mul3A_2, %add3A_754 : i32
    %dma_start3A_756 = arith.constant 1 : i32
    %dma_start3A_757 = arith.constant 1 : i32
    %dma_start3A_758 = arith.constant 0 : i32
    %dma_start3A_759 = arith.constant 0 : i32
    %dma_start3A_760 = tpu.memref_slice %arg11[%dma_start3A_756, %dma_start3A_758, %dma_start3A_759] : memref<2x128x128xf32, #tpu.memory_space<vmem>> -> memref<1x128x128xf32, #tpu.memory_space<vmem>>
    %dma_start3A_761 = tpu.memref_squeeze %dma_start3A_760 : memref<1x128x128xf32, #tpu.memory_space<vmem>> -> memref<128x128xf32, #tpu.memory_space<vmem>>
    %dma_start3A_762 = arith.constant 0 : i32
    %dma_start3A_763 = tpu.memref_slice %arg6[%add3A_755, %dma_start3A_762] : memref<32768x128xf32, #tpu.memory_space<hbm>> -> memref<128x128xf32, #tpu.memory_space<hbm>>
    %dma_start3A_764 = tpu.memref_slice %arg15[%dma_start3A_757] : memref<2x!tpu.dma_semaphore, #tpu.memory_space<semaphore_mem>> -> memref<1x!tpu.dma_semaphore, #tpu.memory_space<semaphore_mem>>
    %dma_start3A_765 = tpu.memref_squeeze %dma_start3A_764 : memref<1x!tpu.dma_semaphore, #tpu.memory_space<semaphore_mem>> -> memref<!tpu.dma_semaphore, #tpu.memory_space<semaphore_mem>>
    %dma_start3A_766 = arith.constant 0 : i32
    %dma_start3A_767 = tpu.memref_slice %arg6[%add3A_755, %dma_start3A_766] : memref<32768x128xf32, #tpu.memory_space<hbm>> -> memref<128x128xf32, #tpu.memory_space<hbm>>
    %dma_start3A_768 = arith.constant 0 : i32
    %dma_start3A_769 = arith.constant 0 : i32
    %dma_start3A_770 = tpu.memref_slice %arg11[%dma_start3A_756, %dma_start3A_768, %dma_start3A_769] : memref<2x128x128xf32, #tpu.memory_space<vmem>> -> memref<1x128x128xf32, #tpu.memory_space<vmem>>
    %dma_start3A_771 = tpu.memref_squeeze %dma_start3A_770 : memref<1x128x128xf32, #tpu.memory_space<vmem>> -> memref<128x128xf32, #tpu.memory_space<vmem>>
    tpu.enqueue_dma source(%dma_start3A_771 : memref<128x128xf32, #tpu.memory_space<vmem>>) target(%dma_start3A_767 : memref<128x128xf32, #tpu.memory_space<hbm>>) target_semaphore(%dma_start3A_765 : memref<!tpu.dma_semaphore, #tpu.memory_space<semaphore_mem>>)
    %dma_start3A_772 = arith.constant 1 : i32
    %dma_start3A_773 = arith.constant 1 : i32
    %dma_start3A_774 = arith.constant 0 : i32
    %dma_start3A_775 = arith.constant 0 : i32
    %dma_start3A_776 = tpu.memref_slice %arg9[%dma_start3A_772, %dma_start3A_774, %dma_start3A_775] : memref<2x128x128xf32, #tpu.memory_space<vmem>> -> memref<1x128x128xf32, #tpu.memory_space<vmem>>
    %dma_start3A_777 = tpu.memref_squeeze %dma_start3A_776 : memref<1x128x128xf32, #tpu.memory_space<vmem>> -> memref<128x128xf32, #tpu.memory_space<vmem>>
    %dma_start3A_778 = arith.constant 384 : i32
    %dma_start3A_779 = tpu.memref_slice %arg7[%dma_start3A_778] : memref<1024xi32, #tpu.memory_space<vmem>> -> memref<128xi32, #tpu.memory_space<vmem>>
    %dma_start3A_780 = arith.constant 0 : i32
    %dma_start3A_781 = arith.constant 0 : i32
    %dma_start3A_782 = tpu.memref_slice %arg4[%dma_start3A_780, %dma_start3A_781] : memref<32768x128xf32, #tpu.memory_space<hbm>> -> memref<32768x128xf32, #tpu.memory_space<hbm>>
    %dma_start3A_783 = tpu.memref_slice %arg13[%dma_start3A_773] : memref<2x!tpu.dma_semaphore, #tpu.memory_space<semaphore_mem>> -> memref<1x!tpu.dma_semaphore, #tpu.memory_space<semaphore_mem>>
    %dma_start3A_784 = tpu.memref_squeeze %dma_start3A_783 : memref<1x!tpu.dma_semaphore, #tpu.memory_space<semaphore_mem>> -> memref<!tpu.dma_semaphore, #tpu.memory_space<semaphore_mem>>
    tpu.enqueue_indirect_dma source(%dma_start3A_782 : memref<32768x128xf32, #tpu.memory_space<hbm>>) target(%dma_start3A_777 : memref<128x128xf32, #tpu.memory_space<vmem>>) offsets(%dma_start3A_779 : memref<128xi32, #tpu.memory_space<vmem>>) semaphore(%dma_start3A_784 : memref<!tpu.dma_semaphore, #tpu.memory_space<semaphore_mem>>)
    %dma_start3A_785 = arith.constant 1 : i32
    %dma_start3A_786 = arith.constant 1 : i32
    %dma_start3A_787 = arith.constant 0 : i32
    %dma_start3A_788 = arith.constant 0 : i32
    %dma_start3A_789 = tpu.memref_slice %arg10[%dma_start3A_785, %dma_start3A_787, %dma_start3A_788] : memref<2x128x128xf32, #tpu.memory_space<vmem>> -> memref<1x128x128xf32, #tpu.memory_space<vmem>>
    %dma_start3A_790 = tpu.memref_squeeze %dma_start3A_789 : memref<1x128x128xf32, #tpu.memory_space<vmem>> -> memref<128x128xf32, #tpu.memory_space<vmem>>
    %dma_start3A_791 = arith.constant 384 : i32
    %dma_start3A_792 = tpu.memref_slice %arg8[%dma_start3A_791] : memref<1024xi32, #tpu.memory_space<vmem>> -> memref<128xi32, #tpu.memory_space<vmem>>
    %dma_start3A_793 = arith.constant 0 : i32
    %dma_start3A_794 = arith.constant 0 : i32
    %dma_start3A_795 = tpu.memref_slice %arg12[%dma_start3A_793, %dma_start3A_794] : memref<1000x128xf32, #tpu.memory_space<vmem_shared>> -> memref<1000x128xf32, #tpu.memory_space<vmem_shared>>
    %dma_start3A_796 = tpu.memref_slice %arg14[%dma_start3A_786] : memref<2x!tpu.dma_semaphore, #tpu.memory_space<semaphore_mem>> -> memref<1x!tpu.dma_semaphore, #tpu.memory_space<semaphore_mem>>
    %dma_start3A_797 = tpu.memref_squeeze %dma_start3A_796 : memref<1x!tpu.dma_semaphore, #tpu.memory_space<semaphore_mem>> -> memref<!tpu.dma_semaphore, #tpu.memory_space<semaphore_mem>>
    tpu.enqueue_indirect_dma source(%dma_start3A_795 : memref<1000x128xf32, #tpu.memory_space<vmem_shared>>) target(%dma_start3A_790 : memref<128x128xf32, #tpu.memory_space<vmem>>) offsets(%dma_start3A_792 : memref<128xi32, #tpu.memory_space<vmem>>) semaphore(%dma_start3A_797 : memref<!tpu.dma_semaphore, #tpu.memory_space<semaphore_mem>>)
    %dma_wait3A_798 = arith.constant 0 : i32
    %dma_wait3A_799 = arith.constant 0 : i32
    %dma_wait3A_800 = arith.constant 0 : i32
    %dma_wait3A_801 = arith.constant 0 : i32
    %dma_wait3A_802 = tpu.memref_slice %arg9[%dma_wait3A_798, %dma_wait3A_800, %dma_wait3A_801] : memref<2x128x128xf32, #tpu.memory_space<vmem>> -> memref<1x128x128xf32, #tpu.memory_space<vmem>>
    %dma_wait3A_803 = tpu.memref_squeeze %dma_wait3A_802 : memref<1x128x128xf32, #tpu.memory_space<vmem>> -> memref<128x128xf32, #tpu.memory_space<vmem>>
    %dma_wait3A_804 = arith.constant 256 : i32
    %dma_wait3A_805 = tpu.memref_slice %arg7[%dma_wait3A_804] : memref<1024xi32, #tpu.memory_space<vmem>> -> memref<128xi32, #tpu.memory_space<vmem>>
    %dma_wait3A_806 = arith.constant 0 : i32
    %dma_wait3A_807 = arith.constant 0 : i32
    %dma_wait3A_808 = tpu.memref_slice %arg4[%dma_wait3A_806, %dma_wait3A_807] : memref<32768x128xf32, #tpu.memory_space<hbm>> -> memref<32768x128xf32, #tpu.memory_space<hbm>>
    %dma_wait3A_809 = tpu.memref_slice %arg13[%dma_wait3A_799] : memref<2x!tpu.dma_semaphore, #tpu.memory_space<semaphore_mem>> -> memref<1x!tpu.dma_semaphore, #tpu.memory_space<semaphore_mem>>
    %dma_wait3A_810 = tpu.memref_squeeze %dma_wait3A_809 : memref<1x!tpu.dma_semaphore, #tpu.memory_space<semaphore_mem>> -> memref<!tpu.dma_semaphore, #tpu.memory_space<semaphore_mem>>
    tpu.wait_indirect_dma semaphore(%dma_wait3A_810 : memref<!tpu.dma_semaphore, #tpu.memory_space<semaphore_mem>>) src(%dma_wait3A_808 : memref<32768x128xf32, #tpu.memory_space<hbm>>) dst(%dma_wait3A_803 : memref<128x128xf32, #tpu.memory_space<vmem>>)
    %dma_wait3A_811 = arith.constant 0 : i32
    %dma_wait3A_812 = arith.constant 0 : i32
    %dma_wait3A_813 = arith.constant 0 : i32
    %dma_wait3A_814 = arith.constant 0 : i32
    %dma_wait3A_815 = tpu.memref_slice %arg10[%dma_wait3A_811, %dma_wait3A_813, %dma_wait3A_814] : memref<2x128x128xf32, #tpu.memory_space<vmem>> -> memref<1x128x128xf32, #tpu.memory_space<vmem>>
    %dma_wait3A_816 = tpu.memref_squeeze %dma_wait3A_815 : memref<1x128x128xf32, #tpu.memory_space<vmem>> -> memref<128x128xf32, #tpu.memory_space<vmem>>
    %dma_wait3A_817 = arith.constant 256 : i32
    %dma_wait3A_818 = tpu.memref_slice %arg8[%dma_wait3A_817] : memref<1024xi32, #tpu.memory_space<vmem>> -> memref<128xi32, #tpu.memory_space<vmem>>
    %dma_wait3A_819 = arith.constant 0 : i32
    %dma_wait3A_820 = arith.constant 0 : i32
    %dma_wait3A_821 = tpu.memref_slice %arg12[%dma_wait3A_819, %dma_wait3A_820] : memref<1000x128xf32, #tpu.memory_space<vmem_shared>> -> memref<1000x128xf32, #tpu.memory_space<vmem_shared>>
    %dma_wait3A_822 = tpu.memref_slice %arg14[%dma_wait3A_812] : memref<2x!tpu.dma_semaphore, #tpu.memory_space<semaphore_mem>> -> memref<1x!tpu.dma_semaphore, #tpu.memory_space<semaphore_mem>>
    %dma_wait3A_823 = tpu.memref_squeeze %dma_wait3A_822 : memref<1x!tpu.dma_semaphore, #tpu.memory_space<semaphore_mem>> -> memref<!tpu.dma_semaphore, #tpu.memory_space<semaphore_mem>>
    tpu.wait_indirect_dma semaphore(%dma_wait3A_823 : memref<!tpu.dma_semaphore, #tpu.memory_space<semaphore_mem>>) src(%dma_wait3A_821 : memref<1000x128xf32, #tpu.memory_space<vmem_shared>>) dst(%dma_wait3A_816 : memref<128x128xf32, #tpu.memory_space<vmem>>)
    %dma_wait3A_824 = arith.constant 0 : i32
    %dma_wait3A_825 = arith.constant 0 : i32
    %dma_wait3A_826 = arith.constant 0 : i32
    %dma_wait3A_827 = arith.constant 0 : i32
    %dma_wait3A_828 = tpu.memref_slice %arg11[%dma_wait3A_824, %dma_wait3A_826, %dma_wait3A_827] : memref<2x128x128xf32, #tpu.memory_space<vmem>> -> memref<1x128x128xf32, #tpu.memory_space<vmem>>
    %dma_wait3A_829 = tpu.memref_squeeze %dma_wait3A_828 : memref<1x128x128xf32, #tpu.memory_space<vmem>> -> memref<128x128xf32, #tpu.memory_space<vmem>>
    %dma_wait3A_830 = arith.constant 0 : i32
    %dma_wait3A_831 = tpu.memref_slice %arg6[%add3A_679, %dma_wait3A_830] : memref<32768x128xf32, #tpu.memory_space<hbm>> -> memref<128x128xf32, #tpu.memory_space<hbm>>
    %dma_wait3A_832 = tpu.memref_slice %arg15[%dma_wait3A_825] : memref<2x!tpu.dma_semaphore, #tpu.memory_space<semaphore_mem>> -> memref<1x!tpu.dma_semaphore, #tpu.memory_space<semaphore_mem>>
    %dma_wait3A_833 = tpu.memref_squeeze %dma_wait3A_832 : memref<1x!tpu.dma_semaphore, #tpu.memory_space<semaphore_mem>> -> memref<!tpu.dma_semaphore, #tpu.memory_space<semaphore_mem>>
    %dma_wait3A_834 = arith.constant 0 : i32
    %dma_wait3A_835 = tpu.memref_slice %arg6[%add3A_679, %dma_wait3A_834] : memref<32768x128xf32, #tpu.memory_space<hbm>> -> memref<128x128xf32, #tpu.memory_space<hbm>>
    %dma_wait3A_836 = arith.constant 0 : i32
    %dma_wait3A_837 = arith.constant 0 : i32
    %dma_wait3A_838 = tpu.memref_slice %arg11[%dma_wait3A_824, %dma_wait3A_836, %dma_wait3A_837] : memref<2x128x128xf32, #tpu.memory_space<vmem>> -> memref<1x128x128xf32, #tpu.memory_space<vmem>>
    %dma_wait3A_839 = tpu.memref_squeeze %dma_wait3A_838 : memref<1x128x128xf32, #tpu.memory_space<vmem>> -> memref<128x128xf32, #tpu.memory_space<vmem>>
    tpu.wait_dma2 semaphore(%dma_wait3A_833 : memref<!tpu.dma_semaphore, #tpu.memory_space<semaphore_mem>>) src(%dma_wait3A_839 : memref<128x128xf32, #tpu.memory_space<vmem>>) dst(%dma_wait3A_835 : memref<128x128xf32, #tpu.memory_space<hbm>>)
    %scan3A_840 = arith.constant 0 : i32
    %scan3A_841 = arith.constant 0 : i32
    %scan3A_842 = arith.constant 128 : i32
    %scan3A_843 = arith.addi %scan3A_841, %scan3A_842 : i32
    %scan3A_844 = arith.constant 1 : i32
    scf.for %scan3A_1330 = %scan3A_841 to %scan3A_843 step %scan3A_844  : i32 {
      %get3A_1331 = arith.constant 0 : i32
      %get3A_1332 = arith.index_cast %get3A_1331 : i32 to index
      %get3A_1333 = arith.index_cast %scan3A_1330 : i32 to index
      %get3A_1334 = arith.constant 0 : index
      %get3A_1335 = tpu.vector_load %arg9[%get3A_1332, %get3A_1333, %get3A_1334] {strides = array<i32>} : memref<2x128x128xf32, #tpu.memory_space<vmem>>, vector<1x1x16xf32>,
      %get3A_1336 = vector.shape_cast %get3A_1335 : vector<1x1x16xf32> to vector<16xf32>
      %get3A_1337 = arith.constant 0 : i32
      %get3A_1338 = arith.index_cast %get3A_1337 : i32 to index
      %get3A_1339 = arith.index_cast %scan3A_1330 : i32 to index
      %get3A_1340 = arith.constant 0 : index
      %get3A_1341 = tpu.vector_load %arg10[%get3A_1338, %get3A_1339, %get3A_1340] {strides = array<i32>} : memref<2x128x128xf32, #tpu.memory_space<vmem>>, vector<1x1x16xf32>,
      %get3A_1342 = vector.shape_cast %get3A_1341 : vector<1x1x16xf32> to vector<16xf32>
      %add3A_1343 = arith.addf %get3A_1336, %get3A_1342 : vector<16xf32>
      %broadcast_in_dim3A = arith.constant 0.000000e+00 : f32
      %broadcast_in_dim3A_1344 = vector.broadcast %broadcast_in_dim3A : f32 to vector<16xf32>
      %max3A = arith.maximumf %add3A_1343, %broadcast_in_dim3A_1344 : vector<16xf32>
      %swap3A_1345 = arith.constant 0 : i32
      %swap3A_1346 = arith.index_cast %swap3A_1345 : i32 to index
      %swap3A_1347 = arith.index_cast %scan3A_1330 : i32 to index
      %swap3A_1348 = arith.constant 0 : index
      %swap3A_1349 = tpu.vector_load %arg11[%swap3A_1346, %swap3A_1347, %swap3A_1348] {strides = array<i32>} : memref<2x128x128xf32, #tpu.memory_space<vmem>>, vector<1x1x16xf32>,
      %swap3A_1350 = vector.shape_cast %swap3A_1349 : vector<1x1x16xf32> to vector<16xf32>
      %swap3A_1351 = vector.shape_cast %max3A : vector<16xf32> to vector<1x1x16xf32>
      tpu.vector_store %arg11[%swap3A_1346, %swap3A_1347, %swap3A_1348], %swap3A_1351 {strides = array<i32>} : memref<2x128x128xf32, #tpu.memory_space<vmem>>, vector<1x1x16xf32>,
      %get3A_1352 = arith.constant 0 : i32
      %get3A_1353 = arith.index_cast %get3A_1352 : i32 to index
      %get3A_1354 = arith.index_cast %scan3A_1330 : i32 to index
      %get3A_1355 = arith.constant 16 : index
      %get3A_1356 = tpu.vector_load %arg9[%get3A_1353, %get3A_1354, %get3A_1355] {strides = array<i32>} : memref<2x128x128xf32, #tpu.memory_space<vmem>>, vector<1x1x16xf32>,
      %get3A_1357 = vector.shape_cast %get3A_1356 : vector<1x1x16xf32> to vector<16xf32>
      %get3A_1358 = arith.constant 0 : i32
      %get3A_1359 = arith.index_cast %get3A_1358 : i32 to index
      %get3A_1360 = arith.index_cast %scan3A_1330 : i32 to index
      %get3A_1361 = arith.constant 16 : index
      %get3A_1362 = tpu.vector_load %arg10[%get3A_1359, %get3A_1360, %get3A_1361] {strides = array<i32>} : memref<2x128x128xf32, #tpu.memory_space<vmem>>, vector<1x1x16xf32>,
      %get3A_1363 = vector.shape_cast %get3A_1362 : vector<1x1x16xf32> to vector<16xf32>
      %add3A_1364 = arith.addf %get3A_1357, %get3A_1363 : vector<16xf32>
      %broadcast_in_dim3A_1365 = arith.constant 0.000000e+00 : f32
      %broadcast_in_dim3A_1366 = vector.broadcast %broadcast_in_dim3A_1365 : f32 to vector<16xf32>
      %max3A_1367 = arith.maximumf %add3A_1364, %broadcast_in_dim3A_1366 : vector<16xf32>
      %swap3A_1368 = arith.constant 0 : i32
      %swap3A_1369 = arith.index_cast %swap3A_1368 : i32 to index
      %swap3A_1370 = arith.index_cast %scan3A_1330 : i32 to index
      %swap3A_1371 = arith.constant 16 : index
      %swap3A_1372 = tpu.vector_load %arg11[%swap3A_1369, %swap3A_1370, %swap3A_1371] {strides = array<i32>} : memref<2x128x128xf32, #tpu.memory_space<vmem>>, vector<1x1x16xf32>,
      %swap3A_1373 = vector.shape_cast %swap3A_1372 : vector<1x1x16xf32> to vector<16xf32>
      %swap3A_1374 = vector.shape_cast %max3A_1367 : vector<16xf32> to vector<1x1x16xf32>
      tpu.vector_store %arg11[%swap3A_1369, %swap3A_1370, %swap3A_1371], %swap3A_1374 {strides = array<i32>} : memref<2x128x128xf32, #tpu.memory_space<vmem>>, vector<1x1x16xf32>,
      %get3A_1375 = arith.constant 0 : i32
      %get3A_1376 = arith.index_cast %get3A_1375 : i32 to index
      %get3A_1377 = arith.index_cast %scan3A_1330 : i32 to index
      %get3A_1378 = arith.constant 32 : index
      %get3A_1379 = tpu.vector_load %arg9[%get3A_1376, %get3A_1377, %get3A_1378] {strides = array<i32>} : memref<2x128x128xf32, #tpu.memory_space<vmem>>, vector<1x1x16xf32>,
      %get3A_1380 = vector.shape_cast %get3A_1379 : vector<1x1x16xf32> to vector<16xf32>
      %get3A_1381 = arith.constant 0 : i32
      %get3A_1382 = arith.index_cast %get3A_1381 : i32 to index
      %get3A_1383 = arith.index_cast %scan3A_1330 : i32 to index
      %get3A_1384 = arith.constant 32 : index
      %get3A_1385 = tpu.vector_load %arg10[%get3A_1382, %get3A_1383, %get3A_1384] {strides = array<i32>} : memref<2x128x128xf32, #tpu.memory_space<vmem>>, vector<1x1x16xf32>,
      %get3A_1386 = vector.shape_cast %get3A_1385 : vector<1x1x16xf32> to vector<16xf32>
      %add3A_1387 = arith.addf %get3A_1380, %get3A_1386 : vector<16xf32>
      %broadcast_in_dim3A_1388 = arith.constant 0.000000e+00 : f32
      %broadcast_in_dim3A_1389 = vector.broadcast %broadcast_in_dim3A_1388 : f32 to vector<16xf32>
      %max3A_1390 = arith.maximumf %add3A_1387, %broadcast_in_dim3A_1389 : vector<16xf32>
      %swap3A_1391 = arith.constant 0 : i32
      %swap3A_1392 = arith.index_cast %swap3A_1391 : i32 to index
      %swap3A_1393 = arith.index_cast %scan3A_1330 : i32 to index
      %swap3A_1394 = arith.constant 32 : index
      %swap3A_1395 = tpu.vector_load %arg11[%swap3A_1392, %swap3A_1393, %swap3A_1394] {strides = array<i32>} : memref<2x128x128xf32, #tpu.memory_space<vmem>>, vector<1x1x16xf32>,
      %swap3A_1396 = vector.shape_cast %swap3A_1395 : vector<1x1x16xf32> to vector<16xf32>
      %swap3A_1397 = vector.shape_cast %max3A_1390 : vector<16xf32> to vector<1x1x16xf32>
      tpu.vector_store %arg11[%swap3A_1392, %swap3A_1393, %swap3A_1394], %swap3A_1397 {strides = array<i32>} : memref<2x128x128xf32, #tpu.memory_space<vmem>>, vector<1x1x16xf32>,
      %get3A_1398 = arith.constant 0 : i32
      %get3A_1399 = arith.index_cast %get3A_1398 : i32 to index
      %get3A_1400 = arith.index_cast %scan3A_1330 : i32 to index
      %get3A_1401 = arith.constant 48 : index
      %get3A_1402 = tpu.vector_load %arg9[%get3A_1399, %get3A_1400, %get3A_1401] {strides = array<i32>} : memref<2x128x128xf32, #tpu.memory_space<vmem>>, vector<1x1x16xf32>,
      %get3A_1403 = vector.shape_cast %get3A_1402 : vector<1x1x16xf32> to vector<16xf32>
      %get3A_1404 = arith.constant 0 : i32
      %get3A_1405 = arith.index_cast %get3A_1404 : i32 to index
      %get3A_1406 = arith.index_cast %scan3A_1330 : i32 to index
      %get3A_1407 = arith.constant 48 : index
      %get3A_1408 = tpu.vector_load %arg10[%get3A_1405, %get3A_1406, %get3A_1407] {strides = array<i32>} : memref<2x128x128xf32, #tpu.memory_space<vmem>>, vector<1x1x16xf32>,
      %get3A_1409 = vector.shape_cast %get3A_1408 : vector<1x1x16xf32> to vector<16xf32>
      %add3A_1410 = arith.addf %get3A_1403, %get3A_1409 : vector<16xf32>
      %broadcast_in_dim3A_1411 = arith.constant 0.000000e+00 : f32
      %broadcast_in_dim3A_1412 = vector.broadcast %broadcast_in_dim3A_1411 : f32 to vector<16xf32>
      %max3A_1413 = arith.maximumf %add3A_1410, %broadcast_in_dim3A_1412 : vector<16xf32>
      %swap3A_1414 = arith.constant 0 : i32
      %swap3A_1415 = arith.index_cast %swap3A_1414 : i32 to index
      %swap3A_1416 = arith.index_cast %scan3A_1330 : i32 to index
      %swap3A_1417 = arith.constant 48 : index
      %swap3A_1418 = tpu.vector_load %arg11[%swap3A_1415, %swap3A_1416, %swap3A_1417] {strides = array<i32>} : memref<2x128x128xf32, #tpu.memory_space<vmem>>, vector<1x1x16xf32>,
      %swap3A_1419 = vector.shape_cast %swap3A_1418 : vector<1x1x16xf32> to vector<16xf32>
      %swap3A_1420 = vector.shape_cast %max3A_1413 : vector<16xf32> to vector<1x1x16xf32>
      tpu.vector_store %arg11[%swap3A_1415, %swap3A_1416, %swap3A_1417], %swap3A_1420 {strides = array<i32>} : memref<2x128x128xf32, #tpu.memory_space<vmem>>, vector<1x1x16xf32>,
      %get3A_1421 = arith.constant 0 : i32
      %get3A_1422 = arith.index_cast %get3A_1421 : i32 to index
      %get3A_1423 = arith.index_cast %scan3A_1330 : i32 to index
      %get3A_1424 = arith.constant 64 : index
      %get3A_1425 = tpu.vector_load %arg9[%get3A_1422, %get3A_1423, %get3A_1424] {strides = array<i32>} : memref<2x128x128xf32, #tpu.memory_space<vmem>>, vector<1x1x16xf32>,
      %get3A_1426 = vector.shape_cast %get3A_1425 : vector<1x1x16xf32> to vector<16xf32>
      %get3A_1427 = arith.constant 0 : i32
      %get3A_1428 = arith.index_cast %get3A_1427 : i32 to index
      %get3A_1429 = arith.index_cast %scan3A_1330 : i32 to index
      %get3A_1430 = arith.constant 64 : index
      %get3A_1431 = tpu.vector_load %arg10[%get3A_1428, %get3A_1429, %get3A_1430] {strides = array<i32>} : memref<2x128x128xf32, #tpu.memory_space<vmem>>, vector<1x1x16xf32>,
      %get3A_1432 = vector.shape_cast %get3A_1431 : vector<1x1x16xf32> to vector<16xf32>
      %add3A_1433 = arith.addf %get3A_1426, %get3A_1432 : vector<16xf32>
      %broadcast_in_dim3A_1434 = arith.constant 0.000000e+00 : f32
      %broadcast_in_dim3A_1435 = vector.broadcast %broadcast_in_dim3A_1434 : f32 to vector<16xf32>
      %max3A_1436 = arith.maximumf %add3A_1433, %broadcast_in_dim3A_1435 : vector<16xf32>
      %swap3A_1437 = arith.constant 0 : i32
      %swap3A_1438 = arith.index_cast %swap3A_1437 : i32 to index
      %swap3A_1439 = arith.index_cast %scan3A_1330 : i32 to index
      %swap3A_1440 = arith.constant 64 : index
      %swap3A_1441 = tpu.vector_load %arg11[%swap3A_1438, %swap3A_1439, %swap3A_1440] {strides = array<i32>} : memref<2x128x128xf32, #tpu.memory_space<vmem>>, vector<1x1x16xf32>,
      %swap3A_1442 = vector.shape_cast %swap3A_1441 : vector<1x1x16xf32> to vector<16xf32>
      %swap3A_1443 = vector.shape_cast %max3A_1436 : vector<16xf32> to vector<1x1x16xf32>
      tpu.vector_store %arg11[%swap3A_1438, %swap3A_1439, %swap3A_1440], %swap3A_1443 {strides = array<i32>} : memref<2x128x128xf32, #tpu.memory_space<vmem>>, vector<1x1x16xf32>,
      %get3A_1444 = arith.constant 0 : i32
      %get3A_1445 = arith.index_cast %get3A_1444 : i32 to index
      %get3A_1446 = arith.index_cast %scan3A_1330 : i32 to index
      %get3A_1447 = arith.constant 80 : index
      %get3A_1448 = tpu.vector_load %arg9[%get3A_1445, %get3A_1446, %get3A_1447] {strides = array<i32>} : memref<2x128x128xf32, #tpu.memory_space<vmem>>, vector<1x1x16xf32>,
      %get3A_1449 = vector.shape_cast %get3A_1448 : vector<1x1x16xf32> to vector<16xf32>
      %get3A_1450 = arith.constant 0 : i32
      %get3A_1451 = arith.index_cast %get3A_1450 : i32 to index
      %get3A_1452 = arith.index_cast %scan3A_1330 : i32 to index
      %get3A_1453 = arith.constant 80 : index
      %get3A_1454 = tpu.vector_load %arg10[%get3A_1451, %get3A_1452, %get3A_1453] {strides = array<i32>} : memref<2x128x128xf32, #tpu.memory_space<vmem>>, vector<1x1x16xf32>,
      %get3A_1455 = vector.shape_cast %get3A_1454 : vector<1x1x16xf32> to vector<16xf32>
      %add3A_1456 = arith.addf %get3A_1449, %get3A_1455 : vector<16xf32>
      %broadcast_in_dim3A_1457 = arith.constant 0.000000e+00 : f32
      %broadcast_in_dim3A_1458 = vector.broadcast %broadcast_in_dim3A_1457 : f32 to vector<16xf32>
      %max3A_1459 = arith.maximumf %add3A_1456, %broadcast_in_dim3A_1458 : vector<16xf32>
      %swap3A_1460 = arith.constant 0 : i32
      %swap3A_1461 = arith.index_cast %swap3A_1460 : i32 to index
      %swap3A_1462 = arith.index_cast %scan3A_1330 : i32 to index
      %swap3A_1463 = arith.constant 80 : index
      %swap3A_1464 = tpu.vector_load %arg11[%swap3A_1461, %swap3A_1462, %swap3A_1463] {strides = array<i32>} : memref<2x128x128xf32, #tpu.memory_space<vmem>>, vector<1x1x16xf32>,
      %swap3A_1465 = vector.shape_cast %swap3A_1464 : vector<1x1x16xf32> to vector<16xf32>
      %swap3A_1466 = vector.shape_cast %max3A_1459 : vector<16xf32> to vector<1x1x16xf32>
      tpu.vector_store %arg11[%swap3A_1461, %swap3A_1462, %swap3A_1463], %swap3A_1466 {strides = array<i32>} : memref<2x128x128xf32, #tpu.memory_space<vmem>>, vector<1x1x16xf32>,
      %get3A_1467 = arith.constant 0 : i32
      %get3A_1468 = arith.index_cast %get3A_1467 : i32 to index
      %get3A_1469 = arith.index_cast %scan3A_1330 : i32 to index
      %get3A_1470 = arith.constant 96 : index
      %get3A_1471 = tpu.vector_load %arg9[%get3A_1468, %get3A_1469, %get3A_1470] {strides = array<i32>} : memref<2x128x128xf32, #tpu.memory_space<vmem>>, vector<1x1x16xf32>,
      %get3A_1472 = vector.shape_cast %get3A_1471 : vector<1x1x16xf32> to vector<16xf32>
      %get3A_1473 = arith.constant 0 : i32
      %get3A_1474 = arith.index_cast %get3A_1473 : i32 to index
      %get3A_1475 = arith.index_cast %scan3A_1330 : i32 to index
      %get3A_1476 = arith.constant 96 : index
      %get3A_1477 = tpu.vector_load %arg10[%get3A_1474, %get3A_1475, %get3A_1476] {strides = array<i32>} : memref<2x128x128xf32, #tpu.memory_space<vmem>>, vector<1x1x16xf32>,
      %get3A_1478 = vector.shape_cast %get3A_1477 : vector<1x1x16xf32> to vector<16xf32>
      %add3A_1479 = arith.addf %get3A_1472, %get3A_1478 : vector<16xf32>
      %broadcast_in_dim3A_1480 = arith.constant 0.000000e+00 : f32
      %broadcast_in_dim3A_1481 = vector.broadcast %broadcast_in_dim3A_1480 : f32 to vector<16xf32>
      %max3A_1482 = arith.maximumf %add3A_1479, %broadcast_in_dim3A_1481 : vector<16xf32>
      %swap3A_1483 = arith.constant 0 : i32
      %swap3A_1484 = arith.index_cast %swap3A_1483 : i32 to index
      %swap3A_1485 = arith.index_cast %scan3A_1330 : i32 to index
      %swap3A_1486 = arith.constant 96 : index
      %swap3A_1487 = tpu.vector_load %arg11[%swap3A_1484, %swap3A_1485, %swap3A_1486] {strides = array<i32>} : memref<2x128x128xf32, #tpu.memory_space<vmem>>, vector<1x1x16xf32>,
      %swap3A_1488 = vector.shape_cast %swap3A_1487 : vector<1x1x16xf32> to vector<16xf32>
      %swap3A_1489 = vector.shape_cast %max3A_1482 : vector<16xf32> to vector<1x1x16xf32>
      tpu.vector_store %arg11[%swap3A_1484, %swap3A_1485, %swap3A_1486], %swap3A_1489 {strides = array<i32>} : memref<2x128x128xf32, #tpu.memory_space<vmem>>, vector<1x1x16xf32>,
      %get3A_1490 = arith.constant 0 : i32
      %get3A_1491 = arith.index_cast %get3A_1490 : i32 to index
      %get3A_1492 = arith.index_cast %scan3A_1330 : i32 to index
      %get3A_1493 = arith.constant 112 : index
      %get3A_1494 = tpu.vector_load %arg9[%get3A_1491, %get3A_1492, %get3A_1493] {strides = array<i32>} : memref<2x128x128xf32, #tpu.memory_space<vmem>>, vector<1x1x16xf32>,
      %get3A_1495 = vector.shape_cast %get3A_1494 : vector<1x1x16xf32> to vector<16xf32>
      %get3A_1496 = arith.constant 0 : i32
      %get3A_1497 = arith.index_cast %get3A_1496 : i32 to index
      %get3A_1498 = arith.index_cast %scan3A_1330 : i32 to index
      %get3A_1499 = arith.constant 112 : index
      %get3A_1500 = tpu.vector_load %arg10[%get3A_1497, %get3A_1498, %get3A_1499] {strides = array<i32>} : memref<2x128x128xf32, #tpu.memory_space<vmem>>, vector<1x1x16xf32>,
      %get3A_1501 = vector.shape_cast %get3A_1500 : vector<1x1x16xf32> to vector<16xf32>
      %add3A_1502 = arith.addf %get3A_1495, %get3A_1501 : vector<16xf32>
      %broadcast_in_dim3A_1503 = arith.constant 0.000000e+00 : f32
      %broadcast_in_dim3A_1504 = vector.broadcast %broadcast_in_dim3A_1503 : f32 to vector<16xf32>
      %max3A_1505 = arith.maximumf %add3A_1502, %broadcast_in_dim3A_1504 : vector<16xf32>
      %swap3A_1506 = arith.constant 0 : i32
      %swap3A_1507 = arith.index_cast %swap3A_1506 : i32 to index
      %swap3A_1508 = arith.index_cast %scan3A_1330 : i32 to index
      %swap3A_1509 = arith.constant 112 : index
      %swap3A_1510 = tpu.vector_load %arg11[%swap3A_1507, %swap3A_1508, %swap3A_1509] {strides = array<i32>} : memref<2x128x128xf32, #tpu.memory_space<vmem>>, vector<1x1x16xf32>,
      %swap3A_1511 = vector.shape_cast %swap3A_1510 : vector<1x1x16xf32> to vector<16xf32>
      %swap3A_1512 = vector.shape_cast %max3A_1505 : vector<16xf32> to vector<1x1x16xf32>
      tpu.vector_store %arg11[%swap3A_1507, %swap3A_1508, %swap3A_1509], %swap3A_1512 {strides = array<i32>} : memref<2x128x128xf32, #tpu.memory_space<vmem>>, vector<1x1x16xf32>,
    }
    %scan3A_845 = arith.constant 128 : i32
    %add3A_846 = arith.constant 256 : i32
    %add3A_847 = arith.addi %mul3A_2, %add3A_846 : i32
    %dma_start3A_848 = arith.constant 0 : i32
    %dma_start3A_849 = arith.constant 0 : i32
    %dma_start3A_850 = arith.constant 0 : i32
    %dma_start3A_851 = arith.constant 0 : i32
    %dma_start3A_852 = tpu.memref_slice %arg11[%dma_start3A_848, %dma_start3A_850, %dma_start3A_851] : memref<2x128x128xf32, #tpu.memory_space<vmem>> -> memref<1x128x128xf32, #tpu.memory_space<vmem>>
    %dma_start3A_853 = tpu.memref_squeeze %dma_start3A_852 : memref<1x128x128xf32, #tpu.memory_space<vmem>> -> memref<128x128xf32, #tpu.memory_space<vmem>>
    %dma_start3A_854 = arith.constant 0 : i32
    %dma_start3A_855 = tpu.memref_slice %arg6[%add3A_847, %dma_start3A_854] : memref<32768x128xf32, #tpu.memory_space<hbm>> -> memref<128x128xf32, #tpu.memory_space<hbm>>
    %dma_start3A_856 = tpu.memref_slice %arg15[%dma_start3A_849] : memref<2x!tpu.dma_semaphore, #tpu.memory_space<semaphore_mem>> -> memref<1x!tpu.dma_semaphore, #tpu.memory_space<semaphore_mem>>
    %dma_start3A_857 = tpu.memref_squeeze %dma_start3A_856 : memref<1x!tpu.dma_semaphore, #tpu.memory_space<semaphore_mem>> -> memref<!tpu.dma_semaphore, #tpu.memory_space<semaphore_mem>>
    %dma_start3A_858 = arith.constant 0 : i32
    %dma_start3A_859 = tpu.memref_slice %arg6[%add3A_847, %dma_start3A_858] : memref<32768x128xf32, #tpu.memory_space<hbm>> -> memref<128x128xf32, #tpu.memory_space<hbm>>
    %dma_start3A_860 = arith.constant 0 : i32
    %dma_start3A_861 = arith.constant 0 : i32
    %dma_start3A_862 = tpu.memref_slice %arg11[%dma_start3A_848, %dma_start3A_860, %dma_start3A_861] : memref<2x128x128xf32, #tpu.memory_space<vmem>> -> memref<1x128x128xf32, #tpu.memory_space<vmem>>
    %dma_start3A_863 = tpu.memref_squeeze %dma_start3A_862 : memref<1x128x128xf32, #tpu.memory_space<vmem>> -> memref<128x128xf32, #tpu.memory_space<vmem>>
    tpu.enqueue_dma source(%dma_start3A_863 : memref<128x128xf32, #tpu.memory_space<vmem>>) target(%dma_start3A_859 : memref<128x128xf32, #tpu.memory_space<hbm>>) target_semaphore(%dma_start3A_857 : memref<!tpu.dma_semaphore, #tpu.memory_space<semaphore_mem>>)
    %dma_start3A_864 = arith.constant 0 : i32
    %dma_start3A_865 = arith.constant 0 : i32
    %dma_start3A_866 = arith.constant 0 : i32
    %dma_start3A_867 = arith.constant 0 : i32
    %dma_start3A_868 = tpu.memref_slice %arg9[%dma_start3A_864, %dma_start3A_866, %dma_start3A_867] : memref<2x128x128xf32, #tpu.memory_space<vmem>> -> memref<1x128x128xf32, #tpu.memory_space<vmem>>
    %dma_start3A_869 = tpu.memref_squeeze %dma_start3A_868 : memref<1x128x128xf32, #tpu.memory_space<vmem>> -> memref<128x128xf32, #tpu.memory_space<vmem>>
    %dma_start3A_870 = arith.constant 512 : i32
    %dma_start3A_871 = tpu.memref_slice %arg7[%dma_start3A_870] : memref<1024xi32, #tpu.memory_space<vmem>> -> memref<128xi32, #tpu.memory_space<vmem>>
    %dma_start3A_872 = arith.constant 0 : i32
    %dma_start3A_873 = arith.constant 0 : i32
    %dma_start3A_874 = tpu.memref_slice %arg4[%dma_start3A_872, %dma_start3A_873] : memref<32768x128xf32, #tpu.memory_space<hbm>> -> memref<32768x128xf32, #tpu.memory_space<hbm>>
    %dma_start3A_875 = tpu.memref_slice %arg13[%dma_start3A_865] : memref<2x!tpu.dma_semaphore, #tpu.memory_space<semaphore_mem>> -> memref<1x!tpu.dma_semaphore, #tpu.memory_space<semaphore_mem>>
    %dma_start3A_876 = tpu.memref_squeeze %dma_start3A_875 : memref<1x!tpu.dma_semaphore, #tpu.memory_space<semaphore_mem>> -> memref<!tpu.dma_semaphore, #tpu.memory_space<semaphore_mem>>
    tpu.enqueue_indirect_dma source(%dma_start3A_874 : memref<32768x128xf32, #tpu.memory_space<hbm>>) target(%dma_start3A_869 : memref<128x128xf32, #tpu.memory_space<vmem>>) offsets(%dma_start3A_871 : memref<128xi32, #tpu.memory_space<vmem>>) semaphore(%dma_start3A_876 : memref<!tpu.dma_semaphore, #tpu.memory_space<semaphore_mem>>)
    %dma_start3A_877 = arith.constant 0 : i32
    %dma_start3A_878 = arith.constant 0 : i32
    %dma_start3A_879 = arith.constant 0 : i32
    %dma_start3A_880 = arith.constant 0 : i32
    %dma_start3A_881 = tpu.memref_slice %arg10[%dma_start3A_877, %dma_start3A_879, %dma_start3A_880] : memref<2x128x128xf32, #tpu.memory_space<vmem>> -> memref<1x128x128xf32, #tpu.memory_space<vmem>>
    %dma_start3A_882 = tpu.memref_squeeze %dma_start3A_881 : memref<1x128x128xf32, #tpu.memory_space<vmem>> -> memref<128x128xf32, #tpu.memory_space<vmem>>
    %dma_start3A_883 = arith.constant 512 : i32
    %dma_start3A_884 = tpu.memref_slice %arg8[%dma_start3A_883] : memref<1024xi32, #tpu.memory_space<vmem>> -> memref<128xi32, #tpu.memory_space<vmem>>
    %dma_start3A_885 = arith.constant 0 : i32
    %dma_start3A_886 = arith.constant 0 : i32
    %dma_start3A_887 = tpu.memref_slice %arg12[%dma_start3A_885, %dma_start3A_886] : memref<1000x128xf32, #tpu.memory_space<vmem_shared>> -> memref<1000x128xf32, #tpu.memory_space<vmem_shared>>
    %dma_start3A_888 = tpu.memref_slice %arg14[%dma_start3A_878] : memref<2x!tpu.dma_semaphore, #tpu.memory_space<semaphore_mem>> -> memref<1x!tpu.dma_semaphore, #tpu.memory_space<semaphore_mem>>
    %dma_start3A_889 = tpu.memref_squeeze %dma_start3A_888 : memref<1x!tpu.dma_semaphore, #tpu.memory_space<semaphore_mem>> -> memref<!tpu.dma_semaphore, #tpu.memory_space<semaphore_mem>>
    tpu.enqueue_indirect_dma source(%dma_start3A_887 : memref<1000x128xf32, #tpu.memory_space<vmem_shared>>) target(%dma_start3A_882 : memref<128x128xf32, #tpu.memory_space<vmem>>) offsets(%dma_start3A_884 : memref<128xi32, #tpu.memory_space<vmem>>) semaphore(%dma_start3A_889 : memref<!tpu.dma_semaphore, #tpu.memory_space<semaphore_mem>>)
    %dma_wait3A_890 = arith.constant 1 : i32
    %dma_wait3A_891 = arith.constant 1 : i32
    %dma_wait3A_892 = arith.constant 0 : i32
    %dma_wait3A_893 = arith.constant 0 : i32
    %dma_wait3A_894 = tpu.memref_slice %arg9[%dma_wait3A_890, %dma_wait3A_892, %dma_wait3A_893] : memref<2x128x128xf32, #tpu.memory_space<vmem>> -> memref<1x128x128xf32, #tpu.memory_space<vmem>>
    %dma_wait3A_895 = tpu.memref_squeeze %dma_wait3A_894 : memref<1x128x128xf32, #tpu.memory_space<vmem>> -> memref<128x128xf32, #tpu.memory_space<vmem>>
    %dma_wait3A_896 = arith.constant 384 : i32
    %dma_wait3A_897 = tpu.memref_slice %arg7[%dma_wait3A_896] : memref<1024xi32, #tpu.memory_space<vmem>> -> memref<128xi32, #tpu.memory_space<vmem>>
    %dma_wait3A_898 = arith.constant 0 : i32
    %dma_wait3A_899 = arith.constant 0 : i32
    %dma_wait3A_900 = tpu.memref_slice %arg4[%dma_wait3A_898, %dma_wait3A_899] : memref<32768x128xf32, #tpu.memory_space<hbm>> -> memref<32768x128xf32, #tpu.memory_space<hbm>>
    %dma_wait3A_901 = tpu.memref_slice %arg13[%dma_wait3A_891] : memref<2x!tpu.dma_semaphore, #tpu.memory_space<semaphore_mem>> -> memref<1x!tpu.dma_semaphore, #tpu.memory_space<semaphore_mem>>
    %dma_wait3A_902 = tpu.memref_squeeze %dma_wait3A_901 : memref<1x!tpu.dma_semaphore, #tpu.memory_space<semaphore_mem>> -> memref<!tpu.dma_semaphore, #tpu.memory_space<semaphore_mem>>
    tpu.wait_indirect_dma semaphore(%dma_wait3A_902 : memref<!tpu.dma_semaphore, #tpu.memory_space<semaphore_mem>>) src(%dma_wait3A_900 : memref<32768x128xf32, #tpu.memory_space<hbm>>) dst(%dma_wait3A_895 : memref<128x128xf32, #tpu.memory_space<vmem>>)
    %dma_wait3A_903 = arith.constant 1 : i32
    %dma_wait3A_904 = arith.constant 1 : i32
    %dma_wait3A_905 = arith.constant 0 : i32
    %dma_wait3A_906 = arith.constant 0 : i32
    %dma_wait3A_907 = tpu.memref_slice %arg10[%dma_wait3A_903, %dma_wait3A_905, %dma_wait3A_906] : memref<2x128x128xf32, #tpu.memory_space<vmem>> -> memref<1x128x128xf32, #tpu.memory_space<vmem>>
    %dma_wait3A_908 = tpu.memref_squeeze %dma_wait3A_907 : memref<1x128x128xf32, #tpu.memory_space<vmem>> -> memref<128x128xf32, #tpu.memory_space<vmem>>
    %dma_wait3A_909 = arith.constant 384 : i32
    %dma_wait3A_910 = tpu.memref_slice %arg8[%dma_wait3A_909] : memref<1024xi32, #tpu.memory_space<vmem>> -> memref<128xi32, #tpu.memory_space<vmem>>
    %dma_wait3A_911 = arith.constant 0 : i32
    %dma_wait3A_912 = arith.constant 0 : i32
    %dma_wait3A_913 = tpu.memref_slice %arg12[%dma_wait3A_911, %dma_wait3A_912] : memref<1000x128xf32, #tpu.memory_space<vmem_shared>> -> memref<1000x128xf32, #tpu.memory_space<vmem_shared>>
    %dma_wait3A_914 = tpu.memref_slice %arg14[%dma_wait3A_904] : memref<2x!tpu.dma_semaphore, #tpu.memory_space<semaphore_mem>> -> memref<1x!tpu.dma_semaphore, #tpu.memory_space<semaphore_mem>>
    %dma_wait3A_915 = tpu.memref_squeeze %dma_wait3A_914 : memref<1x!tpu.dma_semaphore, #tpu.memory_space<semaphore_mem>> -> memref<!tpu.dma_semaphore, #tpu.memory_space<semaphore_mem>>
    tpu.wait_indirect_dma semaphore(%dma_wait3A_915 : memref<!tpu.dma_semaphore, #tpu.memory_space<semaphore_mem>>) src(%dma_wait3A_913 : memref<1000x128xf32, #tpu.memory_space<vmem_shared>>) dst(%dma_wait3A_908 : memref<128x128xf32, #tpu.memory_space<vmem>>)
    %dma_wait3A_916 = arith.constant 1 : i32
    %dma_wait3A_917 = arith.constant 1 : i32
    %dma_wait3A_918 = arith.constant 0 : i32
    %dma_wait3A_919 = arith.constant 0 : i32
    %dma_wait3A_920 = tpu.memref_slice %arg11[%dma_wait3A_916, %dma_wait3A_918, %dma_wait3A_919] : memref<2x128x128xf32, #tpu.memory_space<vmem>> -> memref<1x128x128xf32, #tpu.memory_space<vmem>>
    %dma_wait3A_921 = tpu.memref_squeeze %dma_wait3A_920 : memref<1x128x128xf32, #tpu.memory_space<vmem>> -> memref<128x128xf32, #tpu.memory_space<vmem>>
    %dma_wait3A_922 = arith.constant 0 : i32
    %dma_wait3A_923 = tpu.memref_slice %arg6[%add3A_755, %dma_wait3A_922] : memref<32768x128xf32, #tpu.memory_space<hbm>> -> memref<128x128xf32, #tpu.memory_space<hbm>>
    %dma_wait3A_924 = tpu.memref_slice %arg15[%dma_wait3A_917] : memref<2x!tpu.dma_semaphore, #tpu.memory_space<semaphore_mem>> -> memref<1x!tpu.dma_semaphore, #tpu.memory_space<semaphore_mem>>
    %dma_wait3A_925 = tpu.memref_squeeze %dma_wait3A_924 : memref<1x!tpu.dma_semaphore, #tpu.memory_space<semaphore_mem>> -> memref<!tpu.dma_semaphore, #tpu.memory_space<semaphore_mem>>
    %dma_wait3A_926 = arith.constant 0 : i32
    %dma_wait3A_927 = tpu.memref_slice %arg6[%add3A_755, %dma_wait3A_926] : memref<32768x128xf32, #tpu.memory_space<hbm>> -> memref<128x128xf32, #tpu.memory_space<hbm>>
    %dma_wait3A_928 = arith.constant 0 : i32
    %dma_wait3A_929 = arith.constant 0 : i32
    %dma_wait3A_930 = tpu.memref_slice %arg11[%dma_wait3A_916, %dma_wait3A_928, %dma_wait3A_929] : memref<2x128x128xf32, #tpu.memory_space<vmem>> -> memref<1x128x128xf32, #tpu.memory_space<vmem>>
    %dma_wait3A_931 = tpu.memref_squeeze %dma_wait3A_930 : memref<1x128x128xf32, #tpu.memory_space<vmem>> -> memref<128x128xf32, #tpu.memory_space<vmem>>
    tpu.wait_dma2 semaphore(%dma_wait3A_925 : memref<!tpu.dma_semaphore, #tpu.memory_space<semaphore_mem>>) src(%dma_wait3A_931 : memref<128x128xf32, #tpu.memory_space<vmem>>) dst(%dma_wait3A_927 : memref<128x128xf32, #tpu.memory_space<hbm>>)
    %scan3A_932 = arith.constant 0 : i32
    %scan3A_933 = arith.constant 0 : i32
    %scan3A_934 = arith.constant 128 : i32
    %scan3A_935 = arith.addi %scan3A_933, %scan3A_934 : i32
    %scan3A_936 = arith.constant 1 : i32
    scf.for %scan3A_1330 = %scan3A_933 to %scan3A_935 step %scan3A_936  : i32 {
      %get3A_1331 = arith.constant 1 : i32
      %get3A_1332 = arith.index_cast %get3A_1331 : i32 to index
      %get3A_1333 = arith.index_cast %scan3A_1330 : i32 to index
      %get3A_1334 = arith.constant 0 : index
      %get3A_1335 = tpu.vector_load %arg9[%get3A_1332, %get3A_1333, %get3A_1334] {strides = array<i32>} : memref<2x128x128xf32, #tpu.memory_space<vmem>>, vector<1x1x16xf32>,
      %get3A_1336 = vector.shape_cast %get3A_1335 : vector<1x1x16xf32> to vector<16xf32>
      %get3A_1337 = arith.constant 1 : i32
      %get3A_1338 = arith.index_cast %get3A_1337 : i32 to index
      %get3A_1339 = arith.index_cast %scan3A_1330 : i32 to index
      %get3A_1340 = arith.constant 0 : index
      %get3A_1341 = tpu.vector_load %arg10[%get3A_1338, %get3A_1339, %get3A_1340] {strides = array<i32>} : memref<2x128x128xf32, #tpu.memory_space<vmem>>, vector<1x1x16xf32>,
      %get3A_1342 = vector.shape_cast %get3A_1341 : vector<1x1x16xf32> to vector<16xf32>
      %add3A_1343 = arith.addf %get3A_1336, %get3A_1342 : vector<16xf32>
      %broadcast_in_dim3A = arith.constant 0.000000e+00 : f32
      %broadcast_in_dim3A_1344 = vector.broadcast %broadcast_in_dim3A : f32 to vector<16xf32>
      %max3A = arith.maximumf %add3A_1343, %broadcast_in_dim3A_1344 : vector<16xf32>
      %swap3A_1345 = arith.constant 1 : i32
      %swap3A_1346 = arith.index_cast %swap3A_1345 : i32 to index
      %swap3A_1347 = arith.index_cast %scan3A_1330 : i32 to index
      %swap3A_1348 = arith.constant 0 : index
      %swap3A_1349 = tpu.vector_load %arg11[%swap3A_1346, %swap3A_1347, %swap3A_1348] {strides = array<i32>} : memref<2x128x128xf32, #tpu.memory_space<vmem>>, vector<1x1x16xf32>,
      %swap3A_1350 = vector.shape_cast %swap3A_1349 : vector<1x1x16xf32> to vector<16xf32>
      %swap3A_1351 = vector.shape_cast %max3A : vector<16xf32> to vector<1x1x16xf32>
      tpu.vector_store %arg11[%swap3A_1346, %swap3A_1347, %swap3A_1348], %swap3A_1351 {strides = array<i32>} : memref<2x128x128xf32, #tpu.memory_space<vmem>>, vector<1x1x16xf32>,
      %get3A_1352 = arith.constant 1 : i32
      %get3A_1353 = arith.index_cast %get3A_1352 : i32 to index
      %get3A_1354 = arith.index_cast %scan3A_1330 : i32 to index
      %get3A_1355 = arith.constant 16 : index
      %get3A_1356 = tpu.vector_load %arg9[%get3A_1353, %get3A_1354, %get3A_1355] {strides = array<i32>} : memref<2x128x128xf32, #tpu.memory_space<vmem>>, vector<1x1x16xf32>,
      %get3A_1357 = vector.shape_cast %get3A_1356 : vector<1x1x16xf32> to vector<16xf32>
      %get3A_1358 = arith.constant 1 : i32
      %get3A_1359 = arith.index_cast %get3A_1358 : i32 to index
      %get3A_1360 = arith.index_cast %scan3A_1330 : i32 to index
      %get3A_1361 = arith.constant 16 : index
      %get3A_1362 = tpu.vector_load %arg10[%get3A_1359, %get3A_1360, %get3A_1361] {strides = array<i32>} : memref<2x128x128xf32, #tpu.memory_space<vmem>>, vector<1x1x16xf32>,
      %get3A_1363 = vector.shape_cast %get3A_1362 : vector<1x1x16xf32> to vector<16xf32>
      %add3A_1364 = arith.addf %get3A_1357, %get3A_1363 : vector<16xf32>
      %broadcast_in_dim3A_1365 = arith.constant 0.000000e+00 : f32
      %broadcast_in_dim3A_1366 = vector.broadcast %broadcast_in_dim3A_1365 : f32 to vector<16xf32>
      %max3A_1367 = arith.maximumf %add3A_1364, %broadcast_in_dim3A_1366 : vector<16xf32>
      %swap3A_1368 = arith.constant 1 : i32
      %swap3A_1369 = arith.index_cast %swap3A_1368 : i32 to index
      %swap3A_1370 = arith.index_cast %scan3A_1330 : i32 to index
      %swap3A_1371 = arith.constant 16 : index
      %swap3A_1372 = tpu.vector_load %arg11[%swap3A_1369, %swap3A_1370, %swap3A_1371] {strides = array<i32>} : memref<2x128x128xf32, #tpu.memory_space<vmem>>, vector<1x1x16xf32>,
      %swap3A_1373 = vector.shape_cast %swap3A_1372 : vector<1x1x16xf32> to vector<16xf32>
      %swap3A_1374 = vector.shape_cast %max3A_1367 : vector<16xf32> to vector<1x1x16xf32>
      tpu.vector_store %arg11[%swap3A_1369, %swap3A_1370, %swap3A_1371], %swap3A_1374 {strides = array<i32>} : memref<2x128x128xf32, #tpu.memory_space<vmem>>, vector<1x1x16xf32>,
      %get3A_1375 = arith.constant 1 : i32
      %get3A_1376 = arith.index_cast %get3A_1375 : i32 to index
      %get3A_1377 = arith.index_cast %scan3A_1330 : i32 to index
      %get3A_1378 = arith.constant 32 : index
      %get3A_1379 = tpu.vector_load %arg9[%get3A_1376, %get3A_1377, %get3A_1378] {strides = array<i32>} : memref<2x128x128xf32, #tpu.memory_space<vmem>>, vector<1x1x16xf32>,
      %get3A_1380 = vector.shape_cast %get3A_1379 : vector<1x1x16xf32> to vector<16xf32>
      %get3A_1381 = arith.constant 1 : i32
      %get3A_1382 = arith.index_cast %get3A_1381 : i32 to index
      %get3A_1383 = arith.index_cast %scan3A_1330 : i32 to index
      %get3A_1384 = arith.constant 32 : index
      %get3A_1385 = tpu.vector_load %arg10[%get3A_1382, %get3A_1383, %get3A_1384] {strides = array<i32>} : memref<2x128x128xf32, #tpu.memory_space<vmem>>, vector<1x1x16xf32>,
      %get3A_1386 = vector.shape_cast %get3A_1385 : vector<1x1x16xf32> to vector<16xf32>
      %add3A_1387 = arith.addf %get3A_1380, %get3A_1386 : vector<16xf32>
      %broadcast_in_dim3A_1388 = arith.constant 0.000000e+00 : f32
      %broadcast_in_dim3A_1389 = vector.broadcast %broadcast_in_dim3A_1388 : f32 to vector<16xf32>
      %max3A_1390 = arith.maximumf %add3A_1387, %broadcast_in_dim3A_1389 : vector<16xf32>
      %swap3A_1391 = arith.constant 1 : i32
      %swap3A_1392 = arith.index_cast %swap3A_1391 : i32 to index
      %swap3A_1393 = arith.index_cast %scan3A_1330 : i32 to index
      %swap3A_1394 = arith.constant 32 : index
      %swap3A_1395 = tpu.vector_load %arg11[%swap3A_1392, %swap3A_1393, %swap3A_1394] {strides = array<i32>} : memref<2x128x128xf32, #tpu.memory_space<vmem>>, vector<1x1x16xf32>,
      %swap3A_1396 = vector.shape_cast %swap3A_1395 : vector<1x1x16xf32> to vector<16xf32>
      %swap3A_1397 = vector.shape_cast %max3A_1390 : vector<16xf32> to vector<1x1x16xf32>
      tpu.vector_store %arg11[%swap3A_1392, %swap3A_1393, %swap3A_1394], %swap3A_1397 {strides = array<i32>} : memref<2x128x128xf32, #tpu.memory_space<vmem>>, vector<1x1x16xf32>,
      %get3A_1398 = arith.constant 1 : i32
      %get3A_1399 = arith.index_cast %get3A_1398 : i32 to index
      %get3A_1400 = arith.index_cast %scan3A_1330 : i32 to index
      %get3A_1401 = arith.constant 48 : index
      %get3A_1402 = tpu.vector_load %arg9[%get3A_1399, %get3A_1400, %get3A_1401] {strides = array<i32>} : memref<2x128x128xf32, #tpu.memory_space<vmem>>, vector<1x1x16xf32>,
      %get3A_1403 = vector.shape_cast %get3A_1402 : vector<1x1x16xf32> to vector<16xf32>
      %get3A_1404 = arith.constant 1 : i32
      %get3A_1405 = arith.index_cast %get3A_1404 : i32 to index
      %get3A_1406 = arith.index_cast %scan3A_1330 : i32 to index
      %get3A_1407 = arith.constant 48 : index
      %get3A_1408 = tpu.vector_load %arg10[%get3A_1405, %get3A_1406, %get3A_1407] {strides = array<i32>} : memref<2x128x128xf32, #tpu.memory_space<vmem>>, vector<1x1x16xf32>,
      %get3A_1409 = vector.shape_cast %get3A_1408 : vector<1x1x16xf32> to vector<16xf32>
      %add3A_1410 = arith.addf %get3A_1403, %get3A_1409 : vector<16xf32>
      %broadcast_in_dim3A_1411 = arith.constant 0.000000e+00 : f32
      %broadcast_in_dim3A_1412 = vector.broadcast %broadcast_in_dim3A_1411 : f32 to vector<16xf32>
      %max3A_1413 = arith.maximumf %add3A_1410, %broadcast_in_dim3A_1412 : vector<16xf32>
      %swap3A_1414 = arith.constant 1 : i32
      %swap3A_1415 = arith.index_cast %swap3A_1414 : i32 to index
      %swap3A_1416 = arith.index_cast %scan3A_1330 : i32 to index
      %swap3A_1417 = arith.constant 48 : index
      %swap3A_1418 = tpu.vector_load %arg11[%swap3A_1415, %swap3A_1416, %swap3A_1417] {strides = array<i32>} : memref<2x128x128xf32, #tpu.memory_space<vmem>>, vector<1x1x16xf32>,
      %swap3A_1419 = vector.shape_cast %swap3A_1418 : vector<1x1x16xf32> to vector<16xf32>
      %swap3A_1420 = vector.shape_cast %max3A_1413 : vector<16xf32> to vector<1x1x16xf32>
      tpu.vector_store %arg11[%swap3A_1415, %swap3A_1416, %swap3A_1417], %swap3A_1420 {strides = array<i32>} : memref<2x128x128xf32, #tpu.memory_space<vmem>>, vector<1x1x16xf32>,
      %get3A_1421 = arith.constant 1 : i32
      %get3A_1422 = arith.index_cast %get3A_1421 : i32 to index
      %get3A_1423 = arith.index_cast %scan3A_1330 : i32 to index
      %get3A_1424 = arith.constant 64 : index
      %get3A_1425 = tpu.vector_load %arg9[%get3A_1422, %get3A_1423, %get3A_1424] {strides = array<i32>} : memref<2x128x128xf32, #tpu.memory_space<vmem>>, vector<1x1x16xf32>,
      %get3A_1426 = vector.shape_cast %get3A_1425 : vector<1x1x16xf32> to vector<16xf32>
      %get3A_1427 = arith.constant 1 : i32
      %get3A_1428 = arith.index_cast %get3A_1427 : i32 to index
      %get3A_1429 = arith.index_cast %scan3A_1330 : i32 to index
      %get3A_1430 = arith.constant 64 : index
      %get3A_1431 = tpu.vector_load %arg10[%get3A_1428, %get3A_1429, %get3A_1430] {strides = array<i32>} : memref<2x128x128xf32, #tpu.memory_space<vmem>>, vector<1x1x16xf32>,
      %get3A_1432 = vector.shape_cast %get3A_1431 : vector<1x1x16xf32> to vector<16xf32>
      %add3A_1433 = arith.addf %get3A_1426, %get3A_1432 : vector<16xf32>
      %broadcast_in_dim3A_1434 = arith.constant 0.000000e+00 : f32
      %broadcast_in_dim3A_1435 = vector.broadcast %broadcast_in_dim3A_1434 : f32 to vector<16xf32>
      %max3A_1436 = arith.maximumf %add3A_1433, %broadcast_in_dim3A_1435 : vector<16xf32>
      %swap3A_1437 = arith.constant 1 : i32
      %swap3A_1438 = arith.index_cast %swap3A_1437 : i32 to index
      %swap3A_1439 = arith.index_cast %scan3A_1330 : i32 to index
      %swap3A_1440 = arith.constant 64 : index
      %swap3A_1441 = tpu.vector_load %arg11[%swap3A_1438, %swap3A_1439, %swap3A_1440] {strides = array<i32>} : memref<2x128x128xf32, #tpu.memory_space<vmem>>, vector<1x1x16xf32>,
      %swap3A_1442 = vector.shape_cast %swap3A_1441 : vector<1x1x16xf32> to vector<16xf32>
      %swap3A_1443 = vector.shape_cast %max3A_1436 : vector<16xf32> to vector<1x1x16xf32>
      tpu.vector_store %arg11[%swap3A_1438, %swap3A_1439, %swap3A_1440], %swap3A_1443 {strides = array<i32>} : memref<2x128x128xf32, #tpu.memory_space<vmem>>, vector<1x1x16xf32>,
      %get3A_1444 = arith.constant 1 : i32
      %get3A_1445 = arith.index_cast %get3A_1444 : i32 to index
      %get3A_1446 = arith.index_cast %scan3A_1330 : i32 to index
      %get3A_1447 = arith.constant 80 : index
      %get3A_1448 = tpu.vector_load %arg9[%get3A_1445, %get3A_1446, %get3A_1447] {strides = array<i32>} : memref<2x128x128xf32, #tpu.memory_space<vmem>>, vector<1x1x16xf32>,
      %get3A_1449 = vector.shape_cast %get3A_1448 : vector<1x1x16xf32> to vector<16xf32>
      %get3A_1450 = arith.constant 1 : i32
      %get3A_1451 = arith.index_cast %get3A_1450 : i32 to index
      %get3A_1452 = arith.index_cast %scan3A_1330 : i32 to index
      %get3A_1453 = arith.constant 80 : index
      %get3A_1454 = tpu.vector_load %arg10[%get3A_1451, %get3A_1452, %get3A_1453] {strides = array<i32>} : memref<2x128x128xf32, #tpu.memory_space<vmem>>, vector<1x1x16xf32>,
      %get3A_1455 = vector.shape_cast %get3A_1454 : vector<1x1x16xf32> to vector<16xf32>
      %add3A_1456 = arith.addf %get3A_1449, %get3A_1455 : vector<16xf32>
      %broadcast_in_dim3A_1457 = arith.constant 0.000000e+00 : f32
      %broadcast_in_dim3A_1458 = vector.broadcast %broadcast_in_dim3A_1457 : f32 to vector<16xf32>
      %max3A_1459 = arith.maximumf %add3A_1456, %broadcast_in_dim3A_1458 : vector<16xf32>
      %swap3A_1460 = arith.constant 1 : i32
      %swap3A_1461 = arith.index_cast %swap3A_1460 : i32 to index
      %swap3A_1462 = arith.index_cast %scan3A_1330 : i32 to index
      %swap3A_1463 = arith.constant 80 : index
      %swap3A_1464 = tpu.vector_load %arg11[%swap3A_1461, %swap3A_1462, %swap3A_1463] {strides = array<i32>} : memref<2x128x128xf32, #tpu.memory_space<vmem>>, vector<1x1x16xf32>,
      %swap3A_1465 = vector.shape_cast %swap3A_1464 : vector<1x1x16xf32> to vector<16xf32>
      %swap3A_1466 = vector.shape_cast %max3A_1459 : vector<16xf32> to vector<1x1x16xf32>
      tpu.vector_store %arg11[%swap3A_1461, %swap3A_1462, %swap3A_1463], %swap3A_1466 {strides = array<i32>} : memref<2x128x128xf32, #tpu.memory_space<vmem>>, vector<1x1x16xf32>,
      %get3A_1467 = arith.constant 1 : i32
      %get3A_1468 = arith.index_cast %get3A_1467 : i32 to index
      %get3A_1469 = arith.index_cast %scan3A_1330 : i32 to index
      %get3A_1470 = arith.constant 96 : index
      %get3A_1471 = tpu.vector_load %arg9[%get3A_1468, %get3A_1469, %get3A_1470] {strides = array<i32>} : memref<2x128x128xf32, #tpu.memory_space<vmem>>, vector<1x1x16xf32>,
      %get3A_1472 = vector.shape_cast %get3A_1471 : vector<1x1x16xf32> to vector<16xf32>
      %get3A_1473 = arith.constant 1 : i32
      %get3A_1474 = arith.index_cast %get3A_1473 : i32 to index
      %get3A_1475 = arith.index_cast %scan3A_1330 : i32 to index
      %get3A_1476 = arith.constant 96 : index
      %get3A_1477 = tpu.vector_load %arg10[%get3A_1474, %get3A_1475, %get3A_1476] {strides = array<i32>} : memref<2x128x128xf32, #tpu.memory_space<vmem>>, vector<1x1x16xf32>,
      %get3A_1478 = vector.shape_cast %get3A_1477 : vector<1x1x16xf32> to vector<16xf32>
      %add3A_1479 = arith.addf %get3A_1472, %get3A_1478 : vector<16xf32>
      %broadcast_in_dim3A_1480 = arith.constant 0.000000e+00 : f32
      %broadcast_in_dim3A_1481 = vector.broadcast %broadcast_in_dim3A_1480 : f32 to vector<16xf32>
      %max3A_1482 = arith.maximumf %add3A_1479, %broadcast_in_dim3A_1481 : vector<16xf32>
      %swap3A_1483 = arith.constant 1 : i32
      %swap3A_1484 = arith.index_cast %swap3A_1483 : i32 to index
      %swap3A_1485 = arith.index_cast %scan3A_1330 : i32 to index
      %swap3A_1486 = arith.constant 96 : index
      %swap3A_1487 = tpu.vector_load %arg11[%swap3A_1484, %swap3A_1485, %swap3A_1486] {strides = array<i32>} : memref<2x128x128xf32, #tpu.memory_space<vmem>>, vector<1x1x16xf32>,
      %swap3A_1488 = vector.shape_cast %swap3A_1487 : vector<1x1x16xf32> to vector<16xf32>
      %swap3A_1489 = vector.shape_cast %max3A_1482 : vector<16xf32> to vector<1x1x16xf32>
      tpu.vector_store %arg11[%swap3A_1484, %swap3A_1485, %swap3A_1486], %swap3A_1489 {strides = array<i32>} : memref<2x128x128xf32, #tpu.memory_space<vmem>>, vector<1x1x16xf32>,
      %get3A_1490 = arith.constant 1 : i32
      %get3A_1491 = arith.index_cast %get3A_1490 : i32 to index
      %get3A_1492 = arith.index_cast %scan3A_1330 : i32 to index
      %get3A_1493 = arith.constant 112 : index
      %get3A_1494 = tpu.vector_load %arg9[%get3A_1491, %get3A_1492, %get3A_1493] {strides = array<i32>} : memref<2x128x128xf32, #tpu.memory_space<vmem>>, vector<1x1x16xf32>,
      %get3A_1495 = vector.shape_cast %get3A_1494 : vector<1x1x16xf32> to vector<16xf32>
      %get3A_1496 = arith.constant 1 : i32
      %get3A_1497 = arith.index_cast %get3A_1496 : i32 to index
      %get3A_1498 = arith.index_cast %scan3A_1330 : i32 to index
      %get3A_1499 = arith.constant 112 : index
      %get3A_1500 = tpu.vector_load %arg10[%get3A_1497, %get3A_1498, %get3A_1499] {strides = array<i32>} : memref<2x128x128xf32, #tpu.memory_space<vmem>>, vector<1x1x16xf32>,
      %get3A_1501 = vector.shape_cast %get3A_1500 : vector<1x1x16xf32> to vector<16xf32>
      %add3A_1502 = arith.addf %get3A_1495, %get3A_1501 : vector<16xf32>
      %broadcast_in_dim3A_1503 = arith.constant 0.000000e+00 : f32
      %broadcast_in_dim3A_1504 = vector.broadcast %broadcast_in_dim3A_1503 : f32 to vector<16xf32>
      %max3A_1505 = arith.maximumf %add3A_1502, %broadcast_in_dim3A_1504 : vector<16xf32>
      %swap3A_1506 = arith.constant 1 : i32
      %swap3A_1507 = arith.index_cast %swap3A_1506 : i32 to index
      %swap3A_1508 = arith.index_cast %scan3A_1330 : i32 to index
      %swap3A_1509 = arith.constant 112 : index
      %swap3A_1510 = tpu.vector_load %arg11[%swap3A_1507, %swap3A_1508, %swap3A_1509] {strides = array<i32>} : memref<2x128x128xf32, #tpu.memory_space<vmem>>, vector<1x1x16xf32>,
      %swap3A_1511 = vector.shape_cast %swap3A_1510 : vector<1x1x16xf32> to vector<16xf32>
      %swap3A_1512 = vector.shape_cast %max3A_1505 : vector<16xf32> to vector<1x1x16xf32>
      tpu.vector_store %arg11[%swap3A_1507, %swap3A_1508, %swap3A_1509], %swap3A_1512 {strides = array<i32>} : memref<2x128x128xf32, #tpu.memory_space<vmem>>, vector<1x1x16xf32>,
    }
    %scan3A_937 = arith.constant 128 : i32
    %add3A_938 = arith.constant 384 : i32
    %add3A_939 = arith.addi %mul3A_2, %add3A_938 : i32
    %dma_start3A_940 = arith.constant 1 : i32
    %dma_start3A_941 = arith.constant 1 : i32
    %dma_start3A_942 = arith.constant 0 : i32
    %dma_start3A_943 = arith.constant 0 : i32
    %dma_start3A_944 = tpu.memref_slice %arg11[%dma_start3A_940, %dma_start3A_942, %dma_start3A_943] : memref<2x128x128xf32, #tpu.memory_space<vmem>> -> memref<1x128x128xf32, #tpu.memory_space<vmem>>
    %dma_start3A_945 = tpu.memref_squeeze %dma_start3A_944 : memref<1x128x128xf32, #tpu.memory_space<vmem>> -> memref<128x128xf32, #tpu.memory_space<vmem>>
    %dma_start3A_946 = arith.constant 0 : i32
    %dma_start3A_947 = tpu.memref_slice %arg6[%add3A_939, %dma_start3A_946] : memref<32768x128xf32, #tpu.memory_space<hbm>> -> memref<128x128xf32, #tpu.memory_space<hbm>>
    %dma_start3A_948 = tpu.memref_slice %arg15[%dma_start3A_941] : memref<2x!tpu.dma_semaphore, #tpu.memory_space<semaphore_mem>> -> memref<1x!tpu.dma_semaphore, #tpu.memory_space<semaphore_mem>>
    %dma_start3A_949 = tpu.memref_squeeze %dma_start3A_948 : memref<1x!tpu.dma_semaphore, #tpu.memory_space<semaphore_mem>> -> memref<!tpu.dma_semaphore, #tpu.memory_space<semaphore_mem>>
    %dma_start3A_950 = arith.constant 0 : i32
    %dma_start3A_951 = tpu.memref_slice %arg6[%add3A_939, %dma_start3A_950] : memref<32768x128xf32, #tpu.memory_space<hbm>> -> memref<128x128xf32, #tpu.memory_space<hbm>>
    %dma_start3A_952 = arith.constant 0 : i32
    %dma_start3A_953 = arith.constant 0 : i32
    %dma_start3A_954 = tpu.memref_slice %arg11[%dma_start3A_940, %dma_start3A_952, %dma_start3A_953] : memref<2x128x128xf32, #tpu.memory_space<vmem>> -> memref<1x128x128xf32, #tpu.memory_space<vmem>>
    %dma_start3A_955 = tpu.memref_squeeze %dma_start3A_954 : memref<1x128x128xf32, #tpu.memory_space<vmem>> -> memref<128x128xf32, #tpu.memory_space<vmem>>
    tpu.enqueue_dma source(%dma_start3A_955 : memref<128x128xf32, #tpu.memory_space<vmem>>) target(%dma_start3A_951 : memref<128x128xf32, #tpu.memory_space<hbm>>) target_semaphore(%dma_start3A_949 : memref<!tpu.dma_semaphore, #tpu.memory_space<semaphore_mem>>)
    %dma_start3A_956 = arith.constant 1 : i32
    %dma_start3A_957 = arith.constant 1 : i32
    %dma_start3A_958 = arith.constant 0 : i32
    %dma_start3A_959 = arith.constant 0 : i32
    %dma_start3A_960 = tpu.memref_slice %arg9[%dma_start3A_956, %dma_start3A_958, %dma_start3A_959] : memref<2x128x128xf32, #tpu.memory_space<vmem>> -> memref<1x128x128xf32, #tpu.memory_space<vmem>>
    %dma_start3A_961 = tpu.memref_squeeze %dma_start3A_960 : memref<1x128x128xf32, #tpu.memory_space<vmem>> -> memref<128x128xf32, #tpu.memory_space<vmem>>
    %dma_start3A_962 = arith.constant 640 : i32
    %dma_start3A_963 = tpu.memref_slice %arg7[%dma_start3A_962] : memref<1024xi32, #tpu.memory_space<vmem>> -> memref<128xi32, #tpu.memory_space<vmem>>
    %dma_start3A_964 = arith.constant 0 : i32
    %dma_start3A_965 = arith.constant 0 : i32
    %dma_start3A_966 = tpu.memref_slice %arg4[%dma_start3A_964, %dma_start3A_965] : memref<32768x128xf32, #tpu.memory_space<hbm>> -> memref<32768x128xf32, #tpu.memory_space<hbm>>
    %dma_start3A_967 = tpu.memref_slice %arg13[%dma_start3A_957] : memref<2x!tpu.dma_semaphore, #tpu.memory_space<semaphore_mem>> -> memref<1x!tpu.dma_semaphore, #tpu.memory_space<semaphore_mem>>
    %dma_start3A_968 = tpu.memref_squeeze %dma_start3A_967 : memref<1x!tpu.dma_semaphore, #tpu.memory_space<semaphore_mem>> -> memref<!tpu.dma_semaphore, #tpu.memory_space<semaphore_mem>>
    tpu.enqueue_indirect_dma source(%dma_start3A_966 : memref<32768x128xf32, #tpu.memory_space<hbm>>) target(%dma_start3A_961 : memref<128x128xf32, #tpu.memory_space<vmem>>) offsets(%dma_start3A_963 : memref<128xi32, #tpu.memory_space<vmem>>) semaphore(%dma_start3A_968 : memref<!tpu.dma_semaphore, #tpu.memory_space<semaphore_mem>>)
    %dma_start3A_969 = arith.constant 1 : i32
    %dma_start3A_970 = arith.constant 1 : i32
    %dma_start3A_971 = arith.constant 0 : i32
    %dma_start3A_972 = arith.constant 0 : i32
    %dma_start3A_973 = tpu.memref_slice %arg10[%dma_start3A_969, %dma_start3A_971, %dma_start3A_972] : memref<2x128x128xf32, #tpu.memory_space<vmem>> -> memref<1x128x128xf32, #tpu.memory_space<vmem>>
    %dma_start3A_974 = tpu.memref_squeeze %dma_start3A_973 : memref<1x128x128xf32, #tpu.memory_space<vmem>> -> memref<128x128xf32, #tpu.memory_space<vmem>>
    %dma_start3A_975 = arith.constant 640 : i32
    %dma_start3A_976 = tpu.memref_slice %arg8[%dma_start3A_975] : memref<1024xi32, #tpu.memory_space<vmem>> -> memref<128xi32, #tpu.memory_space<vmem>>
    %dma_start3A_977 = arith.constant 0 : i32
    %dma_start3A_978 = arith.constant 0 : i32
    %dma_start3A_979 = tpu.memref_slice %arg12[%dma_start3A_977, %dma_start3A_978] : memref<1000x128xf32, #tpu.memory_space<vmem_shared>> -> memref<1000x128xf32, #tpu.memory_space<vmem_shared>>
    %dma_start3A_980 = tpu.memref_slice %arg14[%dma_start3A_970] : memref<2x!tpu.dma_semaphore, #tpu.memory_space<semaphore_mem>> -> memref<1x!tpu.dma_semaphore, #tpu.memory_space<semaphore_mem>>
    %dma_start3A_981 = tpu.memref_squeeze %dma_start3A_980 : memref<1x!tpu.dma_semaphore, #tpu.memory_space<semaphore_mem>> -> memref<!tpu.dma_semaphore, #tpu.memory_space<semaphore_mem>>
    tpu.enqueue_indirect_dma source(%dma_start3A_979 : memref<1000x128xf32, #tpu.memory_space<vmem_shared>>) target(%dma_start3A_974 : memref<128x128xf32, #tpu.memory_space<vmem>>) offsets(%dma_start3A_976 : memref<128xi32, #tpu.memory_space<vmem>>) semaphore(%dma_start3A_981 : memref<!tpu.dma_semaphore, #tpu.memory_space<semaphore_mem>>)
    %dma_wait3A_982 = arith.constant 0 : i32
    %dma_wait3A_983 = arith.constant 0 : i32
    %dma_wait3A_984 = arith.constant 0 : i32
    %dma_wait3A_985 = arith.constant 0 : i32
    %dma_wait3A_986 = tpu.memref_slice %arg9[%dma_wait3A_982, %dma_wait3A_984, %dma_wait3A_985] : memref<2x128x128xf32, #tpu.memory_space<vmem>> -> memref<1x128x128xf32, #tpu.memory_space<vmem>>
    %dma_wait3A_987 = tpu.memref_squeeze %dma_wait3A_986 : memref<1x128x128xf32, #tpu.memory_space<vmem>> -> memref<128x128xf32, #tpu.memory_space<vmem>>
    %dma_wait3A_988 = arith.constant 512 : i32
    %dma_wait3A_989 = tpu.memref_slice %arg7[%dma_wait3A_988] : memref<1024xi32, #tpu.memory_space<vmem>> -> memref<128xi32, #tpu.memory_space<vmem>>
    %dma_wait3A_990 = arith.constant 0 : i32
    %dma_wait3A_991 = arith.constant 0 : i32
    %dma_wait3A_992 = tpu.memref_slice %arg4[%dma_wait3A_990, %dma_wait3A_991] : memref<32768x128xf32, #tpu.memory_space<hbm>> -> memref<32768x128xf32, #tpu.memory_space<hbm>>
    %dma_wait3A_993 = tpu.memref_slice %arg13[%dma_wait3A_983] : memref<2x!tpu.dma_semaphore, #tpu.memory_space<semaphore_mem>> -> memref<1x!tpu.dma_semaphore, #tpu.memory_space<semaphore_mem>>
    %dma_wait3A_994 = tpu.memref_squeeze %dma_wait3A_993 : memref<1x!tpu.dma_semaphore, #tpu.memory_space<semaphore_mem>> -> memref<!tpu.dma_semaphore, #tpu.memory_space<semaphore_mem>>
    tpu.wait_indirect_dma semaphore(%dma_wait3A_994 : memref<!tpu.dma_semaphore, #tpu.memory_space<semaphore_mem>>) src(%dma_wait3A_992 : memref<32768x128xf32, #tpu.memory_space<hbm>>) dst(%dma_wait3A_987 : memref<128x128xf32, #tpu.memory_space<vmem>>)
    %dma_wait3A_995 = arith.constant 0 : i32
    %dma_wait3A_996 = arith.constant 0 : i32
    %dma_wait3A_997 = arith.constant 0 : i32
    %dma_wait3A_998 = arith.constant 0 : i32
    %dma_wait3A_999 = tpu.memref_slice %arg10[%dma_wait3A_995, %dma_wait3A_997, %dma_wait3A_998] : memref<2x128x128xf32, #tpu.memory_space<vmem>> -> memref<1x128x128xf32, #tpu.memory_space<vmem>>
    %dma_wait3A_1000 = tpu.memref_squeeze %dma_wait3A_999 : memref<1x128x128xf32, #tpu.memory_space<vmem>> -> memref<128x128xf32, #tpu.memory_space<vmem>>
    %dma_wait3A_1001 = arith.constant 512 : i32
    %dma_wait3A_1002 = tpu.memref_slice %arg8[%dma_wait3A_1001] : memref<1024xi32, #tpu.memory_space<vmem>> -> memref<128xi32, #tpu.memory_space<vmem>>
    %dma_wait3A_1003 = arith.constant 0 : i32
    %dma_wait3A_1004 = arith.constant 0 : i32
    %dma_wait3A_1005 = tpu.memref_slice %arg12[%dma_wait3A_1003, %dma_wait3A_1004] : memref<1000x128xf32, #tpu.memory_space<vmem_shared>> -> memref<1000x128xf32, #tpu.memory_space<vmem_shared>>
    %dma_wait3A_1006 = tpu.memref_slice %arg14[%dma_wait3A_996] : memref<2x!tpu.dma_semaphore, #tpu.memory_space<semaphore_mem>> -> memref<1x!tpu.dma_semaphore, #tpu.memory_space<semaphore_mem>>
    %dma_wait3A_1007 = tpu.memref_squeeze %dma_wait3A_1006 : memref<1x!tpu.dma_semaphore, #tpu.memory_space<semaphore_mem>> -> memref<!tpu.dma_semaphore, #tpu.memory_space<semaphore_mem>>
    tpu.wait_indirect_dma semaphore(%dma_wait3A_1007 : memref<!tpu.dma_semaphore, #tpu.memory_space<semaphore_mem>>) src(%dma_wait3A_1005 : memref<1000x128xf32, #tpu.memory_space<vmem_shared>>) dst(%dma_wait3A_1000 : memref<128x128xf32, #tpu.memory_space<vmem>>)
    %dma_wait3A_1008 = arith.constant 0 : i32
    %dma_wait3A_1009 = arith.constant 0 : i32
    %dma_wait3A_1010 = arith.constant 0 : i32
    %dma_wait3A_1011 = arith.constant 0 : i32
    %dma_wait3A_1012 = tpu.memref_slice %arg11[%dma_wait3A_1008, %dma_wait3A_1010, %dma_wait3A_1011] : memref<2x128x128xf32, #tpu.memory_space<vmem>> -> memref<1x128x128xf32, #tpu.memory_space<vmem>>
    %dma_wait3A_1013 = tpu.memref_squeeze %dma_wait3A_1012 : memref<1x128x128xf32, #tpu.memory_space<vmem>> -> memref<128x128xf32, #tpu.memory_space<vmem>>
    %dma_wait3A_1014 = arith.constant 0 : i32
    %dma_wait3A_1015 = tpu.memref_slice %arg6[%add3A_847, %dma_wait3A_1014] : memref<32768x128xf32, #tpu.memory_space<hbm>> -> memref<128x128xf32, #tpu.memory_space<hbm>>
    %dma_wait3A_1016 = tpu.memref_slice %arg15[%dma_wait3A_1009] : memref<2x!tpu.dma_semaphore, #tpu.memory_space<semaphore_mem>> -> memref<1x!tpu.dma_semaphore, #tpu.memory_space<semaphore_mem>>
    %dma_wait3A_1017 = tpu.memref_squeeze %dma_wait3A_1016 : memref<1x!tpu.dma_semaphore, #tpu.memory_space<semaphore_mem>> -> memref<!tpu.dma_semaphore, #tpu.memory_space<semaphore_mem>>
    %dma_wait3A_1018 = arith.constant 0 : i32
    %dma_wait3A_1019 = tpu.memref_slice %arg6[%add3A_847, %dma_wait3A_1018] : memref<32768x128xf32, #tpu.memory_space<hbm>> -> memref<128x128xf32, #tpu.memory_space<hbm>>
    %dma_wait3A_1020 = arith.constant 0 : i32
    %dma_wait3A_1021 = arith.constant 0 : i32
    %dma_wait3A_1022 = tpu.memref_slice %arg11[%dma_wait3A_1008, %dma_wait3A_1020, %dma_wait3A_1021] : memref<2x128x128xf32, #tpu.memory_space<vmem>> -> memref<1x128x128xf32, #tpu.memory_space<vmem>>
    %dma_wait3A_1023 = tpu.memref_squeeze %dma_wait3A_1022 : memref<1x128x128xf32, #tpu.memory_space<vmem>> -> memref<128x128xf32, #tpu.memory_space<vmem>>
    tpu.wait_dma2 semaphore(%dma_wait3A_1017 : memref<!tpu.dma_semaphore, #tpu.memory_space<semaphore_mem>>) src(%dma_wait3A_1023 : memref<128x128xf32, #tpu.memory_space<vmem>>) dst(%dma_wait3A_1019 : memref<128x128xf32, #tpu.memory_space<hbm>>)
    %scan3A_1024 = arith.constant 0 : i32
    %scan3A_1025 = arith.constant 0 : i32
    %scan3A_1026 = arith.constant 128 : i32
    %scan3A_1027 = arith.addi %scan3A_1025, %scan3A_1026 : i32
    %scan3A_1028 = arith.constant 1 : i32
    scf.for %scan3A_1330 = %scan3A_1025 to %scan3A_1027 step %scan3A_1028  : i32 {
      %get3A_1331 = arith.constant 0 : i32
      %get3A_1332 = arith.index_cast %get3A_1331 : i32 to index
      %get3A_1333 = arith.index_cast %scan3A_1330 : i32 to index
      %get3A_1334 = arith.constant 0 : index
      %get3A_1335 = tpu.vector_load %arg9[%get3A_1332, %get3A_1333, %get3A_1334] {strides = array<i32>} : memref<2x128x128xf32, #tpu.memory_space<vmem>>, vector<1x1x16xf32>,
      %get3A_1336 = vector.shape_cast %get3A_1335 : vector<1x1x16xf32> to vector<16xf32>
      %get3A_1337 = arith.constant 0 : i32
      %get3A_1338 = arith.index_cast %get3A_1337 : i32 to index
      %get3A_1339 = arith.index_cast %scan3A_1330 : i32 to index
      %get3A_1340 = arith.constant 0 : index
      %get3A_1341 = tpu.vector_load %arg10[%get3A_1338, %get3A_1339, %get3A_1340] {strides = array<i32>} : memref<2x128x128xf32, #tpu.memory_space<vmem>>, vector<1x1x16xf32>,
      %get3A_1342 = vector.shape_cast %get3A_1341 : vector<1x1x16xf32> to vector<16xf32>
      %add3A_1343 = arith.addf %get3A_1336, %get3A_1342 : vector<16xf32>
      %broadcast_in_dim3A = arith.constant 0.000000e+00 : f32
      %broadcast_in_dim3A_1344 = vector.broadcast %broadcast_in_dim3A : f32 to vector<16xf32>
      %max3A = arith.maximumf %add3A_1343, %broadcast_in_dim3A_1344 : vector<16xf32>
      %swap3A_1345 = arith.constant 0 : i32
      %swap3A_1346 = arith.index_cast %swap3A_1345 : i32 to index
      %swap3A_1347 = arith.index_cast %scan3A_1330 : i32 to index
      %swap3A_1348 = arith.constant 0 : index
      %swap3A_1349 = tpu.vector_load %arg11[%swap3A_1346, %swap3A_1347, %swap3A_1348] {strides = array<i32>} : memref<2x128x128xf32, #tpu.memory_space<vmem>>, vector<1x1x16xf32>,
      %swap3A_1350 = vector.shape_cast %swap3A_1349 : vector<1x1x16xf32> to vector<16xf32>
      %swap3A_1351 = vector.shape_cast %max3A : vector<16xf32> to vector<1x1x16xf32>
      tpu.vector_store %arg11[%swap3A_1346, %swap3A_1347, %swap3A_1348], %swap3A_1351 {strides = array<i32>} : memref<2x128x128xf32, #tpu.memory_space<vmem>>, vector<1x1x16xf32>,
      %get3A_1352 = arith.constant 0 : i32
      %get3A_1353 = arith.index_cast %get3A_1352 : i32 to index
      %get3A_1354 = arith.index_cast %scan3A_1330 : i32 to index
      %get3A_1355 = arith.constant 16 : index
      %get3A_1356 = tpu.vector_load %arg9[%get3A_1353, %get3A_1354, %get3A_1355] {strides = array<i32>} : memref<2x128x128xf32, #tpu.memory_space<vmem>>, vector<1x1x16xf32>,
      %get3A_1357 = vector.shape_cast %get3A_1356 : vector<1x1x16xf32> to vector<16xf32>
      %get3A_1358 = arith.constant 0 : i32
      %get3A_1359 = arith.index_cast %get3A_1358 : i32 to index
      %get3A_1360 = arith.index_cast %scan3A_1330 : i32 to index
      %get3A_1361 = arith.constant 16 : index
      %get3A_1362 = tpu.vector_load %arg10[%get3A_1359, %get3A_1360, %get3A_1361] {strides = array<i32>} : memref<2x128x128xf32, #tpu.memory_space<vmem>>, vector<1x1x16xf32>,
      %get3A_1363 = vector.shape_cast %get3A_1362 : vector<1x1x16xf32> to vector<16xf32>
      %add3A_1364 = arith.addf %get3A_1357, %get3A_1363 : vector<16xf32>
      %broadcast_in_dim3A_1365 = arith.constant 0.000000e+00 : f32
      %broadcast_in_dim3A_1366 = vector.broadcast %broadcast_in_dim3A_1365 : f32 to vector<16xf32>
      %max3A_1367 = arith.maximumf %add3A_1364, %broadcast_in_dim3A_1366 : vector<16xf32>
      %swap3A_1368 = arith.constant 0 : i32
      %swap3A_1369 = arith.index_cast %swap3A_1368 : i32 to index
      %swap3A_1370 = arith.index_cast %scan3A_1330 : i32 to index
      %swap3A_1371 = arith.constant 16 : index
      %swap3A_1372 = tpu.vector_load %arg11[%swap3A_1369, %swap3A_1370, %swap3A_1371] {strides = array<i32>} : memref<2x128x128xf32, #tpu.memory_space<vmem>>, vector<1x1x16xf32>,
      %swap3A_1373 = vector.shape_cast %swap3A_1372 : vector<1x1x16xf32> to vector<16xf32>
      %swap3A_1374 = vector.shape_cast %max3A_1367 : vector<16xf32> to vector<1x1x16xf32>
      tpu.vector_store %arg11[%swap3A_1369, %swap3A_1370, %swap3A_1371], %swap3A_1374 {strides = array<i32>} : memref<2x128x128xf32, #tpu.memory_space<vmem>>, vector<1x1x16xf32>,
      %get3A_1375 = arith.constant 0 : i32
      %get3A_1376 = arith.index_cast %get3A_1375 : i32 to index
      %get3A_1377 = arith.index_cast %scan3A_1330 : i32 to index
      %get3A_1378 = arith.constant 32 : index
      %get3A_1379 = tpu.vector_load %arg9[%get3A_1376, %get3A_1377, %get3A_1378] {strides = array<i32>} : memref<2x128x128xf32, #tpu.memory_space<vmem>>, vector<1x1x16xf32>,
      %get3A_1380 = vector.shape_cast %get3A_1379 : vector<1x1x16xf32> to vector<16xf32>
      %get3A_1381 = arith.constant 0 : i32
      %get3A_1382 = arith.index_cast %get3A_1381 : i32 to index
      %get3A_1383 = arith.index_cast %scan3A_1330 : i32 to index
      %get3A_1384 = arith.constant 32 : index
      %get3A_1385 = tpu.vector_load %arg10[%get3A_1382, %get3A_1383, %get3A_1384] {strides = array<i32>} : memref<2x128x128xf32, #tpu.memory_space<vmem>>, vector<1x1x16xf32>,
      %get3A_1386 = vector.shape_cast %get3A_1385 : vector<1x1x16xf32> to vector<16xf32>
      %add3A_1387 = arith.addf %get3A_1380, %get3A_1386 : vector<16xf32>
      %broadcast_in_dim3A_1388 = arith.constant 0.000000e+00 : f32
      %broadcast_in_dim3A_1389 = vector.broadcast %broadcast_in_dim3A_1388 : f32 to vector<16xf32>
      %max3A_1390 = arith.maximumf %add3A_1387, %broadcast_in_dim3A_1389 : vector<16xf32>
      %swap3A_1391 = arith.constant 0 : i32
      %swap3A_1392 = arith.index_cast %swap3A_1391 : i32 to index
      %swap3A_1393 = arith.index_cast %scan3A_1330 : i32 to index
      %swap3A_1394 = arith.constant 32 : index
      %swap3A_1395 = tpu.vector_load %arg11[%swap3A_1392, %swap3A_1393, %swap3A_1394] {strides = array<i32>} : memref<2x128x128xf32, #tpu.memory_space<vmem>>, vector<1x1x16xf32>,
      %swap3A_1396 = vector.shape_cast %swap3A_1395 : vector<1x1x16xf32> to vector<16xf32>
      %swap3A_1397 = vector.shape_cast %max3A_1390 : vector<16xf32> to vector<1x1x16xf32>
      tpu.vector_store %arg11[%swap3A_1392, %swap3A_1393, %swap3A_1394], %swap3A_1397 {strides = array<i32>} : memref<2x128x128xf32, #tpu.memory_space<vmem>>, vector<1x1x16xf32>,
      %get3A_1398 = arith.constant 0 : i32
      %get3A_1399 = arith.index_cast %get3A_1398 : i32 to index
      %get3A_1400 = arith.index_cast %scan3A_1330 : i32 to index
      %get3A_1401 = arith.constant 48 : index
      %get3A_1402 = tpu.vector_load %arg9[%get3A_1399, %get3A_1400, %get3A_1401] {strides = array<i32>} : memref<2x128x128xf32, #tpu.memory_space<vmem>>, vector<1x1x16xf32>,
      %get3A_1403 = vector.shape_cast %get3A_1402 : vector<1x1x16xf32> to vector<16xf32>
      %get3A_1404 = arith.constant 0 : i32
      %get3A_1405 = arith.index_cast %get3A_1404 : i32 to index
      %get3A_1406 = arith.index_cast %scan3A_1330 : i32 to index
      %get3A_1407 = arith.constant 48 : index
      %get3A_1408 = tpu.vector_load %arg10[%get3A_1405, %get3A_1406, %get3A_1407] {strides = array<i32>} : memref<2x128x128xf32, #tpu.memory_space<vmem>>, vector<1x1x16xf32>,
      %get3A_1409 = vector.shape_cast %get3A_1408 : vector<1x1x16xf32> to vector<16xf32>
      %add3A_1410 = arith.addf %get3A_1403, %get3A_1409 : vector<16xf32>
      %broadcast_in_dim3A_1411 = arith.constant 0.000000e+00 : f32
      %broadcast_in_dim3A_1412 = vector.broadcast %broadcast_in_dim3A_1411 : f32 to vector<16xf32>
      %max3A_1413 = arith.maximumf %add3A_1410, %broadcast_in_dim3A_1412 : vector<16xf32>
      %swap3A_1414 = arith.constant 0 : i32
      %swap3A_1415 = arith.index_cast %swap3A_1414 : i32 to index
      %swap3A_1416 = arith.index_cast %scan3A_1330 : i32 to index
      %swap3A_1417 = arith.constant 48 : index
      %swap3A_1418 = tpu.vector_load %arg11[%swap3A_1415, %swap3A_1416, %swap3A_1417] {strides = array<i32>} : memref<2x128x128xf32, #tpu.memory_space<vmem>>, vector<1x1x16xf32>,
      %swap3A_1419 = vector.shape_cast %swap3A_1418 : vector<1x1x16xf32> to vector<16xf32>
      %swap3A_1420 = vector.shape_cast %max3A_1413 : vector<16xf32> to vector<1x1x16xf32>
      tpu.vector_store %arg11[%swap3A_1415, %swap3A_1416, %swap3A_1417], %swap3A_1420 {strides = array<i32>} : memref<2x128x128xf32, #tpu.memory_space<vmem>>, vector<1x1x16xf32>,
      %get3A_1421 = arith.constant 0 : i32
      %get3A_1422 = arith.index_cast %get3A_1421 : i32 to index
      %get3A_1423 = arith.index_cast %scan3A_1330 : i32 to index
      %get3A_1424 = arith.constant 64 : index
      %get3A_1425 = tpu.vector_load %arg9[%get3A_1422, %get3A_1423, %get3A_1424] {strides = array<i32>} : memref<2x128x128xf32, #tpu.memory_space<vmem>>, vector<1x1x16xf32>,
      %get3A_1426 = vector.shape_cast %get3A_1425 : vector<1x1x16xf32> to vector<16xf32>
      %get3A_1427 = arith.constant 0 : i32
      %get3A_1428 = arith.index_cast %get3A_1427 : i32 to index
      %get3A_1429 = arith.index_cast %scan3A_1330 : i32 to index
      %get3A_1430 = arith.constant 64 : index
      %get3A_1431 = tpu.vector_load %arg10[%get3A_1428, %get3A_1429, %get3A_1430] {strides = array<i32>} : memref<2x128x128xf32, #tpu.memory_space<vmem>>, vector<1x1x16xf32>,
      %get3A_1432 = vector.shape_cast %get3A_1431 : vector<1x1x16xf32> to vector<16xf32>
      %add3A_1433 = arith.addf %get3A_1426, %get3A_1432 : vector<16xf32>
      %broadcast_in_dim3A_1434 = arith.constant 0.000000e+00 : f32
      %broadcast_in_dim3A_1435 = vector.broadcast %broadcast_in_dim3A_1434 : f32 to vector<16xf32>
      %max3A_1436 = arith.maximumf %add3A_1433, %broadcast_in_dim3A_1435 : vector<16xf32>
      %swap3A_1437 = arith.constant 0 : i32
      %swap3A_1438 = arith.index_cast %swap3A_1437 : i32 to index
      %swap3A_1439 = arith.index_cast %scan3A_1330 : i32 to index
      %swap3A_1440 = arith.constant 64 : index
      %swap3A_1441 = tpu.vector_load %arg11[%swap3A_1438, %swap3A_1439, %swap3A_1440] {strides = array<i32>} : memref<2x128x128xf32, #tpu.memory_space<vmem>>, vector<1x1x16xf32>,
      %swap3A_1442 = vector.shape_cast %swap3A_1441 : vector<1x1x16xf32> to vector<16xf32>
      %swap3A_1443 = vector.shape_cast %max3A_1436 : vector<16xf32> to vector<1x1x16xf32>
      tpu.vector_store %arg11[%swap3A_1438, %swap3A_1439, %swap3A_1440], %swap3A_1443 {strides = array<i32>} : memref<2x128x128xf32, #tpu.memory_space<vmem>>, vector<1x1x16xf32>,
      %get3A_1444 = arith.constant 0 : i32
      %get3A_1445 = arith.index_cast %get3A_1444 : i32 to index
      %get3A_1446 = arith.index_cast %scan3A_1330 : i32 to index
      %get3A_1447 = arith.constant 80 : index
      %get3A_1448 = tpu.vector_load %arg9[%get3A_1445, %get3A_1446, %get3A_1447] {strides = array<i32>} : memref<2x128x128xf32, #tpu.memory_space<vmem>>, vector<1x1x16xf32>,
      %get3A_1449 = vector.shape_cast %get3A_1448 : vector<1x1x16xf32> to vector<16xf32>
      %get3A_1450 = arith.constant 0 : i32
      %get3A_1451 = arith.index_cast %get3A_1450 : i32 to index
      %get3A_1452 = arith.index_cast %scan3A_1330 : i32 to index
      %get3A_1453 = arith.constant 80 : index
      %get3A_1454 = tpu.vector_load %arg10[%get3A_1451, %get3A_1452, %get3A_1453] {strides = array<i32>} : memref<2x128x128xf32, #tpu.memory_space<vmem>>, vector<1x1x16xf32>,
      %get3A_1455 = vector.shape_cast %get3A_1454 : vector<1x1x16xf32> to vector<16xf32>
      %add3A_1456 = arith.addf %get3A_1449, %get3A_1455 : vector<16xf32>
      %broadcast_in_dim3A_1457 = arith.constant 0.000000e+00 : f32
      %broadcast_in_dim3A_1458 = vector.broadcast %broadcast_in_dim3A_1457 : f32 to vector<16xf32>
      %max3A_1459 = arith.maximumf %add3A_1456, %broadcast_in_dim3A_1458 : vector<16xf32>
      %swap3A_1460 = arith.constant 0 : i32
      %swap3A_1461 = arith.index_cast %swap3A_1460 : i32 to index
      %swap3A_1462 = arith.index_cast %scan3A_1330 : i32 to index
      %swap3A_1463 = arith.constant 80 : index
      %swap3A_1464 = tpu.vector_load %arg11[%swap3A_1461, %swap3A_1462, %swap3A_1463] {strides = array<i32>} : memref<2x128x128xf32, #tpu.memory_space<vmem>>, vector<1x1x16xf32>,
      %swap3A_1465 = vector.shape_cast %swap3A_1464 : vector<1x1x16xf32> to vector<16xf32>
      %swap3A_1466 = vector.shape_cast %max3A_1459 : vector<16xf32> to vector<1x1x16xf32>
      tpu.vector_store %arg11[%swap3A_1461, %swap3A_1462, %swap3A_1463], %swap3A_1466 {strides = array<i32>} : memref<2x128x128xf32, #tpu.memory_space<vmem>>, vector<1x1x16xf32>,
      %get3A_1467 = arith.constant 0 : i32
      %get3A_1468 = arith.index_cast %get3A_1467 : i32 to index
      %get3A_1469 = arith.index_cast %scan3A_1330 : i32 to index
      %get3A_1470 = arith.constant 96 : index
      %get3A_1471 = tpu.vector_load %arg9[%get3A_1468, %get3A_1469, %get3A_1470] {strides = array<i32>} : memref<2x128x128xf32, #tpu.memory_space<vmem>>, vector<1x1x16xf32>,
      %get3A_1472 = vector.shape_cast %get3A_1471 : vector<1x1x16xf32> to vector<16xf32>
      %get3A_1473 = arith.constant 0 : i32
      %get3A_1474 = arith.index_cast %get3A_1473 : i32 to index
      %get3A_1475 = arith.index_cast %scan3A_1330 : i32 to index
      %get3A_1476 = arith.constant 96 : index
      %get3A_1477 = tpu.vector_load %arg10[%get3A_1474, %get3A_1475, %get3A_1476] {strides = array<i32>} : memref<2x128x128xf32, #tpu.memory_space<vmem>>, vector<1x1x16xf32>,
      %get3A_1478 = vector.shape_cast %get3A_1477 : vector<1x1x16xf32> to vector<16xf32>
      %add3A_1479 = arith.addf %get3A_1472, %get3A_1478 : vector<16xf32>
      %broadcast_in_dim3A_1480 = arith.constant 0.000000e+00 : f32
      %broadcast_in_dim3A_1481 = vector.broadcast %broadcast_in_dim3A_1480 : f32 to vector<16xf32>
      %max3A_1482 = arith.maximumf %add3A_1479, %broadcast_in_dim3A_1481 : vector<16xf32>
      %swap3A_1483 = arith.constant 0 : i32
      %swap3A_1484 = arith.index_cast %swap3A_1483 : i32 to index
      %swap3A_1485 = arith.index_cast %scan3A_1330 : i32 to index
      %swap3A_1486 = arith.constant 96 : index
      %swap3A_1487 = tpu.vector_load %arg11[%swap3A_1484, %swap3A_1485, %swap3A_1486] {strides = array<i32>} : memref<2x128x128xf32, #tpu.memory_space<vmem>>, vector<1x1x16xf32>,
      %swap3A_1488 = vector.shape_cast %swap3A_1487 : vector<1x1x16xf32> to vector<16xf32>
      %swap3A_1489 = vector.shape_cast %max3A_1482 : vector<16xf32> to vector<1x1x16xf32>
      tpu.vector_store %arg11[%swap3A_1484, %swap3A_1485, %swap3A_1486], %swap3A_1489 {strides = array<i32>} : memref<2x128x128xf32, #tpu.memory_space<vmem>>, vector<1x1x16xf32>,
      %get3A_1490 = arith.constant 0 : i32
      %get3A_1491 = arith.index_cast %get3A_1490 : i32 to index
      %get3A_1492 = arith.index_cast %scan3A_1330 : i32 to index
      %get3A_1493 = arith.constant 112 : index
      %get3A_1494 = tpu.vector_load %arg9[%get3A_1491, %get3A_1492, %get3A_1493] {strides = array<i32>} : memref<2x128x128xf32, #tpu.memory_space<vmem>>, vector<1x1x16xf32>,
      %get3A_1495 = vector.shape_cast %get3A_1494 : vector<1x1x16xf32> to vector<16xf32>
      %get3A_1496 = arith.constant 0 : i32
      %get3A_1497 = arith.index_cast %get3A_1496 : i32 to index
      %get3A_1498 = arith.index_cast %scan3A_1330 : i32 to index
      %get3A_1499 = arith.constant 112 : index
      %get3A_1500 = tpu.vector_load %arg10[%get3A_1497, %get3A_1498, %get3A_1499] {strides = array<i32>} : memref<2x128x128xf32, #tpu.memory_space<vmem>>, vector<1x1x16xf32>,
      %get3A_1501 = vector.shape_cast %get3A_1500 : vector<1x1x16xf32> to vector<16xf32>
      %add3A_1502 = arith.addf %get3A_1495, %get3A_1501 : vector<16xf32>
      %broadcast_in_dim3A_1503 = arith.constant 0.000000e+00 : f32
      %broadcast_in_dim3A_1504 = vector.broadcast %broadcast_in_dim3A_1503 : f32 to vector<16xf32>
      %max3A_1505 = arith.maximumf %add3A_1502, %broadcast_in_dim3A_1504 : vector<16xf32>
      %swap3A_1506 = arith.constant 0 : i32
      %swap3A_1507 = arith.index_cast %swap3A_1506 : i32 to index
      %swap3A_1508 = arith.index_cast %scan3A_1330 : i32 to index
      %swap3A_1509 = arith.constant 112 : index
      %swap3A_1510 = tpu.vector_load %arg11[%swap3A_1507, %swap3A_1508, %swap3A_1509] {strides = array<i32>} : memref<2x128x128xf32, #tpu.memory_space<vmem>>, vector<1x1x16xf32>,
      %swap3A_1511 = vector.shape_cast %swap3A_1510 : vector<1x1x16xf32> to vector<16xf32>
      %swap3A_1512 = vector.shape_cast %max3A_1505 : vector<16xf32> to vector<1x1x16xf32>
      tpu.vector_store %arg11[%swap3A_1507, %swap3A_1508, %swap3A_1509], %swap3A_1512 {strides = array<i32>} : memref<2x128x128xf32, #tpu.memory_space<vmem>>, vector<1x1x16xf32>,
    }
    %scan3A_1029 = arith.constant 128 : i32
    %add3A_1030 = arith.constant 512 : i32
    %add3A_1031 = arith.addi %mul3A_2, %add3A_1030 : i32
    %dma_start3A_1032 = arith.constant 0 : i32
    %dma_start3A_1033 = arith.constant 0 : i32
    %dma_start3A_1034 = arith.constant 0 : i32
    %dma_start3A_1035 = arith.constant 0 : i32
    %dma_start3A_1036 = tpu.memref_slice %arg11[%dma_start3A_1032, %dma_start3A_1034, %dma_start3A_1035] : memref<2x128x128xf32, #tpu.memory_space<vmem>> -> memref<1x128x128xf32, #tpu.memory_space<vmem>>
    %dma_start3A_1037 = tpu.memref_squeeze %dma_start3A_1036 : memref<1x128x128xf32, #tpu.memory_space<vmem>> -> memref<128x128xf32, #tpu.memory_space<vmem>>
    %dma_start3A_1038 = arith.constant 0 : i32
    %dma_start3A_1039 = tpu.memref_slice %arg6[%add3A_1031, %dma_start3A_1038] : memref<32768x128xf32, #tpu.memory_space<hbm>> -> memref<128x128xf32, #tpu.memory_space<hbm>>
    %dma_start3A_1040 = tpu.memref_slice %arg15[%dma_start3A_1033] : memref<2x!tpu.dma_semaphore, #tpu.memory_space<semaphore_mem>> -> memref<1x!tpu.dma_semaphore, #tpu.memory_space<semaphore_mem>>
    %dma_start3A_1041 = tpu.memref_squeeze %dma_start3A_1040 : memref<1x!tpu.dma_semaphore, #tpu.memory_space<semaphore_mem>> -> memref<!tpu.dma_semaphore, #tpu.memory_space<semaphore_mem>>
    %dma_start3A_1042 = arith.constant 0 : i32
    %dma_start3A_1043 = tpu.memref_slice %arg6[%add3A_1031, %dma_start3A_1042] : memref<32768x128xf32, #tpu.memory_space<hbm>> -> memref<128x128xf32, #tpu.memory_space<hbm>>
    %dma_start3A_1044 = arith.constant 0 : i32
    %dma_start3A_1045 = arith.constant 0 : i32
    %dma_start3A_1046 = tpu.memref_slice %arg11[%dma_start3A_1032, %dma_start3A_1044, %dma_start3A_1045] : memref<2x128x128xf32, #tpu.memory_space<vmem>> -> memref<1x128x128xf32, #tpu.memory_space<vmem>>
    %dma_start3A_1047 = tpu.memref_squeeze %dma_start3A_1046 : memref<1x128x128xf32, #tpu.memory_space<vmem>> -> memref<128x128xf32, #tpu.memory_space<vmem>>
    tpu.enqueue_dma source(%dma_start3A_1047 : memref<128x128xf32, #tpu.memory_space<vmem>>) target(%dma_start3A_1043 : memref<128x128xf32, #tpu.memory_space<hbm>>) target_semaphore(%dma_start3A_1041 : memref<!tpu.dma_semaphore, #tpu.memory_space<semaphore_mem>>)
    %dma_start3A_1048 = arith.constant 0 : i32
    %dma_start3A_1049 = arith.constant 0 : i32
    %dma_start3A_1050 = arith.constant 0 : i32
    %dma_start3A_1051 = arith.constant 0 : i32
    %dma_start3A_1052 = tpu.memref_slice %arg9[%dma_start3A_1048, %dma_start3A_1050, %dma_start3A_1051] : memref<2x128x128xf32, #tpu.memory_space<vmem>> -> memref<1x128x128xf32, #tpu.memory_space<vmem>>
    %dma_start3A_1053 = tpu.memref_squeeze %dma_start3A_1052 : memref<1x128x128xf32, #tpu.memory_space<vmem>> -> memref<128x128xf32, #tpu.memory_space<vmem>>
    %dma_start3A_1054 = arith.constant 768 : i32
    %dma_start3A_1055 = tpu.memref_slice %arg7[%dma_start3A_1054] : memref<1024xi32, #tpu.memory_space<vmem>> -> memref<128xi32, #tpu.memory_space<vmem>>
    %dma_start3A_1056 = arith.constant 0 : i32
    %dma_start3A_1057 = arith.constant 0 : i32
    %dma_start3A_1058 = tpu.memref_slice %arg4[%dma_start3A_1056, %dma_start3A_1057] : memref<32768x128xf32, #tpu.memory_space<hbm>> -> memref<32768x128xf32, #tpu.memory_space<hbm>>
    %dma_start3A_1059 = tpu.memref_slice %arg13[%dma_start3A_1049] : memref<2x!tpu.dma_semaphore, #tpu.memory_space<semaphore_mem>> -> memref<1x!tpu.dma_semaphore, #tpu.memory_space<semaphore_mem>>
    %dma_start3A_1060 = tpu.memref_squeeze %dma_start3A_1059 : memref<1x!tpu.dma_semaphore, #tpu.memory_space<semaphore_mem>> -> memref<!tpu.dma_semaphore, #tpu.memory_space<semaphore_mem>>
    tpu.enqueue_indirect_dma source(%dma_start3A_1058 : memref<32768x128xf32, #tpu.memory_space<hbm>>) target(%dma_start3A_1053 : memref<128x128xf32, #tpu.memory_space<vmem>>) offsets(%dma_start3A_1055 : memref<128xi32, #tpu.memory_space<vmem>>) semaphore(%dma_start3A_1060 : memref<!tpu.dma_semaphore, #tpu.memory_space<semaphore_mem>>)
    %dma_start3A_1061 = arith.constant 0 : i32
    %dma_start3A_1062 = arith.constant 0 : i32
    %dma_start3A_1063 = arith.constant 0 : i32
    %dma_start3A_1064 = arith.constant 0 : i32
    %dma_start3A_1065 = tpu.memref_slice %arg10[%dma_start3A_1061, %dma_start3A_1063, %dma_start3A_1064] : memref<2x128x128xf32, #tpu.memory_space<vmem>> -> memref<1x128x128xf32, #tpu.memory_space<vmem>>
    %dma_start3A_1066 = tpu.memref_squeeze %dma_start3A_1065 : memref<1x128x128xf32, #tpu.memory_space<vmem>> -> memref<128x128xf32, #tpu.memory_space<vmem>>
    %dma_start3A_1067 = arith.constant 768 : i32
    %dma_start3A_1068 = tpu.memref_slice %arg8[%dma_start3A_1067] : memref<1024xi32, #tpu.memory_space<vmem>> -> memref<128xi32, #tpu.memory_space<vmem>>
    %dma_start3A_1069 = arith.constant 0 : i32
    %dma_start3A_1070 = arith.constant 0 : i32
    %dma_start3A_1071 = tpu.memref_slice %arg12[%dma_start3A_1069, %dma_start3A_1070] : memref<1000x128xf32, #tpu.memory_space<vmem_shared>> -> memref<1000x128xf32, #tpu.memory_space<vmem_shared>>
    %dma_start3A_1072 = tpu.memref_slice %arg14[%dma_start3A_1062] : memref<2x!tpu.dma_semaphore, #tpu.memory_space<semaphore_mem>> -> memref<1x!tpu.dma_semaphore, #tpu.memory_space<semaphore_mem>>
    %dma_start3A_1073 = tpu.memref_squeeze %dma_start3A_1072 : memref<1x!tpu.dma_semaphore, #tpu.memory_space<semaphore_mem>> -> memref<!tpu.dma_semaphore, #tpu.memory_space<semaphore_mem>>
    tpu.enqueue_indirect_dma source(%dma_start3A_1071 : memref<1000x128xf32, #tpu.memory_space<vmem_shared>>) target(%dma_start3A_1066 : memref<128x128xf32, #tpu.memory_space<vmem>>) offsets(%dma_start3A_1068 : memref<128xi32, #tpu.memory_space<vmem>>) semaphore(%dma_start3A_1073 : memref<!tpu.dma_semaphore, #tpu.memory_space<semaphore_mem>>)
    %dma_wait3A_1074 = arith.constant 1 : i32
    %dma_wait3A_1075 = arith.constant 1 : i32
    %dma_wait3A_1076 = arith.constant 0 : i32
    %dma_wait3A_1077 = arith.constant 0 : i32
    %dma_wait3A_1078 = tpu.memref_slice %arg9[%dma_wait3A_1074, %dma_wait3A_1076, %dma_wait3A_1077] : memref<2x128x128xf32, #tpu.memory_space<vmem>> -> memref<1x128x128xf32, #tpu.memory_space<vmem>>
    %dma_wait3A_1079 = tpu.memref_squeeze %dma_wait3A_1078 : memref<1x128x128xf32, #tpu.memory_space<vmem>> -> memref<128x128xf32, #tpu.memory_space<vmem>>
    %dma_wait3A_1080 = arith.constant 640 : i32
    %dma_wait3A_1081 = tpu.memref_slice %arg7[%dma_wait3A_1080] : memref<1024xi32, #tpu.memory_space<vmem>> -> memref<128xi32, #tpu.memory_space<vmem>>
    %dma_wait3A_1082 = arith.constant 0 : i32
    %dma_wait3A_1083 = arith.constant 0 : i32
    %dma_wait3A_1084 = tpu.memref_slice %arg4[%dma_wait3A_1082, %dma_wait3A_1083] : memref<32768x128xf32, #tpu.memory_space<hbm>> -> memref<32768x128xf32, #tpu.memory_space<hbm>>
    %dma_wait3A_1085 = tpu.memref_slice %arg13[%dma_wait3A_1075] : memref<2x!tpu.dma_semaphore, #tpu.memory_space<semaphore_mem>> -> memref<1x!tpu.dma_semaphore, #tpu.memory_space<semaphore_mem>>
    %dma_wait3A_1086 = tpu.memref_squeeze %dma_wait3A_1085 : memref<1x!tpu.dma_semaphore, #tpu.memory_space<semaphore_mem>> -> memref<!tpu.dma_semaphore, #tpu.memory_space<semaphore_mem>>
    tpu.wait_indirect_dma semaphore(%dma_wait3A_1086 : memref<!tpu.dma_semaphore, #tpu.memory_space<semaphore_mem>>) src(%dma_wait3A_1084 : memref<32768x128xf32, #tpu.memory_space<hbm>>) dst(%dma_wait3A_1079 : memref<128x128xf32, #tpu.memory_space<vmem>>)
    %dma_wait3A_1087 = arith.constant 1 : i32
    %dma_wait3A_1088 = arith.constant 1 : i32
    %dma_wait3A_1089 = arith.constant 0 : i32
    %dma_wait3A_1090 = arith.constant 0 : i32
    %dma_wait3A_1091 = tpu.memref_slice %arg10[%dma_wait3A_1087, %dma_wait3A_1089, %dma_wait3A_1090] : memref<2x128x128xf32, #tpu.memory_space<vmem>> -> memref<1x128x128xf32, #tpu.memory_space<vmem>>
    %dma_wait3A_1092 = tpu.memref_squeeze %dma_wait3A_1091 : memref<1x128x128xf32, #tpu.memory_space<vmem>> -> memref<128x128xf32, #tpu.memory_space<vmem>>
    %dma_wait3A_1093 = arith.constant 640 : i32
    %dma_wait3A_1094 = tpu.memref_slice %arg8[%dma_wait3A_1093] : memref<1024xi32, #tpu.memory_space<vmem>> -> memref<128xi32, #tpu.memory_space<vmem>>
    %dma_wait3A_1095 = arith.constant 0 : i32
    %dma_wait3A_1096 = arith.constant 0 : i32
    %dma_wait3A_1097 = tpu.memref_slice %arg12[%dma_wait3A_1095, %dma_wait3A_1096] : memref<1000x128xf32, #tpu.memory_space<vmem_shared>> -> memref<1000x128xf32, #tpu.memory_space<vmem_shared>>
    %dma_wait3A_1098 = tpu.memref_slice %arg14[%dma_wait3A_1088] : memref<2x!tpu.dma_semaphore, #tpu.memory_space<semaphore_mem>> -> memref<1x!tpu.dma_semaphore, #tpu.memory_space<semaphore_mem>>
    %dma_wait3A_1099 = tpu.memref_squeeze %dma_wait3A_1098 : memref<1x!tpu.dma_semaphore, #tpu.memory_space<semaphore_mem>> -> memref<!tpu.dma_semaphore, #tpu.memory_space<semaphore_mem>>
    tpu.wait_indirect_dma semaphore(%dma_wait3A_1099 : memref<!tpu.dma_semaphore, #tpu.memory_space<semaphore_mem>>) src(%dma_wait3A_1097 : memref<1000x128xf32, #tpu.memory_space<vmem_shared>>) dst(%dma_wait3A_1092 : memref<128x128xf32, #tpu.memory_space<vmem>>)
    %dma_wait3A_1100 = arith.constant 1 : i32
    %dma_wait3A_1101 = arith.constant 1 : i32
    %dma_wait3A_1102 = arith.constant 0 : i32
    %dma_wait3A_1103 = arith.constant 0 : i32
    %dma_wait3A_1104 = tpu.memref_slice %arg11[%dma_wait3A_1100, %dma_wait3A_1102, %dma_wait3A_1103] : memref<2x128x128xf32, #tpu.memory_space<vmem>> -> memref<1x128x128xf32, #tpu.memory_space<vmem>>
    %dma_wait3A_1105 = tpu.memref_squeeze %dma_wait3A_1104 : memref<1x128x128xf32, #tpu.memory_space<vmem>> -> memref<128x128xf32, #tpu.memory_space<vmem>>
    %dma_wait3A_1106 = arith.constant 0 : i32
    %dma_wait3A_1107 = tpu.memref_slice %arg6[%add3A_939, %dma_wait3A_1106] : memref<32768x128xf32, #tpu.memory_space<hbm>> -> memref<128x128xf32, #tpu.memory_space<hbm>>
    %dma_wait3A_1108 = tpu.memref_slice %arg15[%dma_wait3A_1101] : memref<2x!tpu.dma_semaphore, #tpu.memory_space<semaphore_mem>> -> memref<1x!tpu.dma_semaphore, #tpu.memory_space<semaphore_mem>>
    %dma_wait3A_1109 = tpu.memref_squeeze %dma_wait3A_1108 : memref<1x!tpu.dma_semaphore, #tpu.memory_space<semaphore_mem>> -> memref<!tpu.dma_semaphore, #tpu.memory_space<semaphore_mem>>
    %dma_wait3A_1110 = arith.constant 0 : i32
    %dma_wait3A_1111 = tpu.memref_slice %arg6[%add3A_939, %dma_wait3A_1110] : memref<32768x128xf32, #tpu.memory_space<hbm>> -> memref<128x128xf32, #tpu.memory_space<hbm>>
    %dma_wait3A_1112 = arith.constant 0 : i32
    %dma_wait3A_1113 = arith.constant 0 : i32
    %dma_wait3A_1114 = tpu.memref_slice %arg11[%dma_wait3A_1100, %dma_wait3A_1112, %dma_wait3A_1113] : memref<2x128x128xf32, #tpu.memory_space<vmem>> -> memref<1x128x128xf32, #tpu.memory_space<vmem>>
    %dma_wait3A_1115 = tpu.memref_squeeze %dma_wait3A_1114 : memref<1x128x128xf32, #tpu.memory_space<vmem>> -> memref<128x128xf32, #tpu.memory_space<vmem>>
    tpu.wait_dma2 semaphore(%dma_wait3A_1109 : memref<!tpu.dma_semaphore, #tpu.memory_space<semaphore_mem>>) src(%dma_wait3A_1115 : memref<128x128xf32, #tpu.memory_space<vmem>>) dst(%dma_wait3A_1111 : memref<128x128xf32, #tpu.memory_space<hbm>>)
    %scan3A_1116 = arith.constant 0 : i32
    %scan3A_1117 = arith.constant 0 : i32
    %scan3A_1118 = arith.constant 128 : i32
    %scan3A_1119 = arith.addi %scan3A_1117, %scan3A_1118 : i32
    %scan3A_1120 = arith.constant 1 : i32
    scf.for %scan3A_1330 = %scan3A_1117 to %scan3A_1119 step %scan3A_1120  : i32 {
      %get3A_1331 = arith.constant 1 : i32
      %get3A_1332 = arith.index_cast %get3A_1331 : i32 to index
      %get3A_1333 = arith.index_cast %scan3A_1330 : i32 to index
      %get3A_1334 = arith.constant 0 : index
      %get3A_1335 = tpu.vector_load %arg9[%get3A_1332, %get3A_1333, %get3A_1334] {strides = array<i32>} : memref<2x128x128xf32, #tpu.memory_space<vmem>>, vector<1x1x16xf32>,
      %get3A_1336 = vector.shape_cast %get3A_1335 : vector<1x1x16xf32> to vector<16xf32>
      %get3A_1337 = arith.constant 1 : i32
      %get3A_1338 = arith.index_cast %get3A_1337 : i32 to index
      %get3A_1339 = arith.index_cast %scan3A_1330 : i32 to index
      %get3A_1340 = arith.constant 0 : index
      %get3A_1341 = tpu.vector_load %arg10[%get3A_1338, %get3A_1339, %get3A_1340] {strides = array<i32>} : memref<2x128x128xf32, #tpu.memory_space<vmem>>, vector<1x1x16xf32>,
      %get3A_1342 = vector.shape_cast %get3A_1341 : vector<1x1x16xf32> to vector<16xf32>
      %add3A_1343 = arith.addf %get3A_1336, %get3A_1342 : vector<16xf32>
      %broadcast_in_dim3A = arith.constant 0.000000e+00 : f32
      %broadcast_in_dim3A_1344 = vector.broadcast %broadcast_in_dim3A : f32 to vector<16xf32>
      %max3A = arith.maximumf %add3A_1343, %broadcast_in_dim3A_1344 : vector<16xf32>
      %swap3A_1345 = arith.constant 1 : i32
      %swap3A_1346 = arith.index_cast %swap3A_1345 : i32 to index
      %swap3A_1347 = arith.index_cast %scan3A_1330 : i32 to index
      %swap3A_1348 = arith.constant 0 : index
      %swap3A_1349 = tpu.vector_load %arg11[%swap3A_1346, %swap3A_1347, %swap3A_1348] {strides = array<i32>} : memref<2x128x128xf32, #tpu.memory_space<vmem>>, vector<1x1x16xf32>,
      %swap3A_1350 = vector.shape_cast %swap3A_1349 : vector<1x1x16xf32> to vector<16xf32>
      %swap3A_1351 = vector.shape_cast %max3A : vector<16xf32> to vector<1x1x16xf32>
      tpu.vector_store %arg11[%swap3A_1346, %swap3A_1347, %swap3A_1348], %swap3A_1351 {strides = array<i32>} : memref<2x128x128xf32, #tpu.memory_space<vmem>>, vector<1x1x16xf32>,
      %get3A_1352 = arith.constant 1 : i32
      %get3A_1353 = arith.index_cast %get3A_1352 : i32 to index
      %get3A_1354 = arith.index_cast %scan3A_1330 : i32 to index
      %get3A_1355 = arith.constant 16 : index
      %get3A_1356 = tpu.vector_load %arg9[%get3A_1353, %get3A_1354, %get3A_1355] {strides = array<i32>} : memref<2x128x128xf32, #tpu.memory_space<vmem>>, vector<1x1x16xf32>,
      %get3A_1357 = vector.shape_cast %get3A_1356 : vector<1x1x16xf32> to vector<16xf32>
      %get3A_1358 = arith.constant 1 : i32
      %get3A_1359 = arith.index_cast %get3A_1358 : i32 to index
      %get3A_1360 = arith.index_cast %scan3A_1330 : i32 to index
      %get3A_1361 = arith.constant 16 : index
      %get3A_1362 = tpu.vector_load %arg10[%get3A_1359, %get3A_1360, %get3A_1361] {strides = array<i32>} : memref<2x128x128xf32, #tpu.memory_space<vmem>>, vector<1x1x16xf32>,
      %get3A_1363 = vector.shape_cast %get3A_1362 : vector<1x1x16xf32> to vector<16xf32>
      %add3A_1364 = arith.addf %get3A_1357, %get3A_1363 : vector<16xf32>
      %broadcast_in_dim3A_1365 = arith.constant 0.000000e+00 : f32
      %broadcast_in_dim3A_1366 = vector.broadcast %broadcast_in_dim3A_1365 : f32 to vector<16xf32>
      %max3A_1367 = arith.maximumf %add3A_1364, %broadcast_in_dim3A_1366 : vector<16xf32>
      %swap3A_1368 = arith.constant 1 : i32
      %swap3A_1369 = arith.index_cast %swap3A_1368 : i32 to index
      %swap3A_1370 = arith.index_cast %scan3A_1330 : i32 to index
      %swap3A_1371 = arith.constant 16 : index
      %swap3A_1372 = tpu.vector_load %arg11[%swap3A_1369, %swap3A_1370, %swap3A_1371] {strides = array<i32>} : memref<2x128x128xf32, #tpu.memory_space<vmem>>, vector<1x1x16xf32>,
      %swap3A_1373 = vector.shape_cast %swap3A_1372 : vector<1x1x16xf32> to vector<16xf32>
      %swap3A_1374 = vector.shape_cast %max3A_1367 : vector<16xf32> to vector<1x1x16xf32>
      tpu.vector_store %arg11[%swap3A_1369, %swap3A_1370, %swap3A_1371], %swap3A_1374 {strides = array<i32>} : memref<2x128x128xf32, #tpu.memory_space<vmem>>, vector<1x1x16xf32>,
      %get3A_1375 = arith.constant 1 : i32
      %get3A_1376 = arith.index_cast %get3A_1375 : i32 to index
      %get3A_1377 = arith.index_cast %scan3A_1330 : i32 to index
      %get3A_1378 = arith.constant 32 : index
      %get3A_1379 = tpu.vector_load %arg9[%get3A_1376, %get3A_1377, %get3A_1378] {strides = array<i32>} : memref<2x128x128xf32, #tpu.memory_space<vmem>>, vector<1x1x16xf32>,
      %get3A_1380 = vector.shape_cast %get3A_1379 : vector<1x1x16xf32> to vector<16xf32>
      %get3A_1381 = arith.constant 1 : i32
      %get3A_1382 = arith.index_cast %get3A_1381 : i32 to index
      %get3A_1383 = arith.index_cast %scan3A_1330 : i32 to index
      %get3A_1384 = arith.constant 32 : index
      %get3A_1385 = tpu.vector_load %arg10[%get3A_1382, %get3A_1383, %get3A_1384] {strides = array<i32>} : memref<2x128x128xf32, #tpu.memory_space<vmem>>, vector<1x1x16xf32>,
      %get3A_1386 = vector.shape_cast %get3A_1385 : vector<1x1x16xf32> to vector<16xf32>
      %add3A_1387 = arith.addf %get3A_1380, %get3A_1386 : vector<16xf32>
      %broadcast_in_dim3A_1388 = arith.constant 0.000000e+00 : f32
      %broadcast_in_dim3A_1389 = vector.broadcast %broadcast_in_dim3A_1388 : f32 to vector<16xf32>
      %max3A_1390 = arith.maximumf %add3A_1387, %broadcast_in_dim3A_1389 : vector<16xf32>
      %swap3A_1391 = arith.constant 1 : i32
      %swap3A_1392 = arith.index_cast %swap3A_1391 : i32 to index
      %swap3A_1393 = arith.index_cast %scan3A_1330 : i32 to index
      %swap3A_1394 = arith.constant 32 : index
      %swap3A_1395 = tpu.vector_load %arg11[%swap3A_1392, %swap3A_1393, %swap3A_1394] {strides = array<i32>} : memref<2x128x128xf32, #tpu.memory_space<vmem>>, vector<1x1x16xf32>,
      %swap3A_1396 = vector.shape_cast %swap3A_1395 : vector<1x1x16xf32> to vector<16xf32>
      %swap3A_1397 = vector.shape_cast %max3A_1390 : vector<16xf32> to vector<1x1x16xf32>
      tpu.vector_store %arg11[%swap3A_1392, %swap3A_1393, %swap3A_1394], %swap3A_1397 {strides = array<i32>} : memref<2x128x128xf32, #tpu.memory_space<vmem>>, vector<1x1x16xf32>,
      %get3A_1398 = arith.constant 1 : i32
      %get3A_1399 = arith.index_cast %get3A_1398 : i32 to index
      %get3A_1400 = arith.index_cast %scan3A_1330 : i32 to index
      %get3A_1401 = arith.constant 48 : index
      %get3A_1402 = tpu.vector_load %arg9[%get3A_1399, %get3A_1400, %get3A_1401] {strides = array<i32>} : memref<2x128x128xf32, #tpu.memory_space<vmem>>, vector<1x1x16xf32>,
      %get3A_1403 = vector.shape_cast %get3A_1402 : vector<1x1x16xf32> to vector<16xf32>
      %get3A_1404 = arith.constant 1 : i32
      %get3A_1405 = arith.index_cast %get3A_1404 : i32 to index
      %get3A_1406 = arith.index_cast %scan3A_1330 : i32 to index
      %get3A_1407 = arith.constant 48 : index
      %get3A_1408 = tpu.vector_load %arg10[%get3A_1405, %get3A_1406, %get3A_1407] {strides = array<i32>} : memref<2x128x128xf32, #tpu.memory_space<vmem>>, vector<1x1x16xf32>,
      %get3A_1409 = vector.shape_cast %get3A_1408 : vector<1x1x16xf32> to vector<16xf32>
      %add3A_1410 = arith.addf %get3A_1403, %get3A_1409 : vector<16xf32>
      %broadcast_in_dim3A_1411 = arith.constant 0.000000e+00 : f32
      %broadcast_in_dim3A_1412 = vector.broadcast %broadcast_in_dim3A_1411 : f32 to vector<16xf32>
      %max3A_1413 = arith.maximumf %add3A_1410, %broadcast_in_dim3A_1412 : vector<16xf32>
      %swap3A_1414 = arith.constant 1 : i32
      %swap3A_1415 = arith.index_cast %swap3A_1414 : i32 to index
      %swap3A_1416 = arith.index_cast %scan3A_1330 : i32 to index
      %swap3A_1417 = arith.constant 48 : index
      %swap3A_1418 = tpu.vector_load %arg11[%swap3A_1415, %swap3A_1416, %swap3A_1417] {strides = array<i32>} : memref<2x128x128xf32, #tpu.memory_space<vmem>>, vector<1x1x16xf32>,
      %swap3A_1419 = vector.shape_cast %swap3A_1418 : vector<1x1x16xf32> to vector<16xf32>
      %swap3A_1420 = vector.shape_cast %max3A_1413 : vector<16xf32> to vector<1x1x16xf32>
      tpu.vector_store %arg11[%swap3A_1415, %swap3A_1416, %swap3A_1417], %swap3A_1420 {strides = array<i32>} : memref<2x128x128xf32, #tpu.memory_space<vmem>>, vector<1x1x16xf32>,
      %get3A_1421 = arith.constant 1 : i32
      %get3A_1422 = arith.index_cast %get3A_1421 : i32 to index
      %get3A_1423 = arith.index_cast %scan3A_1330 : i32 to index
      %get3A_1424 = arith.constant 64 : index
      %get3A_1425 = tpu.vector_load %arg9[%get3A_1422, %get3A_1423, %get3A_1424] {strides = array<i32>} : memref<2x128x128xf32, #tpu.memory_space<vmem>>, vector<1x1x16xf32>,
      %get3A_1426 = vector.shape_cast %get3A_1425 : vector<1x1x16xf32> to vector<16xf32>
      %get3A_1427 = arith.constant 1 : i32
      %get3A_1428 = arith.index_cast %get3A_1427 : i32 to index
      %get3A_1429 = arith.index_cast %scan3A_1330 : i32 to index
      %get3A_1430 = arith.constant 64 : index
      %get3A_1431 = tpu.vector_load %arg10[%get3A_1428, %get3A_1429, %get3A_1430] {strides = array<i32>} : memref<2x128x128xf32, #tpu.memory_space<vmem>>, vector<1x1x16xf32>,
      %get3A_1432 = vector.shape_cast %get3A_1431 : vector<1x1x16xf32> to vector<16xf32>
      %add3A_1433 = arith.addf %get3A_1426, %get3A_1432 : vector<16xf32>
      %broadcast_in_dim3A_1434 = arith.constant 0.000000e+00 : f32
      %broadcast_in_dim3A_1435 = vector.broadcast %broadcast_in_dim3A_1434 : f32 to vector<16xf32>
      %max3A_1436 = arith.maximumf %add3A_1433, %broadcast_in_dim3A_1435 : vector<16xf32>
      %swap3A_1437 = arith.constant 1 : i32
      %swap3A_1438 = arith.index_cast %swap3A_1437 : i32 to index
      %swap3A_1439 = arith.index_cast %scan3A_1330 : i32 to index
      %swap3A_1440 = arith.constant 64 : index
      %swap3A_1441 = tpu.vector_load %arg11[%swap3A_1438, %swap3A_1439, %swap3A_1440] {strides = array<i32>} : memref<2x128x128xf32, #tpu.memory_space<vmem>>, vector<1x1x16xf32>,
      %swap3A_1442 = vector.shape_cast %swap3A_1441 : vector<1x1x16xf32> to vector<16xf32>
      %swap3A_1443 = vector.shape_cast %max3A_1436 : vector<16xf32> to vector<1x1x16xf32>
      tpu.vector_store %arg11[%swap3A_1438, %swap3A_1439, %swap3A_1440], %swap3A_1443 {strides = array<i32>} : memref<2x128x128xf32, #tpu.memory_space<vmem>>, vector<1x1x16xf32>,
      %get3A_1444 = arith.constant 1 : i32
      %get3A_1445 = arith.index_cast %get3A_1444 : i32 to index
      %get3A_1446 = arith.index_cast %scan3A_1330 : i32 to index
      %get3A_1447 = arith.constant 80 : index
      %get3A_1448 = tpu.vector_load %arg9[%get3A_1445, %get3A_1446, %get3A_1447] {strides = array<i32>} : memref<2x128x128xf32, #tpu.memory_space<vmem>>, vector<1x1x16xf32>,
      %get3A_1449 = vector.shape_cast %get3A_1448 : vector<1x1x16xf32> to vector<16xf32>
      %get3A_1450 = arith.constant 1 : i32
      %get3A_1451 = arith.index_cast %get3A_1450 : i32 to index
      %get3A_1452 = arith.index_cast %scan3A_1330 : i32 to index
      %get3A_1453 = arith.constant 80 : index
      %get3A_1454 = tpu.vector_load %arg10[%get3A_1451, %get3A_1452, %get3A_1453] {strides = array<i32>} : memref<2x128x128xf32, #tpu.memory_space<vmem>>, vector<1x1x16xf32>,
      %get3A_1455 = vector.shape_cast %get3A_1454 : vector<1x1x16xf32> to vector<16xf32>
      %add3A_1456 = arith.addf %get3A_1449, %get3A_1455 : vector<16xf32>
      %broadcast_in_dim3A_1457 = arith.constant 0.000000e+00 : f32
      %broadcast_in_dim3A_1458 = vector.broadcast %broadcast_in_dim3A_1457 : f32 to vector<16xf32>
      %max3A_1459 = arith.maximumf %add3A_1456, %broadcast_in_dim3A_1458 : vector<16xf32>
      %swap3A_1460 = arith.constant 1 : i32
      %swap3A_1461 = arith.index_cast %swap3A_1460 : i32 to index
      %swap3A_1462 = arith.index_cast %scan3A_1330 : i32 to index
      %swap3A_1463 = arith.constant 80 : index
      %swap3A_1464 = tpu.vector_load %arg11[%swap3A_1461, %swap3A_1462, %swap3A_1463] {strides = array<i32>} : memref<2x128x128xf32, #tpu.memory_space<vmem>>, vector<1x1x16xf32>,
      %swap3A_1465 = vector.shape_cast %swap3A_1464 : vector<1x1x16xf32> to vector<16xf32>
      %swap3A_1466 = vector.shape_cast %max3A_1459 : vector<16xf32> to vector<1x1x16xf32>
      tpu.vector_store %arg11[%swap3A_1461, %swap3A_1462, %swap3A_1463], %swap3A_1466 {strides = array<i32>} : memref<2x128x128xf32, #tpu.memory_space<vmem>>, vector<1x1x16xf32>,
      %get3A_1467 = arith.constant 1 : i32
      %get3A_1468 = arith.index_cast %get3A_1467 : i32 to index
      %get3A_1469 = arith.index_cast %scan3A_1330 : i32 to index
      %get3A_1470 = arith.constant 96 : index
      %get3A_1471 = tpu.vector_load %arg9[%get3A_1468, %get3A_1469, %get3A_1470] {strides = array<i32>} : memref<2x128x128xf32, #tpu.memory_space<vmem>>, vector<1x1x16xf32>,
      %get3A_1472 = vector.shape_cast %get3A_1471 : vector<1x1x16xf32> to vector<16xf32>
      %get3A_1473 = arith.constant 1 : i32
      %get3A_1474 = arith.index_cast %get3A_1473 : i32 to index
      %get3A_1475 = arith.index_cast %scan3A_1330 : i32 to index
      %get3A_1476 = arith.constant 96 : index
      %get3A_1477 = tpu.vector_load %arg10[%get3A_1474, %get3A_1475, %get3A_1476] {strides = array<i32>} : memref<2x128x128xf32, #tpu.memory_space<vmem>>, vector<1x1x16xf32>,
      %get3A_1478 = vector.shape_cast %get3A_1477 : vector<1x1x16xf32> to vector<16xf32>
      %add3A_1479 = arith.addf %get3A_1472, %get3A_1478 : vector<16xf32>
      %broadcast_in_dim3A_1480 = arith.constant 0.000000e+00 : f32
      %broadcast_in_dim3A_1481 = vector.broadcast %broadcast_in_dim3A_1480 : f32 to vector<16xf32>
      %max3A_1482 = arith.maximumf %add3A_1479, %broadcast_in_dim3A_1481 : vector<16xf32>
      %swap3A_1483 = arith.constant 1 : i32
      %swap3A_1484 = arith.index_cast %swap3A_1483 : i32 to index
      %swap3A_1485 = arith.index_cast %scan3A_1330 : i32 to index
      %swap3A_1486 = arith.constant 96 : index
      %swap3A_1487 = tpu.vector_load %arg11[%swap3A_1484, %swap3A_1485, %swap3A_1486] {strides = array<i32>} : memref<2x128x128xf32, #tpu.memory_space<vmem>>, vector<1x1x16xf32>,
      %swap3A_1488 = vector.shape_cast %swap3A_1487 : vector<1x1x16xf32> to vector<16xf32>
      %swap3A_1489 = vector.shape_cast %max3A_1482 : vector<16xf32> to vector<1x1x16xf32>
      tpu.vector_store %arg11[%swap3A_1484, %swap3A_1485, %swap3A_1486], %swap3A_1489 {strides = array<i32>} : memref<2x128x128xf32, #tpu.memory_space<vmem>>, vector<1x1x16xf32>,
      %get3A_1490 = arith.constant 1 : i32
      %get3A_1491 = arith.index_cast %get3A_1490 : i32 to index
      %get3A_1492 = arith.index_cast %scan3A_1330 : i32 to index
      %get3A_1493 = arith.constant 112 : index
      %get3A_1494 = tpu.vector_load %arg9[%get3A_1491, %get3A_1492, %get3A_1493] {strides = array<i32>} : memref<2x128x128xf32, #tpu.memory_space<vmem>>, vector<1x1x16xf32>,
      %get3A_1495 = vector.shape_cast %get3A_1494 : vector<1x1x16xf32> to vector<16xf32>
      %get3A_1496 = arith.constant 1 : i32
      %get3A_1497 = arith.index_cast %get3A_1496 : i32 to index
      %get3A_1498 = arith.index_cast %scan3A_1330 : i32 to index
      %get3A_1499 = arith.constant 112 : index
      %get3A_1500 = tpu.vector_load %arg10[%get3A_1497, %get3A_1498, %get3A_1499] {strides = array<i32>} : memref<2x128x128xf32, #tpu.memory_space<vmem>>, vector<1x1x16xf32>,
      %get3A_1501 = vector.shape_cast %get3A_1500 : vector<1x1x16xf32> to vector<16xf32>
      %add3A_1502 = arith.addf %get3A_1495, %get3A_1501 : vector<16xf32>
      %broadcast_in_dim3A_1503 = arith.constant 0.000000e+00 : f32
      %broadcast_in_dim3A_1504 = vector.broadcast %broadcast_in_dim3A_1503 : f32 to vector<16xf32>
      %max3A_1505 = arith.maximumf %add3A_1502, %broadcast_in_dim3A_1504 : vector<16xf32>
      %swap3A_1506 = arith.constant 1 : i32
      %swap3A_1507 = arith.index_cast %swap3A_1506 : i32 to index
      %swap3A_1508 = arith.index_cast %scan3A_1330 : i32 to index
      %swap3A_1509 = arith.constant 112 : index
      %swap3A_1510 = tpu.vector_load %arg11[%swap3A_1507, %swap3A_1508, %swap3A_1509] {strides = array<i32>} : memref<2x128x128xf32, #tpu.memory_space<vmem>>, vector<1x1x16xf32>,
      %swap3A_1511 = vector.shape_cast %swap3A_1510 : vector<1x1x16xf32> to vector<16xf32>
      %swap3A_1512 = vector.shape_cast %max3A_1505 : vector<16xf32> to vector<1x1x16xf32>
      tpu.vector_store %arg11[%swap3A_1507, %swap3A_1508, %swap3A_1509], %swap3A_1512 {strides = array<i32>} : memref<2x128x128xf32, #tpu.memory_space<vmem>>, vector<1x1x16xf32>,
    }
    %scan3A_1121 = arith.constant 128 : i32
    %add3A_1122 = arith.constant 640 : i32
    %add3A_1123 = arith.addi %mul3A_2, %add3A_1122 : i32
    %dma_start3A_1124 = arith.constant 1 : i32
    %dma_start3A_1125 = arith.constant 1 : i32
    %dma_start3A_1126 = arith.constant 0 : i32
    %dma_start3A_1127 = arith.constant 0 : i32
    %dma_start3A_1128 = tpu.memref_slice %arg11[%dma_start3A_1124, %dma_start3A_1126, %dma_start3A_1127] : memref<2x128x128xf32, #tpu.memory_space<vmem>> -> memref<1x128x128xf32, #tpu.memory_space<vmem>>
    %dma_start3A_1129 = tpu.memref_squeeze %dma_start3A_1128 : memref<1x128x128xf32, #tpu.memory_space<vmem>> -> memref<128x128xf32, #tpu.memory_space<vmem>>
    %dma_start3A_1130 = arith.constant 0 : i32
    %dma_start3A_1131 = tpu.memref_slice %arg6[%add3A_1123, %dma_start3A_1130] : memref<32768x128xf32, #tpu.memory_space<hbm>> -> memref<128x128xf32, #tpu.memory_space<hbm>>
    %dma_start3A_1132 = tpu.memref_slice %arg15[%dma_start3A_1125] : memref<2x!tpu.dma_semaphore, #tpu.memory_space<semaphore_mem>> -> memref<1x!tpu.dma_semaphore, #tpu.memory_space<semaphore_mem>>
    %dma_start3A_1133 = tpu.memref_squeeze %dma_start3A_1132 : memref<1x!tpu.dma_semaphore, #tpu.memory_space<semaphore_mem>> -> memref<!tpu.dma_semaphore, #tpu.memory_space<semaphore_mem>>
    %dma_start3A_1134 = arith.constant 0 : i32
    %dma_start3A_1135 = tpu.memref_slice %arg6[%add3A_1123, %dma_start3A_1134] : memref<32768x128xf32, #tpu.memory_space<hbm>> -> memref<128x128xf32, #tpu.memory_space<hbm>>
    %dma_start3A_1136 = arith.constant 0 : i32
    %dma_start3A_1137 = arith.constant 0 : i32
    %dma_start3A_1138 = tpu.memref_slice %arg11[%dma_start3A_1124, %dma_start3A_1136, %dma_start3A_1137] : memref<2x128x128xf32, #tpu.memory_space<vmem>> -> memref<1x128x128xf32, #tpu.memory_space<vmem>>
    %dma_start3A_1139 = tpu.memref_squeeze %dma_start3A_1138 : memref<1x128x128xf32, #tpu.memory_space<vmem>> -> memref<128x128xf32, #tpu.memory_space<vmem>>
    tpu.enqueue_dma source(%dma_start3A_1139 : memref<128x128xf32, #tpu.memory_space<vmem>>) target(%dma_start3A_1135 : memref<128x128xf32, #tpu.memory_space<hbm>>) target_semaphore(%dma_start3A_1133 : memref<!tpu.dma_semaphore, #tpu.memory_space<semaphore_mem>>)
    %dma_start3A_1140 = arith.constant 1 : i32
    %dma_start3A_1141 = arith.constant 1 : i32
    %dma_start3A_1142 = arith.constant 0 : i32
    %dma_start3A_1143 = arith.constant 0 : i32
    %dma_start3A_1144 = tpu.memref_slice %arg9[%dma_start3A_1140, %dma_start3A_1142, %dma_start3A_1143] : memref<2x128x128xf32, #tpu.memory_space<vmem>> -> memref<1x128x128xf32, #tpu.memory_space<vmem>>
    %dma_start3A_1145 = tpu.memref_squeeze %dma_start3A_1144 : memref<1x128x128xf32, #tpu.memory_space<vmem>> -> memref<128x128xf32, #tpu.memory_space<vmem>>
    %dma_start3A_1146 = arith.constant 896 : i32
    %dma_start3A_1147 = tpu.memref_slice %arg7[%dma_start3A_1146] : memref<1024xi32, #tpu.memory_space<vmem>> -> memref<128xi32, #tpu.memory_space<vmem>>
    %dma_start3A_1148 = arith.constant 0 : i32
    %dma_start3A_1149 = arith.constant 0 : i32
    %dma_start3A_1150 = tpu.memref_slice %arg4[%dma_start3A_1148, %dma_start3A_1149] : memref<32768x128xf32, #tpu.memory_space<hbm>> -> memref<32768x128xf32, #tpu.memory_space<hbm>>
    %dma_start3A_1151 = tpu.memref_slice %arg13[%dma_start3A_1141] : memref<2x!tpu.dma_semaphore, #tpu.memory_space<semaphore_mem>> -> memref<1x!tpu.dma_semaphore, #tpu.memory_space<semaphore_mem>>
    %dma_start3A_1152 = tpu.memref_squeeze %dma_start3A_1151 : memref<1x!tpu.dma_semaphore, #tpu.memory_space<semaphore_mem>> -> memref<!tpu.dma_semaphore, #tpu.memory_space<semaphore_mem>>
    tpu.enqueue_indirect_dma source(%dma_start3A_1150 : memref<32768x128xf32, #tpu.memory_space<hbm>>) target(%dma_start3A_1145 : memref<128x128xf32, #tpu.memory_space<vmem>>) offsets(%dma_start3A_1147 : memref<128xi32, #tpu.memory_space<vmem>>) semaphore(%dma_start3A_1152 : memref<!tpu.dma_semaphore, #tpu.memory_space<semaphore_mem>>)
    %dma_start3A_1153 = arith.constant 1 : i32
    %dma_start3A_1154 = arith.constant 1 : i32
    %dma_start3A_1155 = arith.constant 0 : i32
    %dma_start3A_1156 = arith.constant 0 : i32
    %dma_start3A_1157 = tpu.memref_slice %arg10[%dma_start3A_1153, %dma_start3A_1155, %dma_start3A_1156] : memref<2x128x128xf32, #tpu.memory_space<vmem>> -> memref<1x128x128xf32, #tpu.memory_space<vmem>>
    %dma_start3A_1158 = tpu.memref_squeeze %dma_start3A_1157 : memref<1x128x128xf32, #tpu.memory_space<vmem>> -> memref<128x128xf32, #tpu.memory_space<vmem>>
    %dma_start3A_1159 = arith.constant 896 : i32
    %dma_start3A_1160 = tpu.memref_slice %arg8[%dma_start3A_1159] : memref<1024xi32, #tpu.memory_space<vmem>> -> memref<128xi32, #tpu.memory_space<vmem>>
    %dma_start3A_1161 = arith.constant 0 : i32
    %dma_start3A_1162 = arith.constant 0 : i32
    %dma_start3A_1163 = tpu.memref_slice %arg12[%dma_start3A_1161, %dma_start3A_1162] : memref<1000x128xf32, #tpu.memory_space<vmem_shared>> -> memref<1000x128xf32, #tpu.memory_space<vmem_shared>>
    %dma_start3A_1164 = tpu.memref_slice %arg14[%dma_start3A_1154] : memref<2x!tpu.dma_semaphore, #tpu.memory_space<semaphore_mem>> -> memref<1x!tpu.dma_semaphore, #tpu.memory_space<semaphore_mem>>
    %dma_start3A_1165 = tpu.memref_squeeze %dma_start3A_1164 : memref<1x!tpu.dma_semaphore, #tpu.memory_space<semaphore_mem>> -> memref<!tpu.dma_semaphore, #tpu.memory_space<semaphore_mem>>
    tpu.enqueue_indirect_dma source(%dma_start3A_1163 : memref<1000x128xf32, #tpu.memory_space<vmem_shared>>) target(%dma_start3A_1158 : memref<128x128xf32, #tpu.memory_space<vmem>>) offsets(%dma_start3A_1160 : memref<128xi32, #tpu.memory_space<vmem>>) semaphore(%dma_start3A_1165 : memref<!tpu.dma_semaphore, #tpu.memory_space<semaphore_mem>>)
    %dma_wait3A_1166 = arith.constant 0 : i32
    %dma_wait3A_1167 = arith.constant 0 : i32
    %dma_wait3A_1168 = arith.constant 0 : i32
    %dma_wait3A_1169 = arith.constant 0 : i32
    %dma_wait3A_1170 = tpu.memref_slice %arg9[%dma_wait3A_1166, %dma_wait3A_1168, %dma_wait3A_1169] : memref<2x128x128xf32, #tpu.memory_space<vmem>> -> memref<1x128x128xf32, #tpu.memory_space<vmem>>
    %dma_wait3A_1171 = tpu.memref_squeeze %dma_wait3A_1170 : memref<1x128x128xf32, #tpu.memory_space<vmem>> -> memref<128x128xf32, #tpu.memory_space<vmem>>
    %dma_wait3A_1172 = arith.constant 768 : i32
    %dma_wait3A_1173 = tpu.memref_slice %arg7[%dma_wait3A_1172] : memref<1024xi32, #tpu.memory_space<vmem>> -> memref<128xi32, #tpu.memory_space<vmem>>
    %dma_wait3A_1174 = arith.constant 0 : i32
    %dma_wait3A_1175 = arith.constant 0 : i32
    %dma_wait3A_1176 = tpu.memref_slice %arg4[%dma_wait3A_1174, %dma_wait3A_1175] : memref<32768x128xf32, #tpu.memory_space<hbm>> -> memref<32768x128xf32, #tpu.memory_space<hbm>>
    %dma_wait3A_1177 = tpu.memref_slice %arg13[%dma_wait3A_1167] : memref<2x!tpu.dma_semaphore, #tpu.memory_space<semaphore_mem>> -> memref<1x!tpu.dma_semaphore, #tpu.memory_space<semaphore_mem>>
    %dma_wait3A_1178 = tpu.memref_squeeze %dma_wait3A_1177 : memref<1x!tpu.dma_semaphore, #tpu.memory_space<semaphore_mem>> -> memref<!tpu.dma_semaphore, #tpu.memory_space<semaphore_mem>>
    tpu.wait_indirect_dma semaphore(%dma_wait3A_1178 : memref<!tpu.dma_semaphore, #tpu.memory_space<semaphore_mem>>) src(%dma_wait3A_1176 : memref<32768x128xf32, #tpu.memory_space<hbm>>) dst(%dma_wait3A_1171 : memref<128x128xf32, #tpu.memory_space<vmem>>)
    %dma_wait3A_1179 = arith.constant 0 : i32
    %dma_wait3A_1180 = arith.constant 0 : i32
    %dma_wait3A_1181 = arith.constant 0 : i32
    %dma_wait3A_1182 = arith.constant 0 : i32
    %dma_wait3A_1183 = tpu.memref_slice %arg10[%dma_wait3A_1179, %dma_wait3A_1181, %dma_wait3A_1182] : memref<2x128x128xf32, #tpu.memory_space<vmem>> -> memref<1x128x128xf32, #tpu.memory_space<vmem>>
    %dma_wait3A_1184 = tpu.memref_squeeze %dma_wait3A_1183 : memref<1x128x128xf32, #tpu.memory_space<vmem>> -> memref<128x128xf32, #tpu.memory_space<vmem>>
    %dma_wait3A_1185 = arith.constant 768 : i32
    %dma_wait3A_1186 = tpu.memref_slice %arg8[%dma_wait3A_1185] : memref<1024xi32, #tpu.memory_space<vmem>> -> memref<128xi32, #tpu.memory_space<vmem>>
    %dma_wait3A_1187 = arith.constant 0 : i32
    %dma_wait3A_1188 = arith.constant 0 : i32
    %dma_wait3A_1189 = tpu.memref_slice %arg12[%dma_wait3A_1187, %dma_wait3A_1188] : memref<1000x128xf32, #tpu.memory_space<vmem_shared>> -> memref<1000x128xf32, #tpu.memory_space<vmem_shared>>
    %dma_wait3A_1190 = tpu.memref_slice %arg14[%dma_wait3A_1180] : memref<2x!tpu.dma_semaphore, #tpu.memory_space<semaphore_mem>> -> memref<1x!tpu.dma_semaphore, #tpu.memory_space<semaphore_mem>>
    %dma_wait3A_1191 = tpu.memref_squeeze %dma_wait3A_1190 : memref<1x!tpu.dma_semaphore, #tpu.memory_space<semaphore_mem>> -> memref<!tpu.dma_semaphore, #tpu.memory_space<semaphore_mem>>
    tpu.wait_indirect_dma semaphore(%dma_wait3A_1191 : memref<!tpu.dma_semaphore, #tpu.memory_space<semaphore_mem>>) src(%dma_wait3A_1189 : memref<1000x128xf32, #tpu.memory_space<vmem_shared>>) dst(%dma_wait3A_1184 : memref<128x128xf32, #tpu.memory_space<vmem>>)
    %dma_wait3A_1192 = arith.constant 0 : i32
    %dma_wait3A_1193 = arith.constant 0 : i32
    %dma_wait3A_1194 = arith.constant 0 : i32
    %dma_wait3A_1195 = arith.constant 0 : i32
    %dma_wait3A_1196 = tpu.memref_slice %arg11[%dma_wait3A_1192, %dma_wait3A_1194, %dma_wait3A_1195] : memref<2x128x128xf32, #tpu.memory_space<vmem>> -> memref<1x128x128xf32, #tpu.memory_space<vmem>>
    %dma_wait3A_1197 = tpu.memref_squeeze %dma_wait3A_1196 : memref<1x128x128xf32, #tpu.memory_space<vmem>> -> memref<128x128xf32, #tpu.memory_space<vmem>>
    %dma_wait3A_1198 = arith.constant 0 : i32
    %dma_wait3A_1199 = tpu.memref_slice %arg6[%add3A_1031, %dma_wait3A_1198] : memref<32768x128xf32, #tpu.memory_space<hbm>> -> memref<128x128xf32, #tpu.memory_space<hbm>>
    %dma_wait3A_1200 = tpu.memref_slice %arg15[%dma_wait3A_1193] : memref<2x!tpu.dma_semaphore, #tpu.memory_space<semaphore_mem>> -> memref<1x!tpu.dma_semaphore, #tpu.memory_space<semaphore_mem>>
    %dma_wait3A_1201 = tpu.memref_squeeze %dma_wait3A_1200 : memref<1x!tpu.dma_semaphore, #tpu.memory_space<semaphore_mem>> -> memref<!tpu.dma_semaphore, #tpu.memory_space<semaphore_mem>>
    %dma_wait3A_1202 = arith.constant 0 : i32
    %dma_wait3A_1203 = tpu.memref_slice %arg6[%add3A_1031, %dma_wait3A_1202] : memref<32768x128xf32, #tpu.memory_space<hbm>> -> memref<128x128xf32, #tpu.memory_space<hbm>>
    %dma_wait3A_1204 = arith.constant 0 : i32
    %dma_wait3A_1205 = arith.constant 0 : i32
    %dma_wait3A_1206 = tpu.memref_slice %arg11[%dma_wait3A_1192, %dma_wait3A_1204, %dma_wait3A_1205] : memref<2x128x128xf32, #tpu.memory_space<vmem>> -> memref<1x128x128xf32, #tpu.memory_space<vmem>>
    %dma_wait3A_1207 = tpu.memref_squeeze %dma_wait3A_1206 : memref<1x128x128xf32, #tpu.memory_space<vmem>> -> memref<128x128xf32, #tpu.memory_space<vmem>>
    tpu.wait_dma2 semaphore(%dma_wait3A_1201 : memref<!tpu.dma_semaphore, #tpu.memory_space<semaphore_mem>>) src(%dma_wait3A_1207 : memref<128x128xf32, #tpu.memory_space<vmem>>) dst(%dma_wait3A_1203 : memref<128x128xf32, #tpu.memory_space<hbm>>)
    %scan3A_1208 = arith.constant 0 : i32
    %scan3A_1209 = arith.constant 0 : i32
    %scan3A_1210 = arith.constant 128 : i32
    %scan3A_1211 = arith.addi %scan3A_1209, %scan3A_1210 : i32
    %scan3A_1212 = arith.constant 1 : i32
    scf.for %scan3A_1330 = %scan3A_1209 to %scan3A_1211 step %scan3A_1212  : i32 {
      %get3A_1331 = arith.constant 0 : i32
      %get3A_1332 = arith.index_cast %get3A_1331 : i32 to index
      %get3A_1333 = arith.index_cast %scan3A_1330 : i32 to index
      %get3A_1334 = arith.constant 0 : index
      %get3A_1335 = tpu.vector_load %arg9[%get3A_1332, %get3A_1333, %get3A_1334] {strides = array<i32>} : memref<2x128x128xf32, #tpu.memory_space<vmem>>, vector<1x1x16xf32>,
      %get3A_1336 = vector.shape_cast %get3A_1335 : vector<1x1x16xf32> to vector<16xf32>
      %get3A_1337 = arith.constant 0 : i32
      %get3A_1338 = arith.index_cast %get3A_1337 : i32 to index
      %get3A_1339 = arith.index_cast %scan3A_1330 : i32 to index
      %get3A_1340 = arith.constant 0 : index
      %get3A_1341 = tpu.vector_load %arg10[%get3A_1338, %get3A_1339, %get3A_1340] {strides = array<i32>} : memref<2x128x128xf32, #tpu.memory_space<vmem>>, vector<1x1x16xf32>,
      %get3A_1342 = vector.shape_cast %get3A_1341 : vector<1x1x16xf32> to vector<16xf32>
      %add3A_1343 = arith.addf %get3A_1336, %get3A_1342 : vector<16xf32>
      %broadcast_in_dim3A = arith.constant 0.000000e+00 : f32
      %broadcast_in_dim3A_1344 = vector.broadcast %broadcast_in_dim3A : f32 to vector<16xf32>
      %max3A = arith.maximumf %add3A_1343, %broadcast_in_dim3A_1344 : vector<16xf32>
      %swap3A_1345 = arith.constant 0 : i32
      %swap3A_1346 = arith.index_cast %swap3A_1345 : i32 to index
      %swap3A_1347 = arith.index_cast %scan3A_1330 : i32 to index
      %swap3A_1348 = arith.constant 0 : index
      %swap3A_1349 = tpu.vector_load %arg11[%swap3A_1346, %swap3A_1347, %swap3A_1348] {strides = array<i32>} : memref<2x128x128xf32, #tpu.memory_space<vmem>>, vector<1x1x16xf32>,
      %swap3A_1350 = vector.shape_cast %swap3A_1349 : vector<1x1x16xf32> to vector<16xf32>
      %swap3A_1351 = vector.shape_cast %max3A : vector<16xf32> to vector<1x1x16xf32>
      tpu.vector_store %arg11[%swap3A_1346, %swap3A_1347, %swap3A_1348], %swap3A_1351 {strides = array<i32>} : memref<2x128x128xf32, #tpu.memory_space<vmem>>, vector<1x1x16xf32>,
      %get3A_1352 = arith.constant 0 : i32
      %get3A_1353 = arith.index_cast %get3A_1352 : i32 to index
      %get3A_1354 = arith.index_cast %scan3A_1330 : i32 to index
      %get3A_1355 = arith.constant 16 : index
      %get3A_1356 = tpu.vector_load %arg9[%get3A_1353, %get3A_1354, %get3A_1355] {strides = array<i32>} : memref<2x128x128xf32, #tpu.memory_space<vmem>>, vector<1x1x16xf32>,
      %get3A_1357 = vector.shape_cast %get3A_1356 : vector<1x1x16xf32> to vector<16xf32>
      %get3A_1358 = arith.constant 0 : i32
      %get3A_1359 = arith.index_cast %get3A_1358 : i32 to index
      %get3A_1360 = arith.index_cast %scan3A_1330 : i32 to index
      %get3A_1361 = arith.constant 16 : index
      %get3A_1362 = tpu.vector_load %arg10[%get3A_1359, %get3A_1360, %get3A_1361] {strides = array<i32>} : memref<2x128x128xf32, #tpu.memory_space<vmem>>, vector<1x1x16xf32>,
      %get3A_1363 = vector.shape_cast %get3A_1362 : vector<1x1x16xf32> to vector<16xf32>
      %add3A_1364 = arith.addf %get3A_1357, %get3A_1363 : vector<16xf32>
      %broadcast_in_dim3A_1365 = arith.constant 0.000000e+00 : f32
      %broadcast_in_dim3A_1366 = vector.broadcast %broadcast_in_dim3A_1365 : f32 to vector<16xf32>
      %max3A_1367 = arith.maximumf %add3A_1364, %broadcast_in_dim3A_1366 : vector<16xf32>
      %swap3A_1368 = arith.constant 0 : i32
      %swap3A_1369 = arith.index_cast %swap3A_1368 : i32 to index
      %swap3A_1370 = arith.index_cast %scan3A_1330 : i32 to index
      %swap3A_1371 = arith.constant 16 : index
      %swap3A_1372 = tpu.vector_load %arg11[%swap3A_1369, %swap3A_1370, %swap3A_1371] {strides = array<i32>} : memref<2x128x128xf32, #tpu.memory_space<vmem>>, vector<1x1x16xf32>,
      %swap3A_1373 = vector.shape_cast %swap3A_1372 : vector<1x1x16xf32> to vector<16xf32>
      %swap3A_1374 = vector.shape_cast %max3A_1367 : vector<16xf32> to vector<1x1x16xf32>
      tpu.vector_store %arg11[%swap3A_1369, %swap3A_1370, %swap3A_1371], %swap3A_1374 {strides = array<i32>} : memref<2x128x128xf32, #tpu.memory_space<vmem>>, vector<1x1x16xf32>,
      %get3A_1375 = arith.constant 0 : i32
      %get3A_1376 = arith.index_cast %get3A_1375 : i32 to index
      %get3A_1377 = arith.index_cast %scan3A_1330 : i32 to index
      %get3A_1378 = arith.constant 32 : index
      %get3A_1379 = tpu.vector_load %arg9[%get3A_1376, %get3A_1377, %get3A_1378] {strides = array<i32>} : memref<2x128x128xf32, #tpu.memory_space<vmem>>, vector<1x1x16xf32>,
      %get3A_1380 = vector.shape_cast %get3A_1379 : vector<1x1x16xf32> to vector<16xf32>
      %get3A_1381 = arith.constant 0 : i32
      %get3A_1382 = arith.index_cast %get3A_1381 : i32 to index
      %get3A_1383 = arith.index_cast %scan3A_1330 : i32 to index
      %get3A_1384 = arith.constant 32 : index
      %get3A_1385 = tpu.vector_load %arg10[%get3A_1382, %get3A_1383, %get3A_1384] {strides = array<i32>} : memref<2x128x128xf32, #tpu.memory_space<vmem>>, vector<1x1x16xf32>,
      %get3A_1386 = vector.shape_cast %get3A_1385 : vector<1x1x16xf32> to vector<16xf32>
      %add3A_1387 = arith.addf %get3A_1380, %get3A_1386 : vector<16xf32>
      %broadcast_in_dim3A_1388 = arith.constant 0.000000e+00 : f32
      %broadcast_in_dim3A_1389 = vector.broadcast %broadcast_in_dim3A_1388 : f32 to vector<16xf32>
      %max3A_1390 = arith.maximumf %add3A_1387, %broadcast_in_dim3A_1389 : vector<16xf32>
      %swap3A_1391 = arith.constant 0 : i32
      %swap3A_1392 = arith.index_cast %swap3A_1391 : i32 to index
      %swap3A_1393 = arith.index_cast %scan3A_1330 : i32 to index
      %swap3A_1394 = arith.constant 32 : index
      %swap3A_1395 = tpu.vector_load %arg11[%swap3A_1392, %swap3A_1393, %swap3A_1394] {strides = array<i32>} : memref<2x128x128xf32, #tpu.memory_space<vmem>>, vector<1x1x16xf32>,
      %swap3A_1396 = vector.shape_cast %swap3A_1395 : vector<1x1x16xf32> to vector<16xf32>
      %swap3A_1397 = vector.shape_cast %max3A_1390 : vector<16xf32> to vector<1x1x16xf32>
      tpu.vector_store %arg11[%swap3A_1392, %swap3A_1393, %swap3A_1394], %swap3A_1397 {strides = array<i32>} : memref<2x128x128xf32, #tpu.memory_space<vmem>>, vector<1x1x16xf32>,
      %get3A_1398 = arith.constant 0 : i32
      %get3A_1399 = arith.index_cast %get3A_1398 : i32 to index
      %get3A_1400 = arith.index_cast %scan3A_1330 : i32 to index
      %get3A_1401 = arith.constant 48 : index
      %get3A_1402 = tpu.vector_load %arg9[%get3A_1399, %get3A_1400, %get3A_1401] {strides = array<i32>} : memref<2x128x128xf32, #tpu.memory_space<vmem>>, vector<1x1x16xf32>,
      %get3A_1403 = vector.shape_cast %get3A_1402 : vector<1x1x16xf32> to vector<16xf32>
      %get3A_1404 = arith.constant 0 : i32
      %get3A_1405 = arith.index_cast %get3A_1404 : i32 to index
      %get3A_1406 = arith.index_cast %scan3A_1330 : i32 to index
      %get3A_1407 = arith.constant 48 : index
      %get3A_1408 = tpu.vector_load %arg10[%get3A_1405, %get3A_1406, %get3A_1407] {strides = array<i32>} : memref<2x128x128xf32, #tpu.memory_space<vmem>>, vector<1x1x16xf32>,
      %get3A_1409 = vector.shape_cast %get3A_1408 : vector<1x1x16xf32> to vector<16xf32>
      %add3A_1410 = arith.addf %get3A_1403, %get3A_1409 : vector<16xf32>
      %broadcast_in_dim3A_1411 = arith.constant 0.000000e+00 : f32
      %broadcast_in_dim3A_1412 = vector.broadcast %broadcast_in_dim3A_1411 : f32 to vector<16xf32>
      %max3A_1413 = arith.maximumf %add3A_1410, %broadcast_in_dim3A_1412 : vector<16xf32>
      %swap3A_1414 = arith.constant 0 : i32
      %swap3A_1415 = arith.index_cast %swap3A_1414 : i32 to index
      %swap3A_1416 = arith.index_cast %scan3A_1330 : i32 to index
      %swap3A_1417 = arith.constant 48 : index
      %swap3A_1418 = tpu.vector_load %arg11[%swap3A_1415, %swap3A_1416, %swap3A_1417] {strides = array<i32>} : memref<2x128x128xf32, #tpu.memory_space<vmem>>, vector<1x1x16xf32>,
      %swap3A_1419 = vector.shape_cast %swap3A_1418 : vector<1x1x16xf32> to vector<16xf32>
      %swap3A_1420 = vector.shape_cast %max3A_1413 : vector<16xf32> to vector<1x1x16xf32>
      tpu.vector_store %arg11[%swap3A_1415, %swap3A_1416, %swap3A_1417], %swap3A_1420 {strides = array<i32>} : memref<2x128x128xf32, #tpu.memory_space<vmem>>, vector<1x1x16xf32>,
      %get3A_1421 = arith.constant 0 : i32
      %get3A_1422 = arith.index_cast %get3A_1421 : i32 to index
      %get3A_1423 = arith.index_cast %scan3A_1330 : i32 to index
      %get3A_1424 = arith.constant 64 : index
      %get3A_1425 = tpu.vector_load %arg9[%get3A_1422, %get3A_1423, %get3A_1424] {strides = array<i32>} : memref<2x128x128xf32, #tpu.memory_space<vmem>>, vector<1x1x16xf32>,
      %get3A_1426 = vector.shape_cast %get3A_1425 : vector<1x1x16xf32> to vector<16xf32>
      %get3A_1427 = arith.constant 0 : i32
      %get3A_1428 = arith.index_cast %get3A_1427 : i32 to index
      %get3A_1429 = arith.index_cast %scan3A_1330 : i32 to index
      %get3A_1430 = arith.constant 64 : index
      %get3A_1431 = tpu.vector_load %arg10[%get3A_1428, %get3A_1429, %get3A_1430] {strides = array<i32>} : memref<2x128x128xf32, #tpu.memory_space<vmem>>, vector<1x1x16xf32>,
      %get3A_1432 = vector.shape_cast %get3A_1431 : vector<1x1x16xf32> to vector<16xf32>
      %add3A_1433 = arith.addf %get3A_1426, %get3A_1432 : vector<16xf32>
      %broadcast_in_dim3A_1434 = arith.constant 0.000000e+00 : f32
      %broadcast_in_dim3A_1435 = vector.broadcast %broadcast_in_dim3A_1434 : f32 to vector<16xf32>
      %max3A_1436 = arith.maximumf %add3A_1433, %broadcast_in_dim3A_1435 : vector<16xf32>
      %swap3A_1437 = arith.constant 0 : i32
      %swap3A_1438 = arith.index_cast %swap3A_1437 : i32 to index
      %swap3A_1439 = arith.index_cast %scan3A_1330 : i32 to index
      %swap3A_1440 = arith.constant 64 : index
      %swap3A_1441 = tpu.vector_load %arg11[%swap3A_1438, %swap3A_1439, %swap3A_1440] {strides = array<i32>} : memref<2x128x128xf32, #tpu.memory_space<vmem>>, vector<1x1x16xf32>,
      %swap3A_1442 = vector.shape_cast %swap3A_1441 : vector<1x1x16xf32> to vector<16xf32>
      %swap3A_1443 = vector.shape_cast %max3A_1436 : vector<16xf32> to vector<1x1x16xf32>
      tpu.vector_store %arg11[%swap3A_1438, %swap3A_1439, %swap3A_1440], %swap3A_1443 {strides = array<i32>} : memref<2x128x128xf32, #tpu.memory_space<vmem>>, vector<1x1x16xf32>,
      %get3A_1444 = arith.constant 0 : i32
      %get3A_1445 = arith.index_cast %get3A_1444 : i32 to index
      %get3A_1446 = arith.index_cast %scan3A_1330 : i32 to index
      %get3A_1447 = arith.constant 80 : index
      %get3A_1448 = tpu.vector_load %arg9[%get3A_1445, %get3A_1446, %get3A_1447] {strides = array<i32>} : memref<2x128x128xf32, #tpu.memory_space<vmem>>, vector<1x1x16xf32>,
      %get3A_1449 = vector.shape_cast %get3A_1448 : vector<1x1x16xf32> to vector<16xf32>
      %get3A_1450 = arith.constant 0 : i32
      %get3A_1451 = arith.index_cast %get3A_1450 : i32 to index
      %get3A_1452 = arith.index_cast %scan3A_1330 : i32 to index
      %get3A_1453 = arith.constant 80 : index
      %get3A_1454 = tpu.vector_load %arg10[%get3A_1451, %get3A_1452, %get3A_1453] {strides = array<i32>} : memref<2x128x128xf32, #tpu.memory_space<vmem>>, vector<1x1x16xf32>,
      %get3A_1455 = vector.shape_cast %get3A_1454 : vector<1x1x16xf32> to vector<16xf32>
      %add3A_1456 = arith.addf %get3A_1449, %get3A_1455 : vector<16xf32>
      %broadcast_in_dim3A_1457 = arith.constant 0.000000e+00 : f32
      %broadcast_in_dim3A_1458 = vector.broadcast %broadcast_in_dim3A_1457 : f32 to vector<16xf32>
      %max3A_1459 = arith.maximumf %add3A_1456, %broadcast_in_dim3A_1458 : vector<16xf32>
      %swap3A_1460 = arith.constant 0 : i32
      %swap3A_1461 = arith.index_cast %swap3A_1460 : i32 to index
      %swap3A_1462 = arith.index_cast %scan3A_1330 : i32 to index
      %swap3A_1463 = arith.constant 80 : index
      %swap3A_1464 = tpu.vector_load %arg11[%swap3A_1461, %swap3A_1462, %swap3A_1463] {strides = array<i32>} : memref<2x128x128xf32, #tpu.memory_space<vmem>>, vector<1x1x16xf32>,
      %swap3A_1465 = vector.shape_cast %swap3A_1464 : vector<1x1x16xf32> to vector<16xf32>
      %swap3A_1466 = vector.shape_cast %max3A_1459 : vector<16xf32> to vector<1x1x16xf32>
      tpu.vector_store %arg11[%swap3A_1461, %swap3A_1462, %swap3A_1463], %swap3A_1466 {strides = array<i32>} : memref<2x128x128xf32, #tpu.memory_space<vmem>>, vector<1x1x16xf32>,
      %get3A_1467 = arith.constant 0 : i32
      %get3A_1468 = arith.index_cast %get3A_1467 : i32 to index
      %get3A_1469 = arith.index_cast %scan3A_1330 : i32 to index
      %get3A_1470 = arith.constant 96 : index
      %get3A_1471 = tpu.vector_load %arg9[%get3A_1468, %get3A_1469, %get3A_1470] {strides = array<i32>} : memref<2x128x128xf32, #tpu.memory_space<vmem>>, vector<1x1x16xf32>,
      %get3A_1472 = vector.shape_cast %get3A_1471 : vector<1x1x16xf32> to vector<16xf32>
      %get3A_1473 = arith.constant 0 : i32
      %get3A_1474 = arith.index_cast %get3A_1473 : i32 to index
      %get3A_1475 = arith.index_cast %scan3A_1330 : i32 to index
      %get3A_1476 = arith.constant 96 : index
      %get3A_1477 = tpu.vector_load %arg10[%get3A_1474, %get3A_1475, %get3A_1476] {strides = array<i32>} : memref<2x128x128xf32, #tpu.memory_space<vmem>>, vector<1x1x16xf32>,
      %get3A_1478 = vector.shape_cast %get3A_1477 : vector<1x1x16xf32> to vector<16xf32>
      %add3A_1479 = arith.addf %get3A_1472, %get3A_1478 : vector<16xf32>
      %broadcast_in_dim3A_1480 = arith.constant 0.000000e+00 : f32
      %broadcast_in_dim3A_1481 = vector.broadcast %broadcast_in_dim3A_1480 : f32 to vector<16xf32>
      %max3A_1482 = arith.maximumf %add3A_1479, %broadcast_in_dim3A_1481 : vector<16xf32>
      %swap3A_1483 = arith.constant 0 : i32
      %swap3A_1484 = arith.index_cast %swap3A_1483 : i32 to index
      %swap3A_1485 = arith.index_cast %scan3A_1330 : i32 to index
      %swap3A_1486 = arith.constant 96 : index
      %swap3A_1487 = tpu.vector_load %arg11[%swap3A_1484, %swap3A_1485, %swap3A_1486] {strides = array<i32>} : memref<2x128x128xf32, #tpu.memory_space<vmem>>, vector<1x1x16xf32>,
      %swap3A_1488 = vector.shape_cast %swap3A_1487 : vector<1x1x16xf32> to vector<16xf32>
      %swap3A_1489 = vector.shape_cast %max3A_1482 : vector<16xf32> to vector<1x1x16xf32>
      tpu.vector_store %arg11[%swap3A_1484, %swap3A_1485, %swap3A_1486], %swap3A_1489 {strides = array<i32>} : memref<2x128x128xf32, #tpu.memory_space<vmem>>, vector<1x1x16xf32>,
      %get3A_1490 = arith.constant 0 : i32
      %get3A_1491 = arith.index_cast %get3A_1490 : i32 to index
      %get3A_1492 = arith.index_cast %scan3A_1330 : i32 to index
      %get3A_1493 = arith.constant 112 : index
      %get3A_1494 = tpu.vector_load %arg9[%get3A_1491, %get3A_1492, %get3A_1493] {strides = array<i32>} : memref<2x128x128xf32, #tpu.memory_space<vmem>>, vector<1x1x16xf32>,
      %get3A_1495 = vector.shape_cast %get3A_1494 : vector<1x1x16xf32> to vector<16xf32>
      %get3A_1496 = arith.constant 0 : i32
      %get3A_1497 = arith.index_cast %get3A_1496 : i32 to index
      %get3A_1498 = arith.index_cast %scan3A_1330 : i32 to index
      %get3A_1499 = arith.constant 112 : index
      %get3A_1500 = tpu.vector_load %arg10[%get3A_1497, %get3A_1498, %get3A_1499] {strides = array<i32>} : memref<2x128x128xf32, #tpu.memory_space<vmem>>, vector<1x1x16xf32>,
      %get3A_1501 = vector.shape_cast %get3A_1500 : vector<1x1x16xf32> to vector<16xf32>
      %add3A_1502 = arith.addf %get3A_1495, %get3A_1501 : vector<16xf32>
      %broadcast_in_dim3A_1503 = arith.constant 0.000000e+00 : f32
      %broadcast_in_dim3A_1504 = vector.broadcast %broadcast_in_dim3A_1503 : f32 to vector<16xf32>
      %max3A_1505 = arith.maximumf %add3A_1502, %broadcast_in_dim3A_1504 : vector<16xf32>
      %swap3A_1506 = arith.constant 0 : i32
      %swap3A_1507 = arith.index_cast %swap3A_1506 : i32 to index
      %swap3A_1508 = arith.index_cast %scan3A_1330 : i32 to index
      %swap3A_1509 = arith.constant 112 : index
      %swap3A_1510 = tpu.vector_load %arg11[%swap3A_1507, %swap3A_1508, %swap3A_1509] {strides = array<i32>} : memref<2x128x128xf32, #tpu.memory_space<vmem>>, vector<1x1x16xf32>,
      %swap3A_1511 = vector.shape_cast %swap3A_1510 : vector<1x1x16xf32> to vector<16xf32>
      %swap3A_1512 = vector.shape_cast %max3A_1505 : vector<16xf32> to vector<1x1x16xf32>
      tpu.vector_store %arg11[%swap3A_1507, %swap3A_1508, %swap3A_1509], %swap3A_1512 {strides = array<i32>} : memref<2x128x128xf32, #tpu.memory_space<vmem>>, vector<1x1x16xf32>,
    }
    %scan3A_1213 = arith.constant 128 : i32
    %add3A_1214 = arith.constant 768 : i32
    %add3A_1215 = arith.addi %mul3A_2, %add3A_1214 : i32
    %dma_start3A_1216 = arith.constant 0 : i32
    %dma_start3A_1217 = arith.constant 0 : i32
    %dma_start3A_1218 = arith.constant 0 : i32
    %dma_start3A_1219 = arith.constant 0 : i32
    %dma_start3A_1220 = tpu.memref_slice %arg11[%dma_start3A_1216, %dma_start3A_1218, %dma_start3A_1219] : memref<2x128x128xf32, #tpu.memory_space<vmem>> -> memref<1x128x128xf32, #tpu.memory_space<vmem>>
    %dma_start3A_1221 = tpu.memref_squeeze %dma_start3A_1220 : memref<1x128x128xf32, #tpu.memory_space<vmem>> -> memref<128x128xf32, #tpu.memory_space<vmem>>
    %dma_start3A_1222 = arith.constant 0 : i32
    %dma_start3A_1223 = tpu.memref_slice %arg6[%add3A_1215, %dma_start3A_1222] : memref<32768x128xf32, #tpu.memory_space<hbm>> -> memref<128x128xf32, #tpu.memory_space<hbm>>
    %dma_start3A_1224 = tpu.memref_slice %arg15[%dma_start3A_1217] : memref<2x!tpu.dma_semaphore, #tpu.memory_space<semaphore_mem>> -> memref<1x!tpu.dma_semaphore, #tpu.memory_space<semaphore_mem>>
    %dma_start3A_1225 = tpu.memref_squeeze %dma_start3A_1224 : memref<1x!tpu.dma_semaphore, #tpu.memory_space<semaphore_mem>> -> memref<!tpu.dma_semaphore, #tpu.memory_space<semaphore_mem>>
    %dma_start3A_1226 = arith.constant 0 : i32
    %dma_start3A_1227 = tpu.memref_slice %arg6[%add3A_1215, %dma_start3A_1226] : memref<32768x128xf32, #tpu.memory_space<hbm>> -> memref<128x128xf32, #tpu.memory_space<hbm>>
    %dma_start3A_1228 = arith.constant 0 : i32
    %dma_start3A_1229 = arith.constant 0 : i32
    %dma_start3A_1230 = tpu.memref_slice %arg11[%dma_start3A_1216, %dma_start3A_1228, %dma_start3A_1229] : memref<2x128x128xf32, #tpu.memory_space<vmem>> -> memref<1x128x128xf32, #tpu.memory_space<vmem>>
    %dma_start3A_1231 = tpu.memref_squeeze %dma_start3A_1230 : memref<1x128x128xf32, #tpu.memory_space<vmem>> -> memref<128x128xf32, #tpu.memory_space<vmem>>
    tpu.enqueue_dma source(%dma_start3A_1231 : memref<128x128xf32, #tpu.memory_space<vmem>>) target(%dma_start3A_1227 : memref<128x128xf32, #tpu.memory_space<hbm>>) target_semaphore(%dma_start3A_1225 : memref<!tpu.dma_semaphore, #tpu.memory_space<semaphore_mem>>)
    %dma_wait3A_1232 = arith.constant 1 : i32
    %dma_wait3A_1233 = arith.constant 1 : i32
    %dma_wait3A_1234 = arith.constant 0 : i32
    %dma_wait3A_1235 = arith.constant 0 : i32
    %dma_wait3A_1236 = tpu.memref_slice %arg9[%dma_wait3A_1232, %dma_wait3A_1234, %dma_wait3A_1235] : memref<2x128x128xf32, #tpu.memory_space<vmem>> -> memref<1x128x128xf32, #tpu.memory_space<vmem>>
    %dma_wait3A_1237 = tpu.memref_squeeze %dma_wait3A_1236 : memref<1x128x128xf32, #tpu.memory_space<vmem>> -> memref<128x128xf32, #tpu.memory_space<vmem>>
    %dma_wait3A_1238 = arith.constant 896 : i32
    %dma_wait3A_1239 = tpu.memref_slice %arg7[%dma_wait3A_1238] : memref<1024xi32, #tpu.memory_space<vmem>> -> memref<128xi32, #tpu.memory_space<vmem>>
    %dma_wait3A_1240 = arith.constant 0 : i32
    %dma_wait3A_1241 = arith.constant 0 : i32
    %dma_wait3A_1242 = tpu.memref_slice %arg4[%dma_wait3A_1240, %dma_wait3A_1241] : memref<32768x128xf32, #tpu.memory_space<hbm>> -> memref<32768x128xf32, #tpu.memory_space<hbm>>
    %dma_wait3A_1243 = tpu.memref_slice %arg13[%dma_wait3A_1233] : memref<2x!tpu.dma_semaphore, #tpu.memory_space<semaphore_mem>> -> memref<1x!tpu.dma_semaphore, #tpu.memory_space<semaphore_mem>>
    %dma_wait3A_1244 = tpu.memref_squeeze %dma_wait3A_1243 : memref<1x!tpu.dma_semaphore, #tpu.memory_space<semaphore_mem>> -> memref<!tpu.dma_semaphore, #tpu.memory_space<semaphore_mem>>
    tpu.wait_indirect_dma semaphore(%dma_wait3A_1244 : memref<!tpu.dma_semaphore, #tpu.memory_space<semaphore_mem>>) src(%dma_wait3A_1242 : memref<32768x128xf32, #tpu.memory_space<hbm>>) dst(%dma_wait3A_1237 : memref<128x128xf32, #tpu.memory_space<vmem>>)
    %dma_wait3A_1245 = arith.constant 1 : i32
    %dma_wait3A_1246 = arith.constant 1 : i32
    %dma_wait3A_1247 = arith.constant 0 : i32
    %dma_wait3A_1248 = arith.constant 0 : i32
    %dma_wait3A_1249 = tpu.memref_slice %arg10[%dma_wait3A_1245, %dma_wait3A_1247, %dma_wait3A_1248] : memref<2x128x128xf32, #tpu.memory_space<vmem>> -> memref<1x128x128xf32, #tpu.memory_space<vmem>>
    %dma_wait3A_1250 = tpu.memref_squeeze %dma_wait3A_1249 : memref<1x128x128xf32, #tpu.memory_space<vmem>> -> memref<128x128xf32, #tpu.memory_space<vmem>>
    %dma_wait3A_1251 = arith.constant 896 : i32
    %dma_wait3A_1252 = tpu.memref_slice %arg8[%dma_wait3A_1251] : memref<1024xi32, #tpu.memory_space<vmem>> -> memref<128xi32, #tpu.memory_space<vmem>>
    %dma_wait3A_1253 = arith.constant 0 : i32
    %dma_wait3A_1254 = arith.constant 0 : i32
    %dma_wait3A_1255 = tpu.memref_slice %arg12[%dma_wait3A_1253, %dma_wait3A_1254] : memref<1000x128xf32, #tpu.memory_space<vmem_shared>> -> memref<1000x128xf32, #tpu.memory_space<vmem_shared>>
    %dma_wait3A_1256 = tpu.memref_slice %arg14[%dma_wait3A_1246] : memref<2x!tpu.dma_semaphore, #tpu.memory_space<semaphore_mem>> -> memref<1x!tpu.dma_semaphore, #tpu.memory_space<semaphore_mem>>
    %dma_wait3A_1257 = tpu.memref_squeeze %dma_wait3A_1256 : memref<1x!tpu.dma_semaphore, #tpu.memory_space<semaphore_mem>> -> memref<!tpu.dma_semaphore, #tpu.memory_space<semaphore_mem>>
    tpu.wait_indirect_dma semaphore(%dma_wait3A_1257 : memref<!tpu.dma_semaphore, #tpu.memory_space<semaphore_mem>>) src(%dma_wait3A_1255 : memref<1000x128xf32, #tpu.memory_space<vmem_shared>>) dst(%dma_wait3A_1250 : memref<128x128xf32, #tpu.memory_space<vmem>>)
    %dma_wait3A_1258 = arith.constant 1 : i32
    %dma_wait3A_1259 = arith.constant 1 : i32
    %dma_wait3A_1260 = arith.constant 0 : i32
    %dma_wait3A_1261 = arith.constant 0 : i32
    %dma_wait3A_1262 = tpu.memref_slice %arg11[%dma_wait3A_1258, %dma_wait3A_1260, %dma_wait3A_1261] : memref<2x128x128xf32, #tpu.memory_space<vmem>> -> memref<1x128x128xf32, #tpu.memory_space<vmem>>
    %dma_wait3A_1263 = tpu.memref_squeeze %dma_wait3A_1262 : memref<1x128x128xf32, #tpu.memory_space<vmem>> -> memref<128x128xf32, #tpu.memory_space<vmem>>
    %dma_wait3A_1264 = arith.constant 0 : i32
    %dma_wait3A_1265 = tpu.memref_slice %arg6[%add3A_1123, %dma_wait3A_1264] : memref<32768x128xf32, #tpu.memory_space<hbm>> -> memref<128x128xf32, #tpu.memory_space<hbm>>
    %dma_wait3A_1266 = tpu.memref_slice %arg15[%dma_wait3A_1259] : memref<2x!tpu.dma_semaphore, #tpu.memory_space<semaphore_mem>> -> memref<1x!tpu.dma_semaphore, #tpu.memory_space<semaphore_mem>>
    %dma_wait3A_1267 = tpu.memref_squeeze %dma_wait3A_1266 : memref<1x!tpu.dma_semaphore, #tpu.memory_space<semaphore_mem>> -> memref<!tpu.dma_semaphore, #tpu.memory_space<semaphore_mem>>
    %dma_wait3A_1268 = arith.constant 0 : i32
    %dma_wait3A_1269 = tpu.memref_slice %arg6[%add3A_1123, %dma_wait3A_1268] : memref<32768x128xf32, #tpu.memory_space<hbm>> -> memref<128x128xf32, #tpu.memory_space<hbm>>
    %dma_wait3A_1270 = arith.constant 0 : i32
    %dma_wait3A_1271 = arith.constant 0 : i32
    %dma_wait3A_1272 = tpu.memref_slice %arg11[%dma_wait3A_1258, %dma_wait3A_1270, %dma_wait3A_1271] : memref<2x128x128xf32, #tpu.memory_space<vmem>> -> memref<1x128x128xf32, #tpu.memory_space<vmem>>
    %dma_wait3A_1273 = tpu.memref_squeeze %dma_wait3A_1272 : memref<1x128x128xf32, #tpu.memory_space<vmem>> -> memref<128x128xf32, #tpu.memory_space<vmem>>
    tpu.wait_dma2 semaphore(%dma_wait3A_1267 : memref<!tpu.dma_semaphore, #tpu.memory_space<semaphore_mem>>) src(%dma_wait3A_1273 : memref<128x128xf32, #tpu.memory_space<vmem>>) dst(%dma_wait3A_1269 : memref<128x128xf32, #tpu.memory_space<hbm>>)
    %scan3A_1274 = arith.constant 0 : i32
    %scan3A_1275 = arith.constant 0 : i32
    %scan3A_1276 = arith.constant 128 : i32
    %scan3A_1277 = arith.addi %scan3A_1275, %scan3A_1276 : i32
    %scan3A_1278 = arith.constant 1 : i32
    scf.for %scan3A_1330 = %scan3A_1275 to %scan3A_1277 step %scan3A_1278  : i32 {
      %get3A_1331 = arith.constant 1 : i32
      %get3A_1332 = arith.index_cast %get3A_1331 : i32 to index
      %get3A_1333 = arith.index_cast %scan3A_1330 : i32 to index
      %get3A_1334 = arith.constant 0 : index
      %get3A_1335 = tpu.vector_load %arg9[%get3A_1332, %get3A_1333, %get3A_1334] {strides = array<i32>} : memref<2x128x128xf32, #tpu.memory_space<vmem>>, vector<1x1x16xf32>,
      %get3A_1336 = vector.shape_cast %get3A_1335 : vector<1x1x16xf32> to vector<16xf32>
      %get3A_1337 = arith.constant 1 : i32
      %get3A_1338 = arith.index_cast %get3A_1337 : i32 to index
      %get3A_1339 = arith.index_cast %scan3A_1330 : i32 to index
      %get3A_1340 = arith.constant 0 : index
      %get3A_1341 = tpu.vector_load %arg10[%get3A_1338, %get3A_1339, %get3A_1340] {strides = array<i32>} : memref<2x128x128xf32, #tpu.memory_space<vmem>>, vector<1x1x16xf32>,
      %get3A_1342 = vector.shape_cast %get3A_1341 : vector<1x1x16xf32> to vector<16xf32>
      %add3A_1343 = arith.addf %get3A_1336, %get3A_1342 : vector<16xf32>
      %broadcast_in_dim3A = arith.constant 0.000000e+00 : f32
      %broadcast_in_dim3A_1344 = vector.broadcast %broadcast_in_dim3A : f32 to vector<16xf32>
      %max3A = arith.maximumf %add3A_1343, %broadcast_in_dim3A_1344 : vector<16xf32>
      %swap3A_1345 = arith.constant 1 : i32
      %swap3A_1346 = arith.index_cast %swap3A_1345 : i32 to index
      %swap3A_1347 = arith.index_cast %scan3A_1330 : i32 to index
      %swap3A_1348 = arith.constant 0 : index
      %swap3A_1349 = tpu.vector_load %arg11[%swap3A_1346, %swap3A_1347, %swap3A_1348] {strides = array<i32>} : memref<2x128x128xf32, #tpu.memory_space<vmem>>, vector<1x1x16xf32>,
      %swap3A_1350 = vector.shape_cast %swap3A_1349 : vector<1x1x16xf32> to vector<16xf32>
      %swap3A_1351 = vector.shape_cast %max3A : vector<16xf32> to vector<1x1x16xf32>
      tpu.vector_store %arg11[%swap3A_1346, %swap3A_1347, %swap3A_1348], %swap3A_1351 {strides = array<i32>} : memref<2x128x128xf32, #tpu.memory_space<vmem>>, vector<1x1x16xf32>,
      %get3A_1352 = arith.constant 1 : i32
      %get3A_1353 = arith.index_cast %get3A_1352 : i32 to index
      %get3A_1354 = arith.index_cast %scan3A_1330 : i32 to index
      %get3A_1355 = arith.constant 16 : index
      %get3A_1356 = tpu.vector_load %arg9[%get3A_1353, %get3A_1354, %get3A_1355] {strides = array<i32>} : memref<2x128x128xf32, #tpu.memory_space<vmem>>, vector<1x1x16xf32>,
      %get3A_1357 = vector.shape_cast %get3A_1356 : vector<1x1x16xf32> to vector<16xf32>
      %get3A_1358 = arith.constant 1 : i32
      %get3A_1359 = arith.index_cast %get3A_1358 : i32 to index
      %get3A_1360 = arith.index_cast %scan3A_1330 : i32 to index
      %get3A_1361 = arith.constant 16 : index
      %get3A_1362 = tpu.vector_load %arg10[%get3A_1359, %get3A_1360, %get3A_1361] {strides = array<i32>} : memref<2x128x128xf32, #tpu.memory_space<vmem>>, vector<1x1x16xf32>,
      %get3A_1363 = vector.shape_cast %get3A_1362 : vector<1x1x16xf32> to vector<16xf32>
      %add3A_1364 = arith.addf %get3A_1357, %get3A_1363 : vector<16xf32>
      %broadcast_in_dim3A_1365 = arith.constant 0.000000e+00 : f32
      %broadcast_in_dim3A_1366 = vector.broadcast %broadcast_in_dim3A_1365 : f32 to vector<16xf32>
      %max3A_1367 = arith.maximumf %add3A_1364, %broadcast_in_dim3A_1366 : vector<16xf32>
      %swap3A_1368 = arith.constant 1 : i32
      %swap3A_1369 = arith.index_cast %swap3A_1368 : i32 to index
      %swap3A_1370 = arith.index_cast %scan3A_1330 : i32 to index
      %swap3A_1371 = arith.constant 16 : index
      %swap3A_1372 = tpu.vector_load %arg11[%swap3A_1369, %swap3A_1370, %swap3A_1371] {strides = array<i32>} : memref<2x128x128xf32, #tpu.memory_space<vmem>>, vector<1x1x16xf32>,
      %swap3A_1373 = vector.shape_cast %swap3A_1372 : vector<1x1x16xf32> to vector<16xf32>
      %swap3A_1374 = vector.shape_cast %max3A_1367 : vector<16xf32> to vector<1x1x16xf32>
      tpu.vector_store %arg11[%swap3A_1369, %swap3A_1370, %swap3A_1371], %swap3A_1374 {strides = array<i32>} : memref<2x128x128xf32, #tpu.memory_space<vmem>>, vector<1x1x16xf32>,
      %get3A_1375 = arith.constant 1 : i32
      %get3A_1376 = arith.index_cast %get3A_1375 : i32 to index
      %get3A_1377 = arith.index_cast %scan3A_1330 : i32 to index
      %get3A_1378 = arith.constant 32 : index
      %get3A_1379 = tpu.vector_load %arg9[%get3A_1376, %get3A_1377, %get3A_1378] {strides = array<i32>} : memref<2x128x128xf32, #tpu.memory_space<vmem>>, vector<1x1x16xf32>,
      %get3A_1380 = vector.shape_cast %get3A_1379 : vector<1x1x16xf32> to vector<16xf32>
      %get3A_1381 = arith.constant 1 : i32
      %get3A_1382 = arith.index_cast %get3A_1381 : i32 to index
      %get3A_1383 = arith.index_cast %scan3A_1330 : i32 to index
      %get3A_1384 = arith.constant 32 : index
      %get3A_1385 = tpu.vector_load %arg10[%get3A_1382, %get3A_1383, %get3A_1384] {strides = array<i32>} : memref<2x128x128xf32, #tpu.memory_space<vmem>>, vector<1x1x16xf32>,
      %get3A_1386 = vector.shape_cast %get3A_1385 : vector<1x1x16xf32> to vector<16xf32>
      %add3A_1387 = arith.addf %get3A_1380, %get3A_1386 : vector<16xf32>
      %broadcast_in_dim3A_1388 = arith.constant 0.000000e+00 : f32
      %broadcast_in_dim3A_1389 = vector.broadcast %broadcast_in_dim3A_1388 : f32 to vector<16xf32>
      %max3A_1390 = arith.maximumf %add3A_1387, %broadcast_in_dim3A_1389 : vector<16xf32>
      %swap3A_1391 = arith.constant 1 : i32
      %swap3A_1392 = arith.index_cast %swap3A_1391 : i32 to index
      %swap3A_1393 = arith.index_cast %scan3A_1330 : i32 to index
      %swap3A_1394 = arith.constant 32 : index
      %swap3A_1395 = tpu.vector_load %arg11[%swap3A_1392, %swap3A_1393, %swap3A_1394] {strides = array<i32>} : memref<2x128x128xf32, #tpu.memory_space<vmem>>, vector<1x1x16xf32>,
      %swap3A_1396 = vector.shape_cast %swap3A_1395 : vector<1x1x16xf32> to vector<16xf32>
      %swap3A_1397 = vector.shape_cast %max3A_1390 : vector<16xf32> to vector<1x1x16xf32>
      tpu.vector_store %arg11[%swap3A_1392, %swap3A_1393, %swap3A_1394], %swap3A_1397 {strides = array<i32>} : memref<2x128x128xf32, #tpu.memory_space<vmem>>, vector<1x1x16xf32>,
      %get3A_1398 = arith.constant 1 : i32
      %get3A_1399 = arith.index_cast %get3A_1398 : i32 to index
      %get3A_1400 = arith.index_cast %scan3A_1330 : i32 to index
      %get3A_1401 = arith.constant 48 : index
      %get3A_1402 = tpu.vector_load %arg9[%get3A_1399, %get3A_1400, %get3A_1401] {strides = array<i32>} : memref<2x128x128xf32, #tpu.memory_space<vmem>>, vector<1x1x16xf32>,
      %get3A_1403 = vector.shape_cast %get3A_1402 : vector<1x1x16xf32> to vector<16xf32>
      %get3A_1404 = arith.constant 1 : i32
      %get3A_1405 = arith.index_cast %get3A_1404 : i32 to index
      %get3A_1406 = arith.index_cast %scan3A_1330 : i32 to index
      %get3A_1407 = arith.constant 48 : index
      %get3A_1408 = tpu.vector_load %arg10[%get3A_1405, %get3A_1406, %get3A_1407] {strides = array<i32>} : memref<2x128x128xf32, #tpu.memory_space<vmem>>, vector<1x1x16xf32>,
      %get3A_1409 = vector.shape_cast %get3A_1408 : vector<1x1x16xf32> to vector<16xf32>
      %add3A_1410 = arith.addf %get3A_1403, %get3A_1409 : vector<16xf32>
      %broadcast_in_dim3A_1411 = arith.constant 0.000000e+00 : f32
      %broadcast_in_dim3A_1412 = vector.broadcast %broadcast_in_dim3A_1411 : f32 to vector<16xf32>
      %max3A_1413 = arith.maximumf %add3A_1410, %broadcast_in_dim3A_1412 : vector<16xf32>
      %swap3A_1414 = arith.constant 1 : i32
      %swap3A_1415 = arith.index_cast %swap3A_1414 : i32 to index
      %swap3A_1416 = arith.index_cast %scan3A_1330 : i32 to index
      %swap3A_1417 = arith.constant 48 : index
      %swap3A_1418 = tpu.vector_load %arg11[%swap3A_1415, %swap3A_1416, %swap3A_1417] {strides = array<i32>} : memref<2x128x128xf32, #tpu.memory_space<vmem>>, vector<1x1x16xf32>,
      %swap3A_1419 = vector.shape_cast %swap3A_1418 : vector<1x1x16xf32> to vector<16xf32>
      %swap3A_1420 = vector.shape_cast %max3A_1413 : vector<16xf32> to vector<1x1x16xf32>
      tpu.vector_store %arg11[%swap3A_1415, %swap3A_1416, %swap3A_1417], %swap3A_1420 {strides = array<i32>} : memref<2x128x128xf32, #tpu.memory_space<vmem>>, vector<1x1x16xf32>,
      %get3A_1421 = arith.constant 1 : i32
      %get3A_1422 = arith.index_cast %get3A_1421 : i32 to index
      %get3A_1423 = arith.index_cast %scan3A_1330 : i32 to index
      %get3A_1424 = arith.constant 64 : index
      %get3A_1425 = tpu.vector_load %arg9[%get3A_1422, %get3A_1423, %get3A_1424] {strides = array<i32>} : memref<2x128x128xf32, #tpu.memory_space<vmem>>, vector<1x1x16xf32>,
      %get3A_1426 = vector.shape_cast %get3A_1425 : vector<1x1x16xf32> to vector<16xf32>
      %get3A_1427 = arith.constant 1 : i32
      %get3A_1428 = arith.index_cast %get3A_1427 : i32 to index
      %get3A_1429 = arith.index_cast %scan3A_1330 : i32 to index
      %get3A_1430 = arith.constant 64 : index
      %get3A_1431 = tpu.vector_load %arg10[%get3A_1428, %get3A_1429, %get3A_1430] {strides = array<i32>} : memref<2x128x128xf32, #tpu.memory_space<vmem>>, vector<1x1x16xf32>,
      %get3A_1432 = vector.shape_cast %get3A_1431 : vector<1x1x16xf32> to vector<16xf32>
      %add3A_1433 = arith.addf %get3A_1426, %get3A_1432 : vector<16xf32>
      %broadcast_in_dim3A_1434 = arith.constant 0.000000e+00 : f32
      %broadcast_in_dim3A_1435 = vector.broadcast %broadcast_in_dim3A_1434 : f32 to vector<16xf32>
      %max3A_1436 = arith.maximumf %add3A_1433, %broadcast_in_dim3A_1435 : vector<16xf32>
      %swap3A_1437 = arith.constant 1 : i32
      %swap3A_1438 = arith.index_cast %swap3A_1437 : i32 to index
      %swap3A_1439 = arith.index_cast %scan3A_1330 : i32 to index
      %swap3A_1440 = arith.constant 64 : index
      %swap3A_1441 = tpu.vector_load %arg11[%swap3A_1438, %swap3A_1439, %swap3A_1440] {strides = array<i32>} : memref<2x128x128xf32, #tpu.memory_space<vmem>>, vector<1x1x16xf32>,
      %swap3A_1442 = vector.shape_cast %swap3A_1441 : vector<1x1x16xf32> to vector<16xf32>
      %swap3A_1443 = vector.shape_cast %max3A_1436 : vector<16xf32> to vector<1x1x16xf32>
      tpu.vector_store %arg11[%swap3A_1438, %swap3A_1439, %swap3A_1440], %swap3A_1443 {strides = array<i32>} : memref<2x128x128xf32, #tpu.memory_space<vmem>>, vector<1x1x16xf32>,
      %get3A_1444 = arith.constant 1 : i32
      %get3A_1445 = arith.index_cast %get3A_1444 : i32 to index
      %get3A_1446 = arith.index_cast %scan3A_1330 : i32 to index
      %get3A_1447 = arith.constant 80 : index
      %get3A_1448 = tpu.vector_load %arg9[%get3A_1445, %get3A_1446, %get3A_1447] {strides = array<i32>} : memref<2x128x128xf32, #tpu.memory_space<vmem>>, vector<1x1x16xf32>,
      %get3A_1449 = vector.shape_cast %get3A_1448 : vector<1x1x16xf32> to vector<16xf32>
      %get3A_1450 = arith.constant 1 : i32
      %get3A_1451 = arith.index_cast %get3A_1450 : i32 to index
      %get3A_1452 = arith.index_cast %scan3A_1330 : i32 to index
      %get3A_1453 = arith.constant 80 : index
      %get3A_1454 = tpu.vector_load %arg10[%get3A_1451, %get3A_1452, %get3A_1453] {strides = array<i32>} : memref<2x128x128xf32, #tpu.memory_space<vmem>>, vector<1x1x16xf32>,
      %get3A_1455 = vector.shape_cast %get3A_1454 : vector<1x1x16xf32> to vector<16xf32>
      %add3A_1456 = arith.addf %get3A_1449, %get3A_1455 : vector<16xf32>
      %broadcast_in_dim3A_1457 = arith.constant 0.000000e+00 : f32
      %broadcast_in_dim3A_1458 = vector.broadcast %broadcast_in_dim3A_1457 : f32 to vector<16xf32>
      %max3A_1459 = arith.maximumf %add3A_1456, %broadcast_in_dim3A_1458 : vector<16xf32>
      %swap3A_1460 = arith.constant 1 : i32
      %swap3A_1461 = arith.index_cast %swap3A_1460 : i32 to index
      %swap3A_1462 = arith.index_cast %scan3A_1330 : i32 to index
      %swap3A_1463 = arith.constant 80 : index
      %swap3A_1464 = tpu.vector_load %arg11[%swap3A_1461, %swap3A_1462, %swap3A_1463] {strides = array<i32>} : memref<2x128x128xf32, #tpu.memory_space<vmem>>, vector<1x1x16xf32>,
      %swap3A_1465 = vector.shape_cast %swap3A_1464 : vector<1x1x16xf32> to vector<16xf32>
      %swap3A_1466 = vector.shape_cast %max3A_1459 : vector<16xf32> to vector<1x1x16xf32>
      tpu.vector_store %arg11[%swap3A_1461, %swap3A_1462, %swap3A_1463], %swap3A_1466 {strides = array<i32>} : memref<2x128x128xf32, #tpu.memory_space<vmem>>, vector<1x1x16xf32>,
      %get3A_1467 = arith.constant 1 : i32
      %get3A_1468 = arith.index_cast %get3A_1467 : i32 to index
      %get3A_1469 = arith.index_cast %scan3A_1330 : i32 to index
      %get3A_1470 = arith.constant 96 : index
      %get3A_1471 = tpu.vector_load %arg9[%get3A_1468, %get3A_1469, %get3A_1470] {strides = array<i32>} : memref<2x128x128xf32, #tpu.memory_space<vmem>>, vector<1x1x16xf32>,
      %get3A_1472 = vector.shape_cast %get3A_1471 : vector<1x1x16xf32> to vector<16xf32>
      %get3A_1473 = arith.constant 1 : i32
      %get3A_1474 = arith.index_cast %get3A_1473 : i32 to index
      %get3A_1475 = arith.index_cast %scan3A_1330 : i32 to index
      %get3A_1476 = arith.constant 96 : index
      %get3A_1477 = tpu.vector_load %arg10[%get3A_1474, %get3A_1475, %get3A_1476] {strides = array<i32>} : memref<2x128x128xf32, #tpu.memory_space<vmem>>, vector<1x1x16xf32>,
      %get3A_1478 = vector.shape_cast %get3A_1477 : vector<1x1x16xf32> to vector<16xf32>
      %add3A_1479 = arith.addf %get3A_1472, %get3A_1478 : vector<16xf32>
      %broadcast_in_dim3A_1480 = arith.constant 0.000000e+00 : f32
      %broadcast_in_dim3A_1481 = vector.broadcast %broadcast_in_dim3A_1480 : f32 to vector<16xf32>
      %max3A_1482 = arith.maximumf %add3A_1479, %broadcast_in_dim3A_1481 : vector<16xf32>
      %swap3A_1483 = arith.constant 1 : i32
      %swap3A_1484 = arith.index_cast %swap3A_1483 : i32 to index
      %swap3A_1485 = arith.index_cast %scan3A_1330 : i32 to index
      %swap3A_1486 = arith.constant 96 : index
      %swap3A_1487 = tpu.vector_load %arg11[%swap3A_1484, %swap3A_1485, %swap3A_1486] {strides = array<i32>} : memref<2x128x128xf32, #tpu.memory_space<vmem>>, vector<1x1x16xf32>,
      %swap3A_1488 = vector.shape_cast %swap3A_1487 : vector<1x1x16xf32> to vector<16xf32>
      %swap3A_1489 = vector.shape_cast %max3A_1482 : vector<16xf32> to vector<1x1x16xf32>
      tpu.vector_store %arg11[%swap3A_1484, %swap3A_1485, %swap3A_1486], %swap3A_1489 {strides = array<i32>} : memref<2x128x128xf32, #tpu.memory_space<vmem>>, vector<1x1x16xf32>,
      %get3A_1490 = arith.constant 1 : i32
      %get3A_1491 = arith.index_cast %get3A_1490 : i32 to index
      %get3A_1492 = arith.index_cast %scan3A_1330 : i32 to index
      %get3A_1493 = arith.constant 112 : index
      %get3A_1494 = tpu.vector_load %arg9[%get3A_1491, %get3A_1492, %get3A_1493] {strides = array<i32>} : memref<2x128x128xf32, #tpu.memory_space<vmem>>, vector<1x1x16xf32>,
      %get3A_1495 = vector.shape_cast %get3A_1494 : vector<1x1x16xf32> to vector<16xf32>
      %get3A_1496 = arith.constant 1 : i32
      %get3A_1497 = arith.index_cast %get3A_1496 : i32 to index
      %get3A_1498 = arith.index_cast %scan3A_1330 : i32 to index
      %get3A_1499 = arith.constant 112 : index
      %get3A_1500 = tpu.vector_load %arg10[%get3A_1497, %get3A_1498, %get3A_1499] {strides = array<i32>} : memref<2x128x128xf32, #tpu.memory_space<vmem>>, vector<1x1x16xf32>,
      %get3A_1501 = vector.shape_cast %get3A_1500 : vector<1x1x16xf32> to vector<16xf32>
      %add3A_1502 = arith.addf %get3A_1495, %get3A_1501 : vector<16xf32>
      %broadcast_in_dim3A_1503 = arith.constant 0.000000e+00 : f32
      %broadcast_in_dim3A_1504 = vector.broadcast %broadcast_in_dim3A_1503 : f32 to vector<16xf32>
      %max3A_1505 = arith.maximumf %add3A_1502, %broadcast_in_dim3A_1504 : vector<16xf32>
      %swap3A_1506 = arith.constant 1 : i32
      %swap3A_1507 = arith.index_cast %swap3A_1506 : i32 to index
      %swap3A_1508 = arith.index_cast %scan3A_1330 : i32 to index
      %swap3A_1509 = arith.constant 112 : index
      %swap3A_1510 = tpu.vector_load %arg11[%swap3A_1507, %swap3A_1508, %swap3A_1509] {strides = array<i32>} : memref<2x128x128xf32, #tpu.memory_space<vmem>>, vector<1x1x16xf32>,
      %swap3A_1511 = vector.shape_cast %swap3A_1510 : vector<1x1x16xf32> to vector<16xf32>
      %swap3A_1512 = vector.shape_cast %max3A_1505 : vector<16xf32> to vector<1x1x16xf32>
      tpu.vector_store %arg11[%swap3A_1507, %swap3A_1508, %swap3A_1509], %swap3A_1512 {strides = array<i32>} : memref<2x128x128xf32, #tpu.memory_space<vmem>>, vector<1x1x16xf32>,
    }
    %scan3A_1279 = arith.constant 128 : i32
    %add3A_1280 = arith.constant 896 : i32
    %add3A_1281 = arith.addi %mul3A_2, %add3A_1280 : i32
    %dma_start3A_1282 = arith.constant 1 : i32
    %dma_start3A_1283 = arith.constant 1 : i32
    %dma_start3A_1284 = arith.constant 0 : i32
    %dma_start3A_1285 = arith.constant 0 : i32
    %dma_start3A_1286 = tpu.memref_slice %arg11[%dma_start3A_1282, %dma_start3A_1284, %dma_start3A_1285] : memref<2x128x128xf32, #tpu.memory_space<vmem>> -> memref<1x128x128xf32, #tpu.memory_space<vmem>>
    %dma_start3A_1287 = tpu.memref_squeeze %dma_start3A_1286 : memref<1x128x128xf32, #tpu.memory_space<vmem>> -> memref<128x128xf32, #tpu.memory_space<vmem>>
    %dma_start3A_1288 = arith.constant 0 : i32
    %dma_start3A_1289 = tpu.memref_slice %arg6[%add3A_1281, %dma_start3A_1288] : memref<32768x128xf32, #tpu.memory_space<hbm>> -> memref<128x128xf32, #tpu.memory_space<hbm>>
    %dma_start3A_1290 = tpu.memref_slice %arg15[%dma_start3A_1283] : memref<2x!tpu.dma_semaphore, #tpu.memory_space<semaphore_mem>> -> memref<1x!tpu.dma_semaphore, #tpu.memory_space<semaphore_mem>>
    %dma_start3A_1291 = tpu.memref_squeeze %dma_start3A_1290 : memref<1x!tpu.dma_semaphore, #tpu.memory_space<semaphore_mem>> -> memref<!tpu.dma_semaphore, #tpu.memory_space<semaphore_mem>>
    %dma_start3A_1292 = arith.constant 0 : i32
    %dma_start3A_1293 = tpu.memref_slice %arg6[%add3A_1281, %dma_start3A_1292] : memref<32768x128xf32, #tpu.memory_space<hbm>> -> memref<128x128xf32, #tpu.memory_space<hbm>>
    %dma_start3A_1294 = arith.constant 0 : i32
    %dma_start3A_1295 = arith.constant 0 : i32
    %dma_start3A_1296 = tpu.memref_slice %arg11[%dma_start3A_1282, %dma_start3A_1294, %dma_start3A_1295] : memref<2x128x128xf32, #tpu.memory_space<vmem>> -> memref<1x128x128xf32, #tpu.memory_space<vmem>>
    %dma_start3A_1297 = tpu.memref_squeeze %dma_start3A_1296 : memref<1x128x128xf32, #tpu.memory_space<vmem>> -> memref<128x128xf32, #tpu.memory_space<vmem>>
    tpu.enqueue_dma source(%dma_start3A_1297 : memref<128x128xf32, #tpu.memory_space<vmem>>) target(%dma_start3A_1293 : memref<128x128xf32, #tpu.memory_space<hbm>>) target_semaphore(%dma_start3A_1291 : memref<!tpu.dma_semaphore, #tpu.memory_space<semaphore_mem>>)
    %dma_wait3A_1298 = arith.constant 0 : i32
    %dma_wait3A_1299 = arith.constant 0 : i32
    %dma_wait3A_1300 = arith.constant 0 : i32
    %dma_wait3A_1301 = arith.constant 0 : i32
    %dma_wait3A_1302 = tpu.memref_slice %arg11[%dma_wait3A_1298, %dma_wait3A_1300, %dma_wait3A_1301] : memref<2x128x128xf32, #tpu.memory_space<vmem>> -> memref<1x128x128xf32, #tpu.memory_space<vmem>>
    %dma_wait3A_1303 = tpu.memref_squeeze %dma_wait3A_1302 : memref<1x128x128xf32, #tpu.memory_space<vmem>> -> memref<128x128xf32, #tpu.memory_space<vmem>>
    %dma_wait3A_1304 = arith.constant 0 : i32
    %dma_wait3A_1305 = tpu.memref_slice %arg6[%add3A_1215, %dma_wait3A_1304] : memref<32768x128xf32, #tpu.memory_space<hbm>> -> memref<128x128xf32, #tpu.memory_space<hbm>>
    %dma_wait3A_1306 = tpu.memref_slice %arg15[%dma_wait3A_1299] : memref<2x!tpu.dma_semaphore, #tpu.memory_space<semaphore_mem>> -> memref<1x!tpu.dma_semaphore, #tpu.memory_space<semaphore_mem>>
    %dma_wait3A_1307 = tpu.memref_squeeze %dma_wait3A_1306 : memref<1x!tpu.dma_semaphore, #tpu.memory_space<semaphore_mem>> -> memref<!tpu.dma_semaphore, #tpu.memory_space<semaphore_mem>>
    %dma_wait3A_1308 = arith.constant 0 : i32
    %dma_wait3A_1309 = tpu.memref_slice %arg6[%add3A_1215, %dma_wait3A_1308] : memref<32768x128xf32, #tpu.memory_space<hbm>> -> memref<128x128xf32, #tpu.memory_space<hbm>>
    %dma_wait3A_1310 = arith.constant 0 : i32
    %dma_wait3A_1311 = arith.constant 0 : i32
    %dma_wait3A_1312 = tpu.memref_slice %arg11[%dma_wait3A_1298, %dma_wait3A_1310, %dma_wait3A_1311] : memref<2x128x128xf32, #tpu.memory_space<vmem>> -> memref<1x128x128xf32, #tpu.memory_space<vmem>>
    %dma_wait3A_1313 = tpu.memref_squeeze %dma_wait3A_1312 : memref<1x128x128xf32, #tpu.memory_space<vmem>> -> memref<128x128xf32, #tpu.memory_space<vmem>>
    tpu.wait_dma2 semaphore(%dma_wait3A_1307 : memref<!tpu.dma_semaphore, #tpu.memory_space<semaphore_mem>>) src(%dma_wait3A_1313 : memref<128x128xf32, #tpu.memory_space<vmem>>) dst(%dma_wait3A_1309 : memref<128x128xf32, #tpu.memory_space<hbm>>)
    %dma_wait3A_1314 = arith.constant 1 : i32
    %dma_wait3A_1315 = arith.constant 1 : i32
    %dma_wait3A_1316 = arith.constant 0 : i32
    %dma_wait3A_1317 = arith.constant 0 : i32
    %dma_wait3A_1318 = tpu.memref_slice %arg11[%dma_wait3A_1314, %dma_wait3A_1316, %dma_wait3A_1317] : memref<2x128x128xf32, #tpu.memory_space<vmem>> -> memref<1x128x128xf32, #tpu.memory_space<vmem>>
    %dma_wait3A_1319 = tpu.memref_squeeze %dma_wait3A_1318 : memref<1x128x128xf32, #tpu.memory_space<vmem>> -> memref<128x128xf32, #tpu.memory_space<vmem>>
    %dma_wait3A_1320 = arith.constant 0 : i32
    %dma_wait3A_1321 = tpu.memref_slice %arg6[%add3A_1281, %dma_wait3A_1320] : memref<32768x128xf32, #tpu.memory_space<hbm>> -> memref<128x128xf32, #tpu.memory_space<hbm>>
    %dma_wait3A_1322 = tpu.memref_slice %arg15[%dma_wait3A_1315] : memref<2x!tpu.dma_semaphore, #tpu.memory_space<semaphore_mem>> -> memref<1x!tpu.dma_semaphore, #tpu.memory_space<semaphore_mem>>
    %dma_wait3A_1323 = tpu.memref_squeeze %dma_wait3A_1322 : memref<1x!tpu.dma_semaphore, #tpu.memory_space<semaphore_mem>> -> memref<!tpu.dma_semaphore, #tpu.memory_space<semaphore_mem>>
    %dma_wait3A_1324 = arith.constant 0 : i32
    %dma_wait3A_1325 = tpu.memref_slice %arg6[%add3A_1281, %dma_wait3A_1324] : memref<32768x128xf32, #tpu.memory_space<hbm>> -> memref<128x128xf32, #tpu.memory_space<hbm>>
    %dma_wait3A_1326 = arith.constant 0 : i32
    %dma_wait3A_1327 = arith.constant 0 : i32
    %dma_wait3A_1328 = tpu.memref_slice %arg11[%dma_wait3A_1314, %dma_wait3A_1326, %dma_wait3A_1327] : memref<2x128x128xf32, #tpu.memory_space<vmem>> -> memref<1x128x128xf32, #tpu.memory_space<vmem>>
    %dma_wait3A_1329 = tpu.memref_squeeze %dma_wait3A_1328 : memref<1x128x128xf32, #tpu.memory_space<vmem>> -> memref<128x128xf32, #tpu.memory_space<vmem>>
    tpu.wait_dma2 semaphore(%dma_wait3A_1323 : memref<!tpu.dma_semaphore, #tpu.memory_space<semaphore_mem>>) src(%dma_wait3A_1329 : memref<128x128xf32, #tpu.memory_space<vmem>>) dst(%dma_wait3A_1325 : memref<128x128xf32, #tpu.memory_space<hbm>>)
    return
  }
}

module attributes {stable_mosaic.version = 14 : i64} {
  func.func @_mm_body(%arg0: i32, %arg1: memref<8192x256xf32, #tpu.memory_space<vmem>>, %arg2: memref<128x320xf32, #tpu.memory_space<vmem>>, %arg3: memref<1000x64xf32, #tpu.memory_space<vmem>>, %arg4: memref<1x128xf32, #tpu.memory_space<vmem>>, %arg5: memref<8192x128xf32, #tpu.memory_space<vmem>>, %arg6: memref<1000x128xf32, #tpu.memory_space<vmem>>) attributes {dimension_semantics = [#tpu.dimension_semantics<arbitrary>], iteration_bounds = array<i64: 4>, scalar_prefetch = 0 : i64, scratch_operands = 0 : i64, tpu.core_type = #tpu.core_type<tc>, window_params = [{transform_indices = @transform_0, window_bounds = array<i64: 8192, 256>}, {pipeline_mode = #tpu.pipeline_mode<synchronous>, transform_indices = @transform_1, window_bounds = array<i64: 128, 320>}, {pipeline_mode = #tpu.pipeline_mode<synchronous>, transform_indices = @transform_2, window_bounds = array<i64: 1000, 64>}, {pipeline_mode = #tpu.pipeline_mode<synchronous>, transform_indices = @transform_3, window_bounds = array<i64: 1, 128>}, {transform_indices = @transform_4, window_bounds = array<i64: 8192, 128>}, {pipeline_mode = #tpu.pipeline_mode<synchronous>, transform_indices = @transform_5, window_bounds = array<i64: 1000, 128>}]} {
    %get3A = arith.constant 0 : index
    %get3A_0 = arith.constant 0 : index
    %get3A_1 = vector.load %arg1[%get3A, %get3A_0] : memref<8192x256xf32, #tpu.memory_space<vmem>>, vector<8192x256xf32>
    %get3A_2 = arith.constant 0 : index
    %get3A_3 = arith.constant 64 : index
    %get3A_4 = vector.load %arg2[%get3A_2, %get3A_3] : memref<128x320xf32, #tpu.memory_space<vmem>>, vector<128x256xf32>
    %dot_general3A = arith.constant dense<0.000000e+00> : vector<8192x128xf32>
    %dot_general3A_5 = tpu.matmul %get3A_1, %get3A_4, %dot_general3A {dimension_numbers = #tpu.dot_dimension_numbers<[1], [1], [0], [0], [0, 0, 1, 0], [], []>, transpose_lhs_hint = false} : vector<8192x256xf32>, vector<128x256xf32>, vector<8192x128xf32> -> vector<8192x128xf32>
    %swap3A = arith.constant 0 : index
    %swap3A_6 = arith.constant 0 : index
    %swap3A_7 = vector.load %arg5[%swap3A, %swap3A_6] : memref<8192x128xf32, #tpu.memory_space<vmem>>, vector<8192x128xf32>
    tpu.vector_store %arg5[%swap3A, %swap3A_6], %dot_general3A_5 {strides = array<i32>} : memref<8192x128xf32, #tpu.memory_space<vmem>>, vector<8192x128xf32>,
    %eq3A = arith.constant 0 : i32
    %eq3A_8 = arith.cmpi eq, %arg0, %eq3A : i32
    %convert_element_type3A = arith.extui %eq3A_8 : i1 to i32
    %cond3A = arith.constant 0 : i32
    %cond3A_9 = arith.cmpi ne, %convert_element_type3A, %cond3A : i32
    scf.if %cond3A_9 {
      %get3A_10 = arith.constant 0 : index
      %get3A_11 = arith.constant 0 : index
      %get3A_12 = vector.load %arg3[%get3A_10, %get3A_11] : memref<1000x64xf32, #tpu.memory_space<vmem>>, vector<1000x64xf32>
      %get3A_13 = arith.constant 0 : index
      %get3A_14 = arith.constant 0 : index
      %get3A_15 = vector.load %arg2[%get3A_13, %get3A_14] : memref<128x320xf32, #tpu.memory_space<vmem>>, vector<128x64xf32>
      %dot_general3A_16 = arith.constant dense<0.000000e+00> : vector<1000x128xf32>
      %dot_general3A_17 = tpu.matmul %get3A_12, %get3A_15, %dot_general3A_16 {dimension_numbers = #tpu.dot_dimension_numbers<[1], [1], [0], [0], [0, 0, 1, 0], [], []>, transpose_lhs_hint = false} : vector<1000x64xf32>, vector<128x64xf32>, vector<1000x128xf32> -> vector<1000x128xf32>
      %get3A_18 = arith.constant 0 : index
      %get3A_19 = arith.constant 0 : index
      %get3A_20 = vector.load %arg4[%get3A_18, %get3A_19] : memref<1x128xf32, #tpu.memory_space<vmem>>, vector<1x128xf32>
      %add3A = vector.broadcast %get3A_20 : vector<1x128xf32> to vector<1000x128xf32>
      %add3A_21 = arith.addf %dot_general3A_17, %add3A : vector<1000x128xf32>
      %swap3A_22 = arith.constant 0 : index
      %swap3A_23 = arith.constant 0 : index
      %swap3A_24 = vector.load %arg6[%swap3A_22, %swap3A_23] : memref<1000x128xf32, #tpu.memory_space<vmem>>, vector<1000x128xf32>
      tpu.vector_store %arg6[%swap3A_22, %swap3A_23], %add3A_21 {strides = array<i32>} : memref<1000x128xf32, #tpu.memory_space<vmem>>, vector<1000x128xf32>,
    } else {
    }
    return
  }
  func.func @transform_0(%arg0: i32) -> (i32, i32) {
    %c0_i32 = arith.constant 0 : i32
    %c0_i32_0 = arith.constant 0 : i32
    return %arg0, %c0_i32 : i32, i32
  }
  func.func @transform_1(%arg0: i32) -> (i32, i32) {
    %c0_i32 = arith.constant 0 : i32
    %c0_i32_0 = arith.constant 0 : i32
    %c0_i32_1 = arith.constant 0 : i32
    return %c0_i32, %c0_i32_0 : i32, i32
  }
  func.func @transform_2(%arg0: i32) -> (i32, i32) {
    %c0_i32 = arith.constant 0 : i32
    %c0_i32_0 = arith.constant 0 : i32
    %c0_i32_1 = arith.constant 0 : i32
    return %c0_i32, %c0_i32_0 : i32, i32
  }
  func.func @transform_3(%arg0: i32) -> (i32, i32) {
    %c0_i32 = arith.constant 0 : i32
    %c0_i32_0 = arith.constant 0 : i32
    %c0_i32_1 = arith.constant 0 : i32
    return %c0_i32, %c0_i32_0 : i32, i32
  }
  func.func @transform_4(%arg0: i32) -> (i32, i32) {
    %c0_i32 = arith.constant 0 : i32
    %c0_i32_0 = arith.constant 0 : i32
    return %arg0, %c0_i32 : i32, i32
  }
  func.func @transform_5(%arg0: i32) -> (i32, i32) {
    %c0_i32 = arith.constant 0 : i32
    %c0_i32_0 = arith.constant 0 : i32
    %c0_i32_1 = arith.constant 0 : i32
    return %c0_i32, %c0_i32_0 : i32, i32
  }
}

</mosaic_0001>

<sc_bundles>
// kernel: kernel.4.cloned.1.call-start
scs
__scs_entry_jumppad:
0x0: {  	(pc) =	sbr.rel $0x88, $3  }
0x1: {  	(tag) =	ssettag $0x0;
	lr =	simm.s32 $0x1  }
0x2: {  	[smem:$0x3F9B] =	sst lr;
	_ =	strace $0xD0000000  }
0x3: {  	_ = 	snop  }
0x4: {  	_ = 	snop  }
0x5: {  	_ = 	snop  }
0x6: {  	_ = 	snop  }
0x7: {  	_ = 	snop  }
__scs_overlays_trampoline_lowered:
0x8: {  	[smem:$0x3FAA] =	sst s0  }
0x9: {  	[smem:$0x3FAB] =	sst s1  }
0xa: {  	[smem:$0x3FAC] =	sst s2  }
0xb: {  	[smem:$0x3FAD] =	sst s3  }
0xc: {  	[smem:$0x3FAE] =	sst s4  }
0xd: {  	[smem:$0x3FAF] =	sst s5  }
0xe: {  	[smem:$0x3FB0] =	sst s6  }
0xf: {  	[smem:$0x3FB1] =	sst s7  }
0x10: {  	[smem:$0x3FB2] =	sst s8  }
0x11: {  	[smem:$0x3FB3] =	sst s9;
	s0 =	simm.s32 @!p0 $0x0  }
0x12: {  	s1 =	sld [smem:$0x3F99];
	s0 =	simm.s32 @p0 $0x1  }
0x13: {  	[smem:$0x3FB4] =	sst s0;
	s0 =	simm.s32 @!p1 $0x0  }
0x14: {  	s2 =	sld [smem:$0x3F98];
	s0 =	simm.s32 @p1 $0x1  }
0x15: {  	[smem:$0x3FB5] =	sst s0;
	s0 =	simm.s32 @!p2 $0x0  }
0x16: {  	s3 =	sld [smem:$0x3FDB];
	s0 =	simm.s32 @p2 $0x1  }
0x17: {  	s4 =	simm.s32 $0x1BF5;
	[smem:$0x3FB7] =	sst s0  }
0x18: {  	s0 =	sld [smem:$0x3F9A];
	_ =	swait.ge [sflag:s4], $0x0  }
0x19: {  	s7 =	sld [smem:$0x3F9B]  }
0x1a: {  	s8 =	sadd.s32 $0xFFFFE003, lr  }
0x1b: {  	s9 =	sadd.s32 $0xFFFFFEF7, lr;
	s5 =	simm.s32 $0xFFFFFFFF;
	p2 =	slt.u32 s8, $0xFFFFF086  }
0x1c: {  	p1 =	slt.u32 s9, $0xF7A;
	s5 =	simm.s32 @!p2 $0x0  }
0x1d: {  	s5 =	simm.s32 @p1 $0x1;
	p0 =	seq.s32 s7, s2  }
0x1e: {  	s7 =	smul.u32 @!p0 $0xF7A, s2;
	p2 =	seq.s32 @!p0 s5, $0x0  }
0x1f: {  	s9 =	smul.u32 $0xF7A, s1;
	s8 =	simm.s32 @!p0 $0x1BF5;
	p2 =	por !p2, p0  }
0x20: {  	[sflag:s8] =	ssyncset.s32 @!p0 $0xFFFFF086;
	s6 =	sadd.s32 @!p0 s3, s7;
	s7 =	simm.s32 @!p0 $0x108  }
0x21: {  	s3 =	sadd.s32 s3, s9;
	s6 =	sadd.s32 @!p0 $0x88, s6;
	s7 =	simm.s32 @p2 $0x1082  }
0x22: {  	[simem:s7], [sflag:s8] =	dma.local @!p0 [hbm:s6], $0xF7A  }
0x23: {  	s9 =	sor.u32 $0xD0000000, s2;
	s6 =	simm.s32 $0x108;
	_ =	swait.ge @!p0 [sflag:s8], $0x0  }
0x24: {  	s3 =	sadd.s32 $0x88, s3;
	s6 =	simm.s32 @!p1 $0x1082;
	[sflag:s4] =	ssyncset.s32 $0xFFFFF086  }
0x25: {  	[simem:s6], [sflag:s4] =	dma.local [hbm:s3], $0xF7A  }
0x26: {  	[smem:$0x3F9B] =	sst s1;
	(tag) =	ssettag s2;
	_ =	strace s9  }
0x27: {  	s1 =	sld [smem:$0x3FAB]  }
0x28: {  	s2 =	sld [smem:$0x3FAC]  }
0x29: {  	s4 =	sld [smem:$0x3FAE]  }
0x2a: {  	p0 =	seq.s32 s5, $0x0;
	s5 =	sld [smem:$0x3FAF]  }
0x2b: {  	s6 =	sld [smem:$0x3FB0]  }
0x2c: {  	s7 =	sld [smem:$0x3FB1]  }
0x2d: {  	s3 =	simm.s32 $0x108;
	s8 =	sld [smem:$0x3FB2]  }
0x2e: {  	s3 =	simm.s32 @!p0 $0x1082;
	s9 =	sld [smem:$0x3FB3]  }
0x2f: {  	lr =	sadd.s32 s0, s3;
	s0 =	sld [smem:$0x3FAA]  }
0x30: {  	s3 =	sld [smem:$0x3FAD]  }
0x31: {  	[smem:$0x3FB6] =	sst s10  }
0x32: {  	s10 =	sld [smem:$0x3FB4];
	_ =	sdelay $0x3  }
0x33: {  	p0 =	seq.s32 s10, $0x1;
	s10 =	sld [smem:$0x3FB6];
	_ =	sdelay $0x3  }
0x34: {  	[smem:$0x3FB6] =	sst s10  }
0x35: {  	s10 =	sld [smem:$0x3FB5];
	_ =	sdelay $0x3  }
0x36: {  	p1 =	seq.s32 s10, $0x1;
	s10 =	sld [smem:$0x3FB6];
	_ =	sdelay $0x3  }
0x37: {  	[smem:$0x3FB6] =	sst s10  }
0x38: {  	s10 =	sld [smem:$0x3FB7]  }
0x39: {  	_ = 	snop;
	(pc) =	sbr.ind lr, $3  }
0x3a: {  	_ = 	snop  }
0x3b: {  	_ = 	snop  }
0x3c: {  	p2 =	seq.s32 s10, $0x1;
	s10 =	sld [smem:$0x3FB6]  }
0x3d: {  	_ =	shalt  }
0x3e: {  	_ =	shalt  }
0x3f: {  	_ =	shalt  }
0x40: {  	_ =	shalt  }
0x41: {  	_ =	shalt  }
0x42: {  	_ =	shalt  }
0x43: {  	_ =	shalt  }
0x44: {  	_ =	shalt  }
0x45: {  	_ =	shalt  }
0x46: {  	_ =	shalt  }
0x47: {  	_ =	shalt  }
0x48: {  	_ =	shalt  }
0x49: {  	_ =	shalt  }
0x4a: {  	_ =	shalt  }
0x4b: {  	_ =	shalt  }
0x4c: {  	_ =	shalt  }
0x4d: {  	_ =	shalt  }
0x4e: {  	_ =	shalt  }
0x4f: {  	_ =	shalt  }
0x50: {  	_ =	shalt  }
0x51: {  	_ =	shalt  }
0x52: {  	_ =	shalt  }
0x53: {  	_ =	shalt  }
0x54: {  	_ =	shalt  }
0x55: {  	_ =	shalt  }
0x56: {  	_ =	shalt  }
0x57: {  	_ =	shalt  }
0x58: {  	_ =	shalt  }
0x59: {  	_ =	shalt  }
0x5a: {  	_ =	shalt  }
0x5b: {  	_ =	shalt  }
0x5c: {  	_ =	shalt  }
0x5d: {  	_ =	shalt  }
0x5e: {  	_ =	shalt  }
0x5f: {  	_ =	shalt  }
0x60: {  	_ =	shalt  }
0x61: {  	_ =	shalt  }
0x62: {  	_ =	shalt  }
0x63: {  	_ =	shalt  }
0x64: {  	_ =	shalt  }
0x65: {  	_ =	shalt  }
0x66: {  	_ =	shalt  }
0x67: {  	_ =	shalt  }
0x68: {  	_ =	shalt  }
0x69: {  	_ =	shalt  }
0x6a: {  	_ =	shalt  }
0x6b: {  	_ =	shalt  }
0x6c: {  	_ =	shalt  }
0x6d: {  	_ =	shalt  }
0x6e: {  	_ =	shalt  }
0x6f: {  	_ =	shalt  }
0x70: {  	_ =	shalt  }
0x71: {  	_ =	shalt  }
0x72: {  	_ =	shalt  }
0x73: {  	_ =	shalt  }
0x74: {  	_ =	shalt  }
0x75: {  	_ =	shalt  }
0x76: {  	_ =	shalt  }
0x77: {  	_ =	shalt  }
0x78: {  	_ =	shalt  }
0x79: {  	_ =	shalt  }
0x7a: {  	_ =	shalt  }
0x7b: {  	_ =	shalt  }
0x7c: {  	_ =	shalt  }
0x7d: {  	_ =	shalt  }
0x7e: {  	_ =	shalt  }
0x7f: {  	_ =	shalt  }
0x80: {  	_ =	shalt  }
0x81: {  	_ =	shalt  }
0x82: {  	_ =	shalt  }
0x83: {  	_ =	shalt  }
0x84: {  	_ =	shalt  }
0x85: {  	_ =	shalt  }
0x86: {  	_ =	shalt  }
0x87: {  	_ =	shalt  }
.Lfunc_end0:
.L_simem_size_0:
called_computation_lowered:
.L_overlay_start_0:
0x88: {  	s2 =	sld [smem:$0x3FD9]  }
0x89: {  	s3 =	sld [smem:$0x3FFE];
	_ =	sdelay $0x1  }
0x8a: {  	s1 =	srdreg.scid  }
0x8b: {  	s0 =	sand.u32 $0x1, s1  }
0x8c: {  	s17 =	sshll.u32 s0, $0xA;
	s2 =	sadd.s32 s3, s2  }
0x8d: {  	s2 =	sadd.s32 s2, s17  }
0x8e: {  	[smem:$0x3FC2] =	sst s2  }
0x8f: {  	_ = 	snop  }
0x90: {  	s2 =	sld [smem:$0x3FC8]  }
0x91: {  	s18 =	sld [smem:$0x3FD0];
	(tm) =	ssettm $0x1  }
0x92: {  	s4 =	sld [smem:$0x3FFB];
	_ =	sdelay $0x3  }
0x93: {  	_ =	strace s4  }
0x94: {  	s4 =	sld [smem:$0x3FFC];
	_ =	sdelay $0x3  }
0x95: {  	_ =	strace s4  }
0x96: {  	s4 =	sld [smem:$0x3FFD];
	_ =	sdelay $0x3  }
0x97: {  	_ =	strace s4  }
0x98: {  	_ =	strace $0x8FFFFFFF  }
0x99: {  	s19 =	sld [smem:$0x3FDB];
	_ =	sdelay $0x1  }
0x9a: {  	s5 =	simm.s32 $_scs_section_size  }
0x9b: {  	s6 =	simm.s32 $_size__tile_overlayer_lowered;
	s7 =	simm.s32 $_tile_overlayer_lowered  }
0x9c: {  	s22 =	simm.s32 $0x1BFF;
	s21 =	sshll.u32 s7, $0x1;
	s4 =	sadd.s32 s5, s19  }
0x9d: {  	s8 =	simm.s32 $0x0;
	s20 =	sshll.u32 s6, $0x1;
	s6 =	sadd.s32 s21, s4  }
0x9e: {  	[timem:s8], [sflag:s22] =	dma.local [hbm:s6], s20  }
0x9f: {  	_ =	swait.ge [sflag:s22], s20  }
0xa0: {  	s5 =	ssub.s32 $0x0, s20;
	[sflag:s22] =	ssyncset.done $0x0  }
0xa1: {  	[sflag:s22] =	ssyncadd.s32 s5;
	_ =	sdelay $0x1  }
0xa2: {  	s23 =	simm.s32 $0x1B8B  }
0xa3: {  	_ =	swait.ge [sflag:s23], $0x1  }
0xa4: {  	[sflag:s23] =	ssyncset.done $0x0  }
0xa5: {  	s25 =	simm.s32 $0x1B8E;
	s24 =	sld [smem:$0x3FFE];
	[sflag:s23] =	ssyncadd.s32 $0xFFFFFFFF  }
0xa6: {  	s26 =	simm.s32 $execute0_lowered;
	[smem:$0x3FD2] =	sst s25  }
0xa7: {  	s6 =	sshll.u32 s26, $0x1;
	_ =	strace $0x80000046;
	[dreg:$0x1] =	wrdreg $0xFFFFFFFF  }
0xa8: {  	s28 =	simm.s32 $_size_execute0_lowered;
	s4 =	sadd.s32 s4, s6;
	[dreg:$0x0] =	wrdreg $0x0  }
0xa9: {  	s6 =	sshll.u32 s28, $0x1;
	[dreg:$0x2] =	wrdreg s4  }
0xaa: {  	[dreg:$0x3] =	wrdreg s6  }
0xab: {  	[dreg:$0x4] =	wrdreg $0xC0  }
0xac: {  	_ =	task [dreg:s8], $0x5FFFF  }
0xad: {  	[dreg:$0x1] =	wrdreg $0xFFFFFFFF  }
0xae: {  	[dreg:$0x0] =	wrdreg $0x60  }
0xaf: {  	[dreg:$0x2] =	wrdreg s2  }
0xb0: {  	[dreg:$0x3] =	wrdreg s24  }
0xb1: {  	[dreg:$0x4] =	wrdreg s18  }
0xb2: {  	[dreg:$0x5] =	wrdreg $0x188000  }
0xb3: {  	[dreg:$0x6] =	wrdreg $0x9  }
0xb4: {  	_ =	task.clear_ibuf [dreg:s8], $0x7FFFF;
	_ =	strace $0x90000046  }
0xb5: {  	s29 =	simm.s32 $0x9;
	_ =	strace $0x80000048  }
0xb6: {  	_ =	swait.ge [sflag:s29], $0x1  }
0xb7: {  	[sflag:s29] =	ssyncadd.s32 $0xFFFFFFFF  }
0xb8: {  	_ =	strace $0x90000048  }
0xb9: {  	_ =	sfence  }
0xba: {  	s30 =	sld [smem:$0x0];
	_ =	sdelay $0x2  }
0xbb: {  	s31 =	sshll.u32 s1, $0xD;
	s1 =	sshrl.u32 s1, $0x2  }
0xbc: {  	s3 =	sand.u32 $0x4000, s31;
	s1 =	sadd.s32 s1, s30  }
0xbd: {  	s0 =	sor.u32 s3, s0;
	s1 =	sshll.u32 s1, $0x11  }
0xbe: {  	s0 =	sor.u32 s1, s0  }
0xbf: {  	s0 =	sadd.s32 $0x8F2B, s0  }
0xc0: {  	[sflag:s0] =	ssyncadd.remote.s32 $0x1  }
0xc1: {  	_ =	sfence.sel $0xFFFF  }
0xc2: {  	[dreg:$0x0] =	wrdreg $0xFFFFFFFF;
	(pc) =	sbr.abs _section_cstart, $3  }
0xc3: {  	[dreg:$0x1] =	wrdreg $0xFFFFFFFF  }
0xc4: {  	_ =	task.clear_ibuf [dreg:s8], $0x2FFFF;
	_ =	strace $0x9FFFFFFF  }
0xc5: {  	(tm) =	ssettm $0x7FFFFFFF  }
tec
execute0_lowered:
.L_overlay_start_1:
0x0: {  	(tag) =	ssettag $0x1  }
0x1: {  	s0 =	rddreg [dreg:$0x0]  }
0x2: {  	s4 =	rddreg [dreg:$0x1]  }
0x3: {  	s5 =	rddreg [dreg:$0x2]  }
0x4: {  	s1 =	rddreg [dreg:$0x3]  }
0x5: {  	s2 =	srdreg.scid;
	s6 =	stileid.u32  }
0x6: {  	s20 =	simm.s32 $0x80;
	s21 =	simm.s32 $0x800;
	s22 =	simm.s32 $0x8800  }
0x7: {  	s23 =	simm.s32 $0x4800;
	s25 =	simm.s32 $0xC800;
	s26 =	simm.s32 $0x3  }
0x8: {  	s28 =	simm.s32 $0x10800;
	s31 =	simm.s32 $0x2;
	s24 =	simm.s32 $0x14800  }
0x9: {  	s29 =	simm.s32 $0x5;
	s30 =	simm.s32 $0x6;
	s7 =	sand.u32 $0x1, s2  }
0xa: {  	s2 =	simm.s32 $0x0;
	s3 =	sshll.u32 s6, $0xB;
	s8 =	sshll.u32 s7, $0xA  }
0xb: {  	[smem:$0x7FF] =	sst s2;
	s11 =	ssub.s32 $0x2, s7;
	p1 =	seq.s32 s7, $0x1  }
0xc: {  	s7 =	simm.s32 $0x1;
	s8 =	sor.u32 s8, s3;
	_ =	strace $0x80000047  }
0xd: {  	s3 =	sadd.s32 $0x1C00, s4;
	s12 =	sshrl.u32 s11, $0x1;
	s9 =	sshrl.u32 s8, $0x3  }
0xe: {  	p0 =	seq.s32 s8, $0x0;
	s17 =	ssub.s32 s11, s12;
	s8 =	sshll.u32 s8, $0x4  }
0xf: {  	s10 =	sadd.s32 s9, s4;
	s4 =	sadd.s32 $0x81C00, s4;
	p0 =	por !p0, !p1  }
0x10: {  	s0 =	sadd.s32 s0, s9;
	s8 =	sadd.s32 s5, s8;
	[dreg:$0x5] =	wrdreg s4  }
0x11: {  	s16 =	smax.u32 s17, $0x1;
	[dreg:$0x6] =	wrdreg s0;
	p0 =	por !p0, !p0  }
0x12: {  	s0 =	simm.s32 $0x1;
	s18 =	sadd.s32 $0xC00, s10;
	s9 =	sadd.s32 $0x800, s8  }
0x13: {  	s10 =	sadd.s32 $0x1000, s8;
	s11 =	sadd.s32 $0x1800, s8;
	s12 =	sadd.s32 $0x2000, s8  }
0x14: {  	s13 =	sadd.s32 $0x2800, s8;
	s14 =	sadd.s32 $0x3000, s8;
	s0 =	simm.s32 @!p0 $0x0  }
0x15: {  	s15 =	sadd.s32 $0x3800, s8;
	s4 =	simm.s32 $0x0;
	s0 =	ssub.s32 s6, s0  }
0x16: {  	[dreg:$0x7] =	wrdreg s18;
	p0 =	sne.s32 s6, $0x0;
	s19 =	sshll.u32 s0, $0xB  }
0x17: {  	s18 =	simm.s32 $0x7;
	s17 =	sshrl.u32 @!p0 s1, $0x3;
	s0 =	simm.s32 $0x4;
	v0 =	vmov s19  }
.LBB2_1:
0x18: {  	s5 =	simm.s32 @!p0 $0x1C07;
	s6 =	rddreg [dreg:$0x5]  }
0x19: {  	[spmem:s17], [sflag:s5] =	dma.local @!p0 [hbm:s6], $0x3E80  }
0x1a: {  	s5 =	simm.s32 @!p0 $0x7  }
0x1b: {  	_ =	swait.ge @!p0 [sflag:s5], $0x3E80  }
0x1c: {  	[sflag:s5] =	ssyncset.done @!p0 $0x0  }
0x1d: {  	s19 =	rddreg [dreg:$0x6];
	[sflag:s5] =	ssyncadd.s32 @!p0 $0xFFFFC180  }
0x1e: {  	[tilespmem:s2], [sflag:$0x7] =	stream.linear.gather [hbm4b:s19+s2], $0x400, $0x38;
	[tilespmem:$0x1A740] =	vst v63  }
0x1f: {  	_ =	swait.ge [sflag:s18], $0x400  }
0x20: {  	[sflag:s18] =	ssyncset.done $0x0  }
0x21: {  	s19 =	simm.s32 $0x400;
	s6 =	rddreg [dreg:$0x7];
	[sflag:s18] =	ssyncadd.s32 $0xFFFFFC00  }
0x22: {  	[tilespmem:s19], [sflag:$0x7] =	stream.linear.gather [hbm4b:s6+s2], $0x400, $0x38;
	[tilespmem:$0x1A740] =	vst v63  }
0x23: {  	_ =	swait.ge [sflag:s18], $0x400  }
0x24: {  	[sflag:s18] =	ssyncset.done $0x0  }
0x25: {  	[sflag:s18] =	ssyncadd.s32 $0xFFFFFC00  }
0x26: {  	[bflag:$0x0] =	sbarrier.arrive $0xFFFF  }
0x27: {  	v1 =	vld [tilespmem:$0x0]  }
0x28: {  	v2 =	vld [tilespmem:$0x10]  }
0x29: {  	v3 =	vld [tilespmem:$0x20]  }
0x2a: {  	v4 =	vld [tilespmem:$0x30]  }
0x2b: {  	v5 =	vld [tilespmem:$0x40]  }
0x2c: {  	v6 =	vld [tilespmem:$0x50];
	v1 =	vadd.s32 v0, v1  }
0x2d: {  	[tilespmem:$0x0] =	vst v1;
	v1 =	vadd.s32 v0, v2;
	v2 =	vld [tilespmem:$0x60]  }
0x2e: {  	[tilespmem:$0x10] =	vst v1;
	v1 =	vadd.s32 v0, v3;
	v3 =	vld [tilespmem:$0x70]  }
0x2f: {  	[tilespmem:$0x20] =	vst v1;
	v1 =	vadd.s32 v0, v4;
	v4 =	vld [tilespmem:$0x80]  }
0x30: {  	[tilespmem:$0x30] =	vst v1;
	v1 =	vadd.s32 v0, v5;
	v5 =	vld [tilespmem:$0x90]  }
0x31: {  	[tilespmem:$0x40] =	vst v1;
	v1 =	vadd.s32 v0, v6;
	v6 =	vld [tilespmem:$0xA0]  }
0x32: {  	[tilespmem:$0x50] =	vst v1;
	v1 =	vadd.s32 v0, v2;
	v2 =	vld [tilespmem:$0xB0]  }
0x33: {  	[tilespmem:$0x60] =	vst v1;
	v1 =	vadd.s32 v0, v3;
	v3 =	vld [tilespmem:$0xC0]  }
0x34: {  	[tilespmem:$0x70] =	vst v1;
	v1 =	vadd.s32 v0, v4;
	v4 =	vld [tilespmem:$0xD0]  }
0x35: {  	[tilespmem:$0x80] =	vst v1;
	v1 =	vadd.s32 v0, v5;
	v5 =	vld [tilespmem:$0xE0]  }
0x36: {  	[tilespmem:$0x90] =	vst v1;
	v1 =	vadd.s32 v0, v6;
	v6 =	vld [tilespmem:$0xF0]  }
0x37: {  	[tilespmem:$0xA0] =	vst v1;
	v1 =	vadd.s32 v0, v2;
	v2 =	vld [tilespmem:$0x100]  }
0x38: {  	[tilespmem:$0xB0] =	vst v1;
	v1 =	vadd.s32 v0, v3;
	v3 =	vld [tilespmem:$0x110]  }
0x39: {  	[tilespmem:$0xC0] =	vst v1;
	v1 =	vadd.s32 v0, v4;
	v4 =	vld [tilespmem:$0x120]  }
0x3a: {  	[tilespmem:$0xD0] =	vst v1;
	v1 =	vadd.s32 v0, v5;
	v5 =	vld [tilespmem:$0x130]  }
0x3b: {  	[tilespmem:$0xE0] =	vst v1;
	v1 =	vadd.s32 v0, v6;
	v6 =	vld [tilespmem:$0x140]  }
0x3c: {  	[tilespmem:$0xF0] =	vst v1;
	v1 =	vadd.s32 v0, v2;
	v2 =	vld [tilespmem:$0x150]  }
0x3d: {  	[tilespmem:$0x100] =	vst v1;
	v1 =	vadd.s32 v0, v3;
	v3 =	vld [tilespmem:$0x160]  }
0x3e: {  	[tilespmem:$0x110] =	vst v1;
	v1 =	vadd.s32 v0, v4;
	v4 =	vld [tilespmem:$0x170]  }
0x3f: {  	[tilespmem:$0x120] =	vst v1;
	v1 =	vadd.s32 v0, v5;
	v5 =	vld [tilespmem:$0x180]  }
0x40: {  	[tilespmem:$0x130] =	vst v1;
	v1 =	vadd.s32 v0, v6;
	v6 =	vld [tilespmem:$0x190]  }
0x41: {  	[tilespmem:$0x140] =	vst v1;
	v1 =	vadd.s32 v0, v2;
	v2 =	vld [tilespmem:$0x1A0]  }
0x42: {  	[tilespmem:$0x150] =	vst v1;
	v1 =	vadd.s32 v0, v3;
	v3 =	vld [tilespmem:$0x1B0]  }
0x43: {  	[tilespmem:$0x160] =	vst v1;
	v1 =	vadd.s32 v0, v4;
	v4 =	vld [tilespmem:$0x1C0]  }
0x44: {  	[tilespmem:$0x170] =	vst v1;
	v1 =	vadd.s32 v0, v5;
	v5 =	vld [tilespmem:$0x1D0]  }
0x45: {  	[tilespmem:$0x180] =	vst v1;
	v1 =	vadd.s32 v0, v6;
	v6 =	vld [tilespmem:$0x1E0]  }
0x46: {  	[tilespmem:$0x190] =	vst v1;
	v1 =	vadd.s32 v0, v2;
	v2 =	vld [tilespmem:$0x1F0]  }
0x47: {  	[tilespmem:$0x1A0] =	vst v1;
	v1 =	vadd.s32 v0, v3;
	v3 =	vld [tilespmem:$0x200]  }
0x48: {  	[tilespmem:$0x1B0] =	vst v1;
	v1 =	vadd.s32 v0, v4;
	v4 =	vld [tilespmem:$0x210]  }
0x49: {  	[tilespmem:$0x1C0] =	vst v1;
	v1 =	vadd.s32 v0, v5;
	v5 =	vld [tilespmem:$0x220]  }
0x4a: {  	[tilespmem:$0x1D0] =	vst v1;
	v1 =	vadd.s32 v0, v6;
	v6 =	vld [tilespmem:$0x230]  }
0x4b: {  	[tilespmem:$0x1E0] =	vst v1;
	v1 =	vadd.s32 v0, v2;
	v2 =	vld [tilespmem:$0x240]  }
0x4c: {  	[tilespmem:$0x1F0] =	vst v1;
	v1 =	vadd.s32 v0, v3;
	v3 =	vld [tilespmem:$0x250]  }
0x4d: {  	[tilespmem:$0x200] =	vst v1;
	v1 =	vadd.s32 v0, v4;
	v4 =	vld [tilespmem:$0x260]  }
0x4e: {  	[tilespmem:$0x210] =	vst v1;
	v1 =	vadd.s32 v0, v5;
	v5 =	vld [tilespmem:$0x270]  }
0x4f: {  	[tilespmem:$0x220] =	vst v1;
	v1 =	vadd.s32 v0, v6;
	v6 =	vld [tilespmem:$0x280]  }
0x50: {  	[tilespmem:$0x230] =	vst v1;
	v1 =	vadd.s32 v0, v2;
	v2 =	vld [tilespmem:$0x290]  }
0x51: {  	[tilespmem:$0x240] =	vst v1;
	v1 =	vadd.s32 v0, v3;
	v3 =	vld [tilespmem:$0x2A0]  }
0x52: {  	[tilespmem:$0x250] =	vst v1;
	v1 =	vadd.s32 v0, v4;
	v4 =	vld [tilespmem:$0x2B0]  }
0x53: {  	[tilespmem:$0x260] =	vst v1;
	v1 =	vadd.s32 v0, v5;
	v5 =	vld [tilespmem:$0x2C0]  }
0x54: {  	[tilespmem:$0x270] =	vst v1;
	v1 =	vadd.s32 v0, v6;
	v6 =	vld [tilespmem:$0x2D0]  }
0x55: {  	[tilespmem:$0x280] =	vst v1;
	v1 =	vadd.s32 v0, v2;
	v2 =	vld [tilespmem:$0x2E0]  }
0x56: {  	[tilespmem:$0x290] =	vst v1;
	v1 =	vadd.s32 v0, v3;
	v3 =	vld [tilespmem:$0x2F0]  }
0x57: {  	[tilespmem:$0x2A0] =	vst v1;
	v1 =	vadd.s32 v0, v4;
	v4 =	vld [tilespmem:$0x300]  }
0x58: {  	[tilespmem:$0x2B0] =	vst v1;
	v1 =	vadd.s32 v0, v5;
	v5 =	vld [tilespmem:$0x310]  }
0x59: {  	[tilespmem:$0x2C0] =	vst v1;
	v1 =	vadd.s32 v0, v6;
	v6 =	vld [tilespmem:$0x320]  }
0x5a: {  	[tilespmem:$0x2D0] =	vst v1;
	v1 =	vadd.s32 v0, v2;
	v2 =	vld [tilespmem:$0x330]  }
0x5b: {  	[tilespmem:$0x2E0] =	vst v1;
	v1 =	vadd.s32 v0, v3;
	v3 =	vld [tilespmem:$0x340]  }
0x5c: {  	[tilespmem:$0x2F0] =	vst v1;
	v1 =	vadd.s32 v0, v4;
	v4 =	vld [tilespmem:$0x350]  }
0x5d: {  	[tilespmem:$0x300] =	vst v1;
	v1 =	vadd.s32 v0, v5;
	v5 =	vld [tilespmem:$0x360]  }
0x5e: {  	[tilespmem:$0x310] =	vst v1;
	v1 =	vadd.s32 v0, v6;
	v6 =	vld [tilespmem:$0x370]  }
0x5f: {  	[tilespmem:$0x320] =	vst v1;
	v1 =	vadd.s32 v0, v2;
	v2 =	vld [tilespmem:$0x380]  }
0x60: {  	[tilespmem:$0x330] =	vst v1;
	v1 =	vadd.s32 v0, v3;
	v3 =	vld [tilespmem:$0x390]  }
0x61: {  	[tilespmem:$0x340] =	vst v1;
	v1 =	vadd.s32 v0, v4;
	v4 =	vld [tilespmem:$0x3A0]  }
0x62: {  	[tilespmem:$0x350] =	vst v1;
	v1 =	vadd.s32 v0, v5;
	v5 =	vld [tilespmem:$0x3B0]  }
0x63: {  	[tilespmem:$0x360] =	vst v1;
	v1 =	vadd.s32 v0, v6;
	v6 =	vld [tilespmem:$0x3C0]  }
0x64: {  	[tilespmem:$0x370] =	vst v1;
	v1 =	vadd.s32 v0, v2;
	v2 =	vld [tilespmem:$0x3D0]  }
0x65: {  	[tilespmem:$0x380] =	vst v1;
	v1 =	vadd.s32 v0, v3;
	v3 =	vld [tilespmem:$0x3E0]  }
0x66: {  	[tilespmem:$0x390] =	vst v1;
	v1 =	vadd.s32 v0, v4;
	v4 =	vld [tilespmem:$0x3F0]  }
0x67: {  	[tilespmem:$0x3A0] =	vst v1;
	v1 =	vadd.s32 v0, v5  }
0x68: {  	[tilespmem:$0x3B0] =	vst v1;
	v1 =	vadd.s32 v0, v6  }
0x69: {  	[tilespmem:$0x3C0] =	vst v1;
	v1 =	vadd.s32 v0, v2  }
0x6a: {  	[tilespmem:$0x3D0] =	vst v1;
	v1 =	vadd.s32 v0, v3  }
0x6b: {  	[tilespmem:$0x3E0] =	vst v1;
	v1 =	vadd.s32 v0, v4  }
0x6c: {  	[tilespmem:$0x3F0] =	vst v1  }
0x6d: {  	[tilespmem:s21], [sflag:$0x1] =	stream.indirect.gather [hbm4b:s3+s20], $0x80, s2, s20, $0xb8;
	[tilespmem:$0x1A740] =	vst v63  }
0x6e: {  	_ = 	snop  }
0x6f: {  	[tilespmem:s22], [sflag:$0x3] =	stream.indirect.gather [spmem:s1], $0x80, s19, s20, $0xb8;
	[tilespmem:$0x1A740] =	vst v63  }
0x70: {  	_ = 	snop  }
0x71: {  	[tilespmem:s23], [sflag:$0x2] =	stream.indirect.gather [hbm4b:s3+s20], $0x80, s20, s20, $0xb8;
	[tilespmem:$0x1A740] =	vst v63  }
0x72: {  	s19 =	simm.s32 $0x480  }
0x73: {  	[tilespmem:s25], [sflag:$0x4] =	stream.indirect.gather [spmem:s1], $0x80, s19, s20, $0xb8;
	[tilespmem:$0x1A740] =	vst v63  }
0x74: {  	_ =	swait.ge [sflag:s7], $0x4000  }
0x75: {  	[sflag:s7] =	ssyncset.done $0x0  }
0x76: {  	[sflag:s7] =	ssyncadd.s32 $0xFFFFC000  }
0x77: {  	_ =	swait.ge [sflag:s26], $0x4000  }
0x78: {  	[sflag:s26] =	ssyncset.done $0x0  }
0x79: {  	s19 =	simm.s32 $0x0;
	[sflag:s26] =	ssyncadd.s32 $0xFFFFC000  }
0x7a: {  	v1 =	vld [tilespmem:s19+$0x870]  }
0x7b: {  	v2 =	vld [tilespmem:s19+$0x8870]  }
0x7c: {  	v3 =	vld [tilespmem:s19+$0x800]  }
0x7d: {  	v4 =	vld [tilespmem:s19+$0x8800]  }
0x7e: {  	v5 =	vld [tilespmem:s19+$0x810]  }
0x7f: {  	v6 =	vld [tilespmem:s19+$0x8810]  }
0x80: {  	v7 =	vld [tilespmem:s19+$0x820]  }
0x81: {  	v1 =	vadd.f32 v2, v1;
	v2 =	vld [tilespmem:s19+$0x8820]  }
0x82: {  	v8 =	vld [tilespmem:s19+$0x830]  }
0x83: {  	v9 =	vld [tilespmem:s19+$0x8830];
	v3 =	vadd.f32 v4, v3  }
0x84: {  	v10 =	vld [tilespmem:s19+$0x840];
	v1 =	vmax.f32 v1, $0.0e+00  }
0x85: {  	[tilespmem:s19+$0x10870] =	vst v1;
	v1 =	vmax.f32 v3, $0.0e+00;
	v3 =	vadd.f32 v6, v5;
	v6 =	vld [tilespmem:s19+$0x8840]  }
0x86: {  	v4 =	vld [tilespmem:s19+$0x8850];
	v2 =	vadd.f32 v2, v7  }
0x87: {  	[tilespmem:s19+$0x10800] =	vst v1;
	v1 =	vld [tilespmem:s19+$0x850];
	v3 =	vmax.f32 v3, $0.0e+00  }
0x88: {  	v5 =	vld [tilespmem:s19+$0x8860];
	v7 =	vadd.f32 v9, v8;
	[tilespmem:s19+$0x10810] =	vst v3;
	v3 =	vmax.f32 v2, $0.0e+00  }
0x89: {  	s5 =	simm.s32 $0x80;
	v2 =	vld [tilespmem:s19+$0x860];
	[tilespmem:s19+$0x10820] =	vst v3  }
0x8a: {  	s6 =	simm.s32 $0x400;
	v7 =	vmax.f32 v7, $0.0e+00;
	v6 =	vadd.f32 v6, v10;
	v3 =	vld [tilespmem:s5+$0x870]  }
.LBB2_2:
0x8b: {  	p1 =	sne.s32 s6, $0xFE00;
	v8 =	vld [tilespmem:s5+$0x8870];
	[tilespmem:s19+$0x10830] =	vst v7  }
0x8c: {  	v7 =	vld [tilespmem:s5+$0x800];
	v6 =	vmax.f32 v6, $0.0e+00;
	v1 =	vadd.f32 v4, v1  }
0x8d: {  	v4 =	vld [tilespmem:s5+$0x8800];
	[tilespmem:s19+$0x10840] =	vst v6  }
0x8e: {  	v6 =	vld [tilespmem:s5+$0x810];
	v1 =	vmax.f32 v1, $0.0e+00;
	v2 =	vadd.f32 v5, v2  }
0x8f: {  	v5 =	vld [tilespmem:s5+$0x8810];
	[tilespmem:s19+$0x10850] =	vst v1  }
0x90: {  	v1 =	vld [tilespmem:s5+$0x820];
	v3 =	vadd.f32 v8, v3;
	v2 =	vmax.f32 v2, $0.0e+00  }
0x91: {  	v8 =	vld [tilespmem:s5+$0x8820];
	[tilespmem:s19+$0x10860] =	vst v2;
	s19 =	smov.u32 s5  }
0x92: {  	v2 =	vadd.f32 v4, v7;
	v7 =	vld [tilespmem:s19+$0x830];
	v3 =	vmax.f32 v3, $0.0e+00  }
0x93: {  	v9 =	vld [tilespmem:s19+$0x8830];
	[tilespmem:s19+$0x10870] =	vst v3  }
0x94: {  	v2 =	vmax.f32 v2, $0.0e+00;
	v3 =	vadd.f32 v5, v6;
	v6 =	vld [tilespmem:s19+$0x840]  }
0x95: {  	[tilespmem:s19+$0x10800] =	vst v2;
	v10 =	vld [tilespmem:s19+$0x8840]  }
.Ltmp0:
0x96: {  	v2 =	vmax.f32 v3, $0.0e+00;
	v3 =	vadd.f32 v8, v1;
	v1 =	vld [tilespmem:s19+$0x850];
	(pc) =	sbr.rel @p1 .LBB2_2-.Ltmp0, $4  }
0x97: {  	[tilespmem:s19+$0x10810] =	vst v2;
	v4 =	vld [tilespmem:s19+$0x8850]  }
0x98: {  	v3 =	vmax.f32 v3, $0.0e+00;
	v7 =	vadd.f32 v9, v7;
	v2 =	vld [tilespmem:s19+$0x860]  }
0x99: {  	s5 =	sshra.s32 s6, $0x2;
	[tilespmem:s19+$0x10820] =	vst v3;
	v5 =	vld [tilespmem:s19+$0x8860]  }
0x9a: {  	s6 =	sadd.s32 $0x200, s6;
	v3 =	vld [tilespmem:s5+$0x870];
	v7 =	vmax.f32 v7, $0.0e+00;
	v6 =	vadd.f32 v10, v6  }
0x9b: {  	v8 =	vld [tilespmem:s5+$0x8870];
	[tilespmem:s19+$0x10830] =	vst v7  }
0x9c: {  	v7 =	vld [tilespmem:s5+$0x800];
	v6 =	vmax.f32 v6, $0.0e+00;
	v1 =	vadd.f32 v4, v1  }
0x9d: {  	v9 =	vld [tilespmem:s5+$0x8800];
	[tilespmem:s19+$0x10840] =	vst v6  }
0x9e: {  	v4 =	vld [tilespmem:s5+$0x810];
	v1 =	vmax.f32 v1, $0.0e+00;
	v2 =	vadd.f32 v5, v2  }
0x9f: {  	v6 =	vld [tilespmem:s5+$0x8810];
	[tilespmem:s19+$0x10850] =	vst v1  }
0xa0: {  	v1 =	vld [tilespmem:s5+$0x820];
	v2 =	vmax.f32 v2, $0.0e+00  }
0xa1: {  	v5 =	vld [tilespmem:s5+$0x8820];
	v3 =	vadd.f32 v8, v3;
	[tilespmem:s19+$0x10860] =	vst v2  }
0xa2: {  	v7 =	vadd.f32 v9, v7;
	v2 =	vld [tilespmem:s5+$0x830]  }
0xa3: {  	v3 =	vmax.f32 v3, $0.0e+00;
	v8 =	vld [tilespmem:s5+$0x8830]  }
0xa4: {  	[tilespmem:s5+$0x10870] =	vst v3;
	v3 =	vmax.f32 v7, $0.0e+00;
	v7 =	vld [tilespmem:s5+$0x840]  }
0xa5: {  	v4 =	vadd.f32 v6, v4;
	v6 =	vld [tilespmem:s5+$0x850]  }
0xa6: {  	[tilespmem:s5+$0x10800] =	vst v3;
	v3 =	vld [tilespmem:s5+$0x8840];
	v1 =	vadd.f32 v5, v1  }
0xa7: {  	v4 =	vmax.f32 v4, $0.0e+00;
	v5 =	vld [tilespmem:s5+$0x860]  }
0xa8: {  	[tilespmem:s5+$0x10810] =	vst v4;
	v4 =	vld [tilespmem:s5+$0x8850];
	v1 =	vmax.f32 v1, $0.0e+00  }
0xa9: {  	[tilespmem:s5+$0x10820] =	vst v1;
	v1 =	vld [tilespmem:s5+$0x8860];
	_ =	sdelay $0x1  }
0xaa: {  	v2 =	vadd.f32 v8, v2  }
0xab: {  	v3 =	vadd.f32 v3, v7  }
0xac: {  	v2 =	vmax.f32 v2, $0.0e+00;
	v4 =	vadd.f32 v4, v6  }
0xad: {  	[tilespmem:s5+$0x10830] =	vst v2;
	v2 =	vmax.f32 v3, $0.0e+00;
	v1 =	vadd.f32 v1, v5  }
0xae: {  	[tilespmem:s5+$0x10840] =	vst v2;
	v2 =	vmax.f32 v4, $0.0e+00  }
0xaf: {  	[tilespmem:s5+$0x10850] =	vst v2;
	v1 =	vmax.f32 v1, $0.0e+00  }
0xb0: {  	s19 =	simm.s32 $0x0;
	[tilespmem:s5+$0x10860] =	vst v1  }
0xb1: {  	[hbm4b:s8+s19] =	stream.linear.scatter [tilespmem:s28], [sflag:$0x5], $0x4000, $0x38;
	[tilespmem:$0x1A740] =	vst v63  }
0xb2: {  	s6 =	simm.s32 $0x100  }
0xb3: {  	[tilespmem:s21], [sflag:$0x1] =	stream.indirect.gather [hbm4b:s3+s20], $0x80, s6, s20, $0xb8;
	[tilespmem:$0x1A740] =	vst v63  }
0xb4: {  	s19 =	simm.s32 $0x500  }
0xb5: {  	[tilespmem:s22], [sflag:$0x3] =	stream.indirect.gather [spmem:s1], $0x80, s19, s20, $0xb8;
	[tilespmem:$0x1A740] =	vst v63  }
0xb6: {  	_ =	swait.ge [sflag:s31], $0x4000  }
0xb7: {  	[sflag:s31] =	ssyncset.done $0x0  }
0xb8: {  	[sflag:s31] =	ssyncadd.s32 $0xFFFFC000  }
0xb9: {  	_ =	swait.ge [sflag:s0], $0x4000  }
0xba: {  	[sflag:s0] =	ssyncset.done $0x0  }
0xbb: {  	s19 =	simm.s32 $0x0;
	[sflag:s0] =	ssyncadd.s32 $0xFFFFC000  }
0xbc: {  	v1 =	vld [tilespmem:s19+$0x4870]  }
0xbd: {  	v2 =	vld [tilespmem:s19+$0xC870]  }
0xbe: {  	v3 =	vld [tilespmem:s19+$0x4800]  }
0xbf: {  	v4 =	vld [tilespmem:s19+$0xC800]  }
0xc0: {  	v5 =	vld [tilespmem:s19+$0x4810]  }
0xc1: {  	v6 =	vld [tilespmem:s19+$0xC810]  }
0xc2: {  	v7 =	vld [tilespmem:s19+$0x4820]  }
0xc3: {  	v1 =	vadd.f32 v2, v1;
	v2 =	vld [tilespmem:s19+$0xC820]  }
0xc4: {  	v8 =	vld [tilespmem:s19+$0x4830]  }
0xc5: {  	v63 =	vld [tilespmem:s19+$0xC830];
	v3 =	vadd.f32 v4, v3  }
0xc6: {  	v10 =	vld [tilespmem:s19+$0x4840];
	v1 =	vmax.f32 v1, $0.0e+00  }
0xc7: {  	[tilespmem:s19+$0x14870] =	vst v1;
	v1 =	vmax.f32 v3, $0.0e+00;
	v3 =	vadd.f32 v6, v5;
	v6 =	vld [tilespmem:s19+$0xC840]  }
0xc8: {  	v4 =	vld [tilespmem:s19+$0xC850];
	v2 =	vadd.f32 v2, v7  }
0xc9: {  	[tilespmem:s19+$0x14800] =	vst v1;
	v1 =	vld [tilespmem:s19+$0x4850];
	v3 =	vmax.f32 v3, $0.0e+00  }
0xca: {  	v5 =	vld [tilespmem:s19+$0xC860];
	v7 =	vadd.f32 v63, v8;
	[tilespmem:s19+$0x14810] =	vst v3;
	v3 =	vmax.f32 v2, $0.0e+00  }
0xcb: {  	s5 =	simm.s32 $0x80;
	v2 =	vld [tilespmem:s19+$0x4860];
	[tilespmem:s19+$0x14820] =	vst v3  }
0xcc: {  	s6 =	simm.s32 $0x400;
	v7 =	vmax.f32 v7, $0.0e+00;
	v6 =	vadd.f32 v6, v10;
	v3 =	vld [tilespmem:s5+$0x4870]  }
.LBB2_4:
0xcd: {  	p1 =	sne.s32 s6, $0xFE00;
	v8 =	vld [tilespmem:s5+$0xC870];
	[tilespmem:s19+$0x14830] =	vst v7  }
0xce: {  	v7 =	vld [tilespmem:s5+$0x4800];
	v6 =	vmax.f32 v6, $0.0e+00;
	v1 =	vadd.f32 v4, v1  }
0xcf: {  	v4 =	vld [tilespmem:s5+$0xC800];
	[tilespmem:s19+$0x14840] =	vst v6  }
0xd0: {  	v6 =	vld [tilespmem:s5+$0x4810];
	v1 =	vmax.f32 v1, $0.0e+00;
	v2 =	vadd.f32 v5, v2  }
0xd1: {  	v5 =	vld [tilespmem:s5+$0xC810];
	[tilespmem:s19+$0x14850] =	vst v1  }
0xd2: {  	v1 =	vld [tilespmem:s5+$0x4820];
	v3 =	vadd.f32 v8, v3;
	v2 =	vmax.f32 v2, $0.0e+00  }
0xd3: {  	v8 =	vld [tilespmem:s5+$0xC820];
	[tilespmem:s19+$0x14860] =	vst v2;
	s19 =	smov.u32 s5  }
0xd4: {  	v2 =	vadd.f32 v4, v7;
	v7 =	vld [tilespmem:s19+$0x4830];
	v3 =	vmax.f32 v3, $0.0e+00  }
0xd5: {  	v9 =	vld [tilespmem:s19+$0xC830];
	[tilespmem:s19+$0x14870] =	vst v3  }
0xd6: {  	v2 =	vmax.f32 v2, $0.0e+00;
	v3 =	vadd.f32 v5, v6;
	v6 =	vld [tilespmem:s19+$0x4840]  }
0xd7: {  	[tilespmem:s19+$0x14800] =	vst v2;
	v10 =	vld [tilespmem:s19+$0xC840]  }
.Ltmp1:
0xd8: {  	v2 =	vmax.f32 v3, $0.0e+00;
	v3 =	vadd.f32 v8, v1;
	v1 =	vld [tilespmem:s19+$0x4850];
	(pc) =	sbr.rel @p1 .LBB2_4-.Ltmp1, $4  }
0xd9: {  	[tilespmem:s19+$0x14810] =	vst v2;
	v4 =	vld [tilespmem:s19+$0xC850]  }
0xda: {  	v3 =	vmax.f32 v3, $0.0e+00;
	v7 =	vadd.f32 v9, v7;
	v2 =	vld [tilespmem:s19+$0x4860]  }
0xdb: {  	s5 =	sshra.s32 s6, $0x2;
	[tilespmem:s19+$0x14820] =	vst v3;
	v5 =	vld [tilespmem:s19+$0xC860]  }
0xdc: {  	s6 =	sadd.s32 $0x200, s6;
	v3 =	vld [tilespmem:s5+$0x4870];
	v7 =	vmax.f32 v7, $0.0e+00;
	v6 =	vadd.f32 v10, v6  }
0xdd: {  	v8 =	vld [tilespmem:s5+$0xC870];
	[tilespmem:s19+$0x14830] =	vst v7  }
0xde: {  	v7 =	vld [tilespmem:s5+$0x4800];
	v6 =	vmax.f32 v6, $0.0e+00;
	v1 =	vadd.f32 v4, v1  }
0xdf: {  	v9 =	vld [tilespmem:s5+$0xC800];
	[tilespmem:s19+$0x14840] =	vst v6  }
0xe0: {  	v4 =	vld [tilespmem:s5+$0x4810];
	v1 =	vmax.f32 v1, $0.0e+00;
	v2 =	vadd.f32 v5, v2  }
0xe1: {  	v6 =	vld [tilespmem:s5+$0xC810];
	[tilespmem:s19+$0x14850] =	vst v1  }
0xe2: {  	v1 =	vld [tilespmem:s5+$0x4820];
	v2 =	vmax.f32 v2, $0.0e+00  }
0xe3: {  	v5 =	vld [tilespmem:s5+$0xC820];
	v3 =	vadd.f32 v8, v3;
	[tilespmem:s19+$0x14860] =	vst v2  }
0xe4: {  	v7 =	vadd.f32 v9, v7;
	v2 =	vld [tilespmem:s5+$0x4830]  }
0xe5: {  	v3 =	vmax.f32 v3, $0.0e+00;
	v8 =	vld [tilespmem:s5+$0xC830]  }
0xe6: {  	[tilespmem:s5+$0x14870] =	vst v3;
	v3 =	vmax.f32 v7, $0.0e+00;
	v7 =	vld [tilespmem:s5+$0x4840]  }
0xe7: {  	v4 =	vadd.f32 v6, v4;
	v6 =	vld [tilespmem:s5+$0x4850]  }
0xe8: {  	[tilespmem:s5+$0x14800] =	vst v3;
	v3 =	vld [tilespmem:s5+$0xC840];
	v1 =	vadd.f32 v5, v1  }
0xe9: {  	v4 =	vmax.f32 v4, $0.0e+00;
	v5 =	vld [tilespmem:s5+$0x4860]  }
0xea: {  	[tilespmem:s5+$0x14810] =	vst v4;
	v4 =	vld [tilespmem:s5+$0xC850];
	v1 =	vmax.f32 v1, $0.0e+00  }
0xeb: {  	[tilespmem:s5+$0x14820] =	vst v1;
	v1 =	vld [tilespmem:s5+$0xC860];
	_ =	sdelay $0x1  }
0xec: {  	v2 =	vadd.f32 v8, v2  }
0xed: {  	v3 =	vadd.f32 v3, v7  }
0xee: {  	v2 =	vmax.f32 v2, $0.0e+00;
	v4 =	vadd.f32 v4, v6  }
0xef: {  	[tilespmem:s5+$0x14830] =	vst v2;
	v2 =	vmax.f32 v3, $0.0e+00;
	v1 =	vadd.f32 v1, v5  }
0xf0: {  	[tilespmem:s5+$0x14840] =	vst v2;
	v2 =	vmax.f32 v4, $0.0e+00  }
0xf1: {  	[tilespmem:s5+$0x14850] =	vst v2;
	v1 =	vmax.f32 v1, $0.0e+00  }
0xf2: {  	s19 =	simm.s32 $0x0;
	[tilespmem:s5+$0x14860] =	vst v1  }
0xf3: {  	[hbm4b:s9+s19] =	stream.linear.scatter [tilespmem:s24], [sflag:$0x6], $0x4000, $0x38;
	[tilespmem:$0x1A740] =	vst v63  }
0xf4: {  	s6 =	simm.s32 $0x180  }
0xf5: {  	[tilespmem:s23], [sflag:$0x2] =	stream.indirect.gather [hbm4b:s3+s20], $0x80, s6, s20, $0xb8;
	[tilespmem:$0x1A740] =	vst v63  }
0xf6: {  	s19 =	simm.s32 $0x580  }
0xf7: {  	[tilespmem:s25], [sflag:$0x4] =	stream.indirect.gather [spmem:s1], $0x80, s19, s20, $0xb8;
	[tilespmem:$0x1A740] =	vst v63  }
0xf8: {  	_ =	swait.ge [sflag:s7], $0x4000  }
0xf9: {  	[sflag:s7] =	ssyncset.done $0x0  }
0xfa: {  	[sflag:s7] =	ssyncadd.s32 $0xFFFFC000  }
0xfb: {  	_ =	swait.ge [sflag:s26], $0x4000  }
0xfc: {  	[sflag:s26] =	ssyncset.done $0x0  }
0xfd: {  	[sflag:s26] =	ssyncadd.s32 $0xFFFFC000  }
0xfe: {  	_ =	swait.ge [sflag:s29], $0x4000  }
0xff: {  	[sflag:s29] =	ssyncset.done $0x0  }
0x100: {  	s19 =	simm.s32 $0x0;
	[sflag:s29] =	ssyncadd.s32 $0xFFFFC000  }
0x101: {  	v1 =	vld [tilespmem:s19+$0x870]  }
0x102: {  	v2 =	vld [tilespmem:s19+$0x8870]  }
0x103: {  	v3 =	vld [tilespmem:s19+$0x800]  }
0x104: {  	v4 =	vld [tilespmem:s19+$0x8800]  }
0x105: {  	v5 =	vld [tilespmem:s19+$0x810]  }
0x106: {  	v6 =	vld [tilespmem:s19+$0x8810]  }
0x107: {  	v7 =	vld [tilespmem:s19+$0x820]  }
0x108: {  	v1 =	vadd.f32 v2, v1;
	v2 =	vld [tilespmem:s19+$0x8820]  }
0x109: {  	v8 =	vld [tilespmem:s19+$0x830]  }
0x10a: {  	v63 =	vld [tilespmem:s19+$0x8830];
	v3 =	vadd.f32 v4, v3  }
0x10b: {  	v10 =	vld [tilespmem:s19+$0x840];
	v1 =	vmax.f32 v1, $0.0e+00  }
0x10c: {  	[tilespmem:s19+$0x10870] =	vst v1;
	v1 =	vmax.f32 v3, $0.0e+00;
	v3 =	vadd.f32 v6, v5;
	v6 =	vld [tilespmem:s19+$0x8840]  }
0x10d: {  	v4 =	vld [tilespmem:s19+$0x8850];
	v2 =	vadd.f32 v2, v7  }
0x10e: {  	[tilespmem:s19+$0x10800] =	vst v1;
	v1 =	vld [tilespmem:s19+$0x850];
	v3 =	vmax.f32 v3, $0.0e+00  }
0x10f: {  	v5 =	vld [tilespmem:s19+$0x8860];
	v7 =	vadd.f32 v63, v8;
	[tilespmem:s19+$0x10810] =	vst v3;
	v3 =	vmax.f32 v2, $0.0e+00  }
0x110: {  	s5 =	simm.s32 $0x80;
	v2 =	vld [tilespmem:s19+$0x860];
	[tilespmem:s19+$0x10820] =	vst v3  }
0x111: {  	s6 =	simm.s32 $0x400;
	v7 =	vmax.f32 v7, $0.0e+00;
	v6 =	vadd.f32 v6, v10;
	v3 =	vld [tilespmem:s5+$0x870]  }
.LBB2_6:
0x112: {  	p1 =	sne.s32 s6, $0xFE00;
	v8 =	vld [tilespmem:s5+$0x8870];
	[tilespmem:s19+$0x10830] =	vst v7  }
0x113: {  	v7 =	vld [tilespmem:s5+$0x800];
	v6 =	vmax.f32 v6, $0.0e+00;
	v1 =	vadd.f32 v4, v1  }
0x114: {  	v4 =	vld [tilespmem:s5+$0x8800];
	[tilespmem:s19+$0x10840] =	vst v6  }
0x115: {  	v6 =	vld [tilespmem:s5+$0x810];
	v1 =	vmax.f32 v1, $0.0e+00;
	v2 =	vadd.f32 v5, v2  }
0x116: {  	v5 =	vld [tilespmem:s5+$0x8810];
	[tilespmem:s19+$0x10850] =	vst v1  }
0x117: {  	v1 =	vld [tilespmem:s5+$0x820];
	v3 =	vadd.f32 v8, v3;
	v2 =	vmax.f32 v2, $0.0e+00  }
0x118: {  	v8 =	vld [tilespmem:s5+$0x8820];
	[tilespmem:s19+$0x10860] =	vst v2;
	s19 =	smov.u32 s5  }
0x119: {  	v2 =	vadd.f32 v4, v7;
	v7 =	vld [tilespmem:s19+$0x830];
	v3 =	vmax.f32 v3, $0.0e+00  }
0x11a: {  	v9 =	vld [tilespmem:s19+$0x8830];
	[tilespmem:s19+$0x10870] =	vst v3  }
0x11b: {  	v2 =	vmax.f32 v2, $0.0e+00;
	v3 =	vadd.f32 v5, v6;
	v6 =	vld [tilespmem:s19+$0x840]  }
0x11c: {  	[tilespmem:s19+$0x10800] =	vst v2;
	v10 =	vld [tilespmem:s19+$0x8840]  }
.Ltmp2:
0x11d: {  	v2 =	vmax.f32 v3, $0.0e+00;
	v3 =	vadd.f32 v8, v1;
	v1 =	vld [tilespmem:s19+$0x850];
	(pc) =	sbr.rel @p1 .LBB2_6-.Ltmp2, $4  }
0x11e: {  	[tilespmem:s19+$0x10810] =	vst v2;
	v4 =	vld [tilespmem:s19+$0x8850]  }
0x11f: {  	v3 =	vmax.f32 v3, $0.0e+00;
	v7 =	vadd.f32 v9, v7;
	v2 =	vld [tilespmem:s19+$0x860]  }
0x120: {  	s5 =	sshra.s32 s6, $0x2;
	[tilespmem:s19+$0x10820] =	vst v3;
	v5 =	vld [tilespmem:s19+$0x8860]  }
0x121: {  	s6 =	sadd.s32 $0x200, s6;
	v3 =	vld [tilespmem:s5+$0x870];
	v7 =	vmax.f32 v7, $0.0e+00;
	v6 =	vadd.f32 v10, v6  }
0x122: {  	v8 =	vld [tilespmem:s5+$0x8870];
	[tilespmem:s19+$0x10830] =	vst v7  }
0x123: {  	v7 =	vld [tilespmem:s5+$0x800];
	v6 =	vmax.f32 v6, $0.0e+00;
	v1 =	vadd.f32 v4, v1  }
0x124: {  	v9 =	vld [tilespmem:s5+$0x8800];
	[tilespmem:s19+$0x10840] =	vst v6  }
0x125: {  	v4 =	vld [tilespmem:s5+$0x810];
	v1 =	vmax.f32 v1, $0.0e+00;
	v2 =	vadd.f32 v5, v2  }
0x126: {  	v6 =	vld [tilespmem:s5+$0x8810];
	[tilespmem:s19+$0x10850] =	vst v1  }
0x127: {  	v1 =	vld [tilespmem:s5+$0x820];
	v2 =	vmax.f32 v2, $0.0e+00  }
0x128: {  	v5 =	vld [tilespmem:s5+$0x8820];
	v3 =	vadd.f32 v8, v3;
	[tilespmem:s19+$0x10860] =	vst v2  }
0x129: {  	v7 =	vadd.f32 v9, v7;
	v2 =	vld [tilespmem:s5+$0x830]  }
0x12a: {  	v3 =	vmax.f32 v3, $0.0e+00;
	v8 =	vld [tilespmem:s5+$0x8830]  }
0x12b: {  	[tilespmem:s5+$0x10870] =	vst v3;
	v3 =	vmax.f32 v7, $0.0e+00;
	v7 =	vld [tilespmem:s5+$0x840]  }
0x12c: {  	v4 =	vadd.f32 v6, v4;
	v6 =	vld [tilespmem:s5+$0x850]  }
0x12d: {  	[tilespmem:s5+$0x10800] =	vst v3;
	v3 =	vld [tilespmem:s5+$0x8840];
	v1 =	vadd.f32 v5, v1  }
0x12e: {  	v4 =	vmax.f32 v4, $0.0e+00;
	v5 =	vld [tilespmem:s5+$0x860]  }
0x12f: {  	[tilespmem:s5+$0x10810] =	vst v4;
	v4 =	vld [tilespmem:s5+$0x8850];
	v1 =	vmax.f32 v1, $0.0e+00  }
0x130: {  	[tilespmem:s5+$0x10820] =	vst v1;
	v1 =	vld [tilespmem:s5+$0x8860];
	_ =	sdelay $0x1  }
0x131: {  	v2 =	vadd.f32 v8, v2  }
0x132: {  	v3 =	vadd.f32 v3, v7  }
0x133: {  	v2 =	vmax.f32 v2, $0.0e+00;
	v4 =	vadd.f32 v4, v6  }
0x134: {  	[tilespmem:s5+$0x10830] =	vst v2;
	v2 =	vmax.f32 v3, $0.0e+00;
	v1 =	vadd.f32 v1, v5  }
0x135: {  	[tilespmem:s5+$0x10840] =	vst v2;
	v2 =	vmax.f32 v4, $0.0e+00  }
0x136: {  	[tilespmem:s5+$0x10850] =	vst v2;
	v1 =	vmax.f32 v1, $0.0e+00  }
0x137: {  	s19 =	simm.s32 $0x0;
	[tilespmem:s5+$0x10860] =	vst v1  }
0x138: {  	[hbm4b:s10+s19] =	stream.linear.scatter [tilespmem:s28], [sflag:$0x5], $0x4000, $0x38;
	[tilespmem:$0x1A740] =	vst v63  }
0x139: {  	s6 =	simm.s32 $0x200  }
0x13a: {  	[tilespmem:s21], [sflag:$0x1] =	stream.indirect.gather [hbm4b:s3+s20], $0x80, s6, s20, $0xb8;
	[tilespmem:$0x1A740] =	vst v63  }
0x13b: {  	s19 =	simm.s32 $0x600  }
0x13c: {  	[tilespmem:s22], [sflag:$0x3] =	stream.indirect.gather [spmem:s1], $0x80, s19, s20, $0xb8;
	[tilespmem:$0x1A740] =	vst v63  }
0x13d: {  	_ =	swait.ge [sflag:s31], $0x4000  }
0x13e: {  	[sflag:s31] =	ssyncset.done $0x0  }
0x13f: {  	[sflag:s31] =	ssyncadd.s32 $0xFFFFC000  }
0x140: {  	_ =	swait.ge [sflag:s0], $0x4000  }
0x141: {  	[sflag:s0] =	ssyncset.done $0x0  }
0x142: {  	[sflag:s0] =	ssyncadd.s32 $0xFFFFC000  }
0x143: {  	_ =	swait.ge [sflag:s30], $0x4000  }
0x144: {  	[sflag:s30] =	ssyncset.done $0x0  }
0x145: {  	s19 =	simm.s32 $0x0;
	[sflag:s30] =	ssyncadd.s32 $0xFFFFC000  }
0x146: {  	v1 =	vld [tilespmem:s19+$0x4870]  }
0x147: {  	v2 =	vld [tilespmem:s19+$0xC870]  }
0x148: {  	v3 =	vld [tilespmem:s19+$0x4800]  }
0x149: {  	v4 =	vld [tilespmem:s19+$0xC800]  }
0x14a: {  	v5 =	vld [tilespmem:s19+$0x4810]  }
0x14b: {  	v6 =	vld [tilespmem:s19+$0xC810]  }
0x14c: {  	v7 =	vld [tilespmem:s19+$0x4820]  }
0x14d: {  	v1 =	vadd.f32 v2, v1;
	v2 =	vld [tilespmem:s19+$0xC820]  }
0x14e: {  	v8 =	vld [tilespmem:s19+$0x4830]  }
0x14f: {  	v63 =	vld [tilespmem:s19+$0xC830];
	v3 =	vadd.f32 v4, v3  }
0x150: {  	v10 =	vld [tilespmem:s19+$0x4840];
	v1 =	vmax.f32 v1, $0.0e+00  }
0x151: {  	[tilespmem:s19+$0x14870] =	vst v1;
	v1 =	vmax.f32 v3, $0.0e+00;
	v3 =	vadd.f32 v6, v5;
	v6 =	vld [tilespmem:s19+$0xC840]  }
0x152: {  	v4 =	vld [tilespmem:s19+$0xC850];
	v2 =	vadd.f32 v2, v7  }
0x153: {  	[tilespmem:s19+$0x14800] =	vst v1;
	v1 =	vld [tilespmem:s19+$0x4850];
	v3 =	vmax.f32 v3, $0.0e+00  }
0x154: {  	v5 =	vld [tilespmem:s19+$0xC860];
	v7 =	vadd.f32 v63, v8;
	[tilespmem:s19+$0x14810] =	vst v3;
	v3 =	vmax.f32 v2, $0.0e+00  }
0x155: {  	s5 =	simm.s32 $0x80;
	v2 =	vld [tilespmem:s19+$0x4860];
	[tilespmem:s19+$0x14820] =	vst v3  }
0x156: {  	s6 =	simm.s32 $0x400;
	v7 =	vmax.f32 v7, $0.0e+00;
	v6 =	vadd.f32 v6, v10;
	v3 =	vld [tilespmem:s5+$0x4870]  }
.LBB2_8:
0x157: {  	p1 =	sne.s32 s6, $0xFE00;
	v8 =	vld [tilespmem:s5+$0xC870];
	[tilespmem:s19+$0x14830] =	vst v7  }
0x158: {  	v7 =	vld [tilespmem:s5+$0x4800];
	v6 =	vmax.f32 v6, $0.0e+00;
	v1 =	vadd.f32 v4, v1  }
0x159: {  	v4 =	vld [tilespmem:s5+$0xC800];
	[tilespmem:s19+$0x14840] =	vst v6  }
0x15a: {  	v6 =	vld [tilespmem:s5+$0x4810];
	v1 =	vmax.f32 v1, $0.0e+00;
	v2 =	vadd.f32 v5, v2  }
0x15b: {  	v5 =	vld [tilespmem:s5+$0xC810];
	[tilespmem:s19+$0x14850] =	vst v1  }
0x15c: {  	v1 =	vld [tilespmem:s5+$0x4820];
	v3 =	vadd.f32 v8, v3;
	v2 =	vmax.f32 v2, $0.0e+00  }
0x15d: {  	v8 =	vld [tilespmem:s5+$0xC820];
	[tilespmem:s19+$0x14860] =	vst v2;
	s19 =	smov.u32 s5  }
0x15e: {  	v2 =	vadd.f32 v4, v7;
	v7 =	vld [tilespmem:s19+$0x4830];
	v3 =	vmax.f32 v3, $0.0e+00  }
0x15f: {  	v9 =	vld [tilespmem:s19+$0xC830];
	[tilespmem:s19+$0x14870] =	vst v3  }
0x160: {  	v2 =	vmax.f32 v2, $0.0e+00;
	v3 =	vadd.f32 v5, v6;
	v6 =	vld [tilespmem:s19+$0x4840]  }
0x161: {  	[tilespmem:s19+$0x14800] =	vst v2;
	v10 =	vld [tilespmem:s19+$0xC840]  }
.Ltmp3:
0x162: {  	v2 =	vmax.f32 v3, $0.0e+00;
	v3 =	vadd.f32 v8, v1;
	v1 =	vld [tilespmem:s19+$0x4850];
	(pc) =	sbr.rel @p1 .LBB2_8-.Ltmp3, $4  }
0x163: {  	[tilespmem:s19+$0x14810] =	vst v2;
	v4 =	vld [tilespmem:s19+$0xC850]  }
0x164: {  	v3 =	vmax.f32 v3, $0.0e+00;
	v7 =	vadd.f32 v9, v7;
	v2 =	vld [tilespmem:s19+$0x4860]  }
0x165: {  	s5 =	sshra.s32 s6, $0x2;
	[tilespmem:s19+$0x14820] =	vst v3;
	v5 =	vld [tilespmem:s19+$0xC860]  }
0x166: {  	s6 =	sadd.s32 $0x200, s6;
	v3 =	vld [tilespmem:s5+$0x4870];
	v7 =	vmax.f32 v7, $0.0e+00;
	v6 =	vadd.f32 v10, v6  }
0x167: {  	v8 =	vld [tilespmem:s5+$0xC870];
	[tilespmem:s19+$0x14830] =	vst v7  }
0x168: {  	v7 =	vld [tilespmem:s5+$0x4800];
	v6 =	vmax.f32 v6, $0.0e+00;
	v1 =	vadd.f32 v4, v1  }
0x169: {  	v9 =	vld [tilespmem:s5+$0xC800];
	[tilespmem:s19+$0x14840] =	vst v6  }
0x16a: {  	v4 =	vld [tilespmem:s5+$0x4810];
	v1 =	vmax.f32 v1, $0.0e+00;
	v2 =	vadd.f32 v5, v2  }
0x16b: {  	v6 =	vld [tilespmem:s5+$0xC810];
	[tilespmem:s19+$0x14850] =	vst v1  }
0x16c: {  	v1 =	vld [tilespmem:s5+$0x4820];
	v2 =	vmax.f32 v2, $0.0e+00  }
0x16d: {  	v5 =	vld [tilespmem:s5+$0xC820];
	v3 =	vadd.f32 v8, v3;
	[tilespmem:s19+$0x14860] =	vst v2  }
0x16e: {  	v7 =	vadd.f32 v9, v7;
	v2 =	vld [tilespmem:s5+$0x4830]  }
0x16f: {  	v3 =	vmax.f32 v3, $0.0e+00;
	v8 =	vld [tilespmem:s5+$0xC830]  }
0x170: {  	[tilespmem:s5+$0x14870] =	vst v3;
	v3 =	vmax.f32 v7, $0.0e+00;
	v7 =	vld [tilespmem:s5+$0x4840]  }
0x171: {  	v4 =	vadd.f32 v6, v4;
	v6 =	vld [tilespmem:s5+$0x4850]  }
0x172: {  	[tilespmem:s5+$0x14800] =	vst v3;
	v3 =	vld [tilespmem:s5+$0xC840];
	v1 =	vadd.f32 v5, v1  }
0x173: {  	v4 =	vmax.f32 v4, $0.0e+00;
	v5 =	vld [tilespmem:s5+$0x4860]  }
0x174: {  	[tilespmem:s5+$0x14810] =	vst v4;
	v4 =	vld [tilespmem:s5+$0xC850];
	v1 =	vmax.f32 v1, $0.0e+00  }
0x175: {  	[tilespmem:s5+$0x14820] =	vst v1;
	v1 =	vld [tilespmem:s5+$0xC860];
	_ =	sdelay $0x1  }
0x176: {  	v2 =	vadd.f32 v8, v2  }
0x177: {  	v3 =	vadd.f32 v3, v7  }
0x178: {  	v2 =	vmax.f32 v2, $0.0e+00;
	v4 =	vadd.f32 v4, v6  }
0x179: {  	[tilespmem:s5+$0x14830] =	vst v2;
	v2 =	vmax.f32 v3, $0.0e+00;
	v1 =	vadd.f32 v1, v5  }
0x17a: {  	[tilespmem:s5+$0x14840] =	vst v2;
	v2 =	vmax.f32 v4, $0.0e+00  }
0x17b: {  	[tilespmem:s5+$0x14850] =	vst v2;
	v1 =	vmax.f32 v1, $0.0e+00  }
0x17c: {  	s19 =	simm.s32 $0x0;
	[tilespmem:s5+$0x14860] =	vst v1  }
0x17d: {  	[hbm4b:s11+s19] =	stream.linear.scatter [tilespmem:s24], [sflag:$0x6], $0x4000, $0x38;
	[tilespmem:$0x1A740] =	vst v63  }
0x17e: {  	s6 =	simm.s32 $0x280  }
0x17f: {  	[tilespmem:s23], [sflag:$0x2] =	stream.indirect.gather [hbm4b:s3+s20], $0x80, s6, s20, $0xb8;
	[tilespmem:$0x1A740] =	vst v63  }
0x180: {  	s19 =	simm.s32 $0x680  }
0x181: {  	[tilespmem:s25], [sflag:$0x4] =	stream.indirect.gather [spmem:s1], $0x80, s19, s20, $0xb8;
	[tilespmem:$0x1A740] =	vst v63  }
0x182: {  	_ =	swait.ge [sflag:s7], $0x4000  }
0x183: {  	[sflag:s7] =	ssyncset.done $0x0  }
0x184: {  	[sflag:s7] =	ssyncadd.s32 $0xFFFFC000  }
0x185: {  	_ =	swait.ge [sflag:s26], $0x4000  }
0x186: {  	[sflag:s26] =	ssyncset.done $0x0  }
0x187: {  	[sflag:s26] =	ssyncadd.s32 $0xFFFFC000  }
0x188: {  	_ =	swait.ge [sflag:s29], $0x4000  }
0x189: {  	[sflag:s29] =	ssyncset.done $0x0  }
0x18a: {  	s19 =	simm.s32 $0x0;
	[sflag:s29] =	ssyncadd.s32 $0xFFFFC000  }
0x18b: {  	v1 =	vld [tilespmem:s19+$0x870]  }
0x18c: {  	v2 =	vld [tilespmem:s19+$0x8870]  }
0x18d: {  	v3 =	vld [tilespmem:s19+$0x800]  }
0x18e: {  	v4 =	vld [tilespmem:s19+$0x8800]  }
0x18f: {  	v5 =	vld [tilespmem:s19+$0x810]  }
0x190: {  	v6 =	vld [tilespmem:s19+$0x8810]  }
0x191: {  	v7 =	vld [tilespmem:s19+$0x820]  }
0x192: {  	v1 =	vadd.f32 v2, v1;
	v2 =	vld [tilespmem:s19+$0x8820]  }
0x193: {  	v8 =	vld [tilespmem:s19+$0x830]  }
0x194: {  	v63 =	vld [tilespmem:s19+$0x8830];
	v3 =	vadd.f32 v4, v3  }
0x195: {  	v10 =	vld [tilespmem:s19+$0x840];
	v1 =	vmax.f32 v1, $0.0e+00  }
0x196: {  	[tilespmem:s19+$0x10870] =	vst v1;
	v1 =	vmax.f32 v3, $0.0e+00;
	v3 =	vadd.f32 v6, v5;
	v6 =	vld [tilespmem:s19+$0x8840]  }
0x197: {  	v4 =	vld [tilespmem:s19+$0x8850];
	v2 =	vadd.f32 v2, v7  }
0x198: {  	[tilespmem:s19+$0x10800] =	vst v1;
	v1 =	vld [tilespmem:s19+$0x850];
	v3 =	vmax.f32 v3, $0.0e+00  }
0x199: {  	v5 =	vld [tilespmem:s19+$0x8860];
	v7 =	vadd.f32 v63, v8;
	[tilespmem:s19+$0x10810] =	vst v3;
	v3 =	vmax.f32 v2, $0.0e+00  }
0x19a: {  	s5 =	simm.s32 $0x80;
	v2 =	vld [tilespmem:s19+$0x860];
	[tilespmem:s19+$0x10820] =	vst v3  }
0x19b: {  	s6 =	simm.s32 $0x400;
	v7 =	vmax.f32 v7, $0.0e+00;
	v6 =	vadd.f32 v6, v10;
	v3 =	vld [tilespmem:s5+$0x870]  }
.LBB2_10:
0x19c: {  	p1 =	sne.s32 s6, $0xFE00;
	v8 =	vld [tilespmem:s5+$0x8870];
	[tilespmem:s19+$0x10830] =	vst v7  }
0x19d: {  	v7 =	vld [tilespmem:s5+$0x800];
	v6 =	vmax.f32 v6, $0.0e+00;
	v1 =	vadd.f32 v4, v1  }
0x19e: {  	v4 =	vld [tilespmem:s5+$0x8800];
	[tilespmem:s19+$0x10840] =	vst v6  }
0x19f: {  	v6 =	vld [tilespmem:s5+$0x810];
	v1 =	vmax.f32 v1, $0.0e+00;
	v2 =	vadd.f32 v5, v2  }
0x1a0: {  	v5 =	vld [tilespmem:s5+$0x8810];
	[tilespmem:s19+$0x10850] =	vst v1  }
0x1a1: {  	v1 =	vld [tilespmem:s5+$0x820];
	v3 =	vadd.f32 v8, v3;
	v2 =	vmax.f32 v2, $0.0e+00  }
0x1a2: {  	v8 =	vld [tilespmem:s5+$0x8820];
	[tilespmem:s19+$0x10860] =	vst v2;
	s19 =	smov.u32 s5  }
0x1a3: {  	v2 =	vadd.f32 v4, v7;
	v7 =	vld [tilespmem:s19+$0x830];
	v3 =	vmax.f32 v3, $0.0e+00  }
0x1a4: {  	v9 =	vld [tilespmem:s19+$0x8830];
	[tilespmem:s19+$0x10870] =	vst v3  }
0x1a5: {  	v2 =	vmax.f32 v2, $0.0e+00;
	v3 =	vadd.f32 v5, v6;
	v6 =	vld [tilespmem:s19+$0x840]  }
0x1a6: {  	[tilespmem:s19+$0x10800] =	vst v2;
	v10 =	vld [tilespmem:s19+$0x8840]  }
.Ltmp4:
0x1a7: {  	v2 =	vmax.f32 v3, $0.0e+00;
	v3 =	vadd.f32 v8, v1;
	v1 =	vld [tilespmem:s19+$0x850];
	(pc) =	sbr.rel @p1 .LBB2_10-.Ltmp4, $4  }
0x1a8: {  	[tilespmem:s19+$0x10810] =	vst v2;
	v4 =	vld [tilespmem:s19+$0x8850]  }
0x1a9: {  	v3 =	vmax.f32 v3, $0.0e+00;
	v7 =	vadd.f32 v9, v7;
	v2 =	vld [tilespmem:s19+$0x860]  }
0x1aa: {  	s5 =	sshra.s32 s6, $0x2;
	[tilespmem:s19+$0x10820] =	vst v3;
	v5 =	vld [tilespmem:s19+$0x8860]  }
0x1ab: {  	s6 =	sadd.s32 $0x200, s6;
	v3 =	vld [tilespmem:s5+$0x870];
	v7 =	vmax.f32 v7, $0.0e+00;
	v6 =	vadd.f32 v10, v6  }
0x1ac: {  	v8 =	vld [tilespmem:s5+$0x8870];
	[tilespmem:s19+$0x10830] =	vst v7  }
0x1ad: {  	v7 =	vld [tilespmem:s5+$0x800];
	v6 =	vmax.f32 v6, $0.0e+00;
	v1 =	vadd.f32 v4, v1  }
0x1ae: {  	v9 =	vld [tilespmem:s5+$0x8800];
	[tilespmem:s19+$0x10840] =	vst v6  }
0x1af: {  	v4 =	vld [tilespmem:s5+$0x810];
	v1 =	vmax.f32 v1, $0.0e+00;
	v2 =	vadd.f32 v5, v2  }
0x1b0: {  	v6 =	vld [tilespmem:s5+$0x8810];
	[tilespmem:s19+$0x10850] =	vst v1  }
0x1b1: {  	v1 =	vld [tilespmem:s5+$0x820];
	v2 =	vmax.f32 v2, $0.0e+00  }
0x1b2: {  	v5 =	vld [tilespmem:s5+$0x8820];
	v3 =	vadd.f32 v8, v3;
	[tilespmem:s19+$0x10860] =	vst v2  }
0x1b3: {  	v7 =	vadd.f32 v9, v7;
	v2 =	vld [tilespmem:s5+$0x830]  }
0x1b4: {  	v3 =	vmax.f32 v3, $0.0e+00;
	v8 =	vld [tilespmem:s5+$0x8830]  }
0x1b5: {  	[tilespmem:s5+$0x10870] =	vst v3;
	v3 =	vmax.f32 v7, $0.0e+00;
	v7 =	vld [tilespmem:s5+$0x840]  }
0x1b6: {  	v4 =	vadd.f32 v6, v4;
	v6 =	vld [tilespmem:s5+$0x850]  }
0x1b7: {  	[tilespmem:s5+$0x10800] =	vst v3;
	v3 =	vld [tilespmem:s5+$0x8840];
	v1 =	vadd.f32 v5, v1  }
0x1b8: {  	v4 =	vmax.f32 v4, $0.0e+00;
	v5 =	vld [tilespmem:s5+$0x860]  }
0x1b9: {  	[tilespmem:s5+$0x10810] =	vst v4;
	v4 =	vld [tilespmem:s5+$0x8850];
	v1 =	vmax.f32 v1, $0.0e+00  }
0x1ba: {  	[tilespmem:s5+$0x10820] =	vst v1;
	v1 =	vld [tilespmem:s5+$0x8860];
	_ =	sdelay $0x1  }
0x1bb: {  	v2 =	vadd.f32 v8, v2  }
0x1bc: {  	v3 =	vadd.f32 v3, v7  }
0x1bd: {  	v2 =	vmax.f32 v2, $0.0e+00;
	v4 =	vadd.f32 v4, v6  }
0x1be: {  	[tilespmem:s5+$0x10830] =	vst v2;
	v2 =	vmax.f32 v3, $0.0e+00;
	v1 =	vadd.f32 v1, v5  }
0x1bf: {  	[tilespmem:s5+$0x10840] =	vst v2;
	v2 =	vmax.f32 v4, $0.0e+00  }
0x1c0: {  	[tilespmem:s5+$0x10850] =	vst v2;
	v1 =	vmax.f32 v1, $0.0e+00  }
0x1c1: {  	s19 =	simm.s32 $0x0;
	[tilespmem:s5+$0x10860] =	vst v1  }
0x1c2: {  	[hbm4b:s12+s19] =	stream.linear.scatter [tilespmem:s28], [sflag:$0x5], $0x4000, $0x38;
	[tilespmem:$0x1A740] =	vst v63  }
0x1c3: {  	s6 =	simm.s32 $0x300  }
0x1c4: {  	[tilespmem:s21], [sflag:$0x1] =	stream.indirect.gather [hbm4b:s3+s20], $0x80, s6, s20, $0xb8;
	[tilespmem:$0x1A740] =	vst v63  }
0x1c5: {  	s19 =	simm.s32 $0x700  }
0x1c6: {  	[tilespmem:s22], [sflag:$0x3] =	stream.indirect.gather [spmem:s1], $0x80, s19, s20, $0xb8;
	[tilespmem:$0x1A740] =	vst v63  }
0x1c7: {  	_ =	swait.ge [sflag:s31], $0x4000  }
0x1c8: {  	[sflag:s31] =	ssyncset.done $0x0  }
0x1c9: {  	[sflag:s31] =	ssyncadd.s32 $0xFFFFC000  }
0x1ca: {  	_ =	swait.ge [sflag:s0], $0x4000  }
0x1cb: {  	[sflag:s0] =	ssyncset.done $0x0  }
0x1cc: {  	[sflag:s0] =	ssyncadd.s32 $0xFFFFC000  }
0x1cd: {  	_ =	swait.ge [sflag:s30], $0x4000  }
0x1ce: {  	[sflag:s30] =	ssyncset.done $0x0  }
0x1cf: {  	s19 =	simm.s32 $0x0;
	[sflag:s30] =	ssyncadd.s32 $0xFFFFC000  }
0x1d0: {  	v1 =	vld [tilespmem:s19+$0x4870]  }
0x1d1: {  	v2 =	vld [tilespmem:s19+$0xC870]  }
0x1d2: {  	v3 =	vld [tilespmem:s19+$0x4800]  }
0x1d3: {  	v4 =	vld [tilespmem:s19+$0xC800]  }
0x1d4: {  	v5 =	vld [tilespmem:s19+$0x4810]  }
0x1d5: {  	v6 =	vld [tilespmem:s19+$0xC810]  }
0x1d6: {  	v7 =	vld [tilespmem:s19+$0x4820]  }
0x1d7: {  	v1 =	vadd.f32 v2, v1;
	v2 =	vld [tilespmem:s19+$0xC820]  }
0x1d8: {  	v8 =	vld [tilespmem:s19+$0x4830]  }
0x1d9: {  	v63 =	vld [tilespmem:s19+$0xC830];
	v3 =	vadd.f32 v4, v3  }
0x1da: {  	v10 =	vld [tilespmem:s19+$0x4840];
	v1 =	vmax.f32 v1, $0.0e+00  }
0x1db: {  	[tilespmem:s19+$0x14870] =	vst v1;
	v1 =	vmax.f32 v3, $0.0e+00;
	v3 =	vadd.f32 v6, v5;
	v6 =	vld [tilespmem:s19+$0xC840]  }
0x1dc: {  	v4 =	vld [tilespmem:s19+$0xC850];
	v2 =	vadd.f32 v2, v7  }
0x1dd: {  	[tilespmem:s19+$0x14800] =	vst v1;
	v1 =	vld [tilespmem:s19+$0x4850];
	v3 =	vmax.f32 v3, $0.0e+00  }
0x1de: {  	v5 =	vld [tilespmem:s19+$0xC860];
	v7 =	vadd.f32 v63, v8;
	[tilespmem:s19+$0x14810] =	vst v3;
	v3 =	vmax.f32 v2, $0.0e+00  }
0x1df: {  	s5 =	simm.s32 $0x80;
	v2 =	vld [tilespmem:s19+$0x4860];
	[tilespmem:s19+$0x14820] =	vst v3  }
0x1e0: {  	s6 =	simm.s32 $0x400;
	v7 =	vmax.f32 v7, $0.0e+00;
	v6 =	vadd.f32 v6, v10;
	v3 =	vld [tilespmem:s5+$0x4870]  }
.LBB2_12:
0x1e1: {  	p1 =	sne.s32 s6, $0xFE00;
	v8 =	vld [tilespmem:s5+$0xC870];
	[tilespmem:s19+$0x14830] =	vst v7  }
0x1e2: {  	v7 =	vld [tilespmem:s5+$0x4800];
	v6 =	vmax.f32 v6, $0.0e+00;
	v1 =	vadd.f32 v4, v1  }
0x1e3: {  	v4 =	vld [tilespmem:s5+$0xC800];
	[tilespmem:s19+$0x14840] =	vst v6  }
0x1e4: {  	v6 =	vld [tilespmem:s5+$0x4810];
	v1 =	vmax.f32 v1, $0.0e+00;
	v2 =	vadd.f32 v5, v2  }
0x1e5: {  	v5 =	vld [tilespmem:s5+$0xC810];
	[tilespmem:s19+$0x14850] =	vst v1  }
0x1e6: {  	v1 =	vld [tilespmem:s5+$0x4820];
	v3 =	vadd.f32 v8, v3;
	v2 =	vmax.f32 v2, $0.0e+00  }
0x1e7: {  	v8 =	vld [tilespmem:s5+$0xC820];
	[tilespmem:s19+$0x14860] =	vst v2;
	s19 =	smov.u32 s5  }
0x1e8: {  	v2 =	vadd.f32 v4, v7;
	v7 =	vld [tilespmem:s19+$0x4830];
	v3 =	vmax.f32 v3, $0.0e+00  }
0x1e9: {  	v9 =	vld [tilespmem:s19+$0xC830];
	[tilespmem:s19+$0x14870] =	vst v3  }
0x1ea: {  	v2 =	vmax.f32 v2, $0.0e+00;
	v3 =	vadd.f32 v5, v6;
	v6 =	vld [tilespmem:s19+$0x4840]  }
0x1eb: {  	[tilespmem:s19+$0x14800] =	vst v2;
	v10 =	vld [tilespmem:s19+$0xC840]  }
.Ltmp5:
0x1ec: {  	v2 =	vmax.f32 v3, $0.0e+00;
	v3 =	vadd.f32 v8, v1;
	v1 =	vld [tilespmem:s19+$0x4850];
	(pc) =	sbr.rel @p1 .LBB2_12-.Ltmp5, $4  }
0x1ed: {  	[tilespmem:s19+$0x14810] =	vst v2;
	v4 =	vld [tilespmem:s19+$0xC850]  }
0x1ee: {  	v3 =	vmax.f32 v3, $0.0e+00;
	v7 =	vadd.f32 v9, v7;
	v2 =	vld [tilespmem:s19+$0x4860]  }
0x1ef: {  	s5 =	sshra.s32 s6, $0x2;
	[tilespmem:s19+$0x14820] =	vst v3;
	v5 =	vld [tilespmem:s19+$0xC860]  }
0x1f0: {  	s6 =	sadd.s32 $0x200, s6;
	v3 =	vld [tilespmem:s5+$0x4870];
	v7 =	vmax.f32 v7, $0.0e+00;
	v6 =	vadd.f32 v10, v6  }
0x1f1: {  	v8 =	vld [tilespmem:s5+$0xC870];
	[tilespmem:s19+$0x14830] =	vst v7  }
0x1f2: {  	v7 =	vld [tilespmem:s5+$0x4800];
	v6 =	vmax.f32 v6, $0.0e+00;
	v1 =	vadd.f32 v4, v1  }
0x1f3: {  	v9 =	vld [tilespmem:s5+$0xC800];
	[tilespmem:s19+$0x14840] =	vst v6  }
0x1f4: {  	v4 =	vld [tilespmem:s5+$0x4810];
	v1 =	vmax.f32 v1, $0.0e+00;
	v2 =	vadd.f32 v5, v2  }
0x1f5: {  	v6 =	vld [tilespmem:s5+$0xC810];
	[tilespmem:s19+$0x14850] =	vst v1  }
0x1f6: {  	v1 =	vld [tilespmem:s5+$0x4820];
	v2 =	vmax.f32 v2, $0.0e+00  }
0x1f7: {  	v5 =	vld [tilespmem:s5+$0xC820];
	v3 =	vadd.f32 v8, v3;
	[tilespmem:s19+$0x14860] =	vst v2  }
0x1f8: {  	v7 =	vadd.f32 v9, v7;
	v2 =	vld [tilespmem:s5+$0x4830]  }
0x1f9: {  	v3 =	vmax.f32 v3, $0.0e+00;
	v8 =	vld [tilespmem:s5+$0xC830]  }
0x1fa: {  	[tilespmem:s5+$0x14870] =	vst v3;
	v3 =	vmax.f32 v7, $0.0e+00;
	v7 =	vld [tilespmem:s5+$0x4840]  }
0x1fb: {  	v4 =	vadd.f32 v6, v4;
	v6 =	vld [tilespmem:s5+$0x4850]  }
0x1fc: {  	[tilespmem:s5+$0x14800] =	vst v3;
	v3 =	vld [tilespmem:s5+$0xC840];
	v1 =	vadd.f32 v5, v1  }
0x1fd: {  	v4 =	vmax.f32 v4, $0.0e+00;
	v5 =	vld [tilespmem:s5+$0x4860]  }
0x1fe: {  	[tilespmem:s5+$0x14810] =	vst v4;
	v4 =	vld [tilespmem:s5+$0xC850];
	v1 =	vmax.f32 v1, $0.0e+00  }
0x1ff: {  	[tilespmem:s5+$0x14820] =	vst v1;
	v1 =	vld [tilespmem:s5+$0xC860];
	_ =	sdelay $0x1  }
0x200: {  	v2 =	vadd.f32 v8, v2  }
0x201: {  	v3 =	vadd.f32 v3, v7  }
0x202: {  	v2 =	vmax.f32 v2, $0.0e+00;
	v4 =	vadd.f32 v4, v6  }
0x203: {  	[tilespmem:s5+$0x14830] =	vst v2;
	v2 =	vmax.f32 v3, $0.0e+00;
	v1 =	vadd.f32 v1, v5  }
0x204: {  	[tilespmem:s5+$0x14840] =	vst v2;
	v2 =	vmax.f32 v4, $0.0e+00  }
0x205: {  	[tilespmem:s5+$0x14850] =	vst v2;
	v1 =	vmax.f32 v1, $0.0e+00  }
0x206: {  	s19 =	simm.s32 $0x0;
	[tilespmem:s5+$0x14860] =	vst v1  }
0x207: {  	[hbm4b:s13+s19] =	stream.linear.scatter [tilespmem:s24], [sflag:$0x6], $0x4000, $0x38;
	[tilespmem:$0x1A740] =	vst v63  }
0x208: {  	s6 =	simm.s32 $0x380  }
0x209: {  	[tilespmem:s23], [sflag:$0x2] =	stream.indirect.gather [hbm4b:s3+s20], $0x80, s6, s20, $0xb8;
	[tilespmem:$0x1A740] =	vst v63  }
0x20a: {  	s19 =	simm.s32 $0x780  }
0x20b: {  	[tilespmem:s25], [sflag:$0x4] =	stream.indirect.gather [spmem:s1], $0x80, s19, s20, $0xb8;
	[tilespmem:$0x1A740] =	vst v63  }
0x20c: {  	_ =	swait.ge [sflag:s7], $0x4000  }
0x20d: {  	[sflag:s7] =	ssyncset.done $0x0  }
0x20e: {  	[sflag:s7] =	ssyncadd.s32 $0xFFFFC000  }
0x20f: {  	_ =	swait.ge [sflag:s26], $0x4000  }
0x210: {  	[sflag:s26] =	ssyncset.done $0x0  }
0x211: {  	[sflag:s26] =	ssyncadd.s32 $0xFFFFC000  }
0x212: {  	_ =	swait.ge [sflag:s29], $0x4000  }
0x213: {  	[sflag:s29] =	ssyncset.done $0x0  }
0x214: {  	s19 =	simm.s32 $0x0;
	[sflag:s29] =	ssyncadd.s32 $0xFFFFC000  }
0x215: {  	v1 =	vld [tilespmem:s19+$0x870]  }
0x216: {  	v2 =	vld [tilespmem:s19+$0x8870]  }
0x217: {  	v3 =	vld [tilespmem:s19+$0x800]  }
0x218: {  	v4 =	vld [tilespmem:s19+$0x8800]  }
0x219: {  	v5 =	vld [tilespmem:s19+$0x810]  }
0x21a: {  	v6 =	vld [tilespmem:s19+$0x8810]  }
0x21b: {  	v7 =	vld [tilespmem:s19+$0x820]  }
0x21c: {  	v1 =	vadd.f32 v2, v1;
	v2 =	vld [tilespmem:s19+$0x8820]  }
0x21d: {  	v8 =	vld [tilespmem:s19+$0x830]  }
0x21e: {  	v63 =	vld [tilespmem:s19+$0x8830];
	v3 =	vadd.f32 v4, v3  }
0x21f: {  	v10 =	vld [tilespmem:s19+$0x840];
	v1 =	vmax.f32 v1, $0.0e+00  }
0x220: {  	[tilespmem:s19+$0x10870] =	vst v1;
	v1 =	vmax.f32 v3, $0.0e+00;
	v3 =	vadd.f32 v6, v5;
	v6 =	vld [tilespmem:s19+$0x8840]  }
0x221: {  	v4 =	vld [tilespmem:s19+$0x8850];
	v2 =	vadd.f32 v2, v7  }
0x222: {  	[tilespmem:s19+$0x10800] =	vst v1;
	v1 =	vld [tilespmem:s19+$0x850];
	v3 =	vmax.f32 v3, $0.0e+00  }
0x223: {  	v5 =	vld [tilespmem:s19+$0x8860];
	v7 =	vadd.f32 v63, v8;
	[tilespmem:s19+$0x10810] =	vst v3;
	v3 =	vmax.f32 v2, $0.0e+00  }
0x224: {  	s5 =	simm.s32 $0x80;
	v2 =	vld [tilespmem:s19+$0x860];
	[tilespmem:s19+$0x10820] =	vst v3  }
0x225: {  	s6 =	simm.s32 $0x400;
	v7 =	vmax.f32 v7, $0.0e+00;
	v6 =	vadd.f32 v6, v10;
	v3 =	vld [tilespmem:s5+$0x870]  }
.LBB2_14:
0x226: {  	p1 =	sne.s32 s6, $0xFE00;
	v8 =	vld [tilespmem:s5+$0x8870];
	[tilespmem:s19+$0x10830] =	vst v7  }
0x227: {  	v7 =	vld [tilespmem:s5+$0x800];
	v6 =	vmax.f32 v6, $0.0e+00;
	v1 =	vadd.f32 v4, v1  }
0x228: {  	v4 =	vld [tilespmem:s5+$0x8800];
	[tilespmem:s19+$0x10840] =	vst v6  }
0x229: {  	v6 =	vld [tilespmem:s5+$0x810];
	v1 =	vmax.f32 v1, $0.0e+00;
	v2 =	vadd.f32 v5, v2  }
0x22a: {  	v5 =	vld [tilespmem:s5+$0x8810];
	[tilespmem:s19+$0x10850] =	vst v1  }
0x22b: {  	v1 =	vld [tilespmem:s5+$0x820];
	v3 =	vadd.f32 v8, v3;
	v2 =	vmax.f32 v2, $0.0e+00  }
0x22c: {  	v8 =	vld [tilespmem:s5+$0x8820];
	[tilespmem:s19+$0x10860] =	vst v2;
	s19 =	smov.u32 s5  }
0x22d: {  	v2 =	vadd.f32 v4, v7;
	v7 =	vld [tilespmem:s19+$0x830];
	v3 =	vmax.f32 v3, $0.0e+00  }
0x22e: {  	v9 =	vld [tilespmem:s19+$0x8830];
	[tilespmem:s19+$0x10870] =	vst v3  }
0x22f: {  	v2 =	vmax.f32 v2, $0.0e+00;
	v3 =	vadd.f32 v5, v6;
	v6 =	vld [tilespmem:s19+$0x840]  }
0x230: {  	[tilespmem:s19+$0x10800] =	vst v2;
	v10 =	vld [tilespmem:s19+$0x8840]  }
.Ltmp6:
0x231: {  	v2 =	vmax.f32 v3, $0.0e+00;
	v3 =	vadd.f32 v8, v1;
	v1 =	vld [tilespmem:s19+$0x850];
	(pc) =	sbr.rel @p1 .LBB2_14-.Ltmp6, $4  }
0x232: {  	[tilespmem:s19+$0x10810] =	vst v2;
	v4 =	vld [tilespmem:s19+$0x8850]  }
0x233: {  	v3 =	vmax.f32 v3, $0.0e+00;
	v7 =	vadd.f32 v9, v7;
	v2 =	vld [tilespmem:s19+$0x860]  }
0x234: {  	s5 =	sshra.s32 s6, $0x2;
	[tilespmem:s19+$0x10820] =	vst v3;
	v5 =	vld [tilespmem:s19+$0x8860]  }
0x235: {  	s6 =	sadd.s32 $0x200, s6;
	v3 =	vld [tilespmem:s5+$0x870];
	v7 =	vmax.f32 v7, $0.0e+00;
	v6 =	vadd.f32 v10, v6  }
0x236: {  	v8 =	vld [tilespmem:s5+$0x8870];
	[tilespmem:s19+$0x10830] =	vst v7  }
0x237: {  	v7 =	vld [tilespmem:s5+$0x800];
	v6 =	vmax.f32 v6, $0.0e+00;
	v1 =	vadd.f32 v4, v1  }
0x238: {  	v9 =	vld [tilespmem:s5+$0x8800];
	[tilespmem:s19+$0x10840] =	vst v6  }
0x239: {  	v4 =	vld [tilespmem:s5+$0x810];
	v1 =	vmax.f32 v1, $0.0e+00;
	v2 =	vadd.f32 v5, v2  }
0x23a: {  	v6 =	vld [tilespmem:s5+$0x8810];
	[tilespmem:s19+$0x10850] =	vst v1  }
0x23b: {  	v1 =	vld [tilespmem:s5+$0x820];
	v2 =	vmax.f32 v2, $0.0e+00  }
0x23c: {  	v5 =	vld [tilespmem:s5+$0x8820];
	v3 =	vadd.f32 v8, v3;
	[tilespmem:s19+$0x10860] =	vst v2  }
0x23d: {  	v7 =	vadd.f32 v9, v7;
	v2 =	vld [tilespmem:s5+$0x830]  }
0x23e: {  	v3 =	vmax.f32 v3, $0.0e+00;
	v8 =	vld [tilespmem:s5+$0x8830]  }
0x23f: {  	[tilespmem:s5+$0x10870] =	vst v3;
	v3 =	vmax.f32 v7, $0.0e+00;
	v7 =	vld [tilespmem:s5+$0x840]  }
0x240: {  	v4 =	vadd.f32 v6, v4;
	v6 =	vld [tilespmem:s5+$0x850]  }
0x241: {  	[tilespmem:s5+$0x10800] =	vst v3;
	v3 =	vld [tilespmem:s5+$0x8840];
	v1 =	vadd.f32 v5, v1  }
0x242: {  	v4 =	vmax.f32 v4, $0.0e+00;
	v5 =	vld [tilespmem:s5+$0x860]  }
0x243: {  	[tilespmem:s5+$0x10810] =	vst v4;
	v4 =	vld [tilespmem:s5+$0x8850];
	v1 =	vmax.f32 v1, $0.0e+00  }
0x244: {  	[tilespmem:s5+$0x10820] =	vst v1;
	v1 =	vld [tilespmem:s5+$0x8860];
	_ =	sdelay $0x1  }
0x245: {  	v2 =	vadd.f32 v8, v2  }
0x246: {  	v3 =	vadd.f32 v3, v7  }
0x247: {  	v2 =	vmax.f32 v2, $0.0e+00;
	v4 =	vadd.f32 v4, v6  }
0x248: {  	[tilespmem:s5+$0x10830] =	vst v2;
	v2 =	vmax.f32 v3, $0.0e+00;
	v1 =	vadd.f32 v1, v5  }
0x249: {  	[tilespmem:s5+$0x10840] =	vst v2;
	v2 =	vmax.f32 v4, $0.0e+00  }
0x24a: {  	[tilespmem:s5+$0x10850] =	vst v2;
	v1 =	vmax.f32 v1, $0.0e+00  }
0x24b: {  	s19 =	simm.s32 $0x0;
	[tilespmem:s5+$0x10860] =	vst v1  }
0x24c: {  	[hbm4b:s14+s19] =	stream.linear.scatter [tilespmem:s28], [sflag:$0x5], $0x4000, $0x38;
	[tilespmem:$0x1A740] =	vst v63  }
0x24d: {  	_ =	swait.ge [sflag:s31], $0x4000  }
0x24e: {  	[sflag:s31] =	ssyncset.done $0x0  }
0x24f: {  	[sflag:s31] =	ssyncadd.s32 $0xFFFFC000  }
0x250: {  	_ =	swait.ge [sflag:s0], $0x4000  }
0x251: {  	[sflag:s0] =	ssyncset.done $0x0  }
0x252: {  	[sflag:s0] =	ssyncadd.s32 $0xFFFFC000  }
0x253: {  	_ =	swait.ge [sflag:s30], $0x4000  }
0x254: {  	[sflag:s30] =	ssyncset.done $0x0  }
0x255: {  	s19 =	simm.s32 $0x0;
	[sflag:s30] =	ssyncadd.s32 $0xFFFFC000  }
0x256: {  	v1 =	vld [tilespmem:s19+$0x4870]  }
0x257: {  	v2 =	vld [tilespmem:s19+$0xC870]  }
0x258: {  	v3 =	vld [tilespmem:s19+$0x4800]  }
0x259: {  	v4 =	vld [tilespmem:s19+$0xC800]  }
0x25a: {  	v5 =	vld [tilespmem:s19+$0x4810]  }
0x25b: {  	v6 =	vld [tilespmem:s19+$0xC810]  }
0x25c: {  	v7 =	vld [tilespmem:s19+$0x4820]  }
0x25d: {  	v1 =	vadd.f32 v2, v1;
	v2 =	vld [tilespmem:s19+$0xC820]  }
0x25e: {  	v8 =	vld [tilespmem:s19+$0x4830]  }
0x25f: {  	v63 =	vld [tilespmem:s19+$0xC830];
	v3 =	vadd.f32 v4, v3  }
0x260: {  	v10 =	vld [tilespmem:s19+$0x4840];
	v1 =	vmax.f32 v1, $0.0e+00  }
0x261: {  	[tilespmem:s19+$0x14870] =	vst v1;
	v1 =	vmax.f32 v3, $0.0e+00;
	v3 =	vadd.f32 v6, v5;
	v6 =	vld [tilespmem:s19+$0xC840]  }
0x262: {  	v4 =	vld [tilespmem:s19+$0xC850];
	v2 =	vadd.f32 v2, v7  }
0x263: {  	[tilespmem:s19+$0x14800] =	vst v1;
	v1 =	vld [tilespmem:s19+$0x4850];
	v3 =	vmax.f32 v3, $0.0e+00  }
0x264: {  	v5 =	vld [tilespmem:s19+$0xC860];
	v7 =	vadd.f32 v63, v8;
	[tilespmem:s19+$0x14810] =	vst v3;
	v3 =	vmax.f32 v2, $0.0e+00  }
0x265: {  	s5 =	simm.s32 $0x80;
	v2 =	vld [tilespmem:s19+$0x4860];
	[tilespmem:s19+$0x14820] =	vst v3  }
0x266: {  	s6 =	simm.s32 $0x400;
	v7 =	vmax.f32 v7, $0.0e+00;
	v6 =	vadd.f32 v6, v10;
	v3 =	vld [tilespmem:s5+$0x4870]  }
.LBB2_16:
0x267: {  	p1 =	sne.s32 s6, $0xFE00;
	v8 =	vld [tilespmem:s5+$0xC870];
	[tilespmem:s19+$0x14830] =	vst v7  }
0x268: {  	v7 =	vld [tilespmem:s5+$0x4800];
	v6 =	vmax.f32 v6, $0.0e+00;
	v1 =	vadd.f32 v4, v1  }
0x269: {  	v4 =	vld [tilespmem:s5+$0xC800];
	[tilespmem:s19+$0x14840] =	vst v6  }
0x26a: {  	v6 =	vld [tilespmem:s5+$0x4810];
	v1 =	vmax.f32 v1, $0.0e+00;
	v2 =	vadd.f32 v5, v2  }
0x26b: {  	v5 =	vld [tilespmem:s5+$0xC810];
	[tilespmem:s19+$0x14850] =	vst v1  }
0x26c: {  	v1 =	vld [tilespmem:s5+$0x4820];
	v3 =	vadd.f32 v8, v3;
	v2 =	vmax.f32 v2, $0.0e+00  }
0x26d: {  	v8 =	vld [tilespmem:s5+$0xC820];
	[tilespmem:s19+$0x14860] =	vst v2;
	s19 =	smov.u32 s5  }
0x26e: {  	v2 =	vadd.f32 v4, v7;
	v7 =	vld [tilespmem:s19+$0x4830];
	v3 =	vmax.f32 v3, $0.0e+00  }
0x26f: {  	v9 =	vld [tilespmem:s19+$0xC830];
	[tilespmem:s19+$0x14870] =	vst v3  }
0x270: {  	v2 =	vmax.f32 v2, $0.0e+00;
	v3 =	vadd.f32 v5, v6;
	v6 =	vld [tilespmem:s19+$0x4840]  }
0x271: {  	[tilespmem:s19+$0x14800] =	vst v2;
	v10 =	vld [tilespmem:s19+$0xC840]  }
.Ltmp7:
0x272: {  	v2 =	vmax.f32 v3, $0.0e+00;
	v3 =	vadd.f32 v8, v1;
	v1 =	vld [tilespmem:s19+$0x4850];
	(pc) =	sbr.rel @p1 .LBB2_16-.Ltmp7, $4  }
0x273: {  	[tilespmem:s19+$0x14810] =	vst v2;
	v4 =	vld [tilespmem:s19+$0xC850]  }
0x274: {  	v3 =	vmax.f32 v3, $0.0e+00;
	v7 =	vadd.f32 v9, v7;
	v2 =	vld [tilespmem:s19+$0x4860]  }
0x275: {  	s5 =	sshra.s32 s6, $0x2;
	[tilespmem:s19+$0x14820] =	vst v3;
	v5 =	vld [tilespmem:s19+$0xC860]  }
0x276: {  	s6 =	sadd.s32 $0x200, s6;
	v3 =	vld [tilespmem:s5+$0x4870];
	v7 =	vmax.f32 v7, $0.0e+00;
	v6 =	vadd.f32 v10, v6  }
0x277: {  	v8 =	vld [tilespmem:s5+$0xC870];
	[tilespmem:s19+$0x14830] =	vst v7  }
0x278: {  	v7 =	vld [tilespmem:s5+$0x4800];
	v6 =	vmax.f32 v6, $0.0e+00;
	v1 =	vadd.f32 v4, v1  }
0x279: {  	v9 =	vld [tilespmem:s5+$0xC800];
	[tilespmem:s19+$0x14840] =	vst v6  }
0x27a: {  	v57 =	vld [tilespmem:s5+$0x4810];
	v1 =	vmax.f32 v1, $0.0e+00;
	v2 =	vadd.f32 v5, v2  }
0x27b: {  	v6 =	vld [tilespmem:s5+$0xC810];
	[tilespmem:s19+$0x14850] =	vst v1  }
0x27c: {  	v1 =	vld [tilespmem:s5+$0x4820];
	v2 =	vmax.f32 v2, $0.0e+00  }
0x27d: {  	v58 =	vld [tilespmem:s5+$0xC820];
	[tilespmem:s19+$0x14860] =	vst v2  }
0x27e: {  	v2 =	vld [tilespmem:s5+$0x4830]  }
0x27f: {  	v3 =	vadd.f32 v8, v3;
	v59 =	vld [tilespmem:s5+$0xC830]  }
0x280: {  	v7 =	vadd.f32 v9, v7;
	v60 =	vld [tilespmem:s5+$0x4840]  }
0x281: {  	v3 =	vmax.f32 v3, $0.0e+00;
	v61 =	vld [tilespmem:s5+$0x4850]  }
0x282: {  	v62 =	vld [tilespmem:s5+$0xC850];
	[tilespmem:s5+$0x14870] =	vst v3;
	v3 =	vmax.f32 v7, $0.0e+00;
	v1 =	vadd.f32 v58, v1  }
0x283: {  	[tilespmem:s5+$0x14800] =	vst v3;
	v3 =	vld [tilespmem:s5+$0xC840]  }
0x284: {  	v63 =	vld [tilespmem:s5+$0x4860];
	v1 =	vmax.f32 v1, $0.0e+00  }
0x285: {  	[tilespmem:s5+$0x14820] =	vst v1;
	v1 =	vld [tilespmem:s5+$0xC860]  }
0x286: {  	v4 =	vadd.f32 v6, v57  }
0x287: {  	v2 =	vadd.f32 v59, v2  }
0x288: {  	v4 =	vmax.f32 v4, $0.0e+00;
	v3 =	vadd.f32 v3, v60  }
0x289: {  	[tilespmem:s5+$0x14810] =	vst v4;
	v4 =	vadd.f32 v62, v61;
	v2 =	vmax.f32 v2, $0.0e+00  }
0x28a: {  	[tilespmem:s5+$0x14830] =	vst v2;
	v2 =	vmax.f32 v3, $0.0e+00;
	v1 =	vadd.f32 v1, v63  }
0x28b: {  	[tilespmem:s5+$0x14840] =	vst v2;
	v2 =	vmax.f32 v4, $0.0e+00  }
0x28c: {  	[tilespmem:s5+$0x14850] =	vst v2;
	v1 =	vmax.f32 v1, $0.0e+00  }
0x28d: {  	s4 =	sadd.s32 $0x1, s4;
	[tilespmem:s5+$0x14860] =	vst v1  }
0x28e: {  	[hbm4b:s15+s2] =	stream.linear.scatter [tilespmem:s24], [sflag:$0x6], $0x4000, $0x38;
	[tilespmem:$0x1A740] =	vst v63  }
0x28f: {  	p1 =	sne.s32 s4, s16;
	_ =	swait.ge [sflag:s29], $0x4000  }
.Ltmp8:
0x290: {  	[sflag:s29] =	ssyncset.done $0x0;
	(pc) =	sbr.rel @p1 .LBB2_1-.Ltmp8, $4  }
0x291: {  	[sflag:s29] =	ssyncadd.s32 $0xFFFFC000  }
0x292: {  	_ =	swait.ge [sflag:s30], $0x4000  }
0x293: {  	[sflag:s30] =	ssyncset.done $0x0  }
0x294: {  	[sflag:s30] =	ssyncadd.s32 $0xFFFFC000  }
0x295: {  	_ =	sfence.sel $0x180000  }
0x296: {  	[bflag:$0x0] =	sbarrier.arrive $0xFFFF  }
0x297: {  	_ =	strace $0x90000047  }
0x298: {  	[bflag:$0x2] =	sbarrier.arrive $0xFFFF  }
0x299: {  	s0 =	rddreg [dreg:$0x4]  }
0x29a: {  	s0 =	sadd.s32 @!p0 $0x100000, s0  }
0x29b: {  	[sflag:s0] =	ssyncadd.tile.s32 @!p0 $0x1;
	_ =	shalt  }
.Lfunc_end2:
_tile_overlayer_lowered:
.L_overlay_start_2:
0x29c: {  	(tag) =	ssettag $0x2  }
0x29d: {  	s0 =	rddreg [dreg:$0x0];
	s2 =	stileid.u32  }
0x29e: {  	s1 =	rddreg [dreg:$0x1];
	p0 =	sne.s32 s2, $0x0  }
0x29f: {  	s3 =	rddreg [dreg:$0x2];
	[bflag:$0x3] =	sbarrier.arrive $0xFFFF;
	s2 =	simm.s32 @!p0 $0x1C07  }
0x2a0: {  	[timem:s3], [sflag:s2] =	dma.local @!p0 [hbm:s0], s1  }
0x2a1: {  	s0 =	simm.s32 @!p0 $0x7  }
0x2a2: {  	_ =	swait.ge @!p0 [sflag:s0], s1  }
0x2a3: {  	s1 =	ssub.s32 @!p0 $0x0, s1;
	[sflag:s0] =	ssyncset.done @!p0 $0x0  }
0x2a4: {  	[sflag:s0] =	ssyncadd.s32 @!p0 s1  }
0x2a5: {  	[bflag:$0x3] =	sbarrier.arrive $0xFFFF  }
0x2a6: {  	_ =	shalt  }

</sc_bundles>
